<compile_context>
chip_gen: v7x
topology: tpu7x:2x2x1
jax: 0.10.2.dev20260603
libtpu: 0.0.44.dev20260713+nightly
codegen_flags: <defaults>
</compile_context>

<pallas_src>
import functools

import jax
import jax.numpy as jnp
from jax import lax
from jax.experimental import pallas as pl
from jax.experimental.pallas import tpu as pltpu
from jax.experimental.pallas import tpu_sc as plsc

_DIM = 128
_B = 512
_MARGIN = 0.1
_MARGIN1 = 0.05
_INF = 4.0
_NW = 32
_BPW = _B // _NW
_NCE = 14
_ROWS = 21 * _BPW
_PROWS = 48
_L = 16


@functools.cache
def _get_sc_kernel():
    mesh = plsc.VectorSubcoreMesh(core_axis_name="c", subcore_axis_name="s")

    @functools.partial(
        pl.kernel,
        mesh=mesh,
        out_type=jax.ShapeDtypeStruct((_NW * _PROWS, 128), jnp.float32),
        scratch_types=[
            pltpu.VMEM((2, 112), jnp.int32),
            pltpu.VMEM((2 * _BPW,), jnp.int32),
            pltpu.VMEM((_NCE * _BPW, 2 * _DIM), jnp.float32),
            pltpu.VMEM((2 * _BPW, 2 * _DIM), jnp.float32),
            pltpu.VMEM((_PROWS, 128), jnp.float32),
            pltpu.SemaphoreType.DMA,
            pltpu.SemaphoreType.DMA,
            pltpu.SemaphoreType.DMA,
        ],
    )
    def _sc_loss(ce_hbm, re_hbm, ceidx_hbm, reidx_hbm, out_hbm,
                 ceidx_v, reidx_v, ce_rows, re_rows, buf, sem0, sem1, sem2):
        w = lax.axis_index("s") * 2 + lax.axis_index("c")
        pltpu.sync_copy(ceidx_hbm.at[w], ceidx_v)
        cp0 = pltpu.async_copy(ce_hbm.at[ceidx_v.at[0]], ce_rows.at[pl.ds(0, 112)], sem0)
        cp1 = pltpu.async_copy(ce_hbm.at[ceidx_v.at[1]], ce_rows.at[pl.ds(112, 112)], sem1)
        pltpu.sync_copy(reidx_hbm.at[w], reidx_v)
        cp2 = pltpu.async_copy(re_hbm.at[reidx_v], re_rows, sem2)

        m = jnp.float32(_MARGIN)
        m1 = jnp.float32(_MARGIN1)
        lanes = lax.iota(jnp.int32, _L)

        def group(slot, i, g):
            a = ce_rows[slot * _BPW + i, pl.ds(g * _L, _L)]
            b = jnp.abs(ce_rows[slot * _BPW + i, pl.ds(_DIM + g * _L, _L)])
            return a, b

        def put(row, acc_or_parts):
            if isinstance(acc_or_parts, list):
                acc = acc_or_parts[0] * acc_or_parts[0]
                for q in acc_or_parts[1:]:
                    acc = acc + q * q
            else:
                acc = acc_or_parts
            buf[row // 8, pl.ds((row % 8) * _L, _L)] = acc

        def head_2op(base, cslot, dslot, sgn_r, bias):
            def body(i, _):
                t1 = []
                t2 = []
                t3 = []
                for g in range(8):
                    c1, cr = group(cslot, i, g)
                    d1, dr = group(dslot, i, g)
                    euc = jnp.abs(c1 - d1)
                    if sgn_r == 0:
                        t = euc + cr - dr + bias
                    elif sgn_r == 1:
                        t = cr + dr + bias - euc
                    else:
                        t = euc - cr - dr + bias
                    t1.append(jnp.maximum(t, 0.0))
                    t2.append(jnp.maximum(m - cr, 0.0))
                    t3.append(jnp.maximum(m - dr, 0.0))
                put(base + i, t1)
                put(base + _BPW + i, t2)
                put(base + 2 * _BPW + i, t3)
                return 0

            lax.fori_loop(0, _BPW, body, 0, unroll=False)

        cp0.wait()
        head_2op(0, 0, 1, 0, m1)

        def nf2_body(i, _):
            t1 = []
            t2 = []
            for g in range(8):
                c1, c2 = group(2, i, g)
                d1, d2 = group(3, i, g)
                e1, er = group(4, i, g)
                start = jnp.maximum(c1 - c2, d1 - d2)
                end = jnp.minimum(c1 + c2, d1 + d2)
                new_r = (end - start) * 0.5
                cen = (start + end) * 0.5
                euc = jnp.abs(cen - e1)
                t1.append(jnp.maximum(euc + new_r - er + m1, 0.0))
                t2.append(jnp.maximum(start - end, 0.0))
            put(9 * _BPW + i, t1)
            put(10 * _BPW + i, t2)
            return 0

        lax.fori_loop(0, _BPW, nf2_body, 0, unroll=False)
        cp2.wait()

        def rel_head(base, cslot, dslot, rrow0, sgn):
            def body(i, _):
                dtail = re_rows[rrow0 + i, pl.ds(_DIM - _L + 1, _L)]
                delta = jnp.abs(dtail[_L - 1])
                bias = m1 - delta if sgn > 0 else m1 + delta
                t1 = []
                t2 = []
                t3 = []
                for g in range(8):
                    c1, cr = group(cslot, i, g)
                    d1, dr = group(dslot, i, g)
                    r1 = re_rows[rrow0 + i, pl.ds(g * _L, _L)]
                    euc = jnp.abs(c1 + r1 - d1) if sgn > 0 else jnp.abs(c1 - r1 - d1)
                    if sgn > 0:
                        t = euc + cr - dr + bias
                    else:
                        t = euc - cr - dr + bias
                    t1.append(jnp.maximum(t, 0.0))
                    t2.append(jnp.maximum(m - cr, 0.0))
                    t3.append(jnp.maximum(m - dr, 0.0))
                put(base + i, t1)
                put(base + _BPW + i, t2)
                put(base + 2 * _BPW + i, t3)
                put(base + 3 * _BPW + i,
                    jnp.where(lanes == _L - 1, dtail * dtail, 0.0))
                return 0

            lax.fori_loop(0, _BPW, body, 0, unroll=False)

        rel_head(11 * _BPW, 5, 6, 0, 1)
        cp1.wait()
        rel_head(15 * _BPW, 7, 8, _BPW, -1)
        head_2op(3 * _BPW, 9, 10, 1, m1)
        head_2op(6 * _BPW, 11, 12, -1, -m1)

        def top_body(i, _):
            t1 = []
            t2 = []
            for g in range(8):
                d1, dr = group(13, i, g)
                t1.append(jnp.maximum(_INF - dr * 0.5, 0.0))
                t2.append(jnp.maximum(_INF + d1, 0.0))
            put(19 * _BPW + i, t1)
            put(20 * _BPW + i, t2)
            return 0

        lax.fori_loop(0, _BPW, top_body, 0, unroll=False)

        zero = jnp.zeros((_L,), jnp.float32)
        for r in range(_ROWS, _PROWS * 8):
            buf[r // 8, pl.ds((r % 8) * _L, _L)] = zero
        pltpu.sync_copy(buf, out_hbm.at[pl.ds(w * _PROWS, _PROWS)])

    return _sc_loss


def _finalize_body(p_ref, out_ref):
    x = p_ref[...]
    col = lax.broadcasted_iota(jnp.int32, (128, 8), 0) // _L
    grp = lax.broadcasted_iota(jnp.int32, (128, 8), 1)
    sel = (col == grp).astype(jnp.float32)
    x_hi = x.astype(jnp.bfloat16).astype(jnp.float32)
    x_lo = x - x_hi
    dn = (((1,), (0,)), ((), ()))
    sums = (lax.dot_general(x_hi, sel, dn, preferred_element_type=jnp.float32)
            + lax.dot_general(x_lo, sel, dn, preferred_element_type=jnp.float32))
    out_ref[0, 0] = jnp.sum(jnp.sqrt(sums)) * (1.0 / _B)


def _finalize(partials):
    return pl.pallas_call(
        _finalize_body,
        out_shape=jax.ShapeDtypeStruct((1, 1), jnp.float32),
        out_specs=pl.BlockSpec(memory_space=pltpu.SMEM),
    )(partials)


def kernel(class_emb, rel_emb, nf1, nf2, nf3, nf4, disjoint, neg, top):
    re_pad = jnp.pad(rel_emb, ((0, 0), (0, 2 * _DIM - (_DIM + 1))))
    ce_cols = jnp.stack([
        nf1[:_B, 0], nf1[:_B, 1],
        nf2[:_B, 0], nf2[:_B, 1], nf2[:_B, 2],
        nf3[:_B, 0], nf3[:_B, 2],
        nf4[:_B, 1], nf4[:_B, 2],
        disjoint[:_B, 0], disjoint[:_B, 1],
        neg[:_B, 0], neg[:_B, 1],
        top[:_B],
    ])
    re_cols = jnp.stack([nf3[:_B, 1], nf4[:_B, 0]])
    ce_idx = (ce_cols.reshape(_NCE, _NW, _BPW).transpose(1, 0, 2)
              .reshape(_NW, 2, 112))
    re_idx = (re_cols.reshape(2, _NW, _BPW).transpose(1, 0, 2)
              .reshape(_NW, 2 * _BPW))
    partials = _get_sc_kernel()(class_emb, re_pad, ce_idx, re_idx)
    return _finalize(partials)[0, 0]

# --- scband reference (transcript-rebuilt; emitter-appended) ---
"""Pipeline reference for scband-elbox2-ball-model-59021440581996 (READ-ONLY COPY).

The authoritative reference and input builder live on the scoring server;
editing this copy changes nothing except your own understanding.
"""

import jax, jax.numpy as jnp
import numpy as np

DIM = 128
MARGIN = 0.1
MARGIN1 = 0.05
INF = 4.0
BATCH = 512
CLASS_NUM = 1000
REL_NUM = 1000


def setup_inputs(seed: int = 0):
    key = jax.random.key(seed)
    ks = jax.random.split(key, 9)
    ce = jax.random.uniform(ks[0], (CLASS_NUM, 2 * DIM), minval=-1.0, maxval=1.0, dtype=jnp.float32)
    ce = ce / jnp.linalg.norm(ce, axis=1, keepdims=True)
    re = jax.random.uniform(ks[1], (REL_NUM, DIM + 1), minval=-1.0, maxval=1.0, dtype=jnp.float32)
    re = re / jnp.linalg.norm(re, axis=1, keepdims=True)
    nf1 = jax.random.randint(ks[2], (4096, 2), 0, CLASS_NUM, dtype=jnp.int32)
    nf2 = jax.random.randint(ks[3], (4096, 3), 0, CLASS_NUM, dtype=jnp.int32)
    nf3 = jax.random.randint(ks[4], (4096, 3), 0, CLASS_NUM, dtype=jnp.int32)
    nf4 = jax.random.randint(ks[5], (4096, 3), 0, CLASS_NUM, dtype=jnp.int32)
    disjoint = jax.random.randint(ks[6], (4096, 2), 0, CLASS_NUM, dtype=jnp.int32)
    neg = jax.random.randint(ks[7], (4096, 2), 0, CLASS_NUM, dtype=jnp.int32)
    top = jax.random.randint(ks[8], (4096,), 0, CLASS_NUM, dtype=jnp.int32)
    return {"class_emb": ce, "rel_emb": re, "nf1": nf1, "nf2": nf2, "nf3": nf3,
            "nf4": nf4, "disjoint": disjoint, "neg": neg, "top": top}


def _rn(x):
    return jnp.linalg.norm(x, axis=1).reshape(-1, 1)


def _nf1(ce, idx):
    c = jnp.take(ce, idx[:, 0], axis=0)
    d = jnp.take(ce, idx[:, 1], axis=0)
    c1, d1 = c[:, :DIM], d[:, :DIM]
    cr = jnp.abs(c[:, DIM:])
    dr = jnp.abs(d[:, DIM:])
    euc = jnp.abs(c1 - d1)
    dst = _rn(jnp.maximum(euc + cr - dr + MARGIN1, 0.0))
    return dst + _rn(jnp.maximum(MARGIN - cr, 0.0)) + _rn(jnp.maximum(MARGIN - dr, 0.0))


def _nf2(ce, idx):
    c = jnp.take(ce, idx[:, 0], axis=0)
    d = jnp.take(ce, idx[:, 1], axis=0)
    e = jnp.take(ce, idx[:, 2], axis=0)
    c1, d1, e1 = c[:, :DIM], d[:, :DIM], e[:, :DIM]
    c2 = jnp.abs(c[:, DIM:])
    d2 = jnp.abs(d[:, DIM:])
    er = jnp.abs(e[:, DIM:])
    startAll = jnp.maximum(c1 - c2, d1 - d2)
    endAll = jnp.minimum(c1 + c2, d1 + d2)
    newR = (endAll - startAll) / 2.0
    cen1 = (startAll + endAll) / 2.0
    euc = jnp.abs(cen1 - e1)
    loss1 = _rn(jnp.maximum(startAll - endAll, 0.0))
    return _rn(jnp.maximum(euc + newR - er + MARGIN1, 0.0)) + loss1


def _nf3(ce, re_, idx):
    c = jnp.take(ce, idx[:, 0], axis=0)
    r = jnp.take(re_, idx[:, 1], axis=0)
    d = jnp.take(ce, idx[:, 2], axis=0)
    deltaR = r[:, -1].reshape(-1, 1)
    r = r[:, :-1]
    c1, d1 = c[:, :DIM], d[:, :DIM]
    cr = jnp.abs(c[:, DIM:])
    dr = jnp.abs(d[:, DIM:])
    euc = jnp.abs(c1 + r - d1)
    dst = _rn(jnp.maximum(euc + cr - dr + MARGIN1 - jnp.abs(deltaR), 0.0))
    return dst + _rn(jnp.maximum(MARGIN - cr, 0.0)) + _rn(jnp.maximum(MARGIN - dr, 0.0)) + jnp.abs(deltaR)


def _nf4(ce, re_, idx):
    r = jnp.take(re_, idx[:, 0], axis=0)
    c = jnp.take(ce, idx[:, 1], axis=0)
    d = jnp.take(ce, idx[:, 2], axis=0)
    deltaR = r[:, -1].reshape(-1, 1)
    r = r[:, :-1]
    c1, d1 = c[:, :DIM], d[:, :DIM]
    cr = jnp.abs(c[:, DIM:])
    dr = jnp.abs(d[:, DIM:])
    euc = jnp.abs(c1 - r - d1)
    dst = _rn(jnp.maximum(euc - cr - dr + MARGIN1 + jnp.abs(deltaR), 0.0))
    return dst + _rn(jnp.maximum(MARGIN - cr, 0.0)) + _rn(jnp.maximum(MARGIN - dr, 0.0)) + jnp.abs(deltaR)


def _disjoint(ce, idx):
    c = jnp.take(ce, idx[:, 0], axis=0)
    d = jnp.take(ce, idx[:, 1], axis=0)
    c1, d1 = c[:, :DIM], d[:, :DIM]
    cr = jnp.abs(c[:, DIM:])
    dr = jnp.abs(d[:, DIM:])
    euc = jnp.abs(c1 - d1)
    dst = _rn(jnp.maximum(-euc + cr + dr + MARGIN1, 0.0))
    return dst + _rn(jnp.maximum(MARGIN - cr, 0.0)) + _rn(jnp.maximum(MARGIN - dr, 0.0))


def _neg(ce, idx):
    c = jnp.take(ce, idx[:, 0], axis=0)
    d = jnp.take(ce, idx[:, 1], axis=0)
    c1, d1 = c[:, :DIM], d[:, :DIM]
    cr = jnp.abs(c[:, DIM:])
    dr = jnp.abs(d[:, DIM:])
    euc = jnp.abs(c1 - d1)
    dst = _rn(jnp.maximum(euc - cr - dr - MARGIN1, 0.0))
    return dst + _rn(jnp.maximum(MARGIN - cr, 0.0)) + _rn(jnp.maximum(MARGIN - dr, 0.0))


def _top(ce, idx):
    d = jnp.take(ce, idx, axis=0)
    d1 = d[:, :DIM]
    dr = jnp.abs(jnp.abs(d[:, DIM:])) / 2.0
    return _rn(jnp.maximum(INF - dr, 0.0)) + _rn(jnp.maximum(INF + d1, 0.0))


def reference(class_emb, rel_emb, nf1, nf2, nf3, nf4, disjoint, neg, top):
    total = (jnp.mean(_nf1(class_emb, nf1[:BATCH]))
             + jnp.mean(_nf2(class_emb, nf2[:BATCH]))
             + jnp.mean(_nf3(class_emb, rel_emb, nf3[:BATCH]))
             + jnp.mean(_nf4(class_emb, rel_emb, nf4[:BATCH]))
             + jnp.mean(_disjoint(class_emb, disjoint[:BATCH]))
             + jnp.mean(_neg(class_emb, neg[:BATCH]))
             + jnp.mean(_top(class_emb, top[:BATCH])))
    return total

if __name__ == "__main__":
    import jax
    _d = setup_inputs()
    print(jax.jit(kernel)(*tuple(_d.values())))

</pallas_src>

<mosaic_0001>
#map = affine_map<(d0, d1) -> (0, 0)>
#map1 = affine_map<(d0, d1) -> (0, 0, 0)>
module attributes {stable_mosaic.version = 14 : i64} {
  func.func @_sc_loss(%arg0: i32, %arg1: i32, %arg2: memref<1000x256xf32, #tpu.memory_space<hbm>>, %arg3: memref<1000x256xf32, #tpu.memory_space<hbm>>, %arg4: memref<32x2x112xi32, #tpu.memory_space<hbm>>, %arg5: memref<32x32xi32, #tpu.memory_space<hbm>>, %arg6: memref<1536x128xf32, #tpu.memory_space<hbm>>, %arg7: memref<2x112xi32, #tpu.memory_space<vmem>>, %arg8: memref<32xi32, #tpu.memory_space<vmem>>, %arg9: memref<224x256xf32, #tpu.memory_space<vmem>>, %arg10: memref<32x256xf32, #tpu.memory_space<vmem>>, %arg11: memref<48x128xf32, #tpu.memory_space<vmem>>, %arg12: memref<!tpu.dma_semaphore, #tpu.memory_space<semaphore_mem>>, %arg13: memref<!tpu.dma_semaphore, #tpu.memory_space<semaphore_mem>>, %arg14: memref<!tpu.dma_semaphore, #tpu.memory_space<semaphore_mem>>) attributes {dimension_semantics = [#tpu.dimension_semantics<core_parallel>, #tpu.dimension_semantics<subcore_parallel>], iteration_bounds = array<i64: 2, 16>, scalar_prefetch = 0 : i64, scratch_operands = 8 : i64, tpu.core_type = #tpu.core_type<sc_vector_subcore>, window_params = [{transform_indices = #map}, {transform_indices = #map}, {transform_indices = #map1}, {transform_indices = #map}, {transform_indices = #map}]} {
    %mul3A = arith.constant 2 : i32
    %mul3A_0 = arith.muli %arg1, %mul3A : i32
    %add3A = arith.addi %mul3A_0, %arg0 : i32
    "tpu.region"() ({
      %run_scoped3A = tpu.sem_alloc : memref<!tpu.dma_semaphore, #tpu.memory_space<semaphore_mem>>
      %dma_start3A_395 = arith.constant 0 : i32
      %dma_start3A_396 = arith.constant 0 : i32
      %dma_start3A_397 = tpu.memref_slice %arg4[%add3A, %dma_start3A_395, %dma_start3A_396] : memref<32x2x112xi32, #tpu.memory_space<hbm>> -> memref<1x2x112xi32, #tpu.memory_space<hbm>>
      %dma_start3A_398 = tpu.memref_squeeze %dma_start3A_397 : memref<1x2x112xi32, #tpu.memory_space<hbm>> -> memref<2x112xi32, #tpu.memory_space<hbm>>
      %dma_start3A_399 = arith.constant 0 : i32
      %dma_start3A_400 = arith.constant 0 : i32
      %dma_start3A_401 = tpu.memref_slice %arg4[%add3A, %dma_start3A_399, %dma_start3A_400] : memref<32x2x112xi32, #tpu.memory_space<hbm>> -> memref<1x2x112xi32, #tpu.memory_space<hbm>>
      %dma_start3A_402 = tpu.memref_squeeze %dma_start3A_401 : memref<1x2x112xi32, #tpu.memory_space<hbm>> -> memref<2x112xi32, #tpu.memory_space<hbm>>
      tpu.enqueue_dma source(%dma_start3A_402 : memref<2x112xi32, #tpu.memory_space<hbm>>) target(%arg7 : memref<2x112xi32, #tpu.memory_space<vmem>>) target_semaphore(%run_scoped3A : memref<!tpu.dma_semaphore, #tpu.memory_space<semaphore_mem>>)
      %dma_wait3A_403 = arith.constant 0 : i32
      %dma_wait3A_404 = arith.constant 0 : i32
      %dma_wait3A_405 = tpu.memref_slice %arg4[%add3A, %dma_wait3A_403, %dma_wait3A_404] : memref<32x2x112xi32, #tpu.memory_space<hbm>> -> memref<1x2x112xi32, #tpu.memory_space<hbm>>
      %dma_wait3A_406 = tpu.memref_squeeze %dma_wait3A_405 : memref<1x2x112xi32, #tpu.memory_space<hbm>> -> memref<2x112xi32, #tpu.memory_space<hbm>>
      %dma_wait3A_407 = arith.constant 0 : i32
      %dma_wait3A_408 = arith.constant 0 : i32
      %dma_wait3A_409 = tpu.memref_slice %arg4[%add3A, %dma_wait3A_407, %dma_wait3A_408] : memref<32x2x112xi32, #tpu.memory_space<hbm>> -> memref<1x2x112xi32, #tpu.memory_space<hbm>>
      %dma_wait3A_410 = tpu.memref_squeeze %dma_wait3A_409 : memref<1x2x112xi32, #tpu.memory_space<hbm>> -> memref<2x112xi32, #tpu.memory_space<hbm>>
      tpu.wait_dma2 semaphore(%run_scoped3A : memref<!tpu.dma_semaphore, #tpu.memory_space<semaphore_mem>>) src(%dma_wait3A_410 : memref<2x112xi32, #tpu.memory_space<hbm>>) dst(%arg7 : memref<2x112xi32, #tpu.memory_space<vmem>>)
      tpu.yield
    }) : () -> ()
    %dma_start3A = arith.constant 0 : i32
    %dma_start3A_1 = arith.constant 0 : i32
    %dma_start3A_2 = arith.constant 0 : i32
    %dma_start3A_3 = tpu.memref_slice %arg9[%dma_start3A_1, %dma_start3A_2] : memref<224x256xf32, #tpu.memory_space<vmem>> -> memref<112x256xf32, #tpu.memory_space<vmem>>
    %dma_start3A_4 = arith.constant 0 : i32
    %dma_start3A_5 = tpu.memref_slice %arg7[%dma_start3A, %dma_start3A_4] : memref<2x112xi32, #tpu.memory_space<vmem>> -> memref<1x112xi32, #tpu.memory_space<vmem>>
    %dma_start3A_6 = tpu.memref_squeeze %dma_start3A_5 : memref<1x112xi32, #tpu.memory_space<vmem>> -> memref<112xi32, #tpu.memory_space<vmem>>
    %dma_start3A_7 = arith.constant 0 : i32
    %dma_start3A_8 = arith.constant 0 : i32
    %dma_start3A_9 = tpu.memref_slice %arg2[%dma_start3A_7, %dma_start3A_8] : memref<1000x256xf32, #tpu.memory_space<hbm>> -> memref<1000x256xf32, #tpu.memory_space<hbm>>
    tpu.enqueue_indirect_dma source(%dma_start3A_9 : memref<1000x256xf32, #tpu.memory_space<hbm>>) target(%dma_start3A_3 : memref<112x256xf32, #tpu.memory_space<vmem>>) offsets(%dma_start3A_6 : memref<112xi32, #tpu.memory_space<vmem>>) semaphore(%arg12 : memref<!tpu.dma_semaphore, #tpu.memory_space<semaphore_mem>>)
    %dma_start3A_10 = arith.constant 1 : i32
    %dma_start3A_11 = arith.constant 112 : i32
    %dma_start3A_12 = arith.constant 0 : i32
    %dma_start3A_13 = tpu.memref_slice %arg9[%dma_start3A_11, %dma_start3A_12] : memref<224x256xf32, #tpu.memory_space<vmem>> -> memref<112x256xf32, #tpu.memory_space<vmem>>
    %dma_start3A_14 = arith.constant 0 : i32
    %dma_start3A_15 = tpu.memref_slice %arg7[%dma_start3A_10, %dma_start3A_14] : memref<2x112xi32, #tpu.memory_space<vmem>> -> memref<1x112xi32, #tpu.memory_space<vmem>>
    %dma_start3A_16 = tpu.memref_squeeze %dma_start3A_15 : memref<1x112xi32, #tpu.memory_space<vmem>> -> memref<112xi32, #tpu.memory_space<vmem>>
    %dma_start3A_17 = arith.constant 0 : i32
    %dma_start3A_18 = arith.constant 0 : i32
    %dma_start3A_19 = tpu.memref_slice %arg2[%dma_start3A_17, %dma_start3A_18] : memref<1000x256xf32, #tpu.memory_space<hbm>> -> memref<1000x256xf32, #tpu.memory_space<hbm>>
    tpu.enqueue_indirect_dma source(%dma_start3A_19 : memref<1000x256xf32, #tpu.memory_space<hbm>>) target(%dma_start3A_13 : memref<112x256xf32, #tpu.memory_space<vmem>>) offsets(%dma_start3A_16 : memref<112xi32, #tpu.memory_space<vmem>>) semaphore(%arg13 : memref<!tpu.dma_semaphore, #tpu.memory_space<semaphore_mem>>)
    "tpu.region"() ({
      %run_scoped3A = tpu.sem_alloc : memref<!tpu.dma_semaphore, #tpu.memory_space<semaphore_mem>>
      %dma_start3A_395 = arith.constant 0 : i32
      %dma_start3A_396 = tpu.memref_slice %arg5[%add3A, %dma_start3A_395] : memref<32x32xi32, #tpu.memory_space<hbm>> -> memref<1x32xi32, #tpu.memory_space<hbm>>
      %dma_start3A_397 = tpu.memref_squeeze %dma_start3A_396 : memref<1x32xi32, #tpu.memory_space<hbm>> -> memref<32xi32, #tpu.memory_space<hbm>>
      %dma_start3A_398 = arith.constant 0 : i32
      %dma_start3A_399 = tpu.memref_slice %arg5[%add3A, %dma_start3A_398] : memref<32x32xi32, #tpu.memory_space<hbm>> -> memref<1x32xi32, #tpu.memory_space<hbm>>
      %dma_start3A_400 = tpu.memref_squeeze %dma_start3A_399 : memref<1x32xi32, #tpu.memory_space<hbm>> -> memref<32xi32, #tpu.memory_space<hbm>>
      tpu.enqueue_dma source(%dma_start3A_400 : memref<32xi32, #tpu.memory_space<hbm>>) target(%arg8 : memref<32xi32, #tpu.memory_space<vmem>>) target_semaphore(%run_scoped3A : memref<!tpu.dma_semaphore, #tpu.memory_space<semaphore_mem>>)
      %dma_wait3A_401 = arith.constant 0 : i32
      %dma_wait3A_402 = tpu.memref_slice %arg5[%add3A, %dma_wait3A_401] : memref<32x32xi32, #tpu.memory_space<hbm>> -> memref<1x32xi32, #tpu.memory_space<hbm>>
      %dma_wait3A_403 = tpu.memref_squeeze %dma_wait3A_402 : memref<1x32xi32, #tpu.memory_space<hbm>> -> memref<32xi32, #tpu.memory_space<hbm>>
      %dma_wait3A_404 = arith.constant 0 : i32
      %dma_wait3A_405 = tpu.memref_slice %arg5[%add3A, %dma_wait3A_404] : memref<32x32xi32, #tpu.memory_space<hbm>> -> memref<1x32xi32, #tpu.memory_space<hbm>>
      %dma_wait3A_406 = tpu.memref_squeeze %dma_wait3A_405 : memref<1x32xi32, #tpu.memory_space<hbm>> -> memref<32xi32, #tpu.memory_space<hbm>>
      tpu.wait_dma2 semaphore(%run_scoped3A : memref<!tpu.dma_semaphore, #tpu.memory_space<semaphore_mem>>) src(%dma_wait3A_406 : memref<32xi32, #tpu.memory_space<hbm>>) dst(%arg8 : memref<32xi32, #tpu.memory_space<vmem>>)
      tpu.yield
    }) : () -> ()
    %dma_start3A_20 = arith.constant 0 : i32
    %dma_start3A_21 = arith.constant 0 : i32
    %dma_start3A_22 = tpu.memref_slice %arg3[%dma_start3A_20, %dma_start3A_21] : memref<1000x256xf32, #tpu.memory_space<hbm>> -> memref<1000x256xf32, #tpu.memory_space<hbm>>
    tpu.enqueue_indirect_dma source(%dma_start3A_22 : memref<1000x256xf32, #tpu.memory_space<hbm>>) target(%arg10 : memref<32x256xf32, #tpu.memory_space<vmem>>) offsets(%arg8 : memref<32xi32, #tpu.memory_space<vmem>>) semaphore(%arg14 : memref<!tpu.dma_semaphore, #tpu.memory_space<semaphore_mem>>)
    %iota3A = tpu.iota {dimensions = array<i32: 0>} : vector<16xi32>
    %dma_wait3A = arith.constant 0 : i32
    %dma_wait3A_23 = arith.constant 0 : i32
    %dma_wait3A_24 = arith.constant 0 : i32
    %dma_wait3A_25 = tpu.memref_slice %arg9[%dma_wait3A_23, %dma_wait3A_24] : memref<224x256xf32, #tpu.memory_space<vmem>> -> memref<112x256xf32, #tpu.memory_space<vmem>>
    %dma_wait3A_26 = arith.constant 0 : i32
    %dma_wait3A_27 = tpu.memref_slice %arg7[%dma_wait3A, %dma_wait3A_26] : memref<2x112xi32, #tpu.memory_space<vmem>> -> memref<1x112xi32, #tpu.memory_space<vmem>>
    %dma_wait3A_28 = tpu.memref_squeeze %dma_wait3A_27 : memref<1x112xi32, #tpu.memory_space<vmem>> -> memref<112xi32, #tpu.memory_space<vmem>>
    %dma_wait3A_29 = arith.constant 0 : i32
    %dma_wait3A_30 = arith.constant 0 : i32
    %dma_wait3A_31 = tpu.memref_slice %arg2[%dma_wait3A_29, %dma_wait3A_30] : memref<1000x256xf32, #tpu.memory_space<hbm>> -> memref<1000x256xf32, #tpu.memory_space<hbm>>
    tpu.wait_indirect_dma semaphore(%arg12 : memref<!tpu.dma_semaphore, #tpu.memory_space<semaphore_mem>>) src(%dma_wait3A_31 : memref<1000x256xf32, #tpu.memory_space<hbm>>) dst(%dma_wait3A_25 : memref<112x256xf32, #tpu.memory_space<vmem>>)
    %scan3A = arith.constant 5.000000e-02 : f32
    %scan3A_32 = arith.constant 1.000000e-01 : f32
    %scan3A_33 = arith.constant 0 : i32
    %scan3A_34 = arith.constant 0 : i32
    %scan3A_35 = arith.constant 16 : i32
    %scan3A_36 = arith.addi %scan3A_34, %scan3A_35 : i32
    %scan3A_37 = arith.constant 1 : i32
    %scan3A_38 = scf.for %scan3A_395 = %scan3A_34 to %scan3A_36 step %scan3A_37 iter_args(%scan3A_396 = %scan3A_33) -> (i32)  : i32 {
      %add3A_397 = arith.constant 0 : i32
      %add3A_398 = arith.addi %add3A_397, %scan3A_395 : i32
      %get3A = arith.index_cast %add3A_398 : i32 to index
      %get3A_399 = arith.constant 0 : index
      %get3A_400 = tpu.vector_load %arg9[%get3A, %get3A_399] {strides = array<i32>} : memref<224x256xf32, #tpu.memory_space<vmem>>, vector<1x16xf32>,
      %get3A_401 = vector.shape_cast %get3A_400 : vector<1x16xf32> to vector<16xf32>
      %add3A_402 = arith.constant 0 : i32
      %add3A_403 = arith.addi %add3A_402, %scan3A_395 : i32
      %get3A_404 = arith.index_cast %add3A_403 : i32 to index
      %get3A_405 = arith.constant 128 : index
      %get3A_406 = tpu.vector_load %arg9[%get3A_404, %get3A_405] {strides = array<i32>} : memref<224x256xf32, #tpu.memory_space<vmem>>, vector<1x16xf32>,
      %get3A_407 = vector.shape_cast %get3A_406 : vector<1x16xf32> to vector<16xf32>
      %abs3A = math.absf %get3A_407 : vector<16xf32>
      %add3A_408 = arith.constant 16 : i32
      %add3A_409 = arith.addi %add3A_408, %scan3A_395 : i32
      %get3A_410 = arith.index_cast %add3A_409 : i32 to index
      %get3A_411 = arith.constant 0 : index
      %get3A_412 = tpu.vector_load %arg9[%get3A_410, %get3A_411] {strides = array<i32>} : memref<224x256xf32, #tpu.memory_space<vmem>>, vector<1x16xf32>,
      %get3A_413 = vector.shape_cast %get3A_412 : vector<1x16xf32> to vector<16xf32>
      %add3A_414 = arith.constant 16 : i32
      %add3A_415 = arith.addi %add3A_414, %scan3A_395 : i32
      %get3A_416 = arith.index_cast %add3A_415 : i32 to index
      %get3A_417 = arith.constant 128 : index
      %get3A_418 = tpu.vector_load %arg9[%get3A_416, %get3A_417] {strides = array<i32>} : memref<224x256xf32, #tpu.memory_space<vmem>>, vector<1x16xf32>,
      %get3A_419 = vector.shape_cast %get3A_418 : vector<1x16xf32> to vector<16xf32>
      %abs3A_420 = math.absf %get3A_419 : vector<16xf32>
      %sub3A = arith.subf %get3A_401, %get3A_413 : vector<16xf32>
      %abs3A_421 = math.absf %sub3A : vector<16xf32>
      %add3A_422 = arith.addf %abs3A_421, %abs3A : vector<16xf32>
      %sub3A_423 = arith.subf %add3A_422, %abs3A_420 : vector<16xf32>
      %add3A_424 = vector.broadcast %scan3A : f32 to vector<16xf32>
      %add3A_425 = arith.addf %sub3A_423, %add3A_424 : vector<16xf32>
      %max3A = arith.constant 0.000000e+00 : f32
      %max3A_426 = vector.broadcast %max3A : f32 to vector<16xf32>
      %max3A_427 = arith.maximumf %add3A_425, %max3A_426 : vector<16xf32>
      %sub3A_428 = vector.broadcast %scan3A_32 : f32 to vector<16xf32>
      %sub3A_429 = arith.subf %sub3A_428, %abs3A : vector<16xf32>
      %max3A_430 = arith.constant 0.000000e+00 : f32
      %max3A_431 = vector.broadcast %max3A_430 : f32 to vector<16xf32>
      %max3A_432 = arith.maximumf %sub3A_429, %max3A_431 : vector<16xf32>
      %sub3A_433 = vector.broadcast %scan3A_32 : f32 to vector<16xf32>
      %sub3A_434 = arith.subf %sub3A_433, %abs3A_420 : vector<16xf32>
      %max3A_435 = arith.constant 0.000000e+00 : f32
      %max3A_436 = vector.broadcast %max3A_435 : f32 to vector<16xf32>
      %max3A_437 = arith.maximumf %sub3A_434, %max3A_436 : vector<16xf32>
      %add3A_438 = arith.constant 0 : i32
      %add3A_439 = arith.addi %add3A_438, %scan3A_395 : i32
      %get3A_440 = arith.index_cast %add3A_439 : i32 to index
      %get3A_441 = arith.constant 16 : index
      %get3A_442 = tpu.vector_load %arg9[%get3A_440, %get3A_441] {strides = array<i32>} : memref<224x256xf32, #tpu.memory_space<vmem>>, vector<1x16xf32>,
      %get3A_443 = vector.shape_cast %get3A_442 : vector<1x16xf32> to vector<16xf32>
      %add3A_444 = arith.constant 0 : i32
      %add3A_445 = arith.addi %add3A_444, %scan3A_395 : i32
      %get3A_446 = arith.index_cast %add3A_445 : i32 to index
      %get3A_447 = arith.constant 144 : index
      %get3A_448 = tpu.vector_load %arg9[%get3A_446, %get3A_447] {strides = array<i32>} : memref<224x256xf32, #tpu.memory_space<vmem>>, vector<1x16xf32>,
      %get3A_449 = vector.shape_cast %get3A_448 : vector<1x16xf32> to vector<16xf32>
      %abs3A_450 = math.absf %get3A_449 : vector<16xf32>
      %add3A_451 = arith.constant 16 : i32
      %add3A_452 = arith.addi %add3A_451, %scan3A_395 : i32
      %get3A_453 = arith.index_cast %add3A_452 : i32 to index
      %get3A_454 = arith.constant 16 : index
      %get3A_455 = tpu.vector_load %arg9[%get3A_453, %get3A_454] {strides = array<i32>} : memref<224x256xf32, #tpu.memory_space<vmem>>, vector<1x16xf32>,
      %get3A_456 = vector.shape_cast %get3A_455 : vector<1x16xf32> to vector<16xf32>
      %add3A_457 = arith.constant 16 : i32
      %add3A_458 = arith.addi %add3A_457, %scan3A_395 : i32
      %get3A_459 = arith.index_cast %add3A_458 : i32 to index
      %get3A_460 = arith.constant 144 : index
      %get3A_461 = tpu.vector_load %arg9[%get3A_459, %get3A_460] {strides = array<i32>} : memref<224x256xf32, #tpu.memory_space<vmem>>, vector<1x16xf32>,
      %get3A_462 = vector.shape_cast %get3A_461 : vector<1x16xf32> to vector<16xf32>
      %abs3A_463 = math.absf %get3A_462 : vector<16xf32>
      %sub3A_464 = arith.subf %get3A_443, %get3A_456 : vector<16xf32>
      %abs3A_465 = math.absf %sub3A_464 : vector<16xf32>
      %add3A_466 = arith.addf %abs3A_465, %abs3A_450 : vector<16xf32>
      %sub3A_467 = arith.subf %add3A_466, %abs3A_463 : vector<16xf32>
      %add3A_468 = vector.broadcast %scan3A : f32 to vector<16xf32>
      %add3A_469 = arith.addf %sub3A_467, %add3A_468 : vector<16xf32>
      %max3A_470 = arith.constant 0.000000e+00 : f32
      %max3A_471 = vector.broadcast %max3A_470 : f32 to vector<16xf32>
      %max3A_472 = arith.maximumf %add3A_469, %max3A_471 : vector<16xf32>
      %sub3A_473 = vector.broadcast %scan3A_32 : f32 to vector<16xf32>
      %sub3A_474 = arith.subf %sub3A_473, %abs3A_450 : vector<16xf32>
      %max3A_475 = arith.constant 0.000000e+00 : f32
      %max3A_476 = vector.broadcast %max3A_475 : f32 to vector<16xf32>
      %max3A_477 = arith.maximumf %sub3A_474, %max3A_476 : vector<16xf32>
      %sub3A_478 = vector.broadcast %scan3A_32 : f32 to vector<16xf32>
      %sub3A_479 = arith.subf %sub3A_478, %abs3A_463 : vector<16xf32>
      %max3A_480 = arith.constant 0.000000e+00 : f32
      %max3A_481 = vector.broadcast %max3A_480 : f32 to vector<16xf32>
      %max3A_482 = arith.maximumf %sub3A_479, %max3A_481 : vector<16xf32>
      %add3A_483 = arith.constant 0 : i32
      %add3A_484 = arith.addi %add3A_483, %scan3A_395 : i32
      %get3A_485 = arith.index_cast %add3A_484 : i32 to index
      %get3A_486 = arith.constant 32 : index
      %get3A_487 = tpu.vector_load %arg9[%get3A_485, %get3A_486] {strides = array<i32>} : memref<224x256xf32, #tpu.memory_space<vmem>>, vector<1x16xf32>,
      %get3A_488 = vector.shape_cast %get3A_487 : vector<1x16xf32> to vector<16xf32>
      %add3A_489 = arith.constant 0 : i32
      %add3A_490 = arith.addi %add3A_489, %scan3A_395 : i32
      %get3A_491 = arith.index_cast %add3A_490 : i32 to index
      %get3A_492 = arith.constant 160 : index
      %get3A_493 = tpu.vector_load %arg9[%get3A_491, %get3A_492] {strides = array<i32>} : memref<224x256xf32, #tpu.memory_space<vmem>>, vector<1x16xf32>,
      %get3A_494 = vector.shape_cast %get3A_493 : vector<1x16xf32> to vector<16xf32>
      %abs3A_495 = math.absf %get3A_494 : vector<16xf32>
      %add3A_496 = arith.constant 16 : i32
      %add3A_497 = arith.addi %add3A_496, %scan3A_395 : i32
      %get3A_498 = arith.index_cast %add3A_497 : i32 to index
      %get3A_499 = arith.constant 32 : index
      %get3A_500 = tpu.vector_load %arg9[%get3A_498, %get3A_499] {strides = array<i32>} : memref<224x256xf32, #tpu.memory_space<vmem>>, vector<1x16xf32>,
      %get3A_501 = vector.shape_cast %get3A_500 : vector<1x16xf32> to vector<16xf32>
      %add3A_502 = arith.constant 16 : i32
      %add3A_503 = arith.addi %add3A_502, %scan3A_395 : i32
      %get3A_504 = arith.index_cast %add3A_503 : i32 to index
      %get3A_505 = arith.constant 160 : index
      %get3A_506 = tpu.vector_load %arg9[%get3A_504, %get3A_505] {strides = array<i32>} : memref<224x256xf32, #tpu.memory_space<vmem>>, vector<1x16xf32>,
      %get3A_507 = vector.shape_cast %get3A_506 : vector<1x16xf32> to vector<16xf32>
      %abs3A_508 = math.absf %get3A_507 : vector<16xf32>
      %sub3A_509 = arith.subf %get3A_488, %get3A_501 : vector<16xf32>
      %abs3A_510 = math.absf %sub3A_509 : vector<16xf32>
      %add3A_511 = arith.addf %abs3A_510, %abs3A_495 : vector<16xf32>
      %sub3A_512 = arith.subf %add3A_511, %abs3A_508 : vector<16xf32>
      %add3A_513 = vector.broadcast %scan3A : f32 to vector<16xf32>
      %add3A_514 = arith.addf %sub3A_512, %add3A_513 : vector<16xf32>
      %max3A_515 = arith.constant 0.000000e+00 : f32
      %max3A_516 = vector.broadcast %max3A_515 : f32 to vector<16xf32>
      %max3A_517 = arith.maximumf %add3A_514, %max3A_516 : vector<16xf32>
      %sub3A_518 = vector.broadcast %scan3A_32 : f32 to vector<16xf32>
      %sub3A_519 = arith.subf %sub3A_518, %abs3A_495 : vector<16xf32>
      %max3A_520 = arith.constant 0.000000e+00 : f32
      %max3A_521 = vector.broadcast %max3A_520 : f32 to vector<16xf32>
      %max3A_522 = arith.maximumf %sub3A_519, %max3A_521 : vector<16xf32>
      %sub3A_523 = vector.broadcast %scan3A_32 : f32 to vector<16xf32>
      %sub3A_524 = arith.subf %sub3A_523, %abs3A_508 : vector<16xf32>
      %max3A_525 = arith.constant 0.000000e+00 : f32
      %max3A_526 = vector.broadcast %max3A_525 : f32 to vector<16xf32>
      %max3A_527 = arith.maximumf %sub3A_524, %max3A_526 : vector<16xf32>
      %add3A_528 = arith.constant 0 : i32
      %add3A_529 = arith.addi %add3A_528, %scan3A_395 : i32
      %get3A_530 = arith.index_cast %add3A_529 : i32 to index
      %get3A_531 = arith.constant 48 : index
      %get3A_532 = tpu.vector_load %arg9[%get3A_530, %get3A_531] {strides = array<i32>} : memref<224x256xf32, #tpu.memory_space<vmem>>, vector<1x16xf32>,
      %get3A_533 = vector.shape_cast %get3A_532 : vector<1x16xf32> to vector<16xf32>
      %add3A_534 = arith.constant 0 : i32
      %add3A_535 = arith.addi %add3A_534, %scan3A_395 : i32
      %get3A_536 = arith.index_cast %add3A_535 : i32 to index
      %get3A_537 = arith.constant 176 : index
      %get3A_538 = tpu.vector_load %arg9[%get3A_536, %get3A_537] {strides = array<i32>} : memref<224x256xf32, #tpu.memory_space<vmem>>, vector<1x16xf32>,
      %get3A_539 = vector.shape_cast %get3A_538 : vector<1x16xf32> to vector<16xf32>
      %abs3A_540 = math.absf %get3A_539 : vector<16xf32>
      %add3A_541 = arith.constant 16 : i32
      %add3A_542 = arith.addi %add3A_541, %scan3A_395 : i32
      %get3A_543 = arith.index_cast %add3A_542 : i32 to index
      %get3A_544 = arith.constant 48 : index
      %get3A_545 = tpu.vector_load %arg9[%get3A_543, %get3A_544] {strides = array<i32>} : memref<224x256xf32, #tpu.memory_space<vmem>>, vector<1x16xf32>,
      %get3A_546 = vector.shape_cast %get3A_545 : vector<1x16xf32> to vector<16xf32>
      %add3A_547 = arith.constant 16 : i32
      %add3A_548 = arith.addi %add3A_547, %scan3A_395 : i32
      %get3A_549 = arith.index_cast %add3A_548 : i32 to index
      %get3A_550 = arith.constant 176 : index
      %get3A_551 = tpu.vector_load %arg9[%get3A_549, %get3A_550] {strides = array<i32>} : memref<224x256xf32, #tpu.memory_space<vmem>>, vector<1x16xf32>,
      %get3A_552 = vector.shape_cast %get3A_551 : vector<1x16xf32> to vector<16xf32>
      %abs3A_553 = math.absf %get3A_552 : vector<16xf32>
      %sub3A_554 = arith.subf %get3A_533, %get3A_546 : vector<16xf32>
      %abs3A_555 = math.absf %sub3A_554 : vector<16xf32>
      %add3A_556 = arith.addf %abs3A_555, %abs3A_540 : vector<16xf32>
      %sub3A_557 = arith.subf %add3A_556, %abs3A_553 : vector<16xf32>
      %add3A_558 = vector.broadcast %scan3A : f32 to vector<16xf32>
      %add3A_559 = arith.addf %sub3A_557, %add3A_558 : vector<16xf32>
      %max3A_560 = arith.constant 0.000000e+00 : f32
      %max3A_561 = vector.broadcast %max3A_560 : f32 to vector<16xf32>
      %max3A_562 = arith.maximumf %add3A_559, %max3A_561 : vector<16xf32>
      %sub3A_563 = vector.broadcast %scan3A_32 : f32 to vector<16xf32>
      %sub3A_564 = arith.subf %sub3A_563, %abs3A_540 : vector<16xf32>
      %max3A_565 = arith.constant 0.000000e+00 : f32
      %max3A_566 = vector.broadcast %max3A_565 : f32 to vector<16xf32>
      %max3A_567 = arith.maximumf %sub3A_564, %max3A_566 : vector<16xf32>
      %sub3A_568 = vector.broadcast %scan3A_32 : f32 to vector<16xf32>
      %sub3A_569 = arith.subf %sub3A_568, %abs3A_553 : vector<16xf32>
      %max3A_570 = arith.constant 0.000000e+00 : f32
      %max3A_571 = vector.broadcast %max3A_570 : f32 to vector<16xf32>
      %max3A_572 = arith.maximumf %sub3A_569, %max3A_571 : vector<16xf32>
      %add3A_573 = arith.constant 0 : i32
      %add3A_574 = arith.addi %add3A_573, %scan3A_395 : i32
      %get3A_575 = arith.index_cast %add3A_574 : i32 to index
      %get3A_576 = arith.constant 64 : index
      %get3A_577 = tpu.vector_load %arg9[%get3A_575, %get3A_576] {strides = array<i32>} : memref<224x256xf32, #tpu.memory_space<vmem>>, vector<1x16xf32>,
      %get3A_578 = vector.shape_cast %get3A_577 : vector<1x16xf32> to vector<16xf32>
      %add3A_579 = arith.constant 0 : i32
      %add3A_580 = arith.addi %add3A_579, %scan3A_395 : i32
      %get3A_581 = arith.index_cast %add3A_580 : i32 to index
      %get3A_582 = arith.constant 192 : index
      %get3A_583 = tpu.vector_load %arg9[%get3A_581, %get3A_582] {strides = array<i32>} : memref<224x256xf32, #tpu.memory_space<vmem>>, vector<1x16xf32>,
      %get3A_584 = vector.shape_cast %get3A_583 : vector<1x16xf32> to vector<16xf32>
      %abs3A_585 = math.absf %get3A_584 : vector<16xf32>
      %add3A_586 = arith.constant 16 : i32
      %add3A_587 = arith.addi %add3A_586, %scan3A_395 : i32
      %get3A_588 = arith.index_cast %add3A_587 : i32 to index
      %get3A_589 = arith.constant 64 : index
      %get3A_590 = tpu.vector_load %arg9[%get3A_588, %get3A_589] {strides = array<i32>} : memref<224x256xf32, #tpu.memory_space<vmem>>, vector<1x16xf32>,
      %get3A_591 = vector.shape_cast %get3A_590 : vector<1x16xf32> to vector<16xf32>
      %add3A_592 = arith.constant 16 : i32
      %add3A_593 = arith.addi %add3A_592, %scan3A_395 : i32
      %get3A_594 = arith.index_cast %add3A_593 : i32 to index
      %get3A_595 = arith.constant 192 : index
      %get3A_596 = tpu.vector_load %arg9[%get3A_594, %get3A_595] {strides = array<i32>} : memref<224x256xf32, #tpu.memory_space<vmem>>, vector<1x16xf32>,
      %get3A_597 = vector.shape_cast %get3A_596 : vector<1x16xf32> to vector<16xf32>
      %abs3A_598 = math.absf %get3A_597 : vector<16xf32>
      %sub3A_599 = arith.subf %get3A_578, %get3A_591 : vector<16xf32>
      %abs3A_600 = math.absf %sub3A_599 : vector<16xf32>
      %add3A_601 = arith.addf %abs3A_600, %abs3A_585 : vector<16xf32>
      %sub3A_602 = arith.subf %add3A_601, %abs3A_598 : vector<16xf32>
      %add3A_603 = vector.broadcast %scan3A : f32 to vector<16xf32>
      %add3A_604 = arith.addf %sub3A_602, %add3A_603 : vector<16xf32>
      %max3A_605 = arith.constant 0.000000e+00 : f32
      %max3A_606 = vector.broadcast %max3A_605 : f32 to vector<16xf32>
      %max3A_607 = arith.maximumf %add3A_604, %max3A_606 : vector<16xf32>
      %sub3A_608 = vector.broadcast %scan3A_32 : f32 to vector<16xf32>
      %sub3A_609 = arith.subf %sub3A_608, %abs3A_585 : vector<16xf32>
      %max3A_610 = arith.constant 0.000000e+00 : f32
      %max3A_611 = vector.broadcast %max3A_610 : f32 to vector<16xf32>
      %max3A_612 = arith.maximumf %sub3A_609, %max3A_611 : vector<16xf32>
      %sub3A_613 = vector.broadcast %scan3A_32 : f32 to vector<16xf32>
      %sub3A_614 = arith.subf %sub3A_613, %abs3A_598 : vector<16xf32>
      %max3A_615 = arith.constant 0.000000e+00 : f32
      %max3A_616 = vector.broadcast %max3A_615 : f32 to vector<16xf32>
      %max3A_617 = arith.maximumf %sub3A_614, %max3A_616 : vector<16xf32>
      %add3A_618 = arith.constant 0 : i32
      %add3A_619 = arith.addi %add3A_618, %scan3A_395 : i32
      %get3A_620 = arith.index_cast %add3A_619 : i32 to index
      %get3A_621 = arith.constant 80 : index
      %get3A_622 = tpu.vector_load %arg9[%get3A_620, %get3A_621] {strides = array<i32>} : memref<224x256xf32, #tpu.memory_space<vmem>>, vector<1x16xf32>,
      %get3A_623 = vector.shape_cast %get3A_622 : vector<1x16xf32> to vector<16xf32>
      %add3A_624 = arith.constant 0 : i32
      %add3A_625 = arith.addi %add3A_624, %scan3A_395 : i32
      %get3A_626 = arith.index_cast %add3A_625 : i32 to index
      %get3A_627 = arith.constant 208 : index
      %get3A_628 = tpu.vector_load %arg9[%get3A_626, %get3A_627] {strides = array<i32>} : memref<224x256xf32, #tpu.memory_space<vmem>>, vector<1x16xf32>,
      %get3A_629 = vector.shape_cast %get3A_628 : vector<1x16xf32> to vector<16xf32>
      %abs3A_630 = math.absf %get3A_629 : vector<16xf32>
      %add3A_631 = arith.constant 16 : i32
      %add3A_632 = arith.addi %add3A_631, %scan3A_395 : i32
      %get3A_633 = arith.index_cast %add3A_632 : i32 to index
      %get3A_634 = arith.constant 80 : index
      %get3A_635 = tpu.vector_load %arg9[%get3A_633, %get3A_634] {strides = array<i32>} : memref<224x256xf32, #tpu.memory_space<vmem>>, vector<1x16xf32>,
      %get3A_636 = vector.shape_cast %get3A_635 : vector<1x16xf32> to vector<16xf32>
      %add3A_637 = arith.constant 16 : i32
      %add3A_638 = arith.addi %add3A_637, %scan3A_395 : i32
      %get3A_639 = arith.index_cast %add3A_638 : i32 to index
      %get3A_640 = arith.constant 208 : index
      %get3A_641 = tpu.vector_load %arg9[%get3A_639, %get3A_640] {strides = array<i32>} : memref<224x256xf32, #tpu.memory_space<vmem>>, vector<1x16xf32>,
      %get3A_642 = vector.shape_cast %get3A_641 : vector<1x16xf32> to vector<16xf32>
      %abs3A_643 = math.absf %get3A_642 : vector<16xf32>
      %sub3A_644 = arith.subf %get3A_623, %get3A_636 : vector<16xf32>
      %abs3A_645 = math.absf %sub3A_644 : vector<16xf32>
      %add3A_646 = arith.addf %abs3A_645, %abs3A_630 : vector<16xf32>
      %sub3A_647 = arith.subf %add3A_646, %abs3A_643 : vector<16xf32>
      %add3A_648 = vector.broadcast %scan3A : f32 to vector<16xf32>
      %add3A_649 = arith.addf %sub3A_647, %add3A_648 : vector<16xf32>
      %max3A_650 = arith.constant 0.000000e+00 : f32
      %max3A_651 = vector.broadcast %max3A_650 : f32 to vector<16xf32>
      %max3A_652 = arith.maximumf %add3A_649, %max3A_651 : vector<16xf32>
      %sub3A_653 = vector.broadcast %scan3A_32 : f32 to vector<16xf32>
      %sub3A_654 = arith.subf %sub3A_653, %abs3A_630 : vector<16xf32>
      %max3A_655 = arith.constant 0.000000e+00 : f32
      %max3A_656 = vector.broadcast %max3A_655 : f32 to vector<16xf32>
      %max3A_657 = arith.maximumf %sub3A_654, %max3A_656 : vector<16xf32>
      %sub3A_658 = vector.broadcast %scan3A_32 : f32 to vector<16xf32>
      %sub3A_659 = arith.subf %sub3A_658, %abs3A_643 : vector<16xf32>
      %max3A_660 = arith.constant 0.000000e+00 : f32
      %max3A_661 = vector.broadcast %max3A_660 : f32 to vector<16xf32>
      %max3A_662 = arith.maximumf %sub3A_659, %max3A_661 : vector<16xf32>
      %add3A_663 = arith.constant 0 : i32
      %add3A_664 = arith.addi %add3A_663, %scan3A_395 : i32
      %get3A_665 = arith.index_cast %add3A_664 : i32 to index
      %get3A_666 = arith.constant 96 : index
      %get3A_667 = tpu.vector_load %arg9[%get3A_665, %get3A_666] {strides = array<i32>} : memref<224x256xf32, #tpu.memory_space<vmem>>, vector<1x16xf32>,
      %get3A_668 = vector.shape_cast %get3A_667 : vector<1x16xf32> to vector<16xf32>
      %add3A_669 = arith.constant 0 : i32
      %add3A_670 = arith.addi %add3A_669, %scan3A_395 : i32
      %get3A_671 = arith.index_cast %add3A_670 : i32 to index
      %get3A_672 = arith.constant 224 : index
      %get3A_673 = tpu.vector_load %arg9[%get3A_671, %get3A_672] {strides = array<i32>} : memref<224x256xf32, #tpu.memory_space<vmem>>, vector<1x16xf32>,
      %get3A_674 = vector.shape_cast %get3A_673 : vector<1x16xf32> to vector<16xf32>
      %abs3A_675 = math.absf %get3A_674 : vector<16xf32>
      %add3A_676 = arith.constant 16 : i32
      %add3A_677 = arith.addi %add3A_676, %scan3A_395 : i32
      %get3A_678 = arith.index_cast %add3A_677 : i32 to index
      %get3A_679 = arith.constant 96 : index
      %get3A_680 = tpu.vector_load %arg9[%get3A_678, %get3A_679] {strides = array<i32>} : memref<224x256xf32, #tpu.memory_space<vmem>>, vector<1x16xf32>,
      %get3A_681 = vector.shape_cast %get3A_680 : vector<1x16xf32> to vector<16xf32>
      %add3A_682 = arith.constant 16 : i32
      %add3A_683 = arith.addi %add3A_682, %scan3A_395 : i32
      %get3A_684 = arith.index_cast %add3A_683 : i32 to index
      %get3A_685 = arith.constant 224 : index
      %get3A_686 = tpu.vector_load %arg9[%get3A_684, %get3A_685] {strides = array<i32>} : memref<224x256xf32, #tpu.memory_space<vmem>>, vector<1x16xf32>,
      %get3A_687 = vector.shape_cast %get3A_686 : vector<1x16xf32> to vector<16xf32>
      %abs3A_688 = math.absf %get3A_687 : vector<16xf32>
      %sub3A_689 = arith.subf %get3A_668, %get3A_681 : vector<16xf32>
      %abs3A_690 = math.absf %sub3A_689 : vector<16xf32>
      %add3A_691 = arith.addf %abs3A_690, %abs3A_675 : vector<16xf32>
      %sub3A_692 = arith.subf %add3A_691, %abs3A_688 : vector<16xf32>
      %add3A_693 = vector.broadcast %scan3A : f32 to vector<16xf32>
      %add3A_694 = arith.addf %sub3A_692, %add3A_693 : vector<16xf32>
      %max3A_695 = arith.constant 0.000000e+00 : f32
      %max3A_696 = vector.broadcast %max3A_695 : f32 to vector<16xf32>
      %max3A_697 = arith.maximumf %add3A_694, %max3A_696 : vector<16xf32>
      %sub3A_698 = vector.broadcast %scan3A_32 : f32 to vector<16xf32>
      %sub3A_699 = arith.subf %sub3A_698, %abs3A_675 : vector<16xf32>
      %max3A_700 = arith.constant 0.000000e+00 : f32
      %max3A_701 = vector.broadcast %max3A_700 : f32 to vector<16xf32>
      %max3A_702 = arith.maximumf %sub3A_699, %max3A_701 : vector<16xf32>
      %sub3A_703 = vector.broadcast %scan3A_32 : f32 to vector<16xf32>
      %sub3A_704 = arith.subf %sub3A_703, %abs3A_688 : vector<16xf32>
      %max3A_705 = arith.constant 0.000000e+00 : f32
      %max3A_706 = vector.broadcast %max3A_705 : f32 to vector<16xf32>
      %max3A_707 = arith.maximumf %sub3A_704, %max3A_706 : vector<16xf32>
      %add3A_708 = arith.constant 0 : i32
      %add3A_709 = arith.addi %add3A_708, %scan3A_395 : i32
      %get3A_710 = arith.index_cast %add3A_709 : i32 to index
      %get3A_711 = arith.constant 112 : index
      %get3A_712 = tpu.vector_load %arg9[%get3A_710, %get3A_711] {strides = array<i32>} : memref<224x256xf32, #tpu.memory_space<vmem>>, vector<1x16xf32>,
      %get3A_713 = vector.shape_cast %get3A_712 : vector<1x16xf32> to vector<16xf32>
      %add3A_714 = arith.constant 0 : i32
      %add3A_715 = arith.addi %add3A_714, %scan3A_395 : i32
      %get3A_716 = arith.index_cast %add3A_715 : i32 to index
      %get3A_717 = arith.constant 240 : index
      %get3A_718 = tpu.vector_load %arg9[%get3A_716, %get3A_717] {strides = array<i32>} : memref<224x256xf32, #tpu.memory_space<vmem>>, vector<1x16xf32>,
      %get3A_719 = vector.shape_cast %get3A_718 : vector<1x16xf32> to vector<16xf32>
      %abs3A_720 = math.absf %get3A_719 : vector<16xf32>
      %add3A_721 = arith.constant 16 : i32
      %add3A_722 = arith.addi %add3A_721, %scan3A_395 : i32
      %get3A_723 = arith.index_cast %add3A_722 : i32 to index
      %get3A_724 = arith.constant 112 : index
      %get3A_725 = tpu.vector_load %arg9[%get3A_723, %get3A_724] {strides = array<i32>} : memref<224x256xf32, #tpu.memory_space<vmem>>, vector<1x16xf32>,
      %get3A_726 = vector.shape_cast %get3A_725 : vector<1x16xf32> to vector<16xf32>
      %add3A_727 = arith.constant 16 : i32
      %add3A_728 = arith.addi %add3A_727, %scan3A_395 : i32
      %get3A_729 = arith.index_cast %add3A_728 : i32 to index
      %get3A_730 = arith.constant 240 : index
      %get3A_731 = tpu.vector_load %arg9[%get3A_729, %get3A_730] {strides = array<i32>} : memref<224x256xf32, #tpu.memory_space<vmem>>, vector<1x16xf32>,
      %get3A_732 = vector.shape_cast %get3A_731 : vector<1x16xf32> to vector<16xf32>
      %abs3A_733 = math.absf %get3A_732 : vector<16xf32>
      %sub3A_734 = arith.subf %get3A_713, %get3A_726 : vector<16xf32>
      %abs3A_735 = math.absf %sub3A_734 : vector<16xf32>
      %add3A_736 = arith.addf %abs3A_735, %abs3A_720 : vector<16xf32>
      %sub3A_737 = arith.subf %add3A_736, %abs3A_733 : vector<16xf32>
      %add3A_738 = vector.broadcast %scan3A : f32 to vector<16xf32>
      %add3A_739 = arith.addf %sub3A_737, %add3A_738 : vector<16xf32>
      %max3A_740 = arith.constant 0.000000e+00 : f32
      %max3A_741 = vector.broadcast %max3A_740 : f32 to vector<16xf32>
      %max3A_742 = arith.maximumf %add3A_739, %max3A_741 : vector<16xf32>
      %sub3A_743 = vector.broadcast %scan3A_32 : f32 to vector<16xf32>
      %sub3A_744 = arith.subf %sub3A_743, %abs3A_720 : vector<16xf32>
      %max3A_745 = arith.constant 0.000000e+00 : f32
      %max3A_746 = vector.broadcast %max3A_745 : f32 to vector<16xf32>
      %max3A_747 = arith.maximumf %sub3A_744, %max3A_746 : vector<16xf32>
      %sub3A_748 = vector.broadcast %scan3A_32 : f32 to vector<16xf32>
      %sub3A_749 = arith.subf %sub3A_748, %abs3A_733 : vector<16xf32>
      %max3A_750 = arith.constant 0.000000e+00 : f32
      %max3A_751 = vector.broadcast %max3A_750 : f32 to vector<16xf32>
      %max3A_752 = arith.maximumf %sub3A_749, %max3A_751 : vector<16xf32>
      %add3A_753 = arith.constant 0 : i32
      %add3A_754 = arith.addi %add3A_753, %scan3A_395 : i32
      %mul3A_755 = arith.mulf %max3A_427, %max3A_427 : vector<16xf32>
      %mul3A_756 = arith.mulf %max3A_472, %max3A_472 : vector<16xf32>
      %add3A_757 = arith.addf %mul3A_755, %mul3A_756 : vector<16xf32>
      %mul3A_758 = arith.mulf %max3A_517, %max3A_517 : vector<16xf32>
      %add3A_759 = arith.addf %add3A_757, %mul3A_758 : vector<16xf32>
      %mul3A_760 = arith.mulf %max3A_562, %max3A_562 : vector<16xf32>
      %add3A_761 = arith.addf %add3A_759, %mul3A_760 : vector<16xf32>
      %mul3A_762 = arith.mulf %max3A_607, %max3A_607 : vector<16xf32>
      %add3A_763 = arith.addf %add3A_761, %mul3A_762 : vector<16xf32>
      %mul3A_764 = arith.mulf %max3A_652, %max3A_652 : vector<16xf32>
      %add3A_765 = arith.addf %add3A_763, %mul3A_764 : vector<16xf32>
      %mul3A_766 = arith.mulf %max3A_697, %max3A_697 : vector<16xf32>
      %add3A_767 = arith.addf %add3A_765, %mul3A_766 : vector<16xf32>
      %mul3A_768 = arith.mulf %max3A_742, %max3A_742 : vector<16xf32>
      %add3A_769 = arith.addf %add3A_767, %mul3A_768 : vector<16xf32>
      %jit3A = arith.constant 8 : i32
      %div3A = arith.divsi %add3A_754, %jit3A : i32
      %sign3A = arith.constant 0 : i32
      %sign3A_770 = arith.cmpi sgt, %add3A_754, %sign3A : i32
      %sign3A_771 = arith.extui %sign3A_770 : i1 to i32
      %sign3A_772 = arith.constant 0 : i32
      %sign3A_773 = arith.cmpi slt, %add3A_754, %sign3A_772 : i32
      %sign3A_774 = arith.extui %sign3A_773 : i1 to i32
      %sign3A_775 = arith.subi %sign3A_771, %sign3A_774 : i32
      %sign3A_776 = arith.constant 0 : i32
      %sign3A_777 = arith.cmpi sgt, %jit3A, %sign3A_776 : i32
      %sign3A_778 = arith.extui %sign3A_777 : i1 to i32
      %sign3A_779 = arith.constant 0 : i32
      %sign3A_780 = arith.cmpi slt, %jit3A, %sign3A_779 : i32
      %sign3A_781 = arith.extui %sign3A_780 : i1 to i32
      %sign3A_782 = arith.subi %sign3A_778, %sign3A_781 : i32
      %ne3A = arith.cmpi ne, %sign3A_775, %sign3A_782 : i32
      %rem3A = arith.remsi %add3A_754, %jit3A : i32
      %ne3A_783 = arith.constant 0 : i32
      %ne3A_784 = arith.cmpi ne, %rem3A, %ne3A_783 : i32
      %and3A = arith.andi %ne3A, %ne3A_784 : i1
      %sub3A_785 = arith.constant 1 : i32
      %sub3A_786 = arith.subi %div3A, %sub3A_785 : i32
      %select_n3A = arith.select %and3A, %sub3A_786, %div3A : i32
      %jit3A_787 = arith.constant 8 : i32
      %eq3A = arith.constant 0 : i32
      %eq3A_788 = arith.cmpi eq, %jit3A_787, %eq3A : i32
      %jit3A_789 = arith.constant 1 : i32
      %select_n3A_790 = arith.select %eq3A_788, %jit3A_789, %jit3A_787 : i32
      %rem3A_791 = arith.remsi %add3A_754, %select_n3A_790 : i32
      %ne3A_792 = arith.constant 0 : i32
      %ne3A_793 = arith.cmpi ne, %rem3A_791, %ne3A_792 : i32
      %lt3A = arith.constant 0 : i32
      %lt3A_794 = arith.cmpi slt, %rem3A_791, %lt3A : i32
      %lt3A_795 = arith.constant 0 : i32
      %lt3A_796 = arith.cmpi slt, %select_n3A_790, %lt3A_795 : i32
      %ne3A_797 = arith.xori %lt3A_794, %lt3A_796 : i1
      %and3A_798 = arith.andi %ne3A_797, %ne3A_793 : i1
      %add3A_799 = arith.addi %rem3A_791, %select_n3A_790 : i32
      %select_n3A_800 = arith.select %and3A_798, %add3A_799, %rem3A_791 : i32
      %mul3A_801 = arith.constant 16 : i32
      %mul3A_802 = arith.muli %select_n3A_800, %mul3A_801 : i32
      %swap3A_803 = arith.index_cast %select_n3A : i32 to index
      %swap3A_804 = arith.index_cast %mul3A_802 : i32 to index
      %swap3A_805 = tpu.vector_load %arg11[%swap3A_803, %swap3A_804] {strides = array<i32>} : memref<48x128xf32, #tpu.memory_space<vmem>>, vector<1x16xf32>,
      %swap3A_806 = vector.shape_cast %swap3A_805 : vector<1x16xf32> to vector<16xf32>
      %swap3A_807 = vector.shape_cast %add3A_769 : vector<16xf32> to vector<1x16xf32>
      tpu.vector_store %arg11[%swap3A_803, %swap3A_804], %swap3A_807 {strides = array<i32>} : memref<48x128xf32, #tpu.memory_space<vmem>>, vector<1x16xf32>,
      %add3A_808 = arith.constant 16 : i32
      %add3A_809 = arith.addi %add3A_808, %scan3A_395 : i32
      %mul3A_810 = arith.mulf %max3A_432, %max3A_432 : vector<16xf32>
      %mul3A_811 = arith.mulf %max3A_477, %max3A_477 : vector<16xf32>
      %add3A_812 = arith.addf %mul3A_810, %mul3A_811 : vector<16xf32>
      %mul3A_813 = arith.mulf %max3A_522, %max3A_522 : vector<16xf32>
      %add3A_814 = arith.addf %add3A_812, %mul3A_813 : vector<16xf32>
      %mul3A_815 = arith.mulf %max3A_567, %max3A_567 : vector<16xf32>
      %add3A_816 = arith.addf %add3A_814, %mul3A_815 : vector<16xf32>
      %mul3A_817 = arith.mulf %max3A_612, %max3A_612 : vector<16xf32>
      %add3A_818 = arith.addf %add3A_816, %mul3A_817 : vector<16xf32>
      %mul3A_819 = arith.mulf %max3A_657, %max3A_657 : vector<16xf32>
      %add3A_820 = arith.addf %add3A_818, %mul3A_819 : vector<16xf32>
      %mul3A_821 = arith.mulf %max3A_702, %max3A_702 : vector<16xf32>
      %add3A_822 = arith.addf %add3A_820, %mul3A_821 : vector<16xf32>
      %mul3A_823 = arith.mulf %max3A_747, %max3A_747 : vector<16xf32>
      %add3A_824 = arith.addf %add3A_822, %mul3A_823 : vector<16xf32>
      %jit3A_825 = arith.constant 8 : i32
      %div3A_826 = arith.divsi %add3A_809, %jit3A_825 : i32
      %sign3A_827 = arith.constant 0 : i32
      %sign3A_828 = arith.cmpi sgt, %add3A_809, %sign3A_827 : i32
      %sign3A_829 = arith.extui %sign3A_828 : i1 to i32
      %sign3A_830 = arith.constant 0 : i32
      %sign3A_831 = arith.cmpi slt, %add3A_809, %sign3A_830 : i32
      %sign3A_832 = arith.extui %sign3A_831 : i1 to i32
      %sign3A_833 = arith.subi %sign3A_829, %sign3A_832 : i32
      %sign3A_834 = arith.constant 0 : i32
      %sign3A_835 = arith.cmpi sgt, %jit3A_825, %sign3A_834 : i32
      %sign3A_836 = arith.extui %sign3A_835 : i1 to i32
      %sign3A_837 = arith.constant 0 : i32
      %sign3A_838 = arith.cmpi slt, %jit3A_825, %sign3A_837 : i32
      %sign3A_839 = arith.extui %sign3A_838 : i1 to i32
      %sign3A_840 = arith.subi %sign3A_836, %sign3A_839 : i32
      %ne3A_841 = arith.cmpi ne, %sign3A_833, %sign3A_840 : i32
      %rem3A_842 = arith.remsi %add3A_809, %jit3A_825 : i32
      %ne3A_843 = arith.constant 0 : i32
      %ne3A_844 = arith.cmpi ne, %rem3A_842, %ne3A_843 : i32
      %and3A_845 = arith.andi %ne3A_841, %ne3A_844 : i1
      %sub3A_846 = arith.constant 1 : i32
      %sub3A_847 = arith.subi %div3A_826, %sub3A_846 : i32
      %select_n3A_848 = arith.select %and3A_845, %sub3A_847, %div3A_826 : i32
      %jit3A_849 = arith.constant 8 : i32
      %eq3A_850 = arith.constant 0 : i32
      %eq3A_851 = arith.cmpi eq, %jit3A_849, %eq3A_850 : i32
      %jit3A_852 = arith.constant 1 : i32
      %select_n3A_853 = arith.select %eq3A_851, %jit3A_852, %jit3A_849 : i32
      %rem3A_854 = arith.remsi %add3A_809, %select_n3A_853 : i32
      %ne3A_855 = arith.constant 0 : i32
      %ne3A_856 = arith.cmpi ne, %rem3A_854, %ne3A_855 : i32
      %lt3A_857 = arith.constant 0 : i32
      %lt3A_858 = arith.cmpi slt, %rem3A_854, %lt3A_857 : i32
      %lt3A_859 = arith.constant 0 : i32
      %lt3A_860 = arith.cmpi slt, %select_n3A_853, %lt3A_859 : i32
      %ne3A_861 = arith.xori %lt3A_858, %lt3A_860 : i1
      %and3A_862 = arith.andi %ne3A_861, %ne3A_856 : i1
      %add3A_863 = arith.addi %rem3A_854, %select_n3A_853 : i32
      %select_n3A_864 = arith.select %and3A_862, %add3A_863, %rem3A_854 : i32
      %mul3A_865 = arith.constant 16 : i32
      %mul3A_866 = arith.muli %select_n3A_864, %mul3A_865 : i32
      %swap3A_867 = arith.index_cast %select_n3A_848 : i32 to index
      %swap3A_868 = arith.index_cast %mul3A_866 : i32 to index
      %swap3A_869 = tpu.vector_load %arg11[%swap3A_867, %swap3A_868] {strides = array<i32>} : memref<48x128xf32, #tpu.memory_space<vmem>>, vector<1x16xf32>,
      %swap3A_870 = vector.shape_cast %swap3A_869 : vector<1x16xf32> to vector<16xf32>
      %swap3A_871 = vector.shape_cast %add3A_824 : vector<16xf32> to vector<1x16xf32>
      tpu.vector_store %arg11[%swap3A_867, %swap3A_868], %swap3A_871 {strides = array<i32>} : memref<48x128xf32, #tpu.memory_space<vmem>>, vector<1x16xf32>,
      %add3A_872 = arith.constant 32 : i32
      %add3A_873 = arith.addi %add3A_872, %scan3A_395 : i32
      %mul3A_874 = arith.mulf %max3A_437, %max3A_437 : vector<16xf32>
      %mul3A_875 = arith.mulf %max3A_482, %max3A_482 : vector<16xf32>
      %add3A_876 = arith.addf %mul3A_874, %mul3A_875 : vector<16xf32>
      %mul3A_877 = arith.mulf %max3A_527, %max3A_527 : vector<16xf32>
      %add3A_878 = arith.addf %add3A_876, %mul3A_877 : vector<16xf32>
      %mul3A_879 = arith.mulf %max3A_572, %max3A_572 : vector<16xf32>
      %add3A_880 = arith.addf %add3A_878, %mul3A_879 : vector<16xf32>
      %mul3A_881 = arith.mulf %max3A_617, %max3A_617 : vector<16xf32>
      %add3A_882 = arith.addf %add3A_880, %mul3A_881 : vector<16xf32>
      %mul3A_883 = arith.mulf %max3A_662, %max3A_662 : vector<16xf32>
      %add3A_884 = arith.addf %add3A_882, %mul3A_883 : vector<16xf32>
      %mul3A_885 = arith.mulf %max3A_707, %max3A_707 : vector<16xf32>
      %add3A_886 = arith.addf %add3A_884, %mul3A_885 : vector<16xf32>
      %mul3A_887 = arith.mulf %max3A_752, %max3A_752 : vector<16xf32>
      %add3A_888 = arith.addf %add3A_886, %mul3A_887 : vector<16xf32>
      %jit3A_889 = arith.constant 8 : i32
      %div3A_890 = arith.divsi %add3A_873, %jit3A_889 : i32
      %sign3A_891 = arith.constant 0 : i32
      %sign3A_892 = arith.cmpi sgt, %add3A_873, %sign3A_891 : i32
      %sign3A_893 = arith.extui %sign3A_892 : i1 to i32
      %sign3A_894 = arith.constant 0 : i32
      %sign3A_895 = arith.cmpi slt, %add3A_873, %sign3A_894 : i32
      %sign3A_896 = arith.extui %sign3A_895 : i1 to i32
      %sign3A_897 = arith.subi %sign3A_893, %sign3A_896 : i32
      %sign3A_898 = arith.constant 0 : i32
      %sign3A_899 = arith.cmpi sgt, %jit3A_889, %sign3A_898 : i32
      %sign3A_900 = arith.extui %sign3A_899 : i1 to i32
      %sign3A_901 = arith.constant 0 : i32
      %sign3A_902 = arith.cmpi slt, %jit3A_889, %sign3A_901 : i32
      %sign3A_903 = arith.extui %sign3A_902 : i1 to i32
      %sign3A_904 = arith.subi %sign3A_900, %sign3A_903 : i32
      %ne3A_905 = arith.cmpi ne, %sign3A_897, %sign3A_904 : i32
      %rem3A_906 = arith.remsi %add3A_873, %jit3A_889 : i32
      %ne3A_907 = arith.constant 0 : i32
      %ne3A_908 = arith.cmpi ne, %rem3A_906, %ne3A_907 : i32
      %and3A_909 = arith.andi %ne3A_905, %ne3A_908 : i1
      %sub3A_910 = arith.constant 1 : i32
      %sub3A_911 = arith.subi %div3A_890, %sub3A_910 : i32
      %select_n3A_912 = arith.select %and3A_909, %sub3A_911, %div3A_890 : i32
      %jit3A_913 = arith.constant 8 : i32
      %eq3A_914 = arith.constant 0 : i32
      %eq3A_915 = arith.cmpi eq, %jit3A_913, %eq3A_914 : i32
      %jit3A_916 = arith.constant 1 : i32
      %select_n3A_917 = arith.select %eq3A_915, %jit3A_916, %jit3A_913 : i32
      %rem3A_918 = arith.remsi %add3A_873, %select_n3A_917 : i32
      %ne3A_919 = arith.constant 0 : i32
      %ne3A_920 = arith.cmpi ne, %rem3A_918, %ne3A_919 : i32
      %lt3A_921 = arith.constant 0 : i32
      %lt3A_922 = arith.cmpi slt, %rem3A_918, %lt3A_921 : i32
      %lt3A_923 = arith.constant 0 : i32
      %lt3A_924 = arith.cmpi slt, %select_n3A_917, %lt3A_923 : i32
      %ne3A_925 = arith.xori %lt3A_922, %lt3A_924 : i1
      %and3A_926 = arith.andi %ne3A_925, %ne3A_920 : i1
      %add3A_927 = arith.addi %rem3A_918, %select_n3A_917 : i32
      %select_n3A_928 = arith.select %and3A_926, %add3A_927, %rem3A_918 : i32
      %mul3A_929 = arith.constant 16 : i32
      %mul3A_930 = arith.muli %select_n3A_928, %mul3A_929 : i32
      %swap3A_931 = arith.index_cast %select_n3A_912 : i32 to index
      %swap3A_932 = arith.index_cast %mul3A_930 : i32 to index
      %swap3A_933 = tpu.vector_load %arg11[%swap3A_931, %swap3A_932] {strides = array<i32>} : memref<48x128xf32, #tpu.memory_space<vmem>>, vector<1x16xf32>,
      %swap3A_934 = vector.shape_cast %swap3A_933 : vector<1x16xf32> to vector<16xf32>
      %swap3A_935 = vector.shape_cast %add3A_888 : vector<16xf32> to vector<1x16xf32>
      tpu.vector_store %arg11[%swap3A_931, %swap3A_932], %swap3A_935 {strides = array<i32>} : memref<48x128xf32, #tpu.memory_space<vmem>>, vector<1x16xf32>,
      %scan3A_936 = arith.constant 0 : i32
      scf.yield %scan3A_936 : i32
    }
    %scan3A_39 = arith.constant 16 : i32
    %scan3A_40 = arith.constant 5.000000e-02 : f32
    %scan3A_41 = arith.constant 0 : i32
    %scan3A_42 = arith.constant 0 : i32
    %scan3A_43 = arith.constant 16 : i32
    %scan3A_44 = arith.addi %scan3A_42, %scan3A_43 : i32
    %scan3A_45 = arith.constant 1 : i32
    %scan3A_46 = scf.for %scan3A_395 = %scan3A_42 to %scan3A_44 step %scan3A_45 iter_args(%scan3A_396 = %scan3A_41) -> (i32)  : i32 {
      %add3A_397 = arith.constant 32 : i32
      %add3A_398 = arith.addi %add3A_397, %scan3A_395 : i32
      %get3A = arith.index_cast %add3A_398 : i32 to index
      %get3A_399 = arith.constant 0 : index
      %get3A_400 = tpu.vector_load %arg9[%get3A, %get3A_399] {strides = array<i32>} : memref<224x256xf32, #tpu.memory_space<vmem>>, vector<1x16xf32>,
      %get3A_401 = vector.shape_cast %get3A_400 : vector<1x16xf32> to vector<16xf32>
      %add3A_402 = arith.constant 32 : i32
      %add3A_403 = arith.addi %add3A_402, %scan3A_395 : i32
      %get3A_404 = arith.index_cast %add3A_403 : i32 to index
      %get3A_405 = arith.constant 128 : index
      %get3A_406 = tpu.vector_load %arg9[%get3A_404, %get3A_405] {strides = array<i32>} : memref<224x256xf32, #tpu.memory_space<vmem>>, vector<1x16xf32>,
      %get3A_407 = vector.shape_cast %get3A_406 : vector<1x16xf32> to vector<16xf32>
      %abs3A = math.absf %get3A_407 : vector<16xf32>
      %add3A_408 = arith.constant 48 : i32
      %add3A_409 = arith.addi %add3A_408, %scan3A_395 : i32
      %get3A_410 = arith.index_cast %add3A_409 : i32 to index
      %get3A_411 = arith.constant 0 : index
      %get3A_412 = tpu.vector_load %arg9[%get3A_410, %get3A_411] {strides = array<i32>} : memref<224x256xf32, #tpu.memory_space<vmem>>, vector<1x16xf32>,
      %get3A_413 = vector.shape_cast %get3A_412 : vector<1x16xf32> to vector<16xf32>
      %add3A_414 = arith.constant 48 : i32
      %add3A_415 = arith.addi %add3A_414, %scan3A_395 : i32
      %get3A_416 = arith.index_cast %add3A_415 : i32 to index
      %get3A_417 = arith.constant 128 : index
      %get3A_418 = tpu.vector_load %arg9[%get3A_416, %get3A_417] {strides = array<i32>} : memref<224x256xf32, #tpu.memory_space<vmem>>, vector<1x16xf32>,
      %get3A_419 = vector.shape_cast %get3A_418 : vector<1x16xf32> to vector<16xf32>
      %abs3A_420 = math.absf %get3A_419 : vector<16xf32>
      %add3A_421 = arith.constant 64 : i32
      %add3A_422 = arith.addi %add3A_421, %scan3A_395 : i32
      %get3A_423 = arith.index_cast %add3A_422 : i32 to index
      %get3A_424 = arith.constant 0 : index
      %get3A_425 = tpu.vector_load %arg9[%get3A_423, %get3A_424] {strides = array<i32>} : memref<224x256xf32, #tpu.memory_space<vmem>>, vector<1x16xf32>,
      %get3A_426 = vector.shape_cast %get3A_425 : vector<1x16xf32> to vector<16xf32>
      %add3A_427 = arith.constant 64 : i32
      %add3A_428 = arith.addi %add3A_427, %scan3A_395 : i32
      %get3A_429 = arith.index_cast %add3A_428 : i32 to index
      %get3A_430 = arith.constant 128 : index
      %get3A_431 = tpu.vector_load %arg9[%get3A_429, %get3A_430] {strides = array<i32>} : memref<224x256xf32, #tpu.memory_space<vmem>>, vector<1x16xf32>,
      %get3A_432 = vector.shape_cast %get3A_431 : vector<1x16xf32> to vector<16xf32>
      %abs3A_433 = math.absf %get3A_432 : vector<16xf32>
      %sub3A = arith.subf %get3A_401, %abs3A : vector<16xf32>
      %sub3A_434 = arith.subf %get3A_413, %abs3A_420 : vector<16xf32>
      %max3A = arith.maximumf %sub3A, %sub3A_434 : vector<16xf32>
      %add3A_435 = arith.addf %get3A_401, %abs3A : vector<16xf32>
      %add3A_436 = arith.addf %get3A_413, %abs3A_420 : vector<16xf32>
      %min3A = arith.minimumf %add3A_435, %add3A_436 : vector<16xf32>
      %sub3A_437 = arith.subf %min3A, %max3A : vector<16xf32>
      %mul3A_438 = arith.constant 5.000000e-01 : f32
      %mul3A_439 = vector.broadcast %mul3A_438 : f32 to vector<16xf32>
      %mul3A_440 = arith.mulf %sub3A_437, %mul3A_439 : vector<16xf32>
      %add3A_441 = arith.addf %max3A, %min3A : vector<16xf32>
      %mul3A_442 = arith.constant 5.000000e-01 : f32
      %mul3A_443 = vector.broadcast %mul3A_442 : f32 to vector<16xf32>
      %mul3A_444 = arith.mulf %add3A_441, %mul3A_443 : vector<16xf32>
      %sub3A_445 = arith.subf %mul3A_444, %get3A_426 : vector<16xf32>
      %abs3A_446 = math.absf %sub3A_445 : vector<16xf32>
      %add3A_447 = arith.addf %abs3A_446, %mul3A_440 : vector<16xf32>
      %sub3A_448 = arith.subf %add3A_447, %abs3A_433 : vector<16xf32>
      %add3A_449 = vector.broadcast %scan3A_40 : f32 to vector<16xf32>
      %add3A_450 = arith.addf %sub3A_448, %add3A_449 : vector<16xf32>
      %max3A_451 = arith.constant 0.000000e+00 : f32
      %max3A_452 = vector.broadcast %max3A_451 : f32 to vector<16xf32>
      %max3A_453 = arith.maximumf %add3A_450, %max3A_452 : vector<16xf32>
      %sub3A_454 = arith.subf %max3A, %min3A : vector<16xf32>
      %max3A_455 = arith.constant 0.000000e+00 : f32
      %max3A_456 = vector.broadcast %max3A_455 : f32 to vector<16xf32>
      %max3A_457 = arith.maximumf %sub3A_454, %max3A_456 : vector<16xf32>
      %add3A_458 = arith.constant 32 : i32
      %add3A_459 = arith.addi %add3A_458, %scan3A_395 : i32
      %get3A_460 = arith.index_cast %add3A_459 : i32 to index
      %get3A_461 = arith.constant 16 : index
      %get3A_462 = tpu.vector_load %arg9[%get3A_460, %get3A_461] {strides = array<i32>} : memref<224x256xf32, #tpu.memory_space<vmem>>, vector<1x16xf32>,
      %get3A_463 = vector.shape_cast %get3A_462 : vector<1x16xf32> to vector<16xf32>
      %add3A_464 = arith.constant 32 : i32
      %add3A_465 = arith.addi %add3A_464, %scan3A_395 : i32
      %get3A_466 = arith.index_cast %add3A_465 : i32 to index
      %get3A_467 = arith.constant 144 : index
      %get3A_468 = tpu.vector_load %arg9[%get3A_466, %get3A_467] {strides = array<i32>} : memref<224x256xf32, #tpu.memory_space<vmem>>, vector<1x16xf32>,
      %get3A_469 = vector.shape_cast %get3A_468 : vector<1x16xf32> to vector<16xf32>
      %abs3A_470 = math.absf %get3A_469 : vector<16xf32>
      %add3A_471 = arith.constant 48 : i32
      %add3A_472 = arith.addi %add3A_471, %scan3A_395 : i32
      %get3A_473 = arith.index_cast %add3A_472 : i32 to index
      %get3A_474 = arith.constant 16 : index
      %get3A_475 = tpu.vector_load %arg9[%get3A_473, %get3A_474] {strides = array<i32>} : memref<224x256xf32, #tpu.memory_space<vmem>>, vector<1x16xf32>,
      %get3A_476 = vector.shape_cast %get3A_475 : vector<1x16xf32> to vector<16xf32>
      %add3A_477 = arith.constant 48 : i32
      %add3A_478 = arith.addi %add3A_477, %scan3A_395 : i32
      %get3A_479 = arith.index_cast %add3A_478 : i32 to index
      %get3A_480 = arith.constant 144 : index
      %get3A_481 = tpu.vector_load %arg9[%get3A_479, %get3A_480] {strides = array<i32>} : memref<224x256xf32, #tpu.memory_space<vmem>>, vector<1x16xf32>,
      %get3A_482 = vector.shape_cast %get3A_481 : vector<1x16xf32> to vector<16xf32>
      %abs3A_483 = math.absf %get3A_482 : vector<16xf32>
      %add3A_484 = arith.constant 64 : i32
      %add3A_485 = arith.addi %add3A_484, %scan3A_395 : i32
      %get3A_486 = arith.index_cast %add3A_485 : i32 to index
      %get3A_487 = arith.constant 16 : index
      %get3A_488 = tpu.vector_load %arg9[%get3A_486, %get3A_487] {strides = array<i32>} : memref<224x256xf32, #tpu.memory_space<vmem>>, vector<1x16xf32>,
      %get3A_489 = vector.shape_cast %get3A_488 : vector<1x16xf32> to vector<16xf32>
      %add3A_490 = arith.constant 64 : i32
      %add3A_491 = arith.addi %add3A_490, %scan3A_395 : i32
      %get3A_492 = arith.index_cast %add3A_491 : i32 to index
      %get3A_493 = arith.constant 144 : index
      %get3A_494 = tpu.vector_load %arg9[%get3A_492, %get3A_493] {strides = array<i32>} : memref<224x256xf32, #tpu.memory_space<vmem>>, vector<1x16xf32>,
      %get3A_495 = vector.shape_cast %get3A_494 : vector<1x16xf32> to vector<16xf32>
      %abs3A_496 = math.absf %get3A_495 : vector<16xf32>
      %sub3A_497 = arith.subf %get3A_463, %abs3A_470 : vector<16xf32>
      %sub3A_498 = arith.subf %get3A_476, %abs3A_483 : vector<16xf32>
      %max3A_499 = arith.maximumf %sub3A_497, %sub3A_498 : vector<16xf32>
      %add3A_500 = arith.addf %get3A_463, %abs3A_470 : vector<16xf32>
      %add3A_501 = arith.addf %get3A_476, %abs3A_483 : vector<16xf32>
      %min3A_502 = arith.minimumf %add3A_500, %add3A_501 : vector<16xf32>
      %sub3A_503 = arith.subf %min3A_502, %max3A_499 : vector<16xf32>
      %mul3A_504 = arith.constant 5.000000e-01 : f32
      %mul3A_505 = vector.broadcast %mul3A_504 : f32 to vector<16xf32>
      %mul3A_506 = arith.mulf %sub3A_503, %mul3A_505 : vector<16xf32>
      %add3A_507 = arith.addf %max3A_499, %min3A_502 : vector<16xf32>
      %mul3A_508 = arith.constant 5.000000e-01 : f32
      %mul3A_509 = vector.broadcast %mul3A_508 : f32 to vector<16xf32>
      %mul3A_510 = arith.mulf %add3A_507, %mul3A_509 : vector<16xf32>
      %sub3A_511 = arith.subf %mul3A_510, %get3A_489 : vector<16xf32>
      %abs3A_512 = math.absf %sub3A_511 : vector<16xf32>
      %add3A_513 = arith.addf %abs3A_512, %mul3A_506 : vector<16xf32>
      %sub3A_514 = arith.subf %add3A_513, %abs3A_496 : vector<16xf32>
      %add3A_515 = vector.broadcast %scan3A_40 : f32 to vector<16xf32>
      %add3A_516 = arith.addf %sub3A_514, %add3A_515 : vector<16xf32>
      %max3A_517 = arith.constant 0.000000e+00 : f32
      %max3A_518 = vector.broadcast %max3A_517 : f32 to vector<16xf32>
      %max3A_519 = arith.maximumf %add3A_516, %max3A_518 : vector<16xf32>
      %sub3A_520 = arith.subf %max3A_499, %min3A_502 : vector<16xf32>
      %max3A_521 = arith.constant 0.000000e+00 : f32
      %max3A_522 = vector.broadcast %max3A_521 : f32 to vector<16xf32>
      %max3A_523 = arith.maximumf %sub3A_520, %max3A_522 : vector<16xf32>
      %add3A_524 = arith.constant 32 : i32
      %add3A_525 = arith.addi %add3A_524, %scan3A_395 : i32
      %get3A_526 = arith.index_cast %add3A_525 : i32 to index
      %get3A_527 = arith.constant 32 : index
      %get3A_528 = tpu.vector_load %arg9[%get3A_526, %get3A_527] {strides = array<i32>} : memref<224x256xf32, #tpu.memory_space<vmem>>, vector<1x16xf32>,
      %get3A_529 = vector.shape_cast %get3A_528 : vector<1x16xf32> to vector<16xf32>
      %add3A_530 = arith.constant 32 : i32
      %add3A_531 = arith.addi %add3A_530, %scan3A_395 : i32
      %get3A_532 = arith.index_cast %add3A_531 : i32 to index
      %get3A_533 = arith.constant 160 : index
      %get3A_534 = tpu.vector_load %arg9[%get3A_532, %get3A_533] {strides = array<i32>} : memref<224x256xf32, #tpu.memory_space<vmem>>, vector<1x16xf32>,
      %get3A_535 = vector.shape_cast %get3A_534 : vector<1x16xf32> to vector<16xf32>
      %abs3A_536 = math.absf %get3A_535 : vector<16xf32>
      %add3A_537 = arith.constant 48 : i32
      %add3A_538 = arith.addi %add3A_537, %scan3A_395 : i32
      %get3A_539 = arith.index_cast %add3A_538 : i32 to index
      %get3A_540 = arith.constant 32 : index
      %get3A_541 = tpu.vector_load %arg9[%get3A_539, %get3A_540] {strides = array<i32>} : memref<224x256xf32, #tpu.memory_space<vmem>>, vector<1x16xf32>,
      %get3A_542 = vector.shape_cast %get3A_541 : vector<1x16xf32> to vector<16xf32>
      %add3A_543 = arith.constant 48 : i32
      %add3A_544 = arith.addi %add3A_543, %scan3A_395 : i32
      %get3A_545 = arith.index_cast %add3A_544 : i32 to index
      %get3A_546 = arith.constant 160 : index
      %get3A_547 = tpu.vector_load %arg9[%get3A_545, %get3A_546] {strides = array<i32>} : memref<224x256xf32, #tpu.memory_space<vmem>>, vector<1x16xf32>,
      %get3A_548 = vector.shape_cast %get3A_547 : vector<1x16xf32> to vector<16xf32>
      %abs3A_549 = math.absf %get3A_548 : vector<16xf32>
      %add3A_550 = arith.constant 64 : i32
      %add3A_551 = arith.addi %add3A_550, %scan3A_395 : i32
      %get3A_552 = arith.index_cast %add3A_551 : i32 to index
      %get3A_553 = arith.constant 32 : index
      %get3A_554 = tpu.vector_load %arg9[%get3A_552, %get3A_553] {strides = array<i32>} : memref<224x256xf32, #tpu.memory_space<vmem>>, vector<1x16xf32>,
      %get3A_555 = vector.shape_cast %get3A_554 : vector<1x16xf32> to vector<16xf32>
      %add3A_556 = arith.constant 64 : i32
      %add3A_557 = arith.addi %add3A_556, %scan3A_395 : i32
      %get3A_558 = arith.index_cast %add3A_557 : i32 to index
      %get3A_559 = arith.constant 160 : index
      %get3A_560 = tpu.vector_load %arg9[%get3A_558, %get3A_559] {strides = array<i32>} : memref<224x256xf32, #tpu.memory_space<vmem>>, vector<1x16xf32>,
      %get3A_561 = vector.shape_cast %get3A_560 : vector<1x16xf32> to vector<16xf32>
      %abs3A_562 = math.absf %get3A_561 : vector<16xf32>
      %sub3A_563 = arith.subf %get3A_529, %abs3A_536 : vector<16xf32>
      %sub3A_564 = arith.subf %get3A_542, %abs3A_549 : vector<16xf32>
      %max3A_565 = arith.maximumf %sub3A_563, %sub3A_564 : vector<16xf32>
      %add3A_566 = arith.addf %get3A_529, %abs3A_536 : vector<16xf32>
      %add3A_567 = arith.addf %get3A_542, %abs3A_549 : vector<16xf32>
      %min3A_568 = arith.minimumf %add3A_566, %add3A_567 : vector<16xf32>
      %sub3A_569 = arith.subf %min3A_568, %max3A_565 : vector<16xf32>
      %mul3A_570 = arith.constant 5.000000e-01 : f32
      %mul3A_571 = vector.broadcast %mul3A_570 : f32 to vector<16xf32>
      %mul3A_572 = arith.mulf %sub3A_569, %mul3A_571 : vector<16xf32>
      %add3A_573 = arith.addf %max3A_565, %min3A_568 : vector<16xf32>
      %mul3A_574 = arith.constant 5.000000e-01 : f32
      %mul3A_575 = vector.broadcast %mul3A_574 : f32 to vector<16xf32>
      %mul3A_576 = arith.mulf %add3A_573, %mul3A_575 : vector<16xf32>
      %sub3A_577 = arith.subf %mul3A_576, %get3A_555 : vector<16xf32>
      %abs3A_578 = math.absf %sub3A_577 : vector<16xf32>
      %add3A_579 = arith.addf %abs3A_578, %mul3A_572 : vector<16xf32>
      %sub3A_580 = arith.subf %add3A_579, %abs3A_562 : vector<16xf32>
      %add3A_581 = vector.broadcast %scan3A_40 : f32 to vector<16xf32>
      %add3A_582 = arith.addf %sub3A_580, %add3A_581 : vector<16xf32>
      %max3A_583 = arith.constant 0.000000e+00 : f32
      %max3A_584 = vector.broadcast %max3A_583 : f32 to vector<16xf32>
      %max3A_585 = arith.maximumf %add3A_582, %max3A_584 : vector<16xf32>
      %sub3A_586 = arith.subf %max3A_565, %min3A_568 : vector<16xf32>
      %max3A_587 = arith.constant 0.000000e+00 : f32
      %max3A_588 = vector.broadcast %max3A_587 : f32 to vector<16xf32>
      %max3A_589 = arith.maximumf %sub3A_586, %max3A_588 : vector<16xf32>
      %add3A_590 = arith.constant 32 : i32
      %add3A_591 = arith.addi %add3A_590, %scan3A_395 : i32
      %get3A_592 = arith.index_cast %add3A_591 : i32 to index
      %get3A_593 = arith.constant 48 : index
      %get3A_594 = tpu.vector_load %arg9[%get3A_592, %get3A_593] {strides = array<i32>} : memref<224x256xf32, #tpu.memory_space<vmem>>, vector<1x16xf32>,
      %get3A_595 = vector.shape_cast %get3A_594 : vector<1x16xf32> to vector<16xf32>
      %add3A_596 = arith.constant 32 : i32
      %add3A_597 = arith.addi %add3A_596, %scan3A_395 : i32
      %get3A_598 = arith.index_cast %add3A_597 : i32 to index
      %get3A_599 = arith.constant 176 : index
      %get3A_600 = tpu.vector_load %arg9[%get3A_598, %get3A_599] {strides = array<i32>} : memref<224x256xf32, #tpu.memory_space<vmem>>, vector<1x16xf32>,
      %get3A_601 = vector.shape_cast %get3A_600 : vector<1x16xf32> to vector<16xf32>
      %abs3A_602 = math.absf %get3A_601 : vector<16xf32>
      %add3A_603 = arith.constant 48 : i32
      %add3A_604 = arith.addi %add3A_603, %scan3A_395 : i32
      %get3A_605 = arith.index_cast %add3A_604 : i32 to index
      %get3A_606 = arith.constant 48 : index
      %get3A_607 = tpu.vector_load %arg9[%get3A_605, %get3A_606] {strides = array<i32>} : memref<224x256xf32, #tpu.memory_space<vmem>>, vector<1x16xf32>,
      %get3A_608 = vector.shape_cast %get3A_607 : vector<1x16xf32> to vector<16xf32>
      %add3A_609 = arith.constant 48 : i32
      %add3A_610 = arith.addi %add3A_609, %scan3A_395 : i32
      %get3A_611 = arith.index_cast %add3A_610 : i32 to index
      %get3A_612 = arith.constant 176 : index
      %get3A_613 = tpu.vector_load %arg9[%get3A_611, %get3A_612] {strides = array<i32>} : memref<224x256xf32, #tpu.memory_space<vmem>>, vector<1x16xf32>,
      %get3A_614 = vector.shape_cast %get3A_613 : vector<1x16xf32> to vector<16xf32>
      %abs3A_615 = math.absf %get3A_614 : vector<16xf32>
      %add3A_616 = arith.constant 64 : i32
      %add3A_617 = arith.addi %add3A_616, %scan3A_395 : i32
      %get3A_618 = arith.index_cast %add3A_617 : i32 to index
      %get3A_619 = arith.constant 48 : index
      %get3A_620 = tpu.vector_load %arg9[%get3A_618, %get3A_619] {strides = array<i32>} : memref<224x256xf32, #tpu.memory_space<vmem>>, vector<1x16xf32>,
      %get3A_621 = vector.shape_cast %get3A_620 : vector<1x16xf32> to vector<16xf32>
      %add3A_622 = arith.constant 64 : i32
      %add3A_623 = arith.addi %add3A_622, %scan3A_395 : i32
      %get3A_624 = arith.index_cast %add3A_623 : i32 to index
      %get3A_625 = arith.constant 176 : index
      %get3A_626 = tpu.vector_load %arg9[%get3A_624, %get3A_625] {strides = array<i32>} : memref<224x256xf32, #tpu.memory_space<vmem>>, vector<1x16xf32>,
      %get3A_627 = vector.shape_cast %get3A_626 : vector<1x16xf32> to vector<16xf32>
      %abs3A_628 = math.absf %get3A_627 : vector<16xf32>
      %sub3A_629 = arith.subf %get3A_595, %abs3A_602 : vector<16xf32>
      %sub3A_630 = arith.subf %get3A_608, %abs3A_615 : vector<16xf32>
      %max3A_631 = arith.maximumf %sub3A_629, %sub3A_630 : vector<16xf32>
      %add3A_632 = arith.addf %get3A_595, %abs3A_602 : vector<16xf32>
      %add3A_633 = arith.addf %get3A_608, %abs3A_615 : vector<16xf32>
      %min3A_634 = arith.minimumf %add3A_632, %add3A_633 : vector<16xf32>
      %sub3A_635 = arith.subf %min3A_634, %max3A_631 : vector<16xf32>
      %mul3A_636 = arith.constant 5.000000e-01 : f32
      %mul3A_637 = vector.broadcast %mul3A_636 : f32 to vector<16xf32>
      %mul3A_638 = arith.mulf %sub3A_635, %mul3A_637 : vector<16xf32>
      %add3A_639 = arith.addf %max3A_631, %min3A_634 : vector<16xf32>
      %mul3A_640 = arith.constant 5.000000e-01 : f32
      %mul3A_641 = vector.broadcast %mul3A_640 : f32 to vector<16xf32>
      %mul3A_642 = arith.mulf %add3A_639, %mul3A_641 : vector<16xf32>
      %sub3A_643 = arith.subf %mul3A_642, %get3A_621 : vector<16xf32>
      %abs3A_644 = math.absf %sub3A_643 : vector<16xf32>
      %add3A_645 = arith.addf %abs3A_644, %mul3A_638 : vector<16xf32>
      %sub3A_646 = arith.subf %add3A_645, %abs3A_628 : vector<16xf32>
      %add3A_647 = vector.broadcast %scan3A_40 : f32 to vector<16xf32>
      %add3A_648 = arith.addf %sub3A_646, %add3A_647 : vector<16xf32>
      %max3A_649 = arith.constant 0.000000e+00 : f32
      %max3A_650 = vector.broadcast %max3A_649 : f32 to vector<16xf32>
      %max3A_651 = arith.maximumf %add3A_648, %max3A_650 : vector<16xf32>
      %sub3A_652 = arith.subf %max3A_631, %min3A_634 : vector<16xf32>
      %max3A_653 = arith.constant 0.000000e+00 : f32
      %max3A_654 = vector.broadcast %max3A_653 : f32 to vector<16xf32>
      %max3A_655 = arith.maximumf %sub3A_652, %max3A_654 : vector<16xf32>
      %add3A_656 = arith.constant 32 : i32
      %add3A_657 = arith.addi %add3A_656, %scan3A_395 : i32
      %get3A_658 = arith.index_cast %add3A_657 : i32 to index
      %get3A_659 = arith.constant 64 : index
      %get3A_660 = tpu.vector_load %arg9[%get3A_658, %get3A_659] {strides = array<i32>} : memref<224x256xf32, #tpu.memory_space<vmem>>, vector<1x16xf32>,
      %get3A_661 = vector.shape_cast %get3A_660 : vector<1x16xf32> to vector<16xf32>
      %add3A_662 = arith.constant 32 : i32
      %add3A_663 = arith.addi %add3A_662, %scan3A_395 : i32
      %get3A_664 = arith.index_cast %add3A_663 : i32 to index
      %get3A_665 = arith.constant 192 : index
      %get3A_666 = tpu.vector_load %arg9[%get3A_664, %get3A_665] {strides = array<i32>} : memref<224x256xf32, #tpu.memory_space<vmem>>, vector<1x16xf32>,
      %get3A_667 = vector.shape_cast %get3A_666 : vector<1x16xf32> to vector<16xf32>
      %abs3A_668 = math.absf %get3A_667 : vector<16xf32>
      %add3A_669 = arith.constant 48 : i32
      %add3A_670 = arith.addi %add3A_669, %scan3A_395 : i32
      %get3A_671 = arith.index_cast %add3A_670 : i32 to index
      %get3A_672 = arith.constant 64 : index
      %get3A_673 = tpu.vector_load %arg9[%get3A_671, %get3A_672] {strides = array<i32>} : memref<224x256xf32, #tpu.memory_space<vmem>>, vector<1x16xf32>,
      %get3A_674 = vector.shape_cast %get3A_673 : vector<1x16xf32> to vector<16xf32>
      %add3A_675 = arith.constant 48 : i32
      %add3A_676 = arith.addi %add3A_675, %scan3A_395 : i32
      %get3A_677 = arith.index_cast %add3A_676 : i32 to index
      %get3A_678 = arith.constant 192 : index
      %get3A_679 = tpu.vector_load %arg9[%get3A_677, %get3A_678] {strides = array<i32>} : memref<224x256xf32, #tpu.memory_space<vmem>>, vector<1x16xf32>,
      %get3A_680 = vector.shape_cast %get3A_679 : vector<1x16xf32> to vector<16xf32>
      %abs3A_681 = math.absf %get3A_680 : vector<16xf32>
      %add3A_682 = arith.constant 64 : i32
      %add3A_683 = arith.addi %add3A_682, %scan3A_395 : i32
      %get3A_684 = arith.index_cast %add3A_683 : i32 to index
      %get3A_685 = arith.constant 64 : index
      %get3A_686 = tpu.vector_load %arg9[%get3A_684, %get3A_685] {strides = array<i32>} : memref<224x256xf32, #tpu.memory_space<vmem>>, vector<1x16xf32>,
      %get3A_687 = vector.shape_cast %get3A_686 : vector<1x16xf32> to vector<16xf32>
      %add3A_688 = arith.constant 64 : i32
      %add3A_689 = arith.addi %add3A_688, %scan3A_395 : i32
      %get3A_690 = arith.index_cast %add3A_689 : i32 to index
      %get3A_691 = arith.constant 192 : index
      %get3A_692 = tpu.vector_load %arg9[%get3A_690, %get3A_691] {strides = array<i32>} : memref<224x256xf32, #tpu.memory_space<vmem>>, vector<1x16xf32>,
      %get3A_693 = vector.shape_cast %get3A_692 : vector<1x16xf32> to vector<16xf32>
      %abs3A_694 = math.absf %get3A_693 : vector<16xf32>
      %sub3A_695 = arith.subf %get3A_661, %abs3A_668 : vector<16xf32>
      %sub3A_696 = arith.subf %get3A_674, %abs3A_681 : vector<16xf32>
      %max3A_697 = arith.maximumf %sub3A_695, %sub3A_696 : vector<16xf32>
      %add3A_698 = arith.addf %get3A_661, %abs3A_668 : vector<16xf32>
      %add3A_699 = arith.addf %get3A_674, %abs3A_681 : vector<16xf32>
      %min3A_700 = arith.minimumf %add3A_698, %add3A_699 : vector<16xf32>
      %sub3A_701 = arith.subf %min3A_700, %max3A_697 : vector<16xf32>
      %mul3A_702 = arith.constant 5.000000e-01 : f32
      %mul3A_703 = vector.broadcast %mul3A_702 : f32 to vector<16xf32>
      %mul3A_704 = arith.mulf %sub3A_701, %mul3A_703 : vector<16xf32>
      %add3A_705 = arith.addf %max3A_697, %min3A_700 : vector<16xf32>
      %mul3A_706 = arith.constant 5.000000e-01 : f32
      %mul3A_707 = vector.broadcast %mul3A_706 : f32 to vector<16xf32>
      %mul3A_708 = arith.mulf %add3A_705, %mul3A_707 : vector<16xf32>
      %sub3A_709 = arith.subf %mul3A_708, %get3A_687 : vector<16xf32>
      %abs3A_710 = math.absf %sub3A_709 : vector<16xf32>
      %add3A_711 = arith.addf %abs3A_710, %mul3A_704 : vector<16xf32>
      %sub3A_712 = arith.subf %add3A_711, %abs3A_694 : vector<16xf32>
      %add3A_713 = vector.broadcast %scan3A_40 : f32 to vector<16xf32>
      %add3A_714 = arith.addf %sub3A_712, %add3A_713 : vector<16xf32>
      %max3A_715 = arith.constant 0.000000e+00 : f32
      %max3A_716 = vector.broadcast %max3A_715 : f32 to vector<16xf32>
      %max3A_717 = arith.maximumf %add3A_714, %max3A_716 : vector<16xf32>
      %sub3A_718 = arith.subf %max3A_697, %min3A_700 : vector<16xf32>
      %max3A_719 = arith.constant 0.000000e+00 : f32
      %max3A_720 = vector.broadcast %max3A_719 : f32 to vector<16xf32>
      %max3A_721 = arith.maximumf %sub3A_718, %max3A_720 : vector<16xf32>
      %add3A_722 = arith.constant 32 : i32
      %add3A_723 = arith.addi %add3A_722, %scan3A_395 : i32
      %get3A_724 = arith.index_cast %add3A_723 : i32 to index
      %get3A_725 = arith.constant 80 : index
      %get3A_726 = tpu.vector_load %arg9[%get3A_724, %get3A_725] {strides = array<i32>} : memref<224x256xf32, #tpu.memory_space<vmem>>, vector<1x16xf32>,
      %get3A_727 = vector.shape_cast %get3A_726 : vector<1x16xf32> to vector<16xf32>
      %add3A_728 = arith.constant 32 : i32
      %add3A_729 = arith.addi %add3A_728, %scan3A_395 : i32
      %get3A_730 = arith.index_cast %add3A_729 : i32 to index
      %get3A_731 = arith.constant 208 : index
      %get3A_732 = tpu.vector_load %arg9[%get3A_730, %get3A_731] {strides = array<i32>} : memref<224x256xf32, #tpu.memory_space<vmem>>, vector<1x16xf32>,
      %get3A_733 = vector.shape_cast %get3A_732 : vector<1x16xf32> to vector<16xf32>
      %abs3A_734 = math.absf %get3A_733 : vector<16xf32>
      %add3A_735 = arith.constant 48 : i32
      %add3A_736 = arith.addi %add3A_735, %scan3A_395 : i32
      %get3A_737 = arith.index_cast %add3A_736 : i32 to index
      %get3A_738 = arith.constant 80 : index
      %get3A_739 = tpu.vector_load %arg9[%get3A_737, %get3A_738] {strides = array<i32>} : memref<224x256xf32, #tpu.memory_space<vmem>>, vector<1x16xf32>,
      %get3A_740 = vector.shape_cast %get3A_739 : vector<1x16xf32> to vector<16xf32>
      %add3A_741 = arith.constant 48 : i32
      %add3A_742 = arith.addi %add3A_741, %scan3A_395 : i32
      %get3A_743 = arith.index_cast %add3A_742 : i32 to index
      %get3A_744 = arith.constant 208 : index
      %get3A_745 = tpu.vector_load %arg9[%get3A_743, %get3A_744] {strides = array<i32>} : memref<224x256xf32, #tpu.memory_space<vmem>>, vector<1x16xf32>,
      %get3A_746 = vector.shape_cast %get3A_745 : vector<1x16xf32> to vector<16xf32>
      %abs3A_747 = math.absf %get3A_746 : vector<16xf32>
      %add3A_748 = arith.constant 64 : i32
      %add3A_749 = arith.addi %add3A_748, %scan3A_395 : i32
      %get3A_750 = arith.index_cast %add3A_749 : i32 to index
      %get3A_751 = arith.constant 80 : index
      %get3A_752 = tpu.vector_load %arg9[%get3A_750, %get3A_751] {strides = array<i32>} : memref<224x256xf32, #tpu.memory_space<vmem>>, vector<1x16xf32>,
      %get3A_753 = vector.shape_cast %get3A_752 : vector<1x16xf32> to vector<16xf32>
      %add3A_754 = arith.constant 64 : i32
      %add3A_755 = arith.addi %add3A_754, %scan3A_395 : i32
      %get3A_756 = arith.index_cast %add3A_755 : i32 to index
      %get3A_757 = arith.constant 208 : index
      %get3A_758 = tpu.vector_load %arg9[%get3A_756, %get3A_757] {strides = array<i32>} : memref<224x256xf32, #tpu.memory_space<vmem>>, vector<1x16xf32>,
      %get3A_759 = vector.shape_cast %get3A_758 : vector<1x16xf32> to vector<16xf32>
      %abs3A_760 = math.absf %get3A_759 : vector<16xf32>
      %sub3A_761 = arith.subf %get3A_727, %abs3A_734 : vector<16xf32>
      %sub3A_762 = arith.subf %get3A_740, %abs3A_747 : vector<16xf32>
      %max3A_763 = arith.maximumf %sub3A_761, %sub3A_762 : vector<16xf32>
      %add3A_764 = arith.addf %get3A_727, %abs3A_734 : vector<16xf32>
      %add3A_765 = arith.addf %get3A_740, %abs3A_747 : vector<16xf32>
      %min3A_766 = arith.minimumf %add3A_764, %add3A_765 : vector<16xf32>
      %sub3A_767 = arith.subf %min3A_766, %max3A_763 : vector<16xf32>
      %mul3A_768 = arith.constant 5.000000e-01 : f32
      %mul3A_769 = vector.broadcast %mul3A_768 : f32 to vector<16xf32>
      %mul3A_770 = arith.mulf %sub3A_767, %mul3A_769 : vector<16xf32>
      %add3A_771 = arith.addf %max3A_763, %min3A_766 : vector<16xf32>
      %mul3A_772 = arith.constant 5.000000e-01 : f32
      %mul3A_773 = vector.broadcast %mul3A_772 : f32 to vector<16xf32>
      %mul3A_774 = arith.mulf %add3A_771, %mul3A_773 : vector<16xf32>
      %sub3A_775 = arith.subf %mul3A_774, %get3A_753 : vector<16xf32>
      %abs3A_776 = math.absf %sub3A_775 : vector<16xf32>
      %add3A_777 = arith.addf %abs3A_776, %mul3A_770 : vector<16xf32>
      %sub3A_778 = arith.subf %add3A_777, %abs3A_760 : vector<16xf32>
      %add3A_779 = vector.broadcast %scan3A_40 : f32 to vector<16xf32>
      %add3A_780 = arith.addf %sub3A_778, %add3A_779 : vector<16xf32>
      %max3A_781 = arith.constant 0.000000e+00 : f32
      %max3A_782 = vector.broadcast %max3A_781 : f32 to vector<16xf32>
      %max3A_783 = arith.maximumf %add3A_780, %max3A_782 : vector<16xf32>
      %sub3A_784 = arith.subf %max3A_763, %min3A_766 : vector<16xf32>
      %max3A_785 = arith.constant 0.000000e+00 : f32
      %max3A_786 = vector.broadcast %max3A_785 : f32 to vector<16xf32>
      %max3A_787 = arith.maximumf %sub3A_784, %max3A_786 : vector<16xf32>
      %add3A_788 = arith.constant 32 : i32
      %add3A_789 = arith.addi %add3A_788, %scan3A_395 : i32
      %get3A_790 = arith.index_cast %add3A_789 : i32 to index
      %get3A_791 = arith.constant 96 : index
      %get3A_792 = tpu.vector_load %arg9[%get3A_790, %get3A_791] {strides = array<i32>} : memref<224x256xf32, #tpu.memory_space<vmem>>, vector<1x16xf32>,
      %get3A_793 = vector.shape_cast %get3A_792 : vector<1x16xf32> to vector<16xf32>
      %add3A_794 = arith.constant 32 : i32
      %add3A_795 = arith.addi %add3A_794, %scan3A_395 : i32
      %get3A_796 = arith.index_cast %add3A_795 : i32 to index
      %get3A_797 = arith.constant 224 : index
      %get3A_798 = tpu.vector_load %arg9[%get3A_796, %get3A_797] {strides = array<i32>} : memref<224x256xf32, #tpu.memory_space<vmem>>, vector<1x16xf32>,
      %get3A_799 = vector.shape_cast %get3A_798 : vector<1x16xf32> to vector<16xf32>
      %abs3A_800 = math.absf %get3A_799 : vector<16xf32>
      %add3A_801 = arith.constant 48 : i32
      %add3A_802 = arith.addi %add3A_801, %scan3A_395 : i32
      %get3A_803 = arith.index_cast %add3A_802 : i32 to index
      %get3A_804 = arith.constant 96 : index
      %get3A_805 = tpu.vector_load %arg9[%get3A_803, %get3A_804] {strides = array<i32>} : memref<224x256xf32, #tpu.memory_space<vmem>>, vector<1x16xf32>,
      %get3A_806 = vector.shape_cast %get3A_805 : vector<1x16xf32> to vector<16xf32>
      %add3A_807 = arith.constant 48 : i32
      %add3A_808 = arith.addi %add3A_807, %scan3A_395 : i32
      %get3A_809 = arith.index_cast %add3A_808 : i32 to index
      %get3A_810 = arith.constant 224 : index
      %get3A_811 = tpu.vector_load %arg9[%get3A_809, %get3A_810] {strides = array<i32>} : memref<224x256xf32, #tpu.memory_space<vmem>>, vector<1x16xf32>,
      %get3A_812 = vector.shape_cast %get3A_811 : vector<1x16xf32> to vector<16xf32>
      %abs3A_813 = math.absf %get3A_812 : vector<16xf32>
      %add3A_814 = arith.constant 64 : i32
      %add3A_815 = arith.addi %add3A_814, %scan3A_395 : i32
      %get3A_816 = arith.index_cast %add3A_815 : i32 to index
      %get3A_817 = arith.constant 96 : index
      %get3A_818 = tpu.vector_load %arg9[%get3A_816, %get3A_817] {strides = array<i32>} : memref<224x256xf32, #tpu.memory_space<vmem>>, vector<1x16xf32>,
      %get3A_819 = vector.shape_cast %get3A_818 : vector<1x16xf32> to vector<16xf32>
      %add3A_820 = arith.constant 64 : i32
      %add3A_821 = arith.addi %add3A_820, %scan3A_395 : i32
      %get3A_822 = arith.index_cast %add3A_821 : i32 to index
      %get3A_823 = arith.constant 224 : index
      %get3A_824 = tpu.vector_load %arg9[%get3A_822, %get3A_823] {strides = array<i32>} : memref<224x256xf32, #tpu.memory_space<vmem>>, vector<1x16xf32>,
      %get3A_825 = vector.shape_cast %get3A_824 : vector<1x16xf32> to vector<16xf32>
      %abs3A_826 = math.absf %get3A_825 : vector<16xf32>
      %sub3A_827 = arith.subf %get3A_793, %abs3A_800 : vector<16xf32>
      %sub3A_828 = arith.subf %get3A_806, %abs3A_813 : vector<16xf32>
      %max3A_829 = arith.maximumf %sub3A_827, %sub3A_828 : vector<16xf32>
      %add3A_830 = arith.addf %get3A_793, %abs3A_800 : vector<16xf32>
      %add3A_831 = arith.addf %get3A_806, %abs3A_813 : vector<16xf32>
      %min3A_832 = arith.minimumf %add3A_830, %add3A_831 : vector<16xf32>
      %sub3A_833 = arith.subf %min3A_832, %max3A_829 : vector<16xf32>
      %mul3A_834 = arith.constant 5.000000e-01 : f32
      %mul3A_835 = vector.broadcast %mul3A_834 : f32 to vector<16xf32>
      %mul3A_836 = arith.mulf %sub3A_833, %mul3A_835 : vector<16xf32>
      %add3A_837 = arith.addf %max3A_829, %min3A_832 : vector<16xf32>
      %mul3A_838 = arith.constant 5.000000e-01 : f32
      %mul3A_839 = vector.broadcast %mul3A_838 : f32 to vector<16xf32>
      %mul3A_840 = arith.mulf %add3A_837, %mul3A_839 : vector<16xf32>
      %sub3A_841 = arith.subf %mul3A_840, %get3A_819 : vector<16xf32>
      %abs3A_842 = math.absf %sub3A_841 : vector<16xf32>
      %add3A_843 = arith.addf %abs3A_842, %mul3A_836 : vector<16xf32>
      %sub3A_844 = arith.subf %add3A_843, %abs3A_826 : vector<16xf32>
      %add3A_845 = vector.broadcast %scan3A_40 : f32 to vector<16xf32>
      %add3A_846 = arith.addf %sub3A_844, %add3A_845 : vector<16xf32>
      %max3A_847 = arith.constant 0.000000e+00 : f32
      %max3A_848 = vector.broadcast %max3A_847 : f32 to vector<16xf32>
      %max3A_849 = arith.maximumf %add3A_846, %max3A_848 : vector<16xf32>
      %sub3A_850 = arith.subf %max3A_829, %min3A_832 : vector<16xf32>
      %max3A_851 = arith.constant 0.000000e+00 : f32
      %max3A_852 = vector.broadcast %max3A_851 : f32 to vector<16xf32>
      %max3A_853 = arith.maximumf %sub3A_850, %max3A_852 : vector<16xf32>
      %add3A_854 = arith.constant 32 : i32
      %add3A_855 = arith.addi %add3A_854, %scan3A_395 : i32
      %get3A_856 = arith.index_cast %add3A_855 : i32 to index
      %get3A_857 = arith.constant 112 : index
      %get3A_858 = tpu.vector_load %arg9[%get3A_856, %get3A_857] {strides = array<i32>} : memref<224x256xf32, #tpu.memory_space<vmem>>, vector<1x16xf32>,
      %get3A_859 = vector.shape_cast %get3A_858 : vector<1x16xf32> to vector<16xf32>
      %add3A_860 = arith.constant 32 : i32
      %add3A_861 = arith.addi %add3A_860, %scan3A_395 : i32
      %get3A_862 = arith.index_cast %add3A_861 : i32 to index
      %get3A_863 = arith.constant 240 : index
      %get3A_864 = tpu.vector_load %arg9[%get3A_862, %get3A_863] {strides = array<i32>} : memref<224x256xf32, #tpu.memory_space<vmem>>, vector<1x16xf32>,
      %get3A_865 = vector.shape_cast %get3A_864 : vector<1x16xf32> to vector<16xf32>
      %abs3A_866 = math.absf %get3A_865 : vector<16xf32>
      %add3A_867 = arith.constant 48 : i32
      %add3A_868 = arith.addi %add3A_867, %scan3A_395 : i32
      %get3A_869 = arith.index_cast %add3A_868 : i32 to index
      %get3A_870 = arith.constant 112 : index
      %get3A_871 = tpu.vector_load %arg9[%get3A_869, %get3A_870] {strides = array<i32>} : memref<224x256xf32, #tpu.memory_space<vmem>>, vector<1x16xf32>,
      %get3A_872 = vector.shape_cast %get3A_871 : vector<1x16xf32> to vector<16xf32>
      %add3A_873 = arith.constant 48 : i32
      %add3A_874 = arith.addi %add3A_873, %scan3A_395 : i32
      %get3A_875 = arith.index_cast %add3A_874 : i32 to index
      %get3A_876 = arith.constant 240 : index
      %get3A_877 = tpu.vector_load %arg9[%get3A_875, %get3A_876] {strides = array<i32>} : memref<224x256xf32, #tpu.memory_space<vmem>>, vector<1x16xf32>,
      %get3A_878 = vector.shape_cast %get3A_877 : vector<1x16xf32> to vector<16xf32>
      %abs3A_879 = math.absf %get3A_878 : vector<16xf32>
      %add3A_880 = arith.constant 64 : i32
      %add3A_881 = arith.addi %add3A_880, %scan3A_395 : i32
      %get3A_882 = arith.index_cast %add3A_881 : i32 to index
      %get3A_883 = arith.constant 112 : index
      %get3A_884 = tpu.vector_load %arg9[%get3A_882, %get3A_883] {strides = array<i32>} : memref<224x256xf32, #tpu.memory_space<vmem>>, vector<1x16xf32>,
      %get3A_885 = vector.shape_cast %get3A_884 : vector<1x16xf32> to vector<16xf32>
      %add3A_886 = arith.constant 64 : i32
      %add3A_887 = arith.addi %add3A_886, %scan3A_395 : i32
      %get3A_888 = arith.index_cast %add3A_887 : i32 to index
      %get3A_889 = arith.constant 240 : index
      %get3A_890 = tpu.vector_load %arg9[%get3A_888, %get3A_889] {strides = array<i32>} : memref<224x256xf32, #tpu.memory_space<vmem>>, vector<1x16xf32>,
      %get3A_891 = vector.shape_cast %get3A_890 : vector<1x16xf32> to vector<16xf32>
      %abs3A_892 = math.absf %get3A_891 : vector<16xf32>
      %sub3A_893 = arith.subf %get3A_859, %abs3A_866 : vector<16xf32>
      %sub3A_894 = arith.subf %get3A_872, %abs3A_879 : vector<16xf32>
      %max3A_895 = arith.maximumf %sub3A_893, %sub3A_894 : vector<16xf32>
      %add3A_896 = arith.addf %get3A_859, %abs3A_866 : vector<16xf32>
      %add3A_897 = arith.addf %get3A_872, %abs3A_879 : vector<16xf32>
      %min3A_898 = arith.minimumf %add3A_896, %add3A_897 : vector<16xf32>
      %sub3A_899 = arith.subf %min3A_898, %max3A_895 : vector<16xf32>
      %mul3A_900 = arith.constant 5.000000e-01 : f32
      %mul3A_901 = vector.broadcast %mul3A_900 : f32 to vector<16xf32>
      %mul3A_902 = arith.mulf %sub3A_899, %mul3A_901 : vector<16xf32>
      %add3A_903 = arith.addf %max3A_895, %min3A_898 : vector<16xf32>
      %mul3A_904 = arith.constant 5.000000e-01 : f32
      %mul3A_905 = vector.broadcast %mul3A_904 : f32 to vector<16xf32>
      %mul3A_906 = arith.mulf %add3A_903, %mul3A_905 : vector<16xf32>
      %sub3A_907 = arith.subf %mul3A_906, %get3A_885 : vector<16xf32>
      %abs3A_908 = math.absf %sub3A_907 : vector<16xf32>
      %add3A_909 = arith.addf %abs3A_908, %mul3A_902 : vector<16xf32>
      %sub3A_910 = arith.subf %add3A_909, %abs3A_892 : vector<16xf32>
      %add3A_911 = vector.broadcast %scan3A_40 : f32 to vector<16xf32>
      %add3A_912 = arith.addf %sub3A_910, %add3A_911 : vector<16xf32>
      %max3A_913 = arith.constant 0.000000e+00 : f32
      %max3A_914 = vector.broadcast %max3A_913 : f32 to vector<16xf32>
      %max3A_915 = arith.maximumf %add3A_912, %max3A_914 : vector<16xf32>
      %sub3A_916 = arith.subf %max3A_895, %min3A_898 : vector<16xf32>
      %max3A_917 = arith.constant 0.000000e+00 : f32
      %max3A_918 = vector.broadcast %max3A_917 : f32 to vector<16xf32>
      %max3A_919 = arith.maximumf %sub3A_916, %max3A_918 : vector<16xf32>
      %add3A_920 = arith.constant 144 : i32
      %add3A_921 = arith.addi %add3A_920, %scan3A_395 : i32
      %mul3A_922 = arith.mulf %max3A_453, %max3A_453 : vector<16xf32>
      %mul3A_923 = arith.mulf %max3A_519, %max3A_519 : vector<16xf32>
      %add3A_924 = arith.addf %mul3A_922, %mul3A_923 : vector<16xf32>
      %mul3A_925 = arith.mulf %max3A_585, %max3A_585 : vector<16xf32>
      %add3A_926 = arith.addf %add3A_924, %mul3A_925 : vector<16xf32>
      %mul3A_927 = arith.mulf %max3A_651, %max3A_651 : vector<16xf32>
      %add3A_928 = arith.addf %add3A_926, %mul3A_927 : vector<16xf32>
      %mul3A_929 = arith.mulf %max3A_717, %max3A_717 : vector<16xf32>
      %add3A_930 = arith.addf %add3A_928, %mul3A_929 : vector<16xf32>
      %mul3A_931 = arith.mulf %max3A_783, %max3A_783 : vector<16xf32>
      %add3A_932 = arith.addf %add3A_930, %mul3A_931 : vector<16xf32>
      %mul3A_933 = arith.mulf %max3A_849, %max3A_849 : vector<16xf32>
      %add3A_934 = arith.addf %add3A_932, %mul3A_933 : vector<16xf32>
      %mul3A_935 = arith.mulf %max3A_915, %max3A_915 : vector<16xf32>
      %add3A_936 = arith.addf %add3A_934, %mul3A_935 : vector<16xf32>
      %jit3A = arith.constant 8 : i32
      %div3A = arith.divsi %add3A_921, %jit3A : i32
      %sign3A = arith.constant 0 : i32
      %sign3A_937 = arith.cmpi sgt, %add3A_921, %sign3A : i32
      %sign3A_938 = arith.extui %sign3A_937 : i1 to i32
      %sign3A_939 = arith.constant 0 : i32
      %sign3A_940 = arith.cmpi slt, %add3A_921, %sign3A_939 : i32
      %sign3A_941 = arith.extui %sign3A_940 : i1 to i32
      %sign3A_942 = arith.subi %sign3A_938, %sign3A_941 : i32
      %sign3A_943 = arith.constant 0 : i32
      %sign3A_944 = arith.cmpi sgt, %jit3A, %sign3A_943 : i32
      %sign3A_945 = arith.extui %sign3A_944 : i1 to i32
      %sign3A_946 = arith.constant 0 : i32
      %sign3A_947 = arith.cmpi slt, %jit3A, %sign3A_946 : i32
      %sign3A_948 = arith.extui %sign3A_947 : i1 to i32
      %sign3A_949 = arith.subi %sign3A_945, %sign3A_948 : i32
      %ne3A = arith.cmpi ne, %sign3A_942, %sign3A_949 : i32
      %rem3A = arith.remsi %add3A_921, %jit3A : i32
      %ne3A_950 = arith.constant 0 : i32
      %ne3A_951 = arith.cmpi ne, %rem3A, %ne3A_950 : i32
      %and3A = arith.andi %ne3A, %ne3A_951 : i1
      %sub3A_952 = arith.constant 1 : i32
      %sub3A_953 = arith.subi %div3A, %sub3A_952 : i32
      %select_n3A = arith.select %and3A, %sub3A_953, %div3A : i32
      %jit3A_954 = arith.constant 8 : i32
      %eq3A = arith.constant 0 : i32
      %eq3A_955 = arith.cmpi eq, %jit3A_954, %eq3A : i32
      %jit3A_956 = arith.constant 1 : i32
      %select_n3A_957 = arith.select %eq3A_955, %jit3A_956, %jit3A_954 : i32
      %rem3A_958 = arith.remsi %add3A_921, %select_n3A_957 : i32
      %ne3A_959 = arith.constant 0 : i32
      %ne3A_960 = arith.cmpi ne, %rem3A_958, %ne3A_959 : i32
      %lt3A = arith.constant 0 : i32
      %lt3A_961 = arith.cmpi slt, %rem3A_958, %lt3A : i32
      %lt3A_962 = arith.constant 0 : i32
      %lt3A_963 = arith.cmpi slt, %select_n3A_957, %lt3A_962 : i32
      %ne3A_964 = arith.xori %lt3A_961, %lt3A_963 : i1
      %and3A_965 = arith.andi %ne3A_964, %ne3A_960 : i1
      %add3A_966 = arith.addi %rem3A_958, %select_n3A_957 : i32
      %select_n3A_967 = arith.select %and3A_965, %add3A_966, %rem3A_958 : i32
      %mul3A_968 = arith.constant 16 : i32
      %mul3A_969 = arith.muli %select_n3A_967, %mul3A_968 : i32
      %swap3A_970 = arith.index_cast %select_n3A : i32 to index
      %swap3A_971 = arith.index_cast %mul3A_969 : i32 to index
      %swap3A_972 = tpu.vector_load %arg11[%swap3A_970, %swap3A_971] {strides = array<i32>} : memref<48x128xf32, #tpu.memory_space<vmem>>, vector<1x16xf32>,
      %swap3A_973 = vector.shape_cast %swap3A_972 : vector<1x16xf32> to vector<16xf32>
      %swap3A_974 = vector.shape_cast %add3A_936 : vector<16xf32> to vector<1x16xf32>
      tpu.vector_store %arg11[%swap3A_970, %swap3A_971], %swap3A_974 {strides = array<i32>} : memref<48x128xf32, #tpu.memory_space<vmem>>, vector<1x16xf32>,
      %add3A_975 = arith.constant 160 : i32
      %add3A_976 = arith.addi %add3A_975, %scan3A_395 : i32
      %mul3A_977 = arith.mulf %max3A_457, %max3A_457 : vector<16xf32>
      %mul3A_978 = arith.mulf %max3A_523, %max3A_523 : vector<16xf32>
      %add3A_979 = arith.addf %mul3A_977, %mul3A_978 : vector<16xf32>
      %mul3A_980 = arith.mulf %max3A_589, %max3A_589 : vector<16xf32>
      %add3A_981 = arith.addf %add3A_979, %mul3A_980 : vector<16xf32>
      %mul3A_982 = arith.mulf %max3A_655, %max3A_655 : vector<16xf32>
      %add3A_983 = arith.addf %add3A_981, %mul3A_982 : vector<16xf32>
      %mul3A_984 = arith.mulf %max3A_721, %max3A_721 : vector<16xf32>
      %add3A_985 = arith.addf %add3A_983, %mul3A_984 : vector<16xf32>
      %mul3A_986 = arith.mulf %max3A_787, %max3A_787 : vector<16xf32>
      %add3A_987 = arith.addf %add3A_985, %mul3A_986 : vector<16xf32>
      %mul3A_988 = arith.mulf %max3A_853, %max3A_853 : vector<16xf32>
      %add3A_989 = arith.addf %add3A_987, %mul3A_988 : vector<16xf32>
      %mul3A_990 = arith.mulf %max3A_919, %max3A_919 : vector<16xf32>
      %add3A_991 = arith.addf %add3A_989, %mul3A_990 : vector<16xf32>
      %jit3A_992 = arith.constant 8 : i32
      %div3A_993 = arith.divsi %add3A_976, %jit3A_992 : i32
      %sign3A_994 = arith.constant 0 : i32
      %sign3A_995 = arith.cmpi sgt, %add3A_976, %sign3A_994 : i32
      %sign3A_996 = arith.extui %sign3A_995 : i1 to i32
      %sign3A_997 = arith.constant 0 : i32
      %sign3A_998 = arith.cmpi slt, %add3A_976, %sign3A_997 : i32
      %sign3A_999 = arith.extui %sign3A_998 : i1 to i32
      %sign3A_1000 = arith.subi %sign3A_996, %sign3A_999 : i32
      %sign3A_1001 = arith.constant 0 : i32
      %sign3A_1002 = arith.cmpi sgt, %jit3A_992, %sign3A_1001 : i32
      %sign3A_1003 = arith.extui %sign3A_1002 : i1 to i32
      %sign3A_1004 = arith.constant 0 : i32
      %sign3A_1005 = arith.cmpi slt, %jit3A_992, %sign3A_1004 : i32
      %sign3A_1006 = arith.extui %sign3A_1005 : i1 to i32
      %sign3A_1007 = arith.subi %sign3A_1003, %sign3A_1006 : i32
      %ne3A_1008 = arith.cmpi ne, %sign3A_1000, %sign3A_1007 : i32
      %rem3A_1009 = arith.remsi %add3A_976, %jit3A_992 : i32
      %ne3A_1010 = arith.constant 0 : i32
      %ne3A_1011 = arith.cmpi ne, %rem3A_1009, %ne3A_1010 : i32
      %and3A_1012 = arith.andi %ne3A_1008, %ne3A_1011 : i1
      %sub3A_1013 = arith.constant 1 : i32
      %sub3A_1014 = arith.subi %div3A_993, %sub3A_1013 : i32
      %select_n3A_1015 = arith.select %and3A_1012, %sub3A_1014, %div3A_993 : i32
      %jit3A_1016 = arith.constant 8 : i32
      %eq3A_1017 = arith.constant 0 : i32
      %eq3A_1018 = arith.cmpi eq, %jit3A_1016, %eq3A_1017 : i32
      %jit3A_1019 = arith.constant 1 : i32
      %select_n3A_1020 = arith.select %eq3A_1018, %jit3A_1019, %jit3A_1016 : i32
      %rem3A_1021 = arith.remsi %add3A_976, %select_n3A_1020 : i32
      %ne3A_1022 = arith.constant 0 : i32
      %ne3A_1023 = arith.cmpi ne, %rem3A_1021, %ne3A_1022 : i32
      %lt3A_1024 = arith.constant 0 : i32
      %lt3A_1025 = arith.cmpi slt, %rem3A_1021, %lt3A_1024 : i32
      %lt3A_1026 = arith.constant 0 : i32
      %lt3A_1027 = arith.cmpi slt, %select_n3A_1020, %lt3A_1026 : i32
      %ne3A_1028 = arith.xori %lt3A_1025, %lt3A_1027 : i1
      %and3A_1029 = arith.andi %ne3A_1028, %ne3A_1023 : i1
      %add3A_1030 = arith.addi %rem3A_1021, %select_n3A_1020 : i32
      %select_n3A_1031 = arith.select %and3A_1029, %add3A_1030, %rem3A_1021 : i32
      %mul3A_1032 = arith.constant 16 : i32
      %mul3A_1033 = arith.muli %select_n3A_1031, %mul3A_1032 : i32
      %swap3A_1034 = arith.index_cast %select_n3A_1015 : i32 to index
      %swap3A_1035 = arith.index_cast %mul3A_1033 : i32 to index
      %swap3A_1036 = tpu.vector_load %arg11[%swap3A_1034, %swap3A_1035] {strides = array<i32>} : memref<48x128xf32, #tpu.memory_space<vmem>>, vector<1x16xf32>,
      %swap3A_1037 = vector.shape_cast %swap3A_1036 : vector<1x16xf32> to vector<16xf32>
      %swap3A_1038 = vector.shape_cast %add3A_991 : vector<16xf32> to vector<1x16xf32>
      tpu.vector_store %arg11[%swap3A_1034, %swap3A_1035], %swap3A_1038 {strides = array<i32>} : memref<48x128xf32, #tpu.memory_space<vmem>>, vector<1x16xf32>,
      %scan3A_1039 = arith.constant 0 : i32
      scf.yield %scan3A_1039 : i32
    }
    %scan3A_47 = arith.constant 16 : i32
    %dma_wait3A_48 = arith.constant 0 : i32
    %dma_wait3A_49 = arith.constant 0 : i32
    %dma_wait3A_50 = tpu.memref_slice %arg3[%dma_wait3A_48, %dma_wait3A_49] : memref<1000x256xf32, #tpu.memory_space<hbm>> -> memref<1000x256xf32, #tpu.memory_space<hbm>>
    tpu.wait_indirect_dma semaphore(%arg14 : memref<!tpu.dma_semaphore, #tpu.memory_space<semaphore_mem>>) src(%dma_wait3A_50 : memref<1000x256xf32, #tpu.memory_space<hbm>>) dst(%arg10 : memref<32x256xf32, #tpu.memory_space<vmem>>)
    %scan3A_51 = arith.constant 5.000000e-02 : f32
    %scan3A_52 = arith.constant 1.000000e-01 : f32
    %scan3A_53 = arith.constant 0 : i32
    %scan3A_54 = arith.constant 0 : i32
    %scan3A_55 = arith.constant 16 : i32
    %scan3A_56 = arith.addi %scan3A_54, %scan3A_55 : i32
    %scan3A_57 = arith.constant 1 : i32
    %scan3A_58 = scf.for %scan3A_395 = %scan3A_54 to %scan3A_56 step %scan3A_57 iter_args(%scan3A_396 = %scan3A_53) -> (i32)  : i32 {
      %add3A_397 = arith.constant 0 : i32
      %add3A_398 = arith.addi %add3A_397, %scan3A_395 : i32
      %get3A = arith.index_cast %add3A_398 : i32 to index
      %get3A_399 = arith.constant 113 : index
      %get3A_400 = tpu.vector_load %arg10[%get3A, %get3A_399] {strides = array<i32>} : memref<32x256xf32, #tpu.memory_space<vmem>>, vector<1x16xf32>,
      %get3A_401 = vector.shape_cast %get3A_400 : vector<1x16xf32> to vector<16xf32>
      %slice3A = vector.extract_strided_slice %get3A_401 {offsets = [15], sizes = [1], strides = [1]} : vector<16xf32> to vector<1xf32>
      %squeeze3A = vector.extract %slice3A[0] : f32 from vector<1xf32>
      %abs3A = math.absf %squeeze3A : f32
      %sub3A = arith.subf %scan3A_51, %abs3A : f32
      %add3A_402 = arith.constant 80 : i32
      %add3A_403 = arith.addi %add3A_402, %scan3A_395 : i32
      %get3A_404 = arith.index_cast %add3A_403 : i32 to index
      %get3A_405 = arith.constant 0 : index
      %get3A_406 = tpu.vector_load %arg9[%get3A_404, %get3A_405] {strides = array<i32>} : memref<224x256xf32, #tpu.memory_space<vmem>>, vector<1x16xf32>,
      %get3A_407 = vector.shape_cast %get3A_406 : vector<1x16xf32> to vector<16xf32>
      %add3A_408 = arith.constant 80 : i32
      %add3A_409 = arith.addi %add3A_408, %scan3A_395 : i32
      %get3A_410 = arith.index_cast %add3A_409 : i32 to index
      %get3A_411 = arith.constant 128 : index
      %get3A_412 = tpu.vector_load %arg9[%get3A_410, %get3A_411] {strides = array<i32>} : memref<224x256xf32, #tpu.memory_space<vmem>>, vector<1x16xf32>,
      %get3A_413 = vector.shape_cast %get3A_412 : vector<1x16xf32> to vector<16xf32>
      %abs3A_414 = math.absf %get3A_413 : vector<16xf32>
      %add3A_415 = arith.constant 96 : i32
      %add3A_416 = arith.addi %add3A_415, %scan3A_395 : i32
      %get3A_417 = arith.index_cast %add3A_416 : i32 to index
      %get3A_418 = arith.constant 0 : index
      %get3A_419 = tpu.vector_load %arg9[%get3A_417, %get3A_418] {strides = array<i32>} : memref<224x256xf32, #tpu.memory_space<vmem>>, vector<1x16xf32>,
      %get3A_420 = vector.shape_cast %get3A_419 : vector<1x16xf32> to vector<16xf32>
      %add3A_421 = arith.constant 96 : i32
      %add3A_422 = arith.addi %add3A_421, %scan3A_395 : i32
      %get3A_423 = arith.index_cast %add3A_422 : i32 to index
      %get3A_424 = arith.constant 128 : index
      %get3A_425 = tpu.vector_load %arg9[%get3A_423, %get3A_424] {strides = array<i32>} : memref<224x256xf32, #tpu.memory_space<vmem>>, vector<1x16xf32>,
      %get3A_426 = vector.shape_cast %get3A_425 : vector<1x16xf32> to vector<16xf32>
      %abs3A_427 = math.absf %get3A_426 : vector<16xf32>
      %add3A_428 = arith.constant 0 : i32
      %add3A_429 = arith.addi %add3A_428, %scan3A_395 : i32
      %get3A_430 = arith.index_cast %add3A_429 : i32 to index
      %get3A_431 = arith.constant 0 : index
      %get3A_432 = tpu.vector_load %arg10[%get3A_430, %get3A_431] {strides = array<i32>} : memref<32x256xf32, #tpu.memory_space<vmem>>, vector<1x16xf32>,
      %get3A_433 = vector.shape_cast %get3A_432 : vector<1x16xf32> to vector<16xf32>
      %add3A_434 = arith.addf %get3A_407, %get3A_433 : vector<16xf32>
      %sub3A_435 = arith.subf %add3A_434, %get3A_420 : vector<16xf32>
      %abs3A_436 = math.absf %sub3A_435 : vector<16xf32>
      %add3A_437 = arith.addf %abs3A_436, %abs3A_414 : vector<16xf32>
      %sub3A_438 = arith.subf %add3A_437, %abs3A_427 : vector<16xf32>
      %add3A_439 = vector.broadcast %sub3A : f32 to vector<16xf32>
      %add3A_440 = arith.addf %sub3A_438, %add3A_439 : vector<16xf32>
      %max3A = arith.constant 0.000000e+00 : f32
      %max3A_441 = vector.broadcast %max3A : f32 to vector<16xf32>
      %max3A_442 = arith.maximumf %add3A_440, %max3A_441 : vector<16xf32>
      %sub3A_443 = vector.broadcast %scan3A_52 : f32 to vector<16xf32>
      %sub3A_444 = arith.subf %sub3A_443, %abs3A_414 : vector<16xf32>
      %max3A_445 = arith.constant 0.000000e+00 : f32
      %max3A_446 = vector.broadcast %max3A_445 : f32 to vector<16xf32>
      %max3A_447 = arith.maximumf %sub3A_444, %max3A_446 : vector<16xf32>
      %sub3A_448 = vector.broadcast %scan3A_52 : f32 to vector<16xf32>
      %sub3A_449 = arith.subf %sub3A_448, %abs3A_427 : vector<16xf32>
      %max3A_450 = arith.constant 0.000000e+00 : f32
      %max3A_451 = vector.broadcast %max3A_450 : f32 to vector<16xf32>
      %max3A_452 = arith.maximumf %sub3A_449, %max3A_451 : vector<16xf32>
      %add3A_453 = arith.constant 80 : i32
      %add3A_454 = arith.addi %add3A_453, %scan3A_395 : i32
      %get3A_455 = arith.index_cast %add3A_454 : i32 to index
      %get3A_456 = arith.constant 16 : index
      %get3A_457 = tpu.vector_load %arg9[%get3A_455, %get3A_456] {strides = array<i32>} : memref<224x256xf32, #tpu.memory_space<vmem>>, vector<1x16xf32>,
      %get3A_458 = vector.shape_cast %get3A_457 : vector<1x16xf32> to vector<16xf32>
      %add3A_459 = arith.constant 80 : i32
      %add3A_460 = arith.addi %add3A_459, %scan3A_395 : i32
      %get3A_461 = arith.index_cast %add3A_460 : i32 to index
      %get3A_462 = arith.constant 144 : index
      %get3A_463 = tpu.vector_load %arg9[%get3A_461, %get3A_462] {strides = array<i32>} : memref<224x256xf32, #tpu.memory_space<vmem>>, vector<1x16xf32>,
      %get3A_464 = vector.shape_cast %get3A_463 : vector<1x16xf32> to vector<16xf32>
      %abs3A_465 = math.absf %get3A_464 : vector<16xf32>
      %add3A_466 = arith.constant 96 : i32
      %add3A_467 = arith.addi %add3A_466, %scan3A_395 : i32
      %get3A_468 = arith.index_cast %add3A_467 : i32 to index
      %get3A_469 = arith.constant 16 : index
      %get3A_470 = tpu.vector_load %arg9[%get3A_468, %get3A_469] {strides = array<i32>} : memref<224x256xf32, #tpu.memory_space<vmem>>, vector<1x16xf32>,
      %get3A_471 = vector.shape_cast %get3A_470 : vector<1x16xf32> to vector<16xf32>
      %add3A_472 = arith.constant 96 : i32
      %add3A_473 = arith.addi %add3A_472, %scan3A_395 : i32
      %get3A_474 = arith.index_cast %add3A_473 : i32 to index
      %get3A_475 = arith.constant 144 : index
      %get3A_476 = tpu.vector_load %arg9[%get3A_474, %get3A_475] {strides = array<i32>} : memref<224x256xf32, #tpu.memory_space<vmem>>, vector<1x16xf32>,
      %get3A_477 = vector.shape_cast %get3A_476 : vector<1x16xf32> to vector<16xf32>
      %abs3A_478 = math.absf %get3A_477 : vector<16xf32>
      %add3A_479 = arith.constant 0 : i32
      %add3A_480 = arith.addi %add3A_479, %scan3A_395 : i32
      %get3A_481 = arith.index_cast %add3A_480 : i32 to index
      %get3A_482 = arith.constant 16 : index
      %get3A_483 = tpu.vector_load %arg10[%get3A_481, %get3A_482] {strides = array<i32>} : memref<32x256xf32, #tpu.memory_space<vmem>>, vector<1x16xf32>,
      %get3A_484 = vector.shape_cast %get3A_483 : vector<1x16xf32> to vector<16xf32>
      %add3A_485 = arith.addf %get3A_458, %get3A_484 : vector<16xf32>
      %sub3A_486 = arith.subf %add3A_485, %get3A_471 : vector<16xf32>
      %abs3A_487 = math.absf %sub3A_486 : vector<16xf32>
      %add3A_488 = arith.addf %abs3A_487, %abs3A_465 : vector<16xf32>
      %sub3A_489 = arith.subf %add3A_488, %abs3A_478 : vector<16xf32>
      %add3A_490 = vector.broadcast %sub3A : f32 to vector<16xf32>
      %add3A_491 = arith.addf %sub3A_489, %add3A_490 : vector<16xf32>
      %max3A_492 = arith.constant 0.000000e+00 : f32
      %max3A_493 = vector.broadcast %max3A_492 : f32 to vector<16xf32>
      %max3A_494 = arith.maximumf %add3A_491, %max3A_493 : vector<16xf32>
      %sub3A_495 = vector.broadcast %scan3A_52 : f32 to vector<16xf32>
      %sub3A_496 = arith.subf %sub3A_495, %abs3A_465 : vector<16xf32>
      %max3A_497 = arith.constant 0.000000e+00 : f32
      %max3A_498 = vector.broadcast %max3A_497 : f32 to vector<16xf32>
      %max3A_499 = arith.maximumf %sub3A_496, %max3A_498 : vector<16xf32>
      %sub3A_500 = vector.broadcast %scan3A_52 : f32 to vector<16xf32>
      %sub3A_501 = arith.subf %sub3A_500, %abs3A_478 : vector<16xf32>
      %max3A_502 = arith.constant 0.000000e+00 : f32
      %max3A_503 = vector.broadcast %max3A_502 : f32 to vector<16xf32>
      %max3A_504 = arith.maximumf %sub3A_501, %max3A_503 : vector<16xf32>
      %add3A_505 = arith.constant 80 : i32
      %add3A_506 = arith.addi %add3A_505, %scan3A_395 : i32
      %get3A_507 = arith.index_cast %add3A_506 : i32 to index
      %get3A_508 = arith.constant 32 : index
      %get3A_509 = tpu.vector_load %arg9[%get3A_507, %get3A_508] {strides = array<i32>} : memref<224x256xf32, #tpu.memory_space<vmem>>, vector<1x16xf32>,
      %get3A_510 = vector.shape_cast %get3A_509 : vector<1x16xf32> to vector<16xf32>
      %add3A_511 = arith.constant 80 : i32
      %add3A_512 = arith.addi %add3A_511, %scan3A_395 : i32
      %get3A_513 = arith.index_cast %add3A_512 : i32 to index
      %get3A_514 = arith.constant 160 : index
      %get3A_515 = tpu.vector_load %arg9[%get3A_513, %get3A_514] {strides = array<i32>} : memref<224x256xf32, #tpu.memory_space<vmem>>, vector<1x16xf32>,
      %get3A_516 = vector.shape_cast %get3A_515 : vector<1x16xf32> to vector<16xf32>
      %abs3A_517 = math.absf %get3A_516 : vector<16xf32>
      %add3A_518 = arith.constant 96 : i32
      %add3A_519 = arith.addi %add3A_518, %scan3A_395 : i32
      %get3A_520 = arith.index_cast %add3A_519 : i32 to index
      %get3A_521 = arith.constant 32 : index
      %get3A_522 = tpu.vector_load %arg9[%get3A_520, %get3A_521] {strides = array<i32>} : memref<224x256xf32, #tpu.memory_space<vmem>>, vector<1x16xf32>,
      %get3A_523 = vector.shape_cast %get3A_522 : vector<1x16xf32> to vector<16xf32>
      %add3A_524 = arith.constant 96 : i32
      %add3A_525 = arith.addi %add3A_524, %scan3A_395 : i32
      %get3A_526 = arith.index_cast %add3A_525 : i32 to index
      %get3A_527 = arith.constant 160 : index
      %get3A_528 = tpu.vector_load %arg9[%get3A_526, %get3A_527] {strides = array<i32>} : memref<224x256xf32, #tpu.memory_space<vmem>>, vector<1x16xf32>,
      %get3A_529 = vector.shape_cast %get3A_528 : vector<1x16xf32> to vector<16xf32>
      %abs3A_530 = math.absf %get3A_529 : vector<16xf32>
      %add3A_531 = arith.constant 0 : i32
      %add3A_532 = arith.addi %add3A_531, %scan3A_395 : i32
      %get3A_533 = arith.index_cast %add3A_532 : i32 to index
      %get3A_534 = arith.constant 32 : index
      %get3A_535 = tpu.vector_load %arg10[%get3A_533, %get3A_534] {strides = array<i32>} : memref<32x256xf32, #tpu.memory_space<vmem>>, vector<1x16xf32>,
      %get3A_536 = vector.shape_cast %get3A_535 : vector<1x16xf32> to vector<16xf32>
      %add3A_537 = arith.addf %get3A_510, %get3A_536 : vector<16xf32>
      %sub3A_538 = arith.subf %add3A_537, %get3A_523 : vector<16xf32>
      %abs3A_539 = math.absf %sub3A_538 : vector<16xf32>
      %add3A_540 = arith.addf %abs3A_539, %abs3A_517 : vector<16xf32>
      %sub3A_541 = arith.subf %add3A_540, %abs3A_530 : vector<16xf32>
      %add3A_542 = vector.broadcast %sub3A : f32 to vector<16xf32>
      %add3A_543 = arith.addf %sub3A_541, %add3A_542 : vector<16xf32>
      %max3A_544 = arith.constant 0.000000e+00 : f32
      %max3A_545 = vector.broadcast %max3A_544 : f32 to vector<16xf32>
      %max3A_546 = arith.maximumf %add3A_543, %max3A_545 : vector<16xf32>
      %sub3A_547 = vector.broadcast %scan3A_52 : f32 to vector<16xf32>
      %sub3A_548 = arith.subf %sub3A_547, %abs3A_517 : vector<16xf32>
      %max3A_549 = arith.constant 0.000000e+00 : f32
      %max3A_550 = vector.broadcast %max3A_549 : f32 to vector<16xf32>
      %max3A_551 = arith.maximumf %sub3A_548, %max3A_550 : vector<16xf32>
      %sub3A_552 = vector.broadcast %scan3A_52 : f32 to vector<16xf32>
      %sub3A_553 = arith.subf %sub3A_552, %abs3A_530 : vector<16xf32>
      %max3A_554 = arith.constant 0.000000e+00 : f32
      %max3A_555 = vector.broadcast %max3A_554 : f32 to vector<16xf32>
      %max3A_556 = arith.maximumf %sub3A_553, %max3A_555 : vector<16xf32>
      %add3A_557 = arith.constant 80 : i32
      %add3A_558 = arith.addi %add3A_557, %scan3A_395 : i32
      %get3A_559 = arith.index_cast %add3A_558 : i32 to index
      %get3A_560 = arith.constant 48 : index
      %get3A_561 = tpu.vector_load %arg9[%get3A_559, %get3A_560] {strides = array<i32>} : memref<224x256xf32, #tpu.memory_space<vmem>>, vector<1x16xf32>,
      %get3A_562 = vector.shape_cast %get3A_561 : vector<1x16xf32> to vector<16xf32>
      %add3A_563 = arith.constant 80 : i32
      %add3A_564 = arith.addi %add3A_563, %scan3A_395 : i32
      %get3A_565 = arith.index_cast %add3A_564 : i32 to index
      %get3A_566 = arith.constant 176 : index
      %get3A_567 = tpu.vector_load %arg9[%get3A_565, %get3A_566] {strides = array<i32>} : memref<224x256xf32, #tpu.memory_space<vmem>>, vector<1x16xf32>,
      %get3A_568 = vector.shape_cast %get3A_567 : vector<1x16xf32> to vector<16xf32>
      %abs3A_569 = math.absf %get3A_568 : vector<16xf32>
      %add3A_570 = arith.constant 96 : i32
      %add3A_571 = arith.addi %add3A_570, %scan3A_395 : i32
      %get3A_572 = arith.index_cast %add3A_571 : i32 to index
      %get3A_573 = arith.constant 48 : index
      %get3A_574 = tpu.vector_load %arg9[%get3A_572, %get3A_573] {strides = array<i32>} : memref<224x256xf32, #tpu.memory_space<vmem>>, vector<1x16xf32>,
      %get3A_575 = vector.shape_cast %get3A_574 : vector<1x16xf32> to vector<16xf32>
      %add3A_576 = arith.constant 96 : i32
      %add3A_577 = arith.addi %add3A_576, %scan3A_395 : i32
      %get3A_578 = arith.index_cast %add3A_577 : i32 to index
      %get3A_579 = arith.constant 176 : index
      %get3A_580 = tpu.vector_load %arg9[%get3A_578, %get3A_579] {strides = array<i32>} : memref<224x256xf32, #tpu.memory_space<vmem>>, vector<1x16xf32>,
      %get3A_581 = vector.shape_cast %get3A_580 : vector<1x16xf32> to vector<16xf32>
      %abs3A_582 = math.absf %get3A_581 : vector<16xf32>
      %add3A_583 = arith.constant 0 : i32
      %add3A_584 = arith.addi %add3A_583, %scan3A_395 : i32
      %get3A_585 = arith.index_cast %add3A_584 : i32 to index
      %get3A_586 = arith.constant 48 : index
      %get3A_587 = tpu.vector_load %arg10[%get3A_585, %get3A_586] {strides = array<i32>} : memref<32x256xf32, #tpu.memory_space<vmem>>, vector<1x16xf32>,
      %get3A_588 = vector.shape_cast %get3A_587 : vector<1x16xf32> to vector<16xf32>
      %add3A_589 = arith.addf %get3A_562, %get3A_588 : vector<16xf32>
      %sub3A_590 = arith.subf %add3A_589, %get3A_575 : vector<16xf32>
      %abs3A_591 = math.absf %sub3A_590 : vector<16xf32>
      %add3A_592 = arith.addf %abs3A_591, %abs3A_569 : vector<16xf32>
      %sub3A_593 = arith.subf %add3A_592, %abs3A_582 : vector<16xf32>
      %add3A_594 = vector.broadcast %sub3A : f32 to vector<16xf32>
      %add3A_595 = arith.addf %sub3A_593, %add3A_594 : vector<16xf32>
      %max3A_596 = arith.constant 0.000000e+00 : f32
      %max3A_597 = vector.broadcast %max3A_596 : f32 to vector<16xf32>
      %max3A_598 = arith.maximumf %add3A_595, %max3A_597 : vector<16xf32>
      %sub3A_599 = vector.broadcast %scan3A_52 : f32 to vector<16xf32>
      %sub3A_600 = arith.subf %sub3A_599, %abs3A_569 : vector<16xf32>
      %max3A_601 = arith.constant 0.000000e+00 : f32
      %max3A_602 = vector.broadcast %max3A_601 : f32 to vector<16xf32>
      %max3A_603 = arith.maximumf %sub3A_600, %max3A_602 : vector<16xf32>
      %sub3A_604 = vector.broadcast %scan3A_52 : f32 to vector<16xf32>
      %sub3A_605 = arith.subf %sub3A_604, %abs3A_582 : vector<16xf32>
      %max3A_606 = arith.constant 0.000000e+00 : f32
      %max3A_607 = vector.broadcast %max3A_606 : f32 to vector<16xf32>
      %max3A_608 = arith.maximumf %sub3A_605, %max3A_607 : vector<16xf32>
      %add3A_609 = arith.constant 80 : i32
      %add3A_610 = arith.addi %add3A_609, %scan3A_395 : i32
      %get3A_611 = arith.index_cast %add3A_610 : i32 to index
      %get3A_612 = arith.constant 64 : index
      %get3A_613 = tpu.vector_load %arg9[%get3A_611, %get3A_612] {strides = array<i32>} : memref<224x256xf32, #tpu.memory_space<vmem>>, vector<1x16xf32>,
      %get3A_614 = vector.shape_cast %get3A_613 : vector<1x16xf32> to vector<16xf32>
      %add3A_615 = arith.constant 80 : i32
      %add3A_616 = arith.addi %add3A_615, %scan3A_395 : i32
      %get3A_617 = arith.index_cast %add3A_616 : i32 to index
      %get3A_618 = arith.constant 192 : index
      %get3A_619 = tpu.vector_load %arg9[%get3A_617, %get3A_618] {strides = array<i32>} : memref<224x256xf32, #tpu.memory_space<vmem>>, vector<1x16xf32>,
      %get3A_620 = vector.shape_cast %get3A_619 : vector<1x16xf32> to vector<16xf32>
      %abs3A_621 = math.absf %get3A_620 : vector<16xf32>
      %add3A_622 = arith.constant 96 : i32
      %add3A_623 = arith.addi %add3A_622, %scan3A_395 : i32
      %get3A_624 = arith.index_cast %add3A_623 : i32 to index
      %get3A_625 = arith.constant 64 : index
      %get3A_626 = tpu.vector_load %arg9[%get3A_624, %get3A_625] {strides = array<i32>} : memref<224x256xf32, #tpu.memory_space<vmem>>, vector<1x16xf32>,
      %get3A_627 = vector.shape_cast %get3A_626 : vector<1x16xf32> to vector<16xf32>
      %add3A_628 = arith.constant 96 : i32
      %add3A_629 = arith.addi %add3A_628, %scan3A_395 : i32
      %get3A_630 = arith.index_cast %add3A_629 : i32 to index
      %get3A_631 = arith.constant 192 : index
      %get3A_632 = tpu.vector_load %arg9[%get3A_630, %get3A_631] {strides = array<i32>} : memref<224x256xf32, #tpu.memory_space<vmem>>, vector<1x16xf32>,
      %get3A_633 = vector.shape_cast %get3A_632 : vector<1x16xf32> to vector<16xf32>
      %abs3A_634 = math.absf %get3A_633 : vector<16xf32>
      %add3A_635 = arith.constant 0 : i32
      %add3A_636 = arith.addi %add3A_635, %scan3A_395 : i32
      %get3A_637 = arith.index_cast %add3A_636 : i32 to index
      %get3A_638 = arith.constant 64 : index
      %get3A_639 = tpu.vector_load %arg10[%get3A_637, %get3A_638] {strides = array<i32>} : memref<32x256xf32, #tpu.memory_space<vmem>>, vector<1x16xf32>,
      %get3A_640 = vector.shape_cast %get3A_639 : vector<1x16xf32> to vector<16xf32>
      %add3A_641 = arith.addf %get3A_614, %get3A_640 : vector<16xf32>
      %sub3A_642 = arith.subf %add3A_641, %get3A_627 : vector<16xf32>
      %abs3A_643 = math.absf %sub3A_642 : vector<16xf32>
      %add3A_644 = arith.addf %abs3A_643, %abs3A_621 : vector<16xf32>
      %sub3A_645 = arith.subf %add3A_644, %abs3A_634 : vector<16xf32>
      %add3A_646 = vector.broadcast %sub3A : f32 to vector<16xf32>
      %add3A_647 = arith.addf %sub3A_645, %add3A_646 : vector<16xf32>
      %max3A_648 = arith.constant 0.000000e+00 : f32
      %max3A_649 = vector.broadcast %max3A_648 : f32 to vector<16xf32>
      %max3A_650 = arith.maximumf %add3A_647, %max3A_649 : vector<16xf32>
      %sub3A_651 = vector.broadcast %scan3A_52 : f32 to vector<16xf32>
      %sub3A_652 = arith.subf %sub3A_651, %abs3A_621 : vector<16xf32>
      %max3A_653 = arith.constant 0.000000e+00 : f32
      %max3A_654 = vector.broadcast %max3A_653 : f32 to vector<16xf32>
      %max3A_655 = arith.maximumf %sub3A_652, %max3A_654 : vector<16xf32>
      %sub3A_656 = vector.broadcast %scan3A_52 : f32 to vector<16xf32>
      %sub3A_657 = arith.subf %sub3A_656, %abs3A_634 : vector<16xf32>
      %max3A_658 = arith.constant 0.000000e+00 : f32
      %max3A_659 = vector.broadcast %max3A_658 : f32 to vector<16xf32>
      %max3A_660 = arith.maximumf %sub3A_657, %max3A_659 : vector<16xf32>
      %add3A_661 = arith.constant 80 : i32
      %add3A_662 = arith.addi %add3A_661, %scan3A_395 : i32
      %get3A_663 = arith.index_cast %add3A_662 : i32 to index
      %get3A_664 = arith.constant 80 : index
      %get3A_665 = tpu.vector_load %arg9[%get3A_663, %get3A_664] {strides = array<i32>} : memref<224x256xf32, #tpu.memory_space<vmem>>, vector<1x16xf32>,
      %get3A_666 = vector.shape_cast %get3A_665 : vector<1x16xf32> to vector<16xf32>
      %add3A_667 = arith.constant 80 : i32
      %add3A_668 = arith.addi %add3A_667, %scan3A_395 : i32
      %get3A_669 = arith.index_cast %add3A_668 : i32 to index
      %get3A_670 = arith.constant 208 : index
      %get3A_671 = tpu.vector_load %arg9[%get3A_669, %get3A_670] {strides = array<i32>} : memref<224x256xf32, #tpu.memory_space<vmem>>, vector<1x16xf32>,
      %get3A_672 = vector.shape_cast %get3A_671 : vector<1x16xf32> to vector<16xf32>
      %abs3A_673 = math.absf %get3A_672 : vector<16xf32>
      %add3A_674 = arith.constant 96 : i32
      %add3A_675 = arith.addi %add3A_674, %scan3A_395 : i32
      %get3A_676 = arith.index_cast %add3A_675 : i32 to index
      %get3A_677 = arith.constant 80 : index
      %get3A_678 = tpu.vector_load %arg9[%get3A_676, %get3A_677] {strides = array<i32>} : memref<224x256xf32, #tpu.memory_space<vmem>>, vector<1x16xf32>,
      %get3A_679 = vector.shape_cast %get3A_678 : vector<1x16xf32> to vector<16xf32>
      %add3A_680 = arith.constant 96 : i32
      %add3A_681 = arith.addi %add3A_680, %scan3A_395 : i32
      %get3A_682 = arith.index_cast %add3A_681 : i32 to index
      %get3A_683 = arith.constant 208 : index
      %get3A_684 = tpu.vector_load %arg9[%get3A_682, %get3A_683] {strides = array<i32>} : memref<224x256xf32, #tpu.memory_space<vmem>>, vector<1x16xf32>,
      %get3A_685 = vector.shape_cast %get3A_684 : vector<1x16xf32> to vector<16xf32>
      %abs3A_686 = math.absf %get3A_685 : vector<16xf32>
      %add3A_687 = arith.constant 0 : i32
      %add3A_688 = arith.addi %add3A_687, %scan3A_395 : i32
      %get3A_689 = arith.index_cast %add3A_688 : i32 to index
      %get3A_690 = arith.constant 80 : index
      %get3A_691 = tpu.vector_load %arg10[%get3A_689, %get3A_690] {strides = array<i32>} : memref<32x256xf32, #tpu.memory_space<vmem>>, vector<1x16xf32>,
      %get3A_692 = vector.shape_cast %get3A_691 : vector<1x16xf32> to vector<16xf32>
      %add3A_693 = arith.addf %get3A_666, %get3A_692 : vector<16xf32>
      %sub3A_694 = arith.subf %add3A_693, %get3A_679 : vector<16xf32>
      %abs3A_695 = math.absf %sub3A_694 : vector<16xf32>
      %add3A_696 = arith.addf %abs3A_695, %abs3A_673 : vector<16xf32>
      %sub3A_697 = arith.subf %add3A_696, %abs3A_686 : vector<16xf32>
      %add3A_698 = vector.broadcast %sub3A : f32 to vector<16xf32>
      %add3A_699 = arith.addf %sub3A_697, %add3A_698 : vector<16xf32>
      %max3A_700 = arith.constant 0.000000e+00 : f32
      %max3A_701 = vector.broadcast %max3A_700 : f32 to vector<16xf32>
      %max3A_702 = arith.maximumf %add3A_699, %max3A_701 : vector<16xf32>
      %sub3A_703 = vector.broadcast %scan3A_52 : f32 to vector<16xf32>
      %sub3A_704 = arith.subf %sub3A_703, %abs3A_673 : vector<16xf32>
      %max3A_705 = arith.constant 0.000000e+00 : f32
      %max3A_706 = vector.broadcast %max3A_705 : f32 to vector<16xf32>
      %max3A_707 = arith.maximumf %sub3A_704, %max3A_706 : vector<16xf32>
      %sub3A_708 = vector.broadcast %scan3A_52 : f32 to vector<16xf32>
      %sub3A_709 = arith.subf %sub3A_708, %abs3A_686 : vector<16xf32>
      %max3A_710 = arith.constant 0.000000e+00 : f32
      %max3A_711 = vector.broadcast %max3A_710 : f32 to vector<16xf32>
      %max3A_712 = arith.maximumf %sub3A_709, %max3A_711 : vector<16xf32>
      %add3A_713 = arith.constant 80 : i32
      %add3A_714 = arith.addi %add3A_713, %scan3A_395 : i32
      %get3A_715 = arith.index_cast %add3A_714 : i32 to index
      %get3A_716 = arith.constant 96 : index
      %get3A_717 = tpu.vector_load %arg9[%get3A_715, %get3A_716] {strides = array<i32>} : memref<224x256xf32, #tpu.memory_space<vmem>>, vector<1x16xf32>,
      %get3A_718 = vector.shape_cast %get3A_717 : vector<1x16xf32> to vector<16xf32>
      %add3A_719 = arith.constant 80 : i32
      %add3A_720 = arith.addi %add3A_719, %scan3A_395 : i32
      %get3A_721 = arith.index_cast %add3A_720 : i32 to index
      %get3A_722 = arith.constant 224 : index
      %get3A_723 = tpu.vector_load %arg9[%get3A_721, %get3A_722] {strides = array<i32>} : memref<224x256xf32, #tpu.memory_space<vmem>>, vector<1x16xf32>,
      %get3A_724 = vector.shape_cast %get3A_723 : vector<1x16xf32> to vector<16xf32>
      %abs3A_725 = math.absf %get3A_724 : vector<16xf32>
      %add3A_726 = arith.constant 96 : i32
      %add3A_727 = arith.addi %add3A_726, %scan3A_395 : i32
      %get3A_728 = arith.index_cast %add3A_727 : i32 to index
      %get3A_729 = arith.constant 96 : index
      %get3A_730 = tpu.vector_load %arg9[%get3A_728, %get3A_729] {strides = array<i32>} : memref<224x256xf32, #tpu.memory_space<vmem>>, vector<1x16xf32>,
      %get3A_731 = vector.shape_cast %get3A_730 : vector<1x16xf32> to vector<16xf32>
      %add3A_732 = arith.constant 96 : i32
      %add3A_733 = arith.addi %add3A_732, %scan3A_395 : i32
      %get3A_734 = arith.index_cast %add3A_733 : i32 to index
      %get3A_735 = arith.constant 224 : index
      %get3A_736 = tpu.vector_load %arg9[%get3A_734, %get3A_735] {strides = array<i32>} : memref<224x256xf32, #tpu.memory_space<vmem>>, vector<1x16xf32>,
      %get3A_737 = vector.shape_cast %get3A_736 : vector<1x16xf32> to vector<16xf32>
      %abs3A_738 = math.absf %get3A_737 : vector<16xf32>
      %add3A_739 = arith.constant 0 : i32
      %add3A_740 = arith.addi %add3A_739, %scan3A_395 : i32
      %get3A_741 = arith.index_cast %add3A_740 : i32 to index
      %get3A_742 = arith.constant 96 : index
      %get3A_743 = tpu.vector_load %arg10[%get3A_741, %get3A_742] {strides = array<i32>} : memref<32x256xf32, #tpu.memory_space<vmem>>, vector<1x16xf32>,
      %get3A_744 = vector.shape_cast %get3A_743 : vector<1x16xf32> to vector<16xf32>
      %add3A_745 = arith.addf %get3A_718, %get3A_744 : vector<16xf32>
      %sub3A_746 = arith.subf %add3A_745, %get3A_731 : vector<16xf32>
      %abs3A_747 = math.absf %sub3A_746 : vector<16xf32>
      %add3A_748 = arith.addf %abs3A_747, %abs3A_725 : vector<16xf32>
      %sub3A_749 = arith.subf %add3A_748, %abs3A_738 : vector<16xf32>
      %add3A_750 = vector.broadcast %sub3A : f32 to vector<16xf32>
      %add3A_751 = arith.addf %sub3A_749, %add3A_750 : vector<16xf32>
      %max3A_752 = arith.constant 0.000000e+00 : f32
      %max3A_753 = vector.broadcast %max3A_752 : f32 to vector<16xf32>
      %max3A_754 = arith.maximumf %add3A_751, %max3A_753 : vector<16xf32>
      %sub3A_755 = vector.broadcast %scan3A_52 : f32 to vector<16xf32>
      %sub3A_756 = arith.subf %sub3A_755, %abs3A_725 : vector<16xf32>
      %max3A_757 = arith.constant 0.000000e+00 : f32
      %max3A_758 = vector.broadcast %max3A_757 : f32 to vector<16xf32>
      %max3A_759 = arith.maximumf %sub3A_756, %max3A_758 : vector<16xf32>
      %sub3A_760 = vector.broadcast %scan3A_52 : f32 to vector<16xf32>
      %sub3A_761 = arith.subf %sub3A_760, %abs3A_738 : vector<16xf32>
      %max3A_762 = arith.constant 0.000000e+00 : f32
      %max3A_763 = vector.broadcast %max3A_762 : f32 to vector<16xf32>
      %max3A_764 = arith.maximumf %sub3A_761, %max3A_763 : vector<16xf32>
      %add3A_765 = arith.constant 80 : i32
      %add3A_766 = arith.addi %add3A_765, %scan3A_395 : i32
      %get3A_767 = arith.index_cast %add3A_766 : i32 to index
      %get3A_768 = arith.constant 112 : index
      %get3A_769 = tpu.vector_load %arg9[%get3A_767, %get3A_768] {strides = array<i32>} : memref<224x256xf32, #tpu.memory_space<vmem>>, vector<1x16xf32>,
      %get3A_770 = vector.shape_cast %get3A_769 : vector<1x16xf32> to vector<16xf32>
      %add3A_771 = arith.constant 80 : i32
      %add3A_772 = arith.addi %add3A_771, %scan3A_395 : i32
      %get3A_773 = arith.index_cast %add3A_772 : i32 to index
      %get3A_774 = arith.constant 240 : index
      %get3A_775 = tpu.vector_load %arg9[%get3A_773, %get3A_774] {strides = array<i32>} : memref<224x256xf32, #tpu.memory_space<vmem>>, vector<1x16xf32>,
      %get3A_776 = vector.shape_cast %get3A_775 : vector<1x16xf32> to vector<16xf32>
      %abs3A_777 = math.absf %get3A_776 : vector<16xf32>
      %add3A_778 = arith.constant 96 : i32
      %add3A_779 = arith.addi %add3A_778, %scan3A_395 : i32
      %get3A_780 = arith.index_cast %add3A_779 : i32 to index
      %get3A_781 = arith.constant 112 : index
      %get3A_782 = tpu.vector_load %arg9[%get3A_780, %get3A_781] {strides = array<i32>} : memref<224x256xf32, #tpu.memory_space<vmem>>, vector<1x16xf32>,
      %get3A_783 = vector.shape_cast %get3A_782 : vector<1x16xf32> to vector<16xf32>
      %add3A_784 = arith.constant 96 : i32
      %add3A_785 = arith.addi %add3A_784, %scan3A_395 : i32
      %get3A_786 = arith.index_cast %add3A_785 : i32 to index
      %get3A_787 = arith.constant 240 : index
      %get3A_788 = tpu.vector_load %arg9[%get3A_786, %get3A_787] {strides = array<i32>} : memref<224x256xf32, #tpu.memory_space<vmem>>, vector<1x16xf32>,
      %get3A_789 = vector.shape_cast %get3A_788 : vector<1x16xf32> to vector<16xf32>
      %abs3A_790 = math.absf %get3A_789 : vector<16xf32>
      %add3A_791 = arith.constant 0 : i32
      %add3A_792 = arith.addi %add3A_791, %scan3A_395 : i32
      %get3A_793 = arith.index_cast %add3A_792 : i32 to index
      %get3A_794 = arith.constant 112 : index
      %get3A_795 = tpu.vector_load %arg10[%get3A_793, %get3A_794] {strides = array<i32>} : memref<32x256xf32, #tpu.memory_space<vmem>>, vector<1x16xf32>,
      %get3A_796 = vector.shape_cast %get3A_795 : vector<1x16xf32> to vector<16xf32>
      %add3A_797 = arith.addf %get3A_770, %get3A_796 : vector<16xf32>
      %sub3A_798 = arith.subf %add3A_797, %get3A_783 : vector<16xf32>
      %abs3A_799 = math.absf %sub3A_798 : vector<16xf32>
      %add3A_800 = arith.addf %abs3A_799, %abs3A_777 : vector<16xf32>
      %sub3A_801 = arith.subf %add3A_800, %abs3A_790 : vector<16xf32>
      %add3A_802 = vector.broadcast %sub3A : f32 to vector<16xf32>
      %add3A_803 = arith.addf %sub3A_801, %add3A_802 : vector<16xf32>
      %max3A_804 = arith.constant 0.000000e+00 : f32
      %max3A_805 = vector.broadcast %max3A_804 : f32 to vector<16xf32>
      %max3A_806 = arith.maximumf %add3A_803, %max3A_805 : vector<16xf32>
      %sub3A_807 = vector.broadcast %scan3A_52 : f32 to vector<16xf32>
      %sub3A_808 = arith.subf %sub3A_807, %abs3A_777 : vector<16xf32>
      %max3A_809 = arith.constant 0.000000e+00 : f32
      %max3A_810 = vector.broadcast %max3A_809 : f32 to vector<16xf32>
      %max3A_811 = arith.maximumf %sub3A_808, %max3A_810 : vector<16xf32>
      %sub3A_812 = vector.broadcast %scan3A_52 : f32 to vector<16xf32>
      %sub3A_813 = arith.subf %sub3A_812, %abs3A_790 : vector<16xf32>
      %max3A_814 = arith.constant 0.000000e+00 : f32
      %max3A_815 = vector.broadcast %max3A_814 : f32 to vector<16xf32>
      %max3A_816 = arith.maximumf %sub3A_813, %max3A_815 : vector<16xf32>
      %add3A_817 = arith.constant 176 : i32
      %add3A_818 = arith.addi %add3A_817, %scan3A_395 : i32
      %mul3A_819 = arith.mulf %max3A_442, %max3A_442 : vector<16xf32>
      %mul3A_820 = arith.mulf %max3A_494, %max3A_494 : vector<16xf32>
      %add3A_821 = arith.addf %mul3A_819, %mul3A_820 : vector<16xf32>
      %mul3A_822 = arith.mulf %max3A_546, %max3A_546 : vector<16xf32>
      %add3A_823 = arith.addf %add3A_821, %mul3A_822 : vector<16xf32>
      %mul3A_824 = arith.mulf %max3A_598, %max3A_598 : vector<16xf32>
      %add3A_825 = arith.addf %add3A_823, %mul3A_824 : vector<16xf32>
      %mul3A_826 = arith.mulf %max3A_650, %max3A_650 : vector<16xf32>
      %add3A_827 = arith.addf %add3A_825, %mul3A_826 : vector<16xf32>
      %mul3A_828 = arith.mulf %max3A_702, %max3A_702 : vector<16xf32>
      %add3A_829 = arith.addf %add3A_827, %mul3A_828 : vector<16xf32>
      %mul3A_830 = arith.mulf %max3A_754, %max3A_754 : vector<16xf32>
      %add3A_831 = arith.addf %add3A_829, %mul3A_830 : vector<16xf32>
      %mul3A_832 = arith.mulf %max3A_806, %max3A_806 : vector<16xf32>
      %add3A_833 = arith.addf %add3A_831, %mul3A_832 : vector<16xf32>
      %jit3A = arith.constant 8 : i32
      %div3A = arith.divsi %add3A_818, %jit3A : i32
      %sign3A = arith.constant 0 : i32
      %sign3A_834 = arith.cmpi sgt, %add3A_818, %sign3A : i32
      %sign3A_835 = arith.extui %sign3A_834 : i1 to i32
      %sign3A_836 = arith.constant 0 : i32
      %sign3A_837 = arith.cmpi slt, %add3A_818, %sign3A_836 : i32
      %sign3A_838 = arith.extui %sign3A_837 : i1 to i32
      %sign3A_839 = arith.subi %sign3A_835, %sign3A_838 : i32
      %sign3A_840 = arith.constant 0 : i32
      %sign3A_841 = arith.cmpi sgt, %jit3A, %sign3A_840 : i32
      %sign3A_842 = arith.extui %sign3A_841 : i1 to i32
      %sign3A_843 = arith.constant 0 : i32
      %sign3A_844 = arith.cmpi slt, %jit3A, %sign3A_843 : i32
      %sign3A_845 = arith.extui %sign3A_844 : i1 to i32
      %sign3A_846 = arith.subi %sign3A_842, %sign3A_845 : i32
      %ne3A = arith.cmpi ne, %sign3A_839, %sign3A_846 : i32
      %rem3A = arith.remsi %add3A_818, %jit3A : i32
      %ne3A_847 = arith.constant 0 : i32
      %ne3A_848 = arith.cmpi ne, %rem3A, %ne3A_847 : i32
      %and3A = arith.andi %ne3A, %ne3A_848 : i1
      %sub3A_849 = arith.constant 1 : i32
      %sub3A_850 = arith.subi %div3A, %sub3A_849 : i32
      %select_n3A = arith.select %and3A, %sub3A_850, %div3A : i32
      %jit3A_851 = arith.constant 8 : i32
      %eq3A = arith.constant 0 : i32
      %eq3A_852 = arith.cmpi eq, %jit3A_851, %eq3A : i32
      %jit3A_853 = arith.constant 1 : i32
      %select_n3A_854 = arith.select %eq3A_852, %jit3A_853, %jit3A_851 : i32
      %rem3A_855 = arith.remsi %add3A_818, %select_n3A_854 : i32
      %ne3A_856 = arith.constant 0 : i32
      %ne3A_857 = arith.cmpi ne, %rem3A_855, %ne3A_856 : i32
      %lt3A = arith.constant 0 : i32
      %lt3A_858 = arith.cmpi slt, %rem3A_855, %lt3A : i32
      %lt3A_859 = arith.constant 0 : i32
      %lt3A_860 = arith.cmpi slt, %select_n3A_854, %lt3A_859 : i32
      %ne3A_861 = arith.xori %lt3A_858, %lt3A_860 : i1
      %and3A_862 = arith.andi %ne3A_861, %ne3A_857 : i1
      %add3A_863 = arith.addi %rem3A_855, %select_n3A_854 : i32
      %select_n3A_864 = arith.select %and3A_862, %add3A_863, %rem3A_855 : i32
      %mul3A_865 = arith.constant 16 : i32
      %mul3A_866 = arith.muli %select_n3A_864, %mul3A_865 : i32
      %swap3A_867 = arith.index_cast %select_n3A : i32 to index
      %swap3A_868 = arith.index_cast %mul3A_866 : i32 to index
      %swap3A_869 = tpu.vector_load %arg11[%swap3A_867, %swap3A_868] {strides = array<i32>} : memref<48x128xf32, #tpu.memory_space<vmem>>, vector<1x16xf32>,
      %swap3A_870 = vector.shape_cast %swap3A_869 : vector<1x16xf32> to vector<16xf32>
      %swap3A_871 = vector.shape_cast %add3A_833 : vector<16xf32> to vector<1x16xf32>
      tpu.vector_store %arg11[%swap3A_867, %swap3A_868], %swap3A_871 {strides = array<i32>} : memref<48x128xf32, #tpu.memory_space<vmem>>, vector<1x16xf32>,
      %add3A_872 = arith.constant 192 : i32
      %add3A_873 = arith.addi %add3A_872, %scan3A_395 : i32
      %mul3A_874 = arith.mulf %max3A_447, %max3A_447 : vector<16xf32>
      %mul3A_875 = arith.mulf %max3A_499, %max3A_499 : vector<16xf32>
      %add3A_876 = arith.addf %mul3A_874, %mul3A_875 : vector<16xf32>
      %mul3A_877 = arith.mulf %max3A_551, %max3A_551 : vector<16xf32>
      %add3A_878 = arith.addf %add3A_876, %mul3A_877 : vector<16xf32>
      %mul3A_879 = arith.mulf %max3A_603, %max3A_603 : vector<16xf32>
      %add3A_880 = arith.addf %add3A_878, %mul3A_879 : vector<16xf32>
      %mul3A_881 = arith.mulf %max3A_655, %max3A_655 : vector<16xf32>
      %add3A_882 = arith.addf %add3A_880, %mul3A_881 : vector<16xf32>
      %mul3A_883 = arith.mulf %max3A_707, %max3A_707 : vector<16xf32>
      %add3A_884 = arith.addf %add3A_882, %mul3A_883 : vector<16xf32>
      %mul3A_885 = arith.mulf %max3A_759, %max3A_759 : vector<16xf32>
      %add3A_886 = arith.addf %add3A_884, %mul3A_885 : vector<16xf32>
      %mul3A_887 = arith.mulf %max3A_811, %max3A_811 : vector<16xf32>
      %add3A_888 = arith.addf %add3A_886, %mul3A_887 : vector<16xf32>
      %jit3A_889 = arith.constant 8 : i32
      %div3A_890 = arith.divsi %add3A_873, %jit3A_889 : i32
      %sign3A_891 = arith.constant 0 : i32
      %sign3A_892 = arith.cmpi sgt, %add3A_873, %sign3A_891 : i32
      %sign3A_893 = arith.extui %sign3A_892 : i1 to i32
      %sign3A_894 = arith.constant 0 : i32
      %sign3A_895 = arith.cmpi slt, %add3A_873, %sign3A_894 : i32
      %sign3A_896 = arith.extui %sign3A_895 : i1 to i32
      %sign3A_897 = arith.subi %sign3A_893, %sign3A_896 : i32
      %sign3A_898 = arith.constant 0 : i32
      %sign3A_899 = arith.cmpi sgt, %jit3A_889, %sign3A_898 : i32
      %sign3A_900 = arith.extui %sign3A_899 : i1 to i32
      %sign3A_901 = arith.constant 0 : i32
      %sign3A_902 = arith.cmpi slt, %jit3A_889, %sign3A_901 : i32
      %sign3A_903 = arith.extui %sign3A_902 : i1 to i32
      %sign3A_904 = arith.subi %sign3A_900, %sign3A_903 : i32
      %ne3A_905 = arith.cmpi ne, %sign3A_897, %sign3A_904 : i32
      %rem3A_906 = arith.remsi %add3A_873, %jit3A_889 : i32
      %ne3A_907 = arith.constant 0 : i32
      %ne3A_908 = arith.cmpi ne, %rem3A_906, %ne3A_907 : i32
      %and3A_909 = arith.andi %ne3A_905, %ne3A_908 : i1
      %sub3A_910 = arith.constant 1 : i32
      %sub3A_911 = arith.subi %div3A_890, %sub3A_910 : i32
      %select_n3A_912 = arith.select %and3A_909, %sub3A_911, %div3A_890 : i32
      %jit3A_913 = arith.constant 8 : i32
      %eq3A_914 = arith.constant 0 : i32
      %eq3A_915 = arith.cmpi eq, %jit3A_913, %eq3A_914 : i32
      %jit3A_916 = arith.constant 1 : i32
      %select_n3A_917 = arith.select %eq3A_915, %jit3A_916, %jit3A_913 : i32
      %rem3A_918 = arith.remsi %add3A_873, %select_n3A_917 : i32
      %ne3A_919 = arith.constant 0 : i32
      %ne3A_920 = arith.cmpi ne, %rem3A_918, %ne3A_919 : i32
      %lt3A_921 = arith.constant 0 : i32
      %lt3A_922 = arith.cmpi slt, %rem3A_918, %lt3A_921 : i32
      %lt3A_923 = arith.constant 0 : i32
      %lt3A_924 = arith.cmpi slt, %select_n3A_917, %lt3A_923 : i32
      %ne3A_925 = arith.xori %lt3A_922, %lt3A_924 : i1
      %and3A_926 = arith.andi %ne3A_925, %ne3A_920 : i1
      %add3A_927 = arith.addi %rem3A_918, %select_n3A_917 : i32
      %select_n3A_928 = arith.select %and3A_926, %add3A_927, %rem3A_918 : i32
      %mul3A_929 = arith.constant 16 : i32
      %mul3A_930 = arith.muli %select_n3A_928, %mul3A_929 : i32
      %swap3A_931 = arith.index_cast %select_n3A_912 : i32 to index
      %swap3A_932 = arith.index_cast %mul3A_930 : i32 to index
      %swap3A_933 = tpu.vector_load %arg11[%swap3A_931, %swap3A_932] {strides = array<i32>} : memref<48x128xf32, #tpu.memory_space<vmem>>, vector<1x16xf32>,
      %swap3A_934 = vector.shape_cast %swap3A_933 : vector<1x16xf32> to vector<16xf32>
      %swap3A_935 = vector.shape_cast %add3A_888 : vector<16xf32> to vector<1x16xf32>
      tpu.vector_store %arg11[%swap3A_931, %swap3A_932], %swap3A_935 {strides = array<i32>} : memref<48x128xf32, #tpu.memory_space<vmem>>, vector<1x16xf32>,
      %add3A_936 = arith.constant 208 : i32
      %add3A_937 = arith.addi %add3A_936, %scan3A_395 : i32
      %mul3A_938 = arith.mulf %max3A_452, %max3A_452 : vector<16xf32>
      %mul3A_939 = arith.mulf %max3A_504, %max3A_504 : vector<16xf32>
      %add3A_940 = arith.addf %mul3A_938, %mul3A_939 : vector<16xf32>
      %mul3A_941 = arith.mulf %max3A_556, %max3A_556 : vector<16xf32>
      %add3A_942 = arith.addf %add3A_940, %mul3A_941 : vector<16xf32>
      %mul3A_943 = arith.mulf %max3A_608, %max3A_608 : vector<16xf32>
      %add3A_944 = arith.addf %add3A_942, %mul3A_943 : vector<16xf32>
      %mul3A_945 = arith.mulf %max3A_660, %max3A_660 : vector<16xf32>
      %add3A_946 = arith.addf %add3A_944, %mul3A_945 : vector<16xf32>
      %mul3A_947 = arith.mulf %max3A_712, %max3A_712 : vector<16xf32>
      %add3A_948 = arith.addf %add3A_946, %mul3A_947 : vector<16xf32>
      %mul3A_949 = arith.mulf %max3A_764, %max3A_764 : vector<16xf32>
      %add3A_950 = arith.addf %add3A_948, %mul3A_949 : vector<16xf32>
      %mul3A_951 = arith.mulf %max3A_816, %max3A_816 : vector<16xf32>
      %add3A_952 = arith.addf %add3A_950, %mul3A_951 : vector<16xf32>
      %jit3A_953 = arith.constant 8 : i32
      %div3A_954 = arith.divsi %add3A_937, %jit3A_953 : i32
      %sign3A_955 = arith.constant 0 : i32
      %sign3A_956 = arith.cmpi sgt, %add3A_937, %sign3A_955 : i32
      %sign3A_957 = arith.extui %sign3A_956 : i1 to i32
      %sign3A_958 = arith.constant 0 : i32
      %sign3A_959 = arith.cmpi slt, %add3A_937, %sign3A_958 : i32
      %sign3A_960 = arith.extui %sign3A_959 : i1 to i32
      %sign3A_961 = arith.subi %sign3A_957, %sign3A_960 : i32
      %sign3A_962 = arith.constant 0 : i32
      %sign3A_963 = arith.cmpi sgt, %jit3A_953, %sign3A_962 : i32
      %sign3A_964 = arith.extui %sign3A_963 : i1 to i32
      %sign3A_965 = arith.constant 0 : i32
      %sign3A_966 = arith.cmpi slt, %jit3A_953, %sign3A_965 : i32
      %sign3A_967 = arith.extui %sign3A_966 : i1 to i32
      %sign3A_968 = arith.subi %sign3A_964, %sign3A_967 : i32
      %ne3A_969 = arith.cmpi ne, %sign3A_961, %sign3A_968 : i32
      %rem3A_970 = arith.remsi %add3A_937, %jit3A_953 : i32
      %ne3A_971 = arith.constant 0 : i32
      %ne3A_972 = arith.cmpi ne, %rem3A_970, %ne3A_971 : i32
      %and3A_973 = arith.andi %ne3A_969, %ne3A_972 : i1
      %sub3A_974 = arith.constant 1 : i32
      %sub3A_975 = arith.subi %div3A_954, %sub3A_974 : i32
      %select_n3A_976 = arith.select %and3A_973, %sub3A_975, %div3A_954 : i32
      %jit3A_977 = arith.constant 8 : i32
      %eq3A_978 = arith.constant 0 : i32
      %eq3A_979 = arith.cmpi eq, %jit3A_977, %eq3A_978 : i32
      %jit3A_980 = arith.constant 1 : i32
      %select_n3A_981 = arith.select %eq3A_979, %jit3A_980, %jit3A_977 : i32
      %rem3A_982 = arith.remsi %add3A_937, %select_n3A_981 : i32
      %ne3A_983 = arith.constant 0 : i32
      %ne3A_984 = arith.cmpi ne, %rem3A_982, %ne3A_983 : i32
      %lt3A_985 = arith.constant 0 : i32
      %lt3A_986 = arith.cmpi slt, %rem3A_982, %lt3A_985 : i32
      %lt3A_987 = arith.constant 0 : i32
      %lt3A_988 = arith.cmpi slt, %select_n3A_981, %lt3A_987 : i32
      %ne3A_989 = arith.xori %lt3A_986, %lt3A_988 : i1
      %and3A_990 = arith.andi %ne3A_989, %ne3A_984 : i1
      %add3A_991 = arith.addi %rem3A_982, %select_n3A_981 : i32
      %select_n3A_992 = arith.select %and3A_990, %add3A_991, %rem3A_982 : i32
      %mul3A_993 = arith.constant 16 : i32
      %mul3A_994 = arith.muli %select_n3A_992, %mul3A_993 : i32
      %swap3A_995 = arith.index_cast %select_n3A_976 : i32 to index
      %swap3A_996 = arith.index_cast %mul3A_994 : i32 to index
      %swap3A_997 = tpu.vector_load %arg11[%swap3A_995, %swap3A_996] {strides = array<i32>} : memref<48x128xf32, #tpu.memory_space<vmem>>, vector<1x16xf32>,
      %swap3A_998 = vector.shape_cast %swap3A_997 : vector<1x16xf32> to vector<16xf32>
      %swap3A_999 = vector.shape_cast %add3A_952 : vector<16xf32> to vector<1x16xf32>
      tpu.vector_store %arg11[%swap3A_995, %swap3A_996], %swap3A_999 {strides = array<i32>} : memref<48x128xf32, #tpu.memory_space<vmem>>, vector<1x16xf32>,
      %add3A_1000 = arith.constant 224 : i32
      %add3A_1001 = arith.addi %add3A_1000, %scan3A_395 : i32
      %eq3A_1002 = arith.constant 15 : i32
      %eq3A_1003 = vector.broadcast %eq3A_1002 : i32 to vector<16xi32>
      %eq3A_1004 = arith.cmpi eq, %iota3A, %eq3A_1003 : vector<16xi32>
      %mul3A_1005 = arith.mulf %get3A_401, %get3A_401 : vector<16xf32>
      %jit3A_1006 = arith.constant 0.000000e+00 : f32
      %broadcast_in_dim3A_1007 = vector.broadcast %jit3A_1006 : f32 to vector<16xf32>
      %select_n3A_1008 = arith.select %eq3A_1004, %mul3A_1005, %broadcast_in_dim3A_1007 : vector<16xi1>, vector<16xf32>
      %jit3A_1009 = arith.constant 8 : i32
      %div3A_1010 = arith.divsi %add3A_1001, %jit3A_1009 : i32
      %sign3A_1011 = arith.constant 0 : i32
      %sign3A_1012 = arith.cmpi sgt, %add3A_1001, %sign3A_1011 : i32
      %sign3A_1013 = arith.extui %sign3A_1012 : i1 to i32
      %sign3A_1014 = arith.constant 0 : i32
      %sign3A_1015 = arith.cmpi slt, %add3A_1001, %sign3A_1014 : i32
      %sign3A_1016 = arith.extui %sign3A_1015 : i1 to i32
      %sign3A_1017 = arith.subi %sign3A_1013, %sign3A_1016 : i32
      %sign3A_1018 = arith.constant 0 : i32
      %sign3A_1019 = arith.cmpi sgt, %jit3A_1009, %sign3A_1018 : i32
      %sign3A_1020 = arith.extui %sign3A_1019 : i1 to i32
      %sign3A_1021 = arith.constant 0 : i32
      %sign3A_1022 = arith.cmpi slt, %jit3A_1009, %sign3A_1021 : i32
      %sign3A_1023 = arith.extui %sign3A_1022 : i1 to i32
      %sign3A_1024 = arith.subi %sign3A_1020, %sign3A_1023 : i32
      %ne3A_1025 = arith.cmpi ne, %sign3A_1017, %sign3A_1024 : i32
      %rem3A_1026 = arith.remsi %add3A_1001, %jit3A_1009 : i32
      %ne3A_1027 = arith.constant 0 : i32
      %ne3A_1028 = arith.cmpi ne, %rem3A_1026, %ne3A_1027 : i32
      %and3A_1029 = arith.andi %ne3A_1025, %ne3A_1028 : i1
      %sub3A_1030 = arith.constant 1 : i32
      %sub3A_1031 = arith.subi %div3A_1010, %sub3A_1030 : i32
      %select_n3A_1032 = arith.select %and3A_1029, %sub3A_1031, %div3A_1010 : i32
      %jit3A_1033 = arith.constant 8 : i32
      %eq3A_1034 = arith.constant 0 : i32
      %eq3A_1035 = arith.cmpi eq, %jit3A_1033, %eq3A_1034 : i32
      %jit3A_1036 = arith.constant 1 : i32
      %select_n3A_1037 = arith.select %eq3A_1035, %jit3A_1036, %jit3A_1033 : i32
      %rem3A_1038 = arith.remsi %add3A_1001, %select_n3A_1037 : i32
      %ne3A_1039 = arith.constant 0 : i32
      %ne3A_1040 = arith.cmpi ne, %rem3A_1038, %ne3A_1039 : i32
      %lt3A_1041 = arith.constant 0 : i32
      %lt3A_1042 = arith.cmpi slt, %rem3A_1038, %lt3A_1041 : i32
      %lt3A_1043 = arith.constant 0 : i32
      %lt3A_1044 = arith.cmpi slt, %select_n3A_1037, %lt3A_1043 : i32
      %ne3A_1045 = arith.xori %lt3A_1042, %lt3A_1044 : i1
      %and3A_1046 = arith.andi %ne3A_1045, %ne3A_1040 : i1
      %add3A_1047 = arith.addi %rem3A_1038, %select_n3A_1037 : i32
      %select_n3A_1048 = arith.select %and3A_1046, %add3A_1047, %rem3A_1038 : i32
      %mul3A_1049 = arith.constant 16 : i32
      %mul3A_1050 = arith.muli %select_n3A_1048, %mul3A_1049 : i32
      %swap3A_1051 = arith.index_cast %select_n3A_1032 : i32 to index
      %swap3A_1052 = arith.index_cast %mul3A_1050 : i32 to index
      %swap3A_1053 = tpu.vector_load %arg11[%swap3A_1051, %swap3A_1052] {strides = array<i32>} : memref<48x128xf32, #tpu.memory_space<vmem>>, vector<1x16xf32>,
      %swap3A_1054 = vector.shape_cast %swap3A_1053 : vector<1x16xf32> to vector<16xf32>
      %swap3A_1055 = vector.shape_cast %select_n3A_1008 : vector<16xf32> to vector<1x16xf32>
      tpu.vector_store %arg11[%swap3A_1051, %swap3A_1052], %swap3A_1055 {strides = array<i32>} : memref<48x128xf32, #tpu.memory_space<vmem>>, vector<1x16xf32>,
      %scan3A_1056 = arith.constant 0 : i32
      scf.yield %scan3A_1056 : i32
    }
    %scan3A_59 = arith.constant 16 : i32
    %dma_wait3A_60 = arith.constant 1 : i32
    %dma_wait3A_61 = arith.constant 112 : i32
    %dma_wait3A_62 = arith.constant 0 : i32
    %dma_wait3A_63 = tpu.memref_slice %arg9[%dma_wait3A_61, %dma_wait3A_62] : memref<224x256xf32, #tpu.memory_space<vmem>> -> memref<112x256xf32, #tpu.memory_space<vmem>>
    %dma_wait3A_64 = arith.constant 0 : i32
    %dma_wait3A_65 = tpu.memref_slice %arg7[%dma_wait3A_60, %dma_wait3A_64] : memref<2x112xi32, #tpu.memory_space<vmem>> -> memref<1x112xi32, #tpu.memory_space<vmem>>
    %dma_wait3A_66 = tpu.memref_squeeze %dma_wait3A_65 : memref<1x112xi32, #tpu.memory_space<vmem>> -> memref<112xi32, #tpu.memory_space<vmem>>
    %dma_wait3A_67 = arith.constant 0 : i32
    %dma_wait3A_68 = arith.constant 0 : i32
    %dma_wait3A_69 = tpu.memref_slice %arg2[%dma_wait3A_67, %dma_wait3A_68] : memref<1000x256xf32, #tpu.memory_space<hbm>> -> memref<1000x256xf32, #tpu.memory_space<hbm>>
    tpu.wait_indirect_dma semaphore(%arg13 : memref<!tpu.dma_semaphore, #tpu.memory_space<semaphore_mem>>) src(%dma_wait3A_69 : memref<1000x256xf32, #tpu.memory_space<hbm>>) dst(%dma_wait3A_63 : memref<112x256xf32, #tpu.memory_space<vmem>>)
    %scan3A_70 = arith.constant 5.000000e-02 : f32
    %scan3A_71 = arith.constant 1.000000e-01 : f32
    %scan3A_72 = arith.constant 0 : i32
    %scan3A_73 = arith.constant 0 : i32
    %scan3A_74 = arith.constant 16 : i32
    %scan3A_75 = arith.addi %scan3A_73, %scan3A_74 : i32
    %scan3A_76 = arith.constant 1 : i32
    %scan3A_77 = scf.for %scan3A_395 = %scan3A_73 to %scan3A_75 step %scan3A_76 iter_args(%scan3A_396 = %scan3A_72) -> (i32)  : i32 {
      %add3A_397 = arith.constant 16 : i32
      %add3A_398 = arith.addi %add3A_397, %scan3A_395 : i32
      %get3A = arith.index_cast %add3A_398 : i32 to index
      %get3A_399 = arith.constant 113 : index
      %get3A_400 = tpu.vector_load %arg10[%get3A, %get3A_399] {strides = array<i32>} : memref<32x256xf32, #tpu.memory_space<vmem>>, vector<1x16xf32>,
      %get3A_401 = vector.shape_cast %get3A_400 : vector<1x16xf32> to vector<16xf32>
      %slice3A = vector.extract_strided_slice %get3A_401 {offsets = [15], sizes = [1], strides = [1]} : vector<16xf32> to vector<1xf32>
      %squeeze3A = vector.extract %slice3A[0] : f32 from vector<1xf32>
      %abs3A = math.absf %squeeze3A : f32
      %add3A_402 = arith.addf %scan3A_70, %abs3A : f32
      %add3A_403 = arith.constant 112 : i32
      %add3A_404 = arith.addi %add3A_403, %scan3A_395 : i32
      %get3A_405 = arith.index_cast %add3A_404 : i32 to index
      %get3A_406 = arith.constant 0 : index
      %get3A_407 = tpu.vector_load %arg9[%get3A_405, %get3A_406] {strides = array<i32>} : memref<224x256xf32, #tpu.memory_space<vmem>>, vector<1x16xf32>,
      %get3A_408 = vector.shape_cast %get3A_407 : vector<1x16xf32> to vector<16xf32>
      %add3A_409 = arith.constant 112 : i32
      %add3A_410 = arith.addi %add3A_409, %scan3A_395 : i32
      %get3A_411 = arith.index_cast %add3A_410 : i32 to index
      %get3A_412 = arith.constant 128 : index
      %get3A_413 = tpu.vector_load %arg9[%get3A_411, %get3A_412] {strides = array<i32>} : memref<224x256xf32, #tpu.memory_space<vmem>>, vector<1x16xf32>,
      %get3A_414 = vector.shape_cast %get3A_413 : vector<1x16xf32> to vector<16xf32>
      %abs3A_415 = math.absf %get3A_414 : vector<16xf32>
      %add3A_416 = arith.constant 128 : i32
      %add3A_417 = arith.addi %add3A_416, %scan3A_395 : i32
      %get3A_418 = arith.index_cast %add3A_417 : i32 to index
      %get3A_419 = arith.constant 0 : index
      %get3A_420 = tpu.vector_load %arg9[%get3A_418, %get3A_419] {strides = array<i32>} : memref<224x256xf32, #tpu.memory_space<vmem>>, vector<1x16xf32>,
      %get3A_421 = vector.shape_cast %get3A_420 : vector<1x16xf32> to vector<16xf32>
      %add3A_422 = arith.constant 128 : i32
      %add3A_423 = arith.addi %add3A_422, %scan3A_395 : i32
      %get3A_424 = arith.index_cast %add3A_423 : i32 to index
      %get3A_425 = arith.constant 128 : index
      %get3A_426 = tpu.vector_load %arg9[%get3A_424, %get3A_425] {strides = array<i32>} : memref<224x256xf32, #tpu.memory_space<vmem>>, vector<1x16xf32>,
      %get3A_427 = vector.shape_cast %get3A_426 : vector<1x16xf32> to vector<16xf32>
      %abs3A_428 = math.absf %get3A_427 : vector<16xf32>
      %add3A_429 = arith.constant 16 : i32
      %add3A_430 = arith.addi %add3A_429, %scan3A_395 : i32
      %get3A_431 = arith.index_cast %add3A_430 : i32 to index
      %get3A_432 = arith.constant 0 : index
      %get3A_433 = tpu.vector_load %arg10[%get3A_431, %get3A_432] {strides = array<i32>} : memref<32x256xf32, #tpu.memory_space<vmem>>, vector<1x16xf32>,
      %get3A_434 = vector.shape_cast %get3A_433 : vector<1x16xf32> to vector<16xf32>
      %sub3A = arith.subf %get3A_408, %get3A_434 : vector<16xf32>
      %sub3A_435 = arith.subf %sub3A, %get3A_421 : vector<16xf32>
      %abs3A_436 = math.absf %sub3A_435 : vector<16xf32>
      %sub3A_437 = arith.subf %abs3A_436, %abs3A_415 : vector<16xf32>
      %sub3A_438 = arith.subf %sub3A_437, %abs3A_428 : vector<16xf32>
      %add3A_439 = vector.broadcast %add3A_402 : f32 to vector<16xf32>
      %add3A_440 = arith.addf %sub3A_438, %add3A_439 : vector<16xf32>
      %max3A = arith.constant 0.000000e+00 : f32
      %max3A_441 = vector.broadcast %max3A : f32 to vector<16xf32>
      %max3A_442 = arith.maximumf %add3A_440, %max3A_441 : vector<16xf32>
      %sub3A_443 = vector.broadcast %scan3A_71 : f32 to vector<16xf32>
      %sub3A_444 = arith.subf %sub3A_443, %abs3A_415 : vector<16xf32>
      %max3A_445 = arith.constant 0.000000e+00 : f32
      %max3A_446 = vector.broadcast %max3A_445 : f32 to vector<16xf32>
      %max3A_447 = arith.maximumf %sub3A_444, %max3A_446 : vector<16xf32>
      %sub3A_448 = vector.broadcast %scan3A_71 : f32 to vector<16xf32>
      %sub3A_449 = arith.subf %sub3A_448, %abs3A_428 : vector<16xf32>
      %max3A_450 = arith.constant 0.000000e+00 : f32
      %max3A_451 = vector.broadcast %max3A_450 : f32 to vector<16xf32>
      %max3A_452 = arith.maximumf %sub3A_449, %max3A_451 : vector<16xf32>
      %add3A_453 = arith.constant 112 : i32
      %add3A_454 = arith.addi %add3A_453, %scan3A_395 : i32
      %get3A_455 = arith.index_cast %add3A_454 : i32 to index
      %get3A_456 = arith.constant 16 : index
      %get3A_457 = tpu.vector_load %arg9[%get3A_455, %get3A_456] {strides = array<i32>} : memref<224x256xf32, #tpu.memory_space<vmem>>, vector<1x16xf32>,
      %get3A_458 = vector.shape_cast %get3A_457 : vector<1x16xf32> to vector<16xf32>
      %add3A_459 = arith.constant 112 : i32
      %add3A_460 = arith.addi %add3A_459, %scan3A_395 : i32
      %get3A_461 = arith.index_cast %add3A_460 : i32 to index
      %get3A_462 = arith.constant 144 : index
      %get3A_463 = tpu.vector_load %arg9[%get3A_461, %get3A_462] {strides = array<i32>} : memref<224x256xf32, #tpu.memory_space<vmem>>, vector<1x16xf32>,
      %get3A_464 = vector.shape_cast %get3A_463 : vector<1x16xf32> to vector<16xf32>
      %abs3A_465 = math.absf %get3A_464 : vector<16xf32>
      %add3A_466 = arith.constant 128 : i32
      %add3A_467 = arith.addi %add3A_466, %scan3A_395 : i32
      %get3A_468 = arith.index_cast %add3A_467 : i32 to index
      %get3A_469 = arith.constant 16 : index
      %get3A_470 = tpu.vector_load %arg9[%get3A_468, %get3A_469] {strides = array<i32>} : memref<224x256xf32, #tpu.memory_space<vmem>>, vector<1x16xf32>,
      %get3A_471 = vector.shape_cast %get3A_470 : vector<1x16xf32> to vector<16xf32>
      %add3A_472 = arith.constant 128 : i32
      %add3A_473 = arith.addi %add3A_472, %scan3A_395 : i32
      %get3A_474 = arith.index_cast %add3A_473 : i32 to index
      %get3A_475 = arith.constant 144 : index
      %get3A_476 = tpu.vector_load %arg9[%get3A_474, %get3A_475] {strides = array<i32>} : memref<224x256xf32, #tpu.memory_space<vmem>>, vector<1x16xf32>,
      %get3A_477 = vector.shape_cast %get3A_476 : vector<1x16xf32> to vector<16xf32>
      %abs3A_478 = math.absf %get3A_477 : vector<16xf32>
      %add3A_479 = arith.constant 16 : i32
      %add3A_480 = arith.addi %add3A_479, %scan3A_395 : i32
      %get3A_481 = arith.index_cast %add3A_480 : i32 to index
      %get3A_482 = arith.constant 16 : index
      %get3A_483 = tpu.vector_load %arg10[%get3A_481, %get3A_482] {strides = array<i32>} : memref<32x256xf32, #tpu.memory_space<vmem>>, vector<1x16xf32>,
      %get3A_484 = vector.shape_cast %get3A_483 : vector<1x16xf32> to vector<16xf32>
      %sub3A_485 = arith.subf %get3A_458, %get3A_484 : vector<16xf32>
      %sub3A_486 = arith.subf %sub3A_485, %get3A_471 : vector<16xf32>
      %abs3A_487 = math.absf %sub3A_486 : vector<16xf32>
      %sub3A_488 = arith.subf %abs3A_487, %abs3A_465 : vector<16xf32>
      %sub3A_489 = arith.subf %sub3A_488, %abs3A_478 : vector<16xf32>
      %add3A_490 = vector.broadcast %add3A_402 : f32 to vector<16xf32>
      %add3A_491 = arith.addf %sub3A_489, %add3A_490 : vector<16xf32>
      %max3A_492 = arith.constant 0.000000e+00 : f32
      %max3A_493 = vector.broadcast %max3A_492 : f32 to vector<16xf32>
      %max3A_494 = arith.maximumf %add3A_491, %max3A_493 : vector<16xf32>
      %sub3A_495 = vector.broadcast %scan3A_71 : f32 to vector<16xf32>
      %sub3A_496 = arith.subf %sub3A_495, %abs3A_465 : vector<16xf32>
      %max3A_497 = arith.constant 0.000000e+00 : f32
      %max3A_498 = vector.broadcast %max3A_497 : f32 to vector<16xf32>
      %max3A_499 = arith.maximumf %sub3A_496, %max3A_498 : vector<16xf32>
      %sub3A_500 = vector.broadcast %scan3A_71 : f32 to vector<16xf32>
      %sub3A_501 = arith.subf %sub3A_500, %abs3A_478 : vector<16xf32>
      %max3A_502 = arith.constant 0.000000e+00 : f32
      %max3A_503 = vector.broadcast %max3A_502 : f32 to vector<16xf32>
      %max3A_504 = arith.maximumf %sub3A_501, %max3A_503 : vector<16xf32>
      %add3A_505 = arith.constant 112 : i32
      %add3A_506 = arith.addi %add3A_505, %scan3A_395 : i32
      %get3A_507 = arith.index_cast %add3A_506 : i32 to index
      %get3A_508 = arith.constant 32 : index
      %get3A_509 = tpu.vector_load %arg9[%get3A_507, %get3A_508] {strides = array<i32>} : memref<224x256xf32, #tpu.memory_space<vmem>>, vector<1x16xf32>,
      %get3A_510 = vector.shape_cast %get3A_509 : vector<1x16xf32> to vector<16xf32>
      %add3A_511 = arith.constant 112 : i32
      %add3A_512 = arith.addi %add3A_511, %scan3A_395 : i32
      %get3A_513 = arith.index_cast %add3A_512 : i32 to index
      %get3A_514 = arith.constant 160 : index
      %get3A_515 = tpu.vector_load %arg9[%get3A_513, %get3A_514] {strides = array<i32>} : memref<224x256xf32, #tpu.memory_space<vmem>>, vector<1x16xf32>,
      %get3A_516 = vector.shape_cast %get3A_515 : vector<1x16xf32> to vector<16xf32>
      %abs3A_517 = math.absf %get3A_516 : vector<16xf32>
      %add3A_518 = arith.constant 128 : i32
      %add3A_519 = arith.addi %add3A_518, %scan3A_395 : i32
      %get3A_520 = arith.index_cast %add3A_519 : i32 to index
      %get3A_521 = arith.constant 32 : index
      %get3A_522 = tpu.vector_load %arg9[%get3A_520, %get3A_521] {strides = array<i32>} : memref<224x256xf32, #tpu.memory_space<vmem>>, vector<1x16xf32>,
      %get3A_523 = vector.shape_cast %get3A_522 : vector<1x16xf32> to vector<16xf32>
      %add3A_524 = arith.constant 128 : i32
      %add3A_525 = arith.addi %add3A_524, %scan3A_395 : i32
      %get3A_526 = arith.index_cast %add3A_525 : i32 to index
      %get3A_527 = arith.constant 160 : index
      %get3A_528 = tpu.vector_load %arg9[%get3A_526, %get3A_527] {strides = array<i32>} : memref<224x256xf32, #tpu.memory_space<vmem>>, vector<1x16xf32>,
      %get3A_529 = vector.shape_cast %get3A_528 : vector<1x16xf32> to vector<16xf32>
      %abs3A_530 = math.absf %get3A_529 : vector<16xf32>
      %add3A_531 = arith.constant 16 : i32
      %add3A_532 = arith.addi %add3A_531, %scan3A_395 : i32
      %get3A_533 = arith.index_cast %add3A_532 : i32 to index
      %get3A_534 = arith.constant 32 : index
      %get3A_535 = tpu.vector_load %arg10[%get3A_533, %get3A_534] {strides = array<i32>} : memref<32x256xf32, #tpu.memory_space<vmem>>, vector<1x16xf32>,
      %get3A_536 = vector.shape_cast %get3A_535 : vector<1x16xf32> to vector<16xf32>
      %sub3A_537 = arith.subf %get3A_510, %get3A_536 : vector<16xf32>
      %sub3A_538 = arith.subf %sub3A_537, %get3A_523 : vector<16xf32>
      %abs3A_539 = math.absf %sub3A_538 : vector<16xf32>
      %sub3A_540 = arith.subf %abs3A_539, %abs3A_517 : vector<16xf32>
      %sub3A_541 = arith.subf %sub3A_540, %abs3A_530 : vector<16xf32>
      %add3A_542 = vector.broadcast %add3A_402 : f32 to vector<16xf32>
      %add3A_543 = arith.addf %sub3A_541, %add3A_542 : vector<16xf32>
      %max3A_544 = arith.constant 0.000000e+00 : f32
      %max3A_545 = vector.broadcast %max3A_544 : f32 to vector<16xf32>
      %max3A_546 = arith.maximumf %add3A_543, %max3A_545 : vector<16xf32>
      %sub3A_547 = vector.broadcast %scan3A_71 : f32 to vector<16xf32>
      %sub3A_548 = arith.subf %sub3A_547, %abs3A_517 : vector<16xf32>
      %max3A_549 = arith.constant 0.000000e+00 : f32
      %max3A_550 = vector.broadcast %max3A_549 : f32 to vector<16xf32>
      %max3A_551 = arith.maximumf %sub3A_548, %max3A_550 : vector<16xf32>
      %sub3A_552 = vector.broadcast %scan3A_71 : f32 to vector<16xf32>
      %sub3A_553 = arith.subf %sub3A_552, %abs3A_530 : vector<16xf32>
      %max3A_554 = arith.constant 0.000000e+00 : f32
      %max3A_555 = vector.broadcast %max3A_554 : f32 to vector<16xf32>
      %max3A_556 = arith.maximumf %sub3A_553, %max3A_555 : vector<16xf32>
      %add3A_557 = arith.constant 112 : i32
      %add3A_558 = arith.addi %add3A_557, %scan3A_395 : i32
      %get3A_559 = arith.index_cast %add3A_558 : i32 to index
      %get3A_560 = arith.constant 48 : index
      %get3A_561 = tpu.vector_load %arg9[%get3A_559, %get3A_560] {strides = array<i32>} : memref<224x256xf32, #tpu.memory_space<vmem>>, vector<1x16xf32>,
      %get3A_562 = vector.shape_cast %get3A_561 : vector<1x16xf32> to vector<16xf32>
      %add3A_563 = arith.constant 112 : i32
      %add3A_564 = arith.addi %add3A_563, %scan3A_395 : i32
      %get3A_565 = arith.index_cast %add3A_564 : i32 to index
      %get3A_566 = arith.constant 176 : index
      %get3A_567 = tpu.vector_load %arg9[%get3A_565, %get3A_566] {strides = array<i32>} : memref<224x256xf32, #tpu.memory_space<vmem>>, vector<1x16xf32>,
      %get3A_568 = vector.shape_cast %get3A_567 : vector<1x16xf32> to vector<16xf32>
      %abs3A_569 = math.absf %get3A_568 : vector<16xf32>
      %add3A_570 = arith.constant 128 : i32
      %add3A_571 = arith.addi %add3A_570, %scan3A_395 : i32
      %get3A_572 = arith.index_cast %add3A_571 : i32 to index
      %get3A_573 = arith.constant 48 : index
      %get3A_574 = tpu.vector_load %arg9[%get3A_572, %get3A_573] {strides = array<i32>} : memref<224x256xf32, #tpu.memory_space<vmem>>, vector<1x16xf32>,
      %get3A_575 = vector.shape_cast %get3A_574 : vector<1x16xf32> to vector<16xf32>
      %add3A_576 = arith.constant 128 : i32
      %add3A_577 = arith.addi %add3A_576, %scan3A_395 : i32
      %get3A_578 = arith.index_cast %add3A_577 : i32 to index
      %get3A_579 = arith.constant 176 : index
      %get3A_580 = tpu.vector_load %arg9[%get3A_578, %get3A_579] {strides = array<i32>} : memref<224x256xf32, #tpu.memory_space<vmem>>, vector<1x16xf32>,
      %get3A_581 = vector.shape_cast %get3A_580 : vector<1x16xf32> to vector<16xf32>
      %abs3A_582 = math.absf %get3A_581 : vector<16xf32>
      %add3A_583 = arith.constant 16 : i32
      %add3A_584 = arith.addi %add3A_583, %scan3A_395 : i32
      %get3A_585 = arith.index_cast %add3A_584 : i32 to index
      %get3A_586 = arith.constant 48 : index
      %get3A_587 = tpu.vector_load %arg10[%get3A_585, %get3A_586] {strides = array<i32>} : memref<32x256xf32, #tpu.memory_space<vmem>>, vector<1x16xf32>,
      %get3A_588 = vector.shape_cast %get3A_587 : vector<1x16xf32> to vector<16xf32>
      %sub3A_589 = arith.subf %get3A_562, %get3A_588 : vector<16xf32>
      %sub3A_590 = arith.subf %sub3A_589, %get3A_575 : vector<16xf32>
      %abs3A_591 = math.absf %sub3A_590 : vector<16xf32>
      %sub3A_592 = arith.subf %abs3A_591, %abs3A_569 : vector<16xf32>
      %sub3A_593 = arith.subf %sub3A_592, %abs3A_582 : vector<16xf32>
      %add3A_594 = vector.broadcast %add3A_402 : f32 to vector<16xf32>
      %add3A_595 = arith.addf %sub3A_593, %add3A_594 : vector<16xf32>
      %max3A_596 = arith.constant 0.000000e+00 : f32
      %max3A_597 = vector.broadcast %max3A_596 : f32 to vector<16xf32>
      %max3A_598 = arith.maximumf %add3A_595, %max3A_597 : vector<16xf32>
      %sub3A_599 = vector.broadcast %scan3A_71 : f32 to vector<16xf32>
      %sub3A_600 = arith.subf %sub3A_599, %abs3A_569 : vector<16xf32>
      %max3A_601 = arith.constant 0.000000e+00 : f32
      %max3A_602 = vector.broadcast %max3A_601 : f32 to vector<16xf32>
      %max3A_603 = arith.maximumf %sub3A_600, %max3A_602 : vector<16xf32>
      %sub3A_604 = vector.broadcast %scan3A_71 : f32 to vector<16xf32>
      %sub3A_605 = arith.subf %sub3A_604, %abs3A_582 : vector<16xf32>
      %max3A_606 = arith.constant 0.000000e+00 : f32
      %max3A_607 = vector.broadcast %max3A_606 : f32 to vector<16xf32>
      %max3A_608 = arith.maximumf %sub3A_605, %max3A_607 : vector<16xf32>
      %add3A_609 = arith.constant 112 : i32
      %add3A_610 = arith.addi %add3A_609, %scan3A_395 : i32
      %get3A_611 = arith.index_cast %add3A_610 : i32 to index
      %get3A_612 = arith.constant 64 : index
      %get3A_613 = tpu.vector_load %arg9[%get3A_611, %get3A_612] {strides = array<i32>} : memref<224x256xf32, #tpu.memory_space<vmem>>, vector<1x16xf32>,
      %get3A_614 = vector.shape_cast %get3A_613 : vector<1x16xf32> to vector<16xf32>
      %add3A_615 = arith.constant 112 : i32
      %add3A_616 = arith.addi %add3A_615, %scan3A_395 : i32
      %get3A_617 = arith.index_cast %add3A_616 : i32 to index
      %get3A_618 = arith.constant 192 : index
      %get3A_619 = tpu.vector_load %arg9[%get3A_617, %get3A_618] {strides = array<i32>} : memref<224x256xf32, #tpu.memory_space<vmem>>, vector<1x16xf32>,
      %get3A_620 = vector.shape_cast %get3A_619 : vector<1x16xf32> to vector<16xf32>
      %abs3A_621 = math.absf %get3A_620 : vector<16xf32>
      %add3A_622 = arith.constant 128 : i32
      %add3A_623 = arith.addi %add3A_622, %scan3A_395 : i32
      %get3A_624 = arith.index_cast %add3A_623 : i32 to index
      %get3A_625 = arith.constant 64 : index
      %get3A_626 = tpu.vector_load %arg9[%get3A_624, %get3A_625] {strides = array<i32>} : memref<224x256xf32, #tpu.memory_space<vmem>>, vector<1x16xf32>,
      %get3A_627 = vector.shape_cast %get3A_626 : vector<1x16xf32> to vector<16xf32>
      %add3A_628 = arith.constant 128 : i32
      %add3A_629 = arith.addi %add3A_628, %scan3A_395 : i32
      %get3A_630 = arith.index_cast %add3A_629 : i32 to index
      %get3A_631 = arith.constant 192 : index
      %get3A_632 = tpu.vector_load %arg9[%get3A_630, %get3A_631] {strides = array<i32>} : memref<224x256xf32, #tpu.memory_space<vmem>>, vector<1x16xf32>,
      %get3A_633 = vector.shape_cast %get3A_632 : vector<1x16xf32> to vector<16xf32>
      %abs3A_634 = math.absf %get3A_633 : vector<16xf32>
      %add3A_635 = arith.constant 16 : i32
      %add3A_636 = arith.addi %add3A_635, %scan3A_395 : i32
      %get3A_637 = arith.index_cast %add3A_636 : i32 to index
      %get3A_638 = arith.constant 64 : index
      %get3A_639 = tpu.vector_load %arg10[%get3A_637, %get3A_638] {strides = array<i32>} : memref<32x256xf32, #tpu.memory_space<vmem>>, vector<1x16xf32>,
      %get3A_640 = vector.shape_cast %get3A_639 : vector<1x16xf32> to vector<16xf32>
      %sub3A_641 = arith.subf %get3A_614, %get3A_640 : vector<16xf32>
      %sub3A_642 = arith.subf %sub3A_641, %get3A_627 : vector<16xf32>
      %abs3A_643 = math.absf %sub3A_642 : vector<16xf32>
      %sub3A_644 = arith.subf %abs3A_643, %abs3A_621 : vector<16xf32>
      %sub3A_645 = arith.subf %sub3A_644, %abs3A_634 : vector<16xf32>
      %add3A_646 = vector.broadcast %add3A_402 : f32 to vector<16xf32>
      %add3A_647 = arith.addf %sub3A_645, %add3A_646 : vector<16xf32>
      %max3A_648 = arith.constant 0.000000e+00 : f32
      %max3A_649 = vector.broadcast %max3A_648 : f32 to vector<16xf32>
      %max3A_650 = arith.maximumf %add3A_647, %max3A_649 : vector<16xf32>
      %sub3A_651 = vector.broadcast %scan3A_71 : f32 to vector<16xf32>
      %sub3A_652 = arith.subf %sub3A_651, %abs3A_621 : vector<16xf32>
      %max3A_653 = arith.constant 0.000000e+00 : f32
      %max3A_654 = vector.broadcast %max3A_653 : f32 to vector<16xf32>
      %max3A_655 = arith.maximumf %sub3A_652, %max3A_654 : vector<16xf32>
      %sub3A_656 = vector.broadcast %scan3A_71 : f32 to vector<16xf32>
      %sub3A_657 = arith.subf %sub3A_656, %abs3A_634 : vector<16xf32>
      %max3A_658 = arith.constant 0.000000e+00 : f32
      %max3A_659 = vector.broadcast %max3A_658 : f32 to vector<16xf32>
      %max3A_660 = arith.maximumf %sub3A_657, %max3A_659 : vector<16xf32>
      %add3A_661 = arith.constant 112 : i32
      %add3A_662 = arith.addi %add3A_661, %scan3A_395 : i32
      %get3A_663 = arith.index_cast %add3A_662 : i32 to index
      %get3A_664 = arith.constant 80 : index
      %get3A_665 = tpu.vector_load %arg9[%get3A_663, %get3A_664] {strides = array<i32>} : memref<224x256xf32, #tpu.memory_space<vmem>>, vector<1x16xf32>,
      %get3A_666 = vector.shape_cast %get3A_665 : vector<1x16xf32> to vector<16xf32>
      %add3A_667 = arith.constant 112 : i32
      %add3A_668 = arith.addi %add3A_667, %scan3A_395 : i32
      %get3A_669 = arith.index_cast %add3A_668 : i32 to index
      %get3A_670 = arith.constant 208 : index
      %get3A_671 = tpu.vector_load %arg9[%get3A_669, %get3A_670] {strides = array<i32>} : memref<224x256xf32, #tpu.memory_space<vmem>>, vector<1x16xf32>,
      %get3A_672 = vector.shape_cast %get3A_671 : vector<1x16xf32> to vector<16xf32>
      %abs3A_673 = math.absf %get3A_672 : vector<16xf32>
      %add3A_674 = arith.constant 128 : i32
      %add3A_675 = arith.addi %add3A_674, %scan3A_395 : i32
      %get3A_676 = arith.index_cast %add3A_675 : i32 to index
      %get3A_677 = arith.constant 80 : index
      %get3A_678 = tpu.vector_load %arg9[%get3A_676, %get3A_677] {strides = array<i32>} : memref<224x256xf32, #tpu.memory_space<vmem>>, vector<1x16xf32>,
      %get3A_679 = vector.shape_cast %get3A_678 : vector<1x16xf32> to vector<16xf32>
      %add3A_680 = arith.constant 128 : i32
      %add3A_681 = arith.addi %add3A_680, %scan3A_395 : i32
      %get3A_682 = arith.index_cast %add3A_681 : i32 to index
      %get3A_683 = arith.constant 208 : index
      %get3A_684 = tpu.vector_load %arg9[%get3A_682, %get3A_683] {strides = array<i32>} : memref<224x256xf32, #tpu.memory_space<vmem>>, vector<1x16xf32>,
      %get3A_685 = vector.shape_cast %get3A_684 : vector<1x16xf32> to vector<16xf32>
      %abs3A_686 = math.absf %get3A_685 : vector<16xf32>
      %add3A_687 = arith.constant 16 : i32
      %add3A_688 = arith.addi %add3A_687, %scan3A_395 : i32
      %get3A_689 = arith.index_cast %add3A_688 : i32 to index
      %get3A_690 = arith.constant 80 : index
      %get3A_691 = tpu.vector_load %arg10[%get3A_689, %get3A_690] {strides = array<i32>} : memref<32x256xf32, #tpu.memory_space<vmem>>, vector<1x16xf32>,
      %get3A_692 = vector.shape_cast %get3A_691 : vector<1x16xf32> to vector<16xf32>
      %sub3A_693 = arith.subf %get3A_666, %get3A_692 : vector<16xf32>
      %sub3A_694 = arith.subf %sub3A_693, %get3A_679 : vector<16xf32>
      %abs3A_695 = math.absf %sub3A_694 : vector<16xf32>
      %sub3A_696 = arith.subf %abs3A_695, %abs3A_673 : vector<16xf32>
      %sub3A_697 = arith.subf %sub3A_696, %abs3A_686 : vector<16xf32>
      %add3A_698 = vector.broadcast %add3A_402 : f32 to vector<16xf32>
      %add3A_699 = arith.addf %sub3A_697, %add3A_698 : vector<16xf32>
      %max3A_700 = arith.constant 0.000000e+00 : f32
      %max3A_701 = vector.broadcast %max3A_700 : f32 to vector<16xf32>
      %max3A_702 = arith.maximumf %add3A_699, %max3A_701 : vector<16xf32>
      %sub3A_703 = vector.broadcast %scan3A_71 : f32 to vector<16xf32>
      %sub3A_704 = arith.subf %sub3A_703, %abs3A_673 : vector<16xf32>
      %max3A_705 = arith.constant 0.000000e+00 : f32
      %max3A_706 = vector.broadcast %max3A_705 : f32 to vector<16xf32>
      %max3A_707 = arith.maximumf %sub3A_704, %max3A_706 : vector<16xf32>
      %sub3A_708 = vector.broadcast %scan3A_71 : f32 to vector<16xf32>
      %sub3A_709 = arith.subf %sub3A_708, %abs3A_686 : vector<16xf32>
      %max3A_710 = arith.constant 0.000000e+00 : f32
      %max3A_711 = vector.broadcast %max3A_710 : f32 to vector<16xf32>
      %max3A_712 = arith.maximumf %sub3A_709, %max3A_711 : vector<16xf32>
      %add3A_713 = arith.constant 112 : i32
      %add3A_714 = arith.addi %add3A_713, %scan3A_395 : i32
      %get3A_715 = arith.index_cast %add3A_714 : i32 to index
      %get3A_716 = arith.constant 96 : index
      %get3A_717 = tpu.vector_load %arg9[%get3A_715, %get3A_716] {strides = array<i32>} : memref<224x256xf32, #tpu.memory_space<vmem>>, vector<1x16xf32>,
      %get3A_718 = vector.shape_cast %get3A_717 : vector<1x16xf32> to vector<16xf32>
      %add3A_719 = arith.constant 112 : i32
      %add3A_720 = arith.addi %add3A_719, %scan3A_395 : i32
      %get3A_721 = arith.index_cast %add3A_720 : i32 to index
      %get3A_722 = arith.constant 224 : index
      %get3A_723 = tpu.vector_load %arg9[%get3A_721, %get3A_722] {strides = array<i32>} : memref<224x256xf32, #tpu.memory_space<vmem>>, vector<1x16xf32>,
      %get3A_724 = vector.shape_cast %get3A_723 : vector<1x16xf32> to vector<16xf32>
      %abs3A_725 = math.absf %get3A_724 : vector<16xf32>
      %add3A_726 = arith.constant 128 : i32
      %add3A_727 = arith.addi %add3A_726, %scan3A_395 : i32
      %get3A_728 = arith.index_cast %add3A_727 : i32 to index
      %get3A_729 = arith.constant 96 : index
      %get3A_730 = tpu.vector_load %arg9[%get3A_728, %get3A_729] {strides = array<i32>} : memref<224x256xf32, #tpu.memory_space<vmem>>, vector<1x16xf32>,
      %get3A_731 = vector.shape_cast %get3A_730 : vector<1x16xf32> to vector<16xf32>
      %add3A_732 = arith.constant 128 : i32
      %add3A_733 = arith.addi %add3A_732, %scan3A_395 : i32
      %get3A_734 = arith.index_cast %add3A_733 : i32 to index
      %get3A_735 = arith.constant 224 : index
      %get3A_736 = tpu.vector_load %arg9[%get3A_734, %get3A_735] {strides = array<i32>} : memref<224x256xf32, #tpu.memory_space<vmem>>, vector<1x16xf32>,
      %get3A_737 = vector.shape_cast %get3A_736 : vector<1x16xf32> to vector<16xf32>
      %abs3A_738 = math.absf %get3A_737 : vector<16xf32>
      %add3A_739 = arith.constant 16 : i32
      %add3A_740 = arith.addi %add3A_739, %scan3A_395 : i32
      %get3A_741 = arith.index_cast %add3A_740 : i32 to index
      %get3A_742 = arith.constant 96 : index
      %get3A_743 = tpu.vector_load %arg10[%get3A_741, %get3A_742] {strides = array<i32>} : memref<32x256xf32, #tpu.memory_space<vmem>>, vector<1x16xf32>,
      %get3A_744 = vector.shape_cast %get3A_743 : vector<1x16xf32> to vector<16xf32>
      %sub3A_745 = arith.subf %get3A_718, %get3A_744 : vector<16xf32>
      %sub3A_746 = arith.subf %sub3A_745, %get3A_731 : vector<16xf32>
      %abs3A_747 = math.absf %sub3A_746 : vector<16xf32>
      %sub3A_748 = arith.subf %abs3A_747, %abs3A_725 : vector<16xf32>
      %sub3A_749 = arith.subf %sub3A_748, %abs3A_738 : vector<16xf32>
      %add3A_750 = vector.broadcast %add3A_402 : f32 to vector<16xf32>
      %add3A_751 = arith.addf %sub3A_749, %add3A_750 : vector<16xf32>
      %max3A_752 = arith.constant 0.000000e+00 : f32
      %max3A_753 = vector.broadcast %max3A_752 : f32 to vector<16xf32>
      %max3A_754 = arith.maximumf %add3A_751, %max3A_753 : vector<16xf32>
      %sub3A_755 = vector.broadcast %scan3A_71 : f32 to vector<16xf32>
      %sub3A_756 = arith.subf %sub3A_755, %abs3A_725 : vector<16xf32>
      %max3A_757 = arith.constant 0.000000e+00 : f32
      %max3A_758 = vector.broadcast %max3A_757 : f32 to vector<16xf32>
      %max3A_759 = arith.maximumf %sub3A_756, %max3A_758 : vector<16xf32>
      %sub3A_760 = vector.broadcast %scan3A_71 : f32 to vector<16xf32>
      %sub3A_761 = arith.subf %sub3A_760, %abs3A_738 : vector<16xf32>
      %max3A_762 = arith.constant 0.000000e+00 : f32
      %max3A_763 = vector.broadcast %max3A_762 : f32 to vector<16xf32>
      %max3A_764 = arith.maximumf %sub3A_761, %max3A_763 : vector<16xf32>
      %add3A_765 = arith.constant 112 : i32
      %add3A_766 = arith.addi %add3A_765, %scan3A_395 : i32
      %get3A_767 = arith.index_cast %add3A_766 : i32 to index
      %get3A_768 = arith.constant 112 : index
      %get3A_769 = tpu.vector_load %arg9[%get3A_767, %get3A_768] {strides = array<i32>} : memref<224x256xf32, #tpu.memory_space<vmem>>, vector<1x16xf32>,
      %get3A_770 = vector.shape_cast %get3A_769 : vector<1x16xf32> to vector<16xf32>
      %add3A_771 = arith.constant 112 : i32
      %add3A_772 = arith.addi %add3A_771, %scan3A_395 : i32
      %get3A_773 = arith.index_cast %add3A_772 : i32 to index
      %get3A_774 = arith.constant 240 : index
      %get3A_775 = tpu.vector_load %arg9[%get3A_773, %get3A_774] {strides = array<i32>} : memref<224x256xf32, #tpu.memory_space<vmem>>, vector<1x16xf32>,
      %get3A_776 = vector.shape_cast %get3A_775 : vector<1x16xf32> to vector<16xf32>
      %abs3A_777 = math.absf %get3A_776 : vector<16xf32>
      %add3A_778 = arith.constant 128 : i32
      %add3A_779 = arith.addi %add3A_778, %scan3A_395 : i32
      %get3A_780 = arith.index_cast %add3A_779 : i32 to index
      %get3A_781 = arith.constant 112 : index
      %get3A_782 = tpu.vector_load %arg9[%get3A_780, %get3A_781] {strides = array<i32>} : memref<224x256xf32, #tpu.memory_space<vmem>>, vector<1x16xf32>,
      %get3A_783 = vector.shape_cast %get3A_782 : vector<1x16xf32> to vector<16xf32>
      %add3A_784 = arith.constant 128 : i32
      %add3A_785 = arith.addi %add3A_784, %scan3A_395 : i32
      %get3A_786 = arith.index_cast %add3A_785 : i32 to index
      %get3A_787 = arith.constant 240 : index
      %get3A_788 = tpu.vector_load %arg9[%get3A_786, %get3A_787] {strides = array<i32>} : memref<224x256xf32, #tpu.memory_space<vmem>>, vector<1x16xf32>,
      %get3A_789 = vector.shape_cast %get3A_788 : vector<1x16xf32> to vector<16xf32>
      %abs3A_790 = math.absf %get3A_789 : vector<16xf32>
      %add3A_791 = arith.constant 16 : i32
      %add3A_792 = arith.addi %add3A_791, %scan3A_395 : i32
      %get3A_793 = arith.index_cast %add3A_792 : i32 to index
      %get3A_794 = arith.constant 112 : index
      %get3A_795 = tpu.vector_load %arg10[%get3A_793, %get3A_794] {strides = array<i32>} : memref<32x256xf32, #tpu.memory_space<vmem>>, vector<1x16xf32>,
      %get3A_796 = vector.shape_cast %get3A_795 : vector<1x16xf32> to vector<16xf32>
      %sub3A_797 = arith.subf %get3A_770, %get3A_796 : vector<16xf32>
      %sub3A_798 = arith.subf %sub3A_797, %get3A_783 : vector<16xf32>
      %abs3A_799 = math.absf %sub3A_798 : vector<16xf32>
      %sub3A_800 = arith.subf %abs3A_799, %abs3A_777 : vector<16xf32>
      %sub3A_801 = arith.subf %sub3A_800, %abs3A_790 : vector<16xf32>
      %add3A_802 = vector.broadcast %add3A_402 : f32 to vector<16xf32>
      %add3A_803 = arith.addf %sub3A_801, %add3A_802 : vector<16xf32>
      %max3A_804 = arith.constant 0.000000e+00 : f32
      %max3A_805 = vector.broadcast %max3A_804 : f32 to vector<16xf32>
      %max3A_806 = arith.maximumf %add3A_803, %max3A_805 : vector<16xf32>
      %sub3A_807 = vector.broadcast %scan3A_71 : f32 to vector<16xf32>
      %sub3A_808 = arith.subf %sub3A_807, %abs3A_777 : vector<16xf32>
      %max3A_809 = arith.constant 0.000000e+00 : f32
      %max3A_810 = vector.broadcast %max3A_809 : f32 to vector<16xf32>
      %max3A_811 = arith.maximumf %sub3A_808, %max3A_810 : vector<16xf32>
      %sub3A_812 = vector.broadcast %scan3A_71 : f32 to vector<16xf32>
      %sub3A_813 = arith.subf %sub3A_812, %abs3A_790 : vector<16xf32>
      %max3A_814 = arith.constant 0.000000e+00 : f32
      %max3A_815 = vector.broadcast %max3A_814 : f32 to vector<16xf32>
      %max3A_816 = arith.maximumf %sub3A_813, %max3A_815 : vector<16xf32>
      %add3A_817 = arith.constant 240 : i32
      %add3A_818 = arith.addi %add3A_817, %scan3A_395 : i32
      %mul3A_819 = arith.mulf %max3A_442, %max3A_442 : vector<16xf32>
      %mul3A_820 = arith.mulf %max3A_494, %max3A_494 : vector<16xf32>
      %add3A_821 = arith.addf %mul3A_819, %mul3A_820 : vector<16xf32>
      %mul3A_822 = arith.mulf %max3A_546, %max3A_546 : vector<16xf32>
      %add3A_823 = arith.addf %add3A_821, %mul3A_822 : vector<16xf32>
      %mul3A_824 = arith.mulf %max3A_598, %max3A_598 : vector<16xf32>
      %add3A_825 = arith.addf %add3A_823, %mul3A_824 : vector<16xf32>
      %mul3A_826 = arith.mulf %max3A_650, %max3A_650 : vector<16xf32>
      %add3A_827 = arith.addf %add3A_825, %mul3A_826 : vector<16xf32>
      %mul3A_828 = arith.mulf %max3A_702, %max3A_702 : vector<16xf32>
      %add3A_829 = arith.addf %add3A_827, %mul3A_828 : vector<16xf32>
      %mul3A_830 = arith.mulf %max3A_754, %max3A_754 : vector<16xf32>
      %add3A_831 = arith.addf %add3A_829, %mul3A_830 : vector<16xf32>
      %mul3A_832 = arith.mulf %max3A_806, %max3A_806 : vector<16xf32>
      %add3A_833 = arith.addf %add3A_831, %mul3A_832 : vector<16xf32>
      %jit3A = arith.constant 8 : i32
      %div3A = arith.divsi %add3A_818, %jit3A : i32
      %sign3A = arith.constant 0 : i32
      %sign3A_834 = arith.cmpi sgt, %add3A_818, %sign3A : i32
      %sign3A_835 = arith.extui %sign3A_834 : i1 to i32
      %sign3A_836 = arith.constant 0 : i32
      %sign3A_837 = arith.cmpi slt, %add3A_818, %sign3A_836 : i32
      %sign3A_838 = arith.extui %sign3A_837 : i1 to i32
      %sign3A_839 = arith.subi %sign3A_835, %sign3A_838 : i32
      %sign3A_840 = arith.constant 0 : i32
      %sign3A_841 = arith.cmpi sgt, %jit3A, %sign3A_840 : i32
      %sign3A_842 = arith.extui %sign3A_841 : i1 to i32
      %sign3A_843 = arith.constant 0 : i32
      %sign3A_844 = arith.cmpi slt, %jit3A, %sign3A_843 : i32
      %sign3A_845 = arith.extui %sign3A_844 : i1 to i32
      %sign3A_846 = arith.subi %sign3A_842, %sign3A_845 : i32
      %ne3A = arith.cmpi ne, %sign3A_839, %sign3A_846 : i32
      %rem3A = arith.remsi %add3A_818, %jit3A : i32
      %ne3A_847 = arith.constant 0 : i32
      %ne3A_848 = arith.cmpi ne, %rem3A, %ne3A_847 : i32
      %and3A = arith.andi %ne3A, %ne3A_848 : i1
      %sub3A_849 = arith.constant 1 : i32
      %sub3A_850 = arith.subi %div3A, %sub3A_849 : i32
      %select_n3A = arith.select %and3A, %sub3A_850, %div3A : i32
      %jit3A_851 = arith.constant 8 : i32
      %eq3A = arith.constant 0 : i32
      %eq3A_852 = arith.cmpi eq, %jit3A_851, %eq3A : i32
      %jit3A_853 = arith.constant 1 : i32
      %select_n3A_854 = arith.select %eq3A_852, %jit3A_853, %jit3A_851 : i32
      %rem3A_855 = arith.remsi %add3A_818, %select_n3A_854 : i32
      %ne3A_856 = arith.constant 0 : i32
      %ne3A_857 = arith.cmpi ne, %rem3A_855, %ne3A_856 : i32
      %lt3A = arith.constant 0 : i32
      %lt3A_858 = arith.cmpi slt, %rem3A_855, %lt3A : i32
      %lt3A_859 = arith.constant 0 : i32
      %lt3A_860 = arith.cmpi slt, %select_n3A_854, %lt3A_859 : i32
      %ne3A_861 = arith.xori %lt3A_858, %lt3A_860 : i1
      %and3A_862 = arith.andi %ne3A_861, %ne3A_857 : i1
      %add3A_863 = arith.addi %rem3A_855, %select_n3A_854 : i32
      %select_n3A_864 = arith.select %and3A_862, %add3A_863, %rem3A_855 : i32
      %mul3A_865 = arith.constant 16 : i32
      %mul3A_866 = arith.muli %select_n3A_864, %mul3A_865 : i32
      %swap3A_867 = arith.index_cast %select_n3A : i32 to index
      %swap3A_868 = arith.index_cast %mul3A_866 : i32 to index
      %swap3A_869 = tpu.vector_load %arg11[%swap3A_867, %swap3A_868] {strides = array<i32>} : memref<48x128xf32, #tpu.memory_space<vmem>>, vector<1x16xf32>,
      %swap3A_870 = vector.shape_cast %swap3A_869 : vector<1x16xf32> to vector<16xf32>
      %swap3A_871 = vector.shape_cast %add3A_833 : vector<16xf32> to vector<1x16xf32>
      tpu.vector_store %arg11[%swap3A_867, %swap3A_868], %swap3A_871 {strides = array<i32>} : memref<48x128xf32, #tpu.memory_space<vmem>>, vector<1x16xf32>,
      %add3A_872 = arith.constant 256 : i32
      %add3A_873 = arith.addi %add3A_872, %scan3A_395 : i32
      %mul3A_874 = arith.mulf %max3A_447, %max3A_447 : vector<16xf32>
      %mul3A_875 = arith.mulf %max3A_499, %max3A_499 : vector<16xf32>
      %add3A_876 = arith.addf %mul3A_874, %mul3A_875 : vector<16xf32>
      %mul3A_877 = arith.mulf %max3A_551, %max3A_551 : vector<16xf32>
      %add3A_878 = arith.addf %add3A_876, %mul3A_877 : vector<16xf32>
      %mul3A_879 = arith.mulf %max3A_603, %max3A_603 : vector<16xf32>
      %add3A_880 = arith.addf %add3A_878, %mul3A_879 : vector<16xf32>
      %mul3A_881 = arith.mulf %max3A_655, %max3A_655 : vector<16xf32>
      %add3A_882 = arith.addf %add3A_880, %mul3A_881 : vector<16xf32>
      %mul3A_883 = arith.mulf %max3A_707, %max3A_707 : vector<16xf32>
      %add3A_884 = arith.addf %add3A_882, %mul3A_883 : vector<16xf32>
      %mul3A_885 = arith.mulf %max3A_759, %max3A_759 : vector<16xf32>
      %add3A_886 = arith.addf %add3A_884, %mul3A_885 : vector<16xf32>
      %mul3A_887 = arith.mulf %max3A_811, %max3A_811 : vector<16xf32>
      %add3A_888 = arith.addf %add3A_886, %mul3A_887 : vector<16xf32>
      %jit3A_889 = arith.constant 8 : i32
      %div3A_890 = arith.divsi %add3A_873, %jit3A_889 : i32
      %sign3A_891 = arith.constant 0 : i32
      %sign3A_892 = arith.cmpi sgt, %add3A_873, %sign3A_891 : i32
      %sign3A_893 = arith.extui %sign3A_892 : i1 to i32
      %sign3A_894 = arith.constant 0 : i32
      %sign3A_895 = arith.cmpi slt, %add3A_873, %sign3A_894 : i32
      %sign3A_896 = arith.extui %sign3A_895 : i1 to i32
      %sign3A_897 = arith.subi %sign3A_893, %sign3A_896 : i32
      %sign3A_898 = arith.constant 0 : i32
      %sign3A_899 = arith.cmpi sgt, %jit3A_889, %sign3A_898 : i32
      %sign3A_900 = arith.extui %sign3A_899 : i1 to i32
      %sign3A_901 = arith.constant 0 : i32
      %sign3A_902 = arith.cmpi slt, %jit3A_889, %sign3A_901 : i32
      %sign3A_903 = arith.extui %sign3A_902 : i1 to i32
      %sign3A_904 = arith.subi %sign3A_900, %sign3A_903 : i32
      %ne3A_905 = arith.cmpi ne, %sign3A_897, %sign3A_904 : i32
      %rem3A_906 = arith.remsi %add3A_873, %jit3A_889 : i32
      %ne3A_907 = arith.constant 0 : i32
      %ne3A_908 = arith.cmpi ne, %rem3A_906, %ne3A_907 : i32
      %and3A_909 = arith.andi %ne3A_905, %ne3A_908 : i1
      %sub3A_910 = arith.constant 1 : i32
      %sub3A_911 = arith.subi %div3A_890, %sub3A_910 : i32
      %select_n3A_912 = arith.select %and3A_909, %sub3A_911, %div3A_890 : i32
      %jit3A_913 = arith.constant 8 : i32
      %eq3A_914 = arith.constant 0 : i32
      %eq3A_915 = arith.cmpi eq, %jit3A_913, %eq3A_914 : i32
      %jit3A_916 = arith.constant 1 : i32
      %select_n3A_917 = arith.select %eq3A_915, %jit3A_916, %jit3A_913 : i32
      %rem3A_918 = arith.remsi %add3A_873, %select_n3A_917 : i32
      %ne3A_919 = arith.constant 0 : i32
      %ne3A_920 = arith.cmpi ne, %rem3A_918, %ne3A_919 : i32
      %lt3A_921 = arith.constant 0 : i32
      %lt3A_922 = arith.cmpi slt, %rem3A_918, %lt3A_921 : i32
      %lt3A_923 = arith.constant 0 : i32
      %lt3A_924 = arith.cmpi slt, %select_n3A_917, %lt3A_923 : i32
      %ne3A_925 = arith.xori %lt3A_922, %lt3A_924 : i1
      %and3A_926 = arith.andi %ne3A_925, %ne3A_920 : i1
      %add3A_927 = arith.addi %rem3A_918, %select_n3A_917 : i32
      %select_n3A_928 = arith.select %and3A_926, %add3A_927, %rem3A_918 : i32
      %mul3A_929 = arith.constant 16 : i32
      %mul3A_930 = arith.muli %select_n3A_928, %mul3A_929 : i32
      %swap3A_931 = arith.index_cast %select_n3A_912 : i32 to index
      %swap3A_932 = arith.index_cast %mul3A_930 : i32 to index
      %swap3A_933 = tpu.vector_load %arg11[%swap3A_931, %swap3A_932] {strides = array<i32>} : memref<48x128xf32, #tpu.memory_space<vmem>>, vector<1x16xf32>,
      %swap3A_934 = vector.shape_cast %swap3A_933 : vector<1x16xf32> to vector<16xf32>
      %swap3A_935 = vector.shape_cast %add3A_888 : vector<16xf32> to vector<1x16xf32>
      tpu.vector_store %arg11[%swap3A_931, %swap3A_932], %swap3A_935 {strides = array<i32>} : memref<48x128xf32, #tpu.memory_space<vmem>>, vector<1x16xf32>,
      %add3A_936 = arith.constant 272 : i32
      %add3A_937 = arith.addi %add3A_936, %scan3A_395 : i32
      %mul3A_938 = arith.mulf %max3A_452, %max3A_452 : vector<16xf32>
      %mul3A_939 = arith.mulf %max3A_504, %max3A_504 : vector<16xf32>
      %add3A_940 = arith.addf %mul3A_938, %mul3A_939 : vector<16xf32>
      %mul3A_941 = arith.mulf %max3A_556, %max3A_556 : vector<16xf32>
      %add3A_942 = arith.addf %add3A_940, %mul3A_941 : vector<16xf32>
      %mul3A_943 = arith.mulf %max3A_608, %max3A_608 : vector<16xf32>
      %add3A_944 = arith.addf %add3A_942, %mul3A_943 : vector<16xf32>
      %mul3A_945 = arith.mulf %max3A_660, %max3A_660 : vector<16xf32>
      %add3A_946 = arith.addf %add3A_944, %mul3A_945 : vector<16xf32>
      %mul3A_947 = arith.mulf %max3A_712, %max3A_712 : vector<16xf32>
      %add3A_948 = arith.addf %add3A_946, %mul3A_947 : vector<16xf32>
      %mul3A_949 = arith.mulf %max3A_764, %max3A_764 : vector<16xf32>
      %add3A_950 = arith.addf %add3A_948, %mul3A_949 : vector<16xf32>
      %mul3A_951 = arith.mulf %max3A_816, %max3A_816 : vector<16xf32>
      %add3A_952 = arith.addf %add3A_950, %mul3A_951 : vector<16xf32>
      %jit3A_953 = arith.constant 8 : i32
      %div3A_954 = arith.divsi %add3A_937, %jit3A_953 : i32
      %sign3A_955 = arith.constant 0 : i32
      %sign3A_956 = arith.cmpi sgt, %add3A_937, %sign3A_955 : i32
      %sign3A_957 = arith.extui %sign3A_956 : i1 to i32
      %sign3A_958 = arith.constant 0 : i32
      %sign3A_959 = arith.cmpi slt, %add3A_937, %sign3A_958 : i32
      %sign3A_960 = arith.extui %sign3A_959 : i1 to i32
      %sign3A_961 = arith.subi %sign3A_957, %sign3A_960 : i32
      %sign3A_962 = arith.constant 0 : i32
      %sign3A_963 = arith.cmpi sgt, %jit3A_953, %sign3A_962 : i32
      %sign3A_964 = arith.extui %sign3A_963 : i1 to i32
      %sign3A_965 = arith.constant 0 : i32
      %sign3A_966 = arith.cmpi slt, %jit3A_953, %sign3A_965 : i32
      %sign3A_967 = arith.extui %sign3A_966 : i1 to i32
      %sign3A_968 = arith.subi %sign3A_964, %sign3A_967 : i32
      %ne3A_969 = arith.cmpi ne, %sign3A_961, %sign3A_968 : i32
      %rem3A_970 = arith.remsi %add3A_937, %jit3A_953 : i32
      %ne3A_971 = arith.constant 0 : i32
      %ne3A_972 = arith.cmpi ne, %rem3A_970, %ne3A_971 : i32
      %and3A_973 = arith.andi %ne3A_969, %ne3A_972 : i1
      %sub3A_974 = arith.constant 1 : i32
      %sub3A_975 = arith.subi %div3A_954, %sub3A_974 : i32
      %select_n3A_976 = arith.select %and3A_973, %sub3A_975, %div3A_954 : i32
      %jit3A_977 = arith.constant 8 : i32
      %eq3A_978 = arith.constant 0 : i32
      %eq3A_979 = arith.cmpi eq, %jit3A_977, %eq3A_978 : i32
      %jit3A_980 = arith.constant 1 : i32
      %select_n3A_981 = arith.select %eq3A_979, %jit3A_980, %jit3A_977 : i32
      %rem3A_982 = arith.remsi %add3A_937, %select_n3A_981 : i32
      %ne3A_983 = arith.constant 0 : i32
      %ne3A_984 = arith.cmpi ne, %rem3A_982, %ne3A_983 : i32
      %lt3A_985 = arith.constant 0 : i32
      %lt3A_986 = arith.cmpi slt, %rem3A_982, %lt3A_985 : i32
      %lt3A_987 = arith.constant 0 : i32
      %lt3A_988 = arith.cmpi slt, %select_n3A_981, %lt3A_987 : i32
      %ne3A_989 = arith.xori %lt3A_986, %lt3A_988 : i1
      %and3A_990 = arith.andi %ne3A_989, %ne3A_984 : i1
      %add3A_991 = arith.addi %rem3A_982, %select_n3A_981 : i32
      %select_n3A_992 = arith.select %and3A_990, %add3A_991, %rem3A_982 : i32
      %mul3A_993 = arith.constant 16 : i32
      %mul3A_994 = arith.muli %select_n3A_992, %mul3A_993 : i32
      %swap3A_995 = arith.index_cast %select_n3A_976 : i32 to index
      %swap3A_996 = arith.index_cast %mul3A_994 : i32 to index
      %swap3A_997 = tpu.vector_load %arg11[%swap3A_995, %swap3A_996] {strides = array<i32>} : memref<48x128xf32, #tpu.memory_space<vmem>>, vector<1x16xf32>,
      %swap3A_998 = vector.shape_cast %swap3A_997 : vector<1x16xf32> to vector<16xf32>
      %swap3A_999 = vector.shape_cast %add3A_952 : vector<16xf32> to vector<1x16xf32>
      tpu.vector_store %arg11[%swap3A_995, %swap3A_996], %swap3A_999 {strides = array<i32>} : memref<48x128xf32, #tpu.memory_space<vmem>>, vector<1x16xf32>,
      %add3A_1000 = arith.constant 288 : i32
      %add3A_1001 = arith.addi %add3A_1000, %scan3A_395 : i32
      %eq3A_1002 = arith.constant 15 : i32
      %eq3A_1003 = vector.broadcast %eq3A_1002 : i32 to vector<16xi32>
      %eq3A_1004 = arith.cmpi eq, %iota3A, %eq3A_1003 : vector<16xi32>
      %mul3A_1005 = arith.mulf %get3A_401, %get3A_401 : vector<16xf32>
      %jit3A_1006 = arith.constant 0.000000e+00 : f32
      %broadcast_in_dim3A_1007 = vector.broadcast %jit3A_1006 : f32 to vector<16xf32>
      %select_n3A_1008 = arith.select %eq3A_1004, %mul3A_1005, %broadcast_in_dim3A_1007 : vector<16xi1>, vector<16xf32>
      %jit3A_1009 = arith.constant 8 : i32
      %div3A_1010 = arith.divsi %add3A_1001, %jit3A_1009 : i32
      %sign3A_1011 = arith.constant 0 : i32
      %sign3A_1012 = arith.cmpi sgt, %add3A_1001, %sign3A_1011 : i32
      %sign3A_1013 = arith.extui %sign3A_1012 : i1 to i32
      %sign3A_1014 = arith.constant 0 : i32
      %sign3A_1015 = arith.cmpi slt, %add3A_1001, %sign3A_1014 : i32
      %sign3A_1016 = arith.extui %sign3A_1015 : i1 to i32
      %sign3A_1017 = arith.subi %sign3A_1013, %sign3A_1016 : i32
      %sign3A_1018 = arith.constant 0 : i32
      %sign3A_1019 = arith.cmpi sgt, %jit3A_1009, %sign3A_1018 : i32
      %sign3A_1020 = arith.extui %sign3A_1019 : i1 to i32
      %sign3A_1021 = arith.constant 0 : i32
      %sign3A_1022 = arith.cmpi slt, %jit3A_1009, %sign3A_1021 : i32
      %sign3A_1023 = arith.extui %sign3A_1022 : i1 to i32
      %sign3A_1024 = arith.subi %sign3A_1020, %sign3A_1023 : i32
      %ne3A_1025 = arith.cmpi ne, %sign3A_1017, %sign3A_1024 : i32
      %rem3A_1026 = arith.remsi %add3A_1001, %jit3A_1009 : i32
      %ne3A_1027 = arith.constant 0 : i32
      %ne3A_1028 = arith.cmpi ne, %rem3A_1026, %ne3A_1027 : i32
      %and3A_1029 = arith.andi %ne3A_1025, %ne3A_1028 : i1
      %sub3A_1030 = arith.constant 1 : i32
      %sub3A_1031 = arith.subi %div3A_1010, %sub3A_1030 : i32
      %select_n3A_1032 = arith.select %and3A_1029, %sub3A_1031, %div3A_1010 : i32
      %jit3A_1033 = arith.constant 8 : i32
      %eq3A_1034 = arith.constant 0 : i32
      %eq3A_1035 = arith.cmpi eq, %jit3A_1033, %eq3A_1034 : i32
      %jit3A_1036 = arith.constant 1 : i32
      %select_n3A_1037 = arith.select %eq3A_1035, %jit3A_1036, %jit3A_1033 : i32
      %rem3A_1038 = arith.remsi %add3A_1001, %select_n3A_1037 : i32
      %ne3A_1039 = arith.constant 0 : i32
      %ne3A_1040 = arith.cmpi ne, %rem3A_1038, %ne3A_1039 : i32
      %lt3A_1041 = arith.constant 0 : i32
      %lt3A_1042 = arith.cmpi slt, %rem3A_1038, %lt3A_1041 : i32
      %lt3A_1043 = arith.constant 0 : i32
      %lt3A_1044 = arith.cmpi slt, %select_n3A_1037, %lt3A_1043 : i32
      %ne3A_1045 = arith.xori %lt3A_1042, %lt3A_1044 : i1
      %and3A_1046 = arith.andi %ne3A_1045, %ne3A_1040 : i1
      %add3A_1047 = arith.addi %rem3A_1038, %select_n3A_1037 : i32
      %select_n3A_1048 = arith.select %and3A_1046, %add3A_1047, %rem3A_1038 : i32
      %mul3A_1049 = arith.constant 16 : i32
      %mul3A_1050 = arith.muli %select_n3A_1048, %mul3A_1049 : i32
      %swap3A_1051 = arith.index_cast %select_n3A_1032 : i32 to index
      %swap3A_1052 = arith.index_cast %mul3A_1050 : i32 to index
      %swap3A_1053 = tpu.vector_load %arg11[%swap3A_1051, %swap3A_1052] {strides = array<i32>} : memref<48x128xf32, #tpu.memory_space<vmem>>, vector<1x16xf32>,
      %swap3A_1054 = vector.shape_cast %swap3A_1053 : vector<1x16xf32> to vector<16xf32>
      %swap3A_1055 = vector.shape_cast %select_n3A_1008 : vector<16xf32> to vector<1x16xf32>
      tpu.vector_store %arg11[%swap3A_1051, %swap3A_1052], %swap3A_1055 {strides = array<i32>} : memref<48x128xf32, #tpu.memory_space<vmem>>, vector<1x16xf32>,
      %scan3A_1056 = arith.constant 0 : i32
      scf.yield %scan3A_1056 : i32
    }
    %scan3A_78 = arith.constant 16 : i32
    %scan3A_79 = arith.constant 5.000000e-02 : f32
    %scan3A_80 = arith.constant 1.000000e-01 : f32
    %scan3A_81 = arith.constant 0 : i32
    %scan3A_82 = arith.constant 0 : i32
    %scan3A_83 = arith.constant 16 : i32
    %scan3A_84 = arith.addi %scan3A_82, %scan3A_83 : i32
    %scan3A_85 = arith.constant 1 : i32
    %scan3A_86 = scf.for %scan3A_395 = %scan3A_82 to %scan3A_84 step %scan3A_85 iter_args(%scan3A_396 = %scan3A_81) -> (i32)  : i32 {
      %add3A_397 = arith.constant 144 : i32
      %add3A_398 = arith.addi %add3A_397, %scan3A_395 : i32
      %get3A = arith.index_cast %add3A_398 : i32 to index
      %get3A_399 = arith.constant 0 : index
      %get3A_400 = tpu.vector_load %arg9[%get3A, %get3A_399] {strides = array<i32>} : memref<224x256xf32, #tpu.memory_space<vmem>>, vector<1x16xf32>,
      %get3A_401 = vector.shape_cast %get3A_400 : vector<1x16xf32> to vector<16xf32>
      %add3A_402 = arith.constant 144 : i32
      %add3A_403 = arith.addi %add3A_402, %scan3A_395 : i32
      %get3A_404 = arith.index_cast %add3A_403 : i32 to index
      %get3A_405 = arith.constant 128 : index
      %get3A_406 = tpu.vector_load %arg9[%get3A_404, %get3A_405] {strides = array<i32>} : memref<224x256xf32, #tpu.memory_space<vmem>>, vector<1x16xf32>,
      %get3A_407 = vector.shape_cast %get3A_406 : vector<1x16xf32> to vector<16xf32>
      %abs3A = math.absf %get3A_407 : vector<16xf32>
      %add3A_408 = arith.constant 160 : i32
      %add3A_409 = arith.addi %add3A_408, %scan3A_395 : i32
      %get3A_410 = arith.index_cast %add3A_409 : i32 to index
      %get3A_411 = arith.constant 0 : index
      %get3A_412 = tpu.vector_load %arg9[%get3A_410, %get3A_411] {strides = array<i32>} : memref<224x256xf32, #tpu.memory_space<vmem>>, vector<1x16xf32>,
      %get3A_413 = vector.shape_cast %get3A_412 : vector<1x16xf32> to vector<16xf32>
      %add3A_414 = arith.constant 160 : i32
      %add3A_415 = arith.addi %add3A_414, %scan3A_395 : i32
      %get3A_416 = arith.index_cast %add3A_415 : i32 to index
      %get3A_417 = arith.constant 128 : index
      %get3A_418 = tpu.vector_load %arg9[%get3A_416, %get3A_417] {strides = array<i32>} : memref<224x256xf32, #tpu.memory_space<vmem>>, vector<1x16xf32>,
      %get3A_419 = vector.shape_cast %get3A_418 : vector<1x16xf32> to vector<16xf32>
      %abs3A_420 = math.absf %get3A_419 : vector<16xf32>
      %sub3A = arith.subf %get3A_401, %get3A_413 : vector<16xf32>
      %abs3A_421 = math.absf %sub3A : vector<16xf32>
      %add3A_422 = arith.addf %abs3A, %abs3A_420 : vector<16xf32>
      %add3A_423 = vector.broadcast %scan3A_79 : f32 to vector<16xf32>
      %add3A_424 = arith.addf %add3A_422, %add3A_423 : vector<16xf32>
      %sub3A_425 = arith.subf %add3A_424, %abs3A_421 : vector<16xf32>
      %max3A = arith.constant 0.000000e+00 : f32
      %max3A_426 = vector.broadcast %max3A : f32 to vector<16xf32>
      %max3A_427 = arith.maximumf %sub3A_425, %max3A_426 : vector<16xf32>
      %sub3A_428 = vector.broadcast %scan3A_80 : f32 to vector<16xf32>
      %sub3A_429 = arith.subf %sub3A_428, %abs3A : vector<16xf32>
      %max3A_430 = arith.constant 0.000000e+00 : f32
      %max3A_431 = vector.broadcast %max3A_430 : f32 to vector<16xf32>
      %max3A_432 = arith.maximumf %sub3A_429, %max3A_431 : vector<16xf32>
      %sub3A_433 = vector.broadcast %scan3A_80 : f32 to vector<16xf32>
      %sub3A_434 = arith.subf %sub3A_433, %abs3A_420 : vector<16xf32>
      %max3A_435 = arith.constant 0.000000e+00 : f32
      %max3A_436 = vector.broadcast %max3A_435 : f32 to vector<16xf32>
      %max3A_437 = arith.maximumf %sub3A_434, %max3A_436 : vector<16xf32>
      %add3A_438 = arith.constant 144 : i32
      %add3A_439 = arith.addi %add3A_438, %scan3A_395 : i32
      %get3A_440 = arith.index_cast %add3A_439 : i32 to index
      %get3A_441 = arith.constant 16 : index
      %get3A_442 = tpu.vector_load %arg9[%get3A_440, %get3A_441] {strides = array<i32>} : memref<224x256xf32, #tpu.memory_space<vmem>>, vector<1x16xf32>,
      %get3A_443 = vector.shape_cast %get3A_442 : vector<1x16xf32> to vector<16xf32>
      %add3A_444 = arith.constant 144 : i32
      %add3A_445 = arith.addi %add3A_444, %scan3A_395 : i32
      %get3A_446 = arith.index_cast %add3A_445 : i32 to index
      %get3A_447 = arith.constant 144 : index
      %get3A_448 = tpu.vector_load %arg9[%get3A_446, %get3A_447] {strides = array<i32>} : memref<224x256xf32, #tpu.memory_space<vmem>>, vector<1x16xf32>,
      %get3A_449 = vector.shape_cast %get3A_448 : vector<1x16xf32> to vector<16xf32>
      %abs3A_450 = math.absf %get3A_449 : vector<16xf32>
      %add3A_451 = arith.constant 160 : i32
      %add3A_452 = arith.addi %add3A_451, %scan3A_395 : i32
      %get3A_453 = arith.index_cast %add3A_452 : i32 to index
      %get3A_454 = arith.constant 16 : index
      %get3A_455 = tpu.vector_load %arg9[%get3A_453, %get3A_454] {strides = array<i32>} : memref<224x256xf32, #tpu.memory_space<vmem>>, vector<1x16xf32>,
      %get3A_456 = vector.shape_cast %get3A_455 : vector<1x16xf32> to vector<16xf32>
      %add3A_457 = arith.constant 160 : i32
      %add3A_458 = arith.addi %add3A_457, %scan3A_395 : i32
      %get3A_459 = arith.index_cast %add3A_458 : i32 to index
      %get3A_460 = arith.constant 144 : index
      %get3A_461 = tpu.vector_load %arg9[%get3A_459, %get3A_460] {strides = array<i32>} : memref<224x256xf32, #tpu.memory_space<vmem>>, vector<1x16xf32>,
      %get3A_462 = vector.shape_cast %get3A_461 : vector<1x16xf32> to vector<16xf32>
      %abs3A_463 = math.absf %get3A_462 : vector<16xf32>
      %sub3A_464 = arith.subf %get3A_443, %get3A_456 : vector<16xf32>
      %abs3A_465 = math.absf %sub3A_464 : vector<16xf32>
      %add3A_466 = arith.addf %abs3A_450, %abs3A_463 : vector<16xf32>
      %add3A_467 = vector.broadcast %scan3A_79 : f32 to vector<16xf32>
      %add3A_468 = arith.addf %add3A_466, %add3A_467 : vector<16xf32>
      %sub3A_469 = arith.subf %add3A_468, %abs3A_465 : vector<16xf32>
      %max3A_470 = arith.constant 0.000000e+00 : f32
      %max3A_471 = vector.broadcast %max3A_470 : f32 to vector<16xf32>
      %max3A_472 = arith.maximumf %sub3A_469, %max3A_471 : vector<16xf32>
      %sub3A_473 = vector.broadcast %scan3A_80 : f32 to vector<16xf32>
      %sub3A_474 = arith.subf %sub3A_473, %abs3A_450 : vector<16xf32>
      %max3A_475 = arith.constant 0.000000e+00 : f32
      %max3A_476 = vector.broadcast %max3A_475 : f32 to vector<16xf32>
      %max3A_477 = arith.maximumf %sub3A_474, %max3A_476 : vector<16xf32>
      %sub3A_478 = vector.broadcast %scan3A_80 : f32 to vector<16xf32>
      %sub3A_479 = arith.subf %sub3A_478, %abs3A_463 : vector<16xf32>
      %max3A_480 = arith.constant 0.000000e+00 : f32
      %max3A_481 = vector.broadcast %max3A_480 : f32 to vector<16xf32>
      %max3A_482 = arith.maximumf %sub3A_479, %max3A_481 : vector<16xf32>
      %add3A_483 = arith.constant 144 : i32
      %add3A_484 = arith.addi %add3A_483, %scan3A_395 : i32
      %get3A_485 = arith.index_cast %add3A_484 : i32 to index
      %get3A_486 = arith.constant 32 : index
      %get3A_487 = tpu.vector_load %arg9[%get3A_485, %get3A_486] {strides = array<i32>} : memref<224x256xf32, #tpu.memory_space<vmem>>, vector<1x16xf32>,
      %get3A_488 = vector.shape_cast %get3A_487 : vector<1x16xf32> to vector<16xf32>
      %add3A_489 = arith.constant 144 : i32
      %add3A_490 = arith.addi %add3A_489, %scan3A_395 : i32
      %get3A_491 = arith.index_cast %add3A_490 : i32 to index
      %get3A_492 = arith.constant 160 : index
      %get3A_493 = tpu.vector_load %arg9[%get3A_491, %get3A_492] {strides = array<i32>} : memref<224x256xf32, #tpu.memory_space<vmem>>, vector<1x16xf32>,
      %get3A_494 = vector.shape_cast %get3A_493 : vector<1x16xf32> to vector<16xf32>
      %abs3A_495 = math.absf %get3A_494 : vector<16xf32>
      %add3A_496 = arith.constant 160 : i32
      %add3A_497 = arith.addi %add3A_496, %scan3A_395 : i32
      %get3A_498 = arith.index_cast %add3A_497 : i32 to index
      %get3A_499 = arith.constant 32 : index
      %get3A_500 = tpu.vector_load %arg9[%get3A_498, %get3A_499] {strides = array<i32>} : memref<224x256xf32, #tpu.memory_space<vmem>>, vector<1x16xf32>,
      %get3A_501 = vector.shape_cast %get3A_500 : vector<1x16xf32> to vector<16xf32>
      %add3A_502 = arith.constant 160 : i32
      %add3A_503 = arith.addi %add3A_502, %scan3A_395 : i32
      %get3A_504 = arith.index_cast %add3A_503 : i32 to index
      %get3A_505 = arith.constant 160 : index
      %get3A_506 = tpu.vector_load %arg9[%get3A_504, %get3A_505] {strides = array<i32>} : memref<224x256xf32, #tpu.memory_space<vmem>>, vector<1x16xf32>,
      %get3A_507 = vector.shape_cast %get3A_506 : vector<1x16xf32> to vector<16xf32>
      %abs3A_508 = math.absf %get3A_507 : vector<16xf32>
      %sub3A_509 = arith.subf %get3A_488, %get3A_501 : vector<16xf32>
      %abs3A_510 = math.absf %sub3A_509 : vector<16xf32>
      %add3A_511 = arith.addf %abs3A_495, %abs3A_508 : vector<16xf32>
      %add3A_512 = vector.broadcast %scan3A_79 : f32 to vector<16xf32>
      %add3A_513 = arith.addf %add3A_511, %add3A_512 : vector<16xf32>
      %sub3A_514 = arith.subf %add3A_513, %abs3A_510 : vector<16xf32>
      %max3A_515 = arith.constant 0.000000e+00 : f32
      %max3A_516 = vector.broadcast %max3A_515 : f32 to vector<16xf32>
      %max3A_517 = arith.maximumf %sub3A_514, %max3A_516 : vector<16xf32>
      %sub3A_518 = vector.broadcast %scan3A_80 : f32 to vector<16xf32>
      %sub3A_519 = arith.subf %sub3A_518, %abs3A_495 : vector<16xf32>
      %max3A_520 = arith.constant 0.000000e+00 : f32
      %max3A_521 = vector.broadcast %max3A_520 : f32 to vector<16xf32>
      %max3A_522 = arith.maximumf %sub3A_519, %max3A_521 : vector<16xf32>
      %sub3A_523 = vector.broadcast %scan3A_80 : f32 to vector<16xf32>
      %sub3A_524 = arith.subf %sub3A_523, %abs3A_508 : vector<16xf32>
      %max3A_525 = arith.constant 0.000000e+00 : f32
      %max3A_526 = vector.broadcast %max3A_525 : f32 to vector<16xf32>
      %max3A_527 = arith.maximumf %sub3A_524, %max3A_526 : vector<16xf32>
      %add3A_528 = arith.constant 144 : i32
      %add3A_529 = arith.addi %add3A_528, %scan3A_395 : i32
      %get3A_530 = arith.index_cast %add3A_529 : i32 to index
      %get3A_531 = arith.constant 48 : index
      %get3A_532 = tpu.vector_load %arg9[%get3A_530, %get3A_531] {strides = array<i32>} : memref<224x256xf32, #tpu.memory_space<vmem>>, vector<1x16xf32>,
      %get3A_533 = vector.shape_cast %get3A_532 : vector<1x16xf32> to vector<16xf32>
      %add3A_534 = arith.constant 144 : i32
      %add3A_535 = arith.addi %add3A_534, %scan3A_395 : i32
      %get3A_536 = arith.index_cast %add3A_535 : i32 to index
      %get3A_537 = arith.constant 176 : index
      %get3A_538 = tpu.vector_load %arg9[%get3A_536, %get3A_537] {strides = array<i32>} : memref<224x256xf32, #tpu.memory_space<vmem>>, vector<1x16xf32>,
      %get3A_539 = vector.shape_cast %get3A_538 : vector<1x16xf32> to vector<16xf32>
      %abs3A_540 = math.absf %get3A_539 : vector<16xf32>
      %add3A_541 = arith.constant 160 : i32
      %add3A_542 = arith.addi %add3A_541, %scan3A_395 : i32
      %get3A_543 = arith.index_cast %add3A_542 : i32 to index
      %get3A_544 = arith.constant 48 : index
      %get3A_545 = tpu.vector_load %arg9[%get3A_543, %get3A_544] {strides = array<i32>} : memref<224x256xf32, #tpu.memory_space<vmem>>, vector<1x16xf32>,
      %get3A_546 = vector.shape_cast %get3A_545 : vector<1x16xf32> to vector<16xf32>
      %add3A_547 = arith.constant 160 : i32
      %add3A_548 = arith.addi %add3A_547, %scan3A_395 : i32
      %get3A_549 = arith.index_cast %add3A_548 : i32 to index
      %get3A_550 = arith.constant 176 : index
      %get3A_551 = tpu.vector_load %arg9[%get3A_549, %get3A_550] {strides = array<i32>} : memref<224x256xf32, #tpu.memory_space<vmem>>, vector<1x16xf32>,
      %get3A_552 = vector.shape_cast %get3A_551 : vector<1x16xf32> to vector<16xf32>
      %abs3A_553 = math.absf %get3A_552 : vector<16xf32>
      %sub3A_554 = arith.subf %get3A_533, %get3A_546 : vector<16xf32>
      %abs3A_555 = math.absf %sub3A_554 : vector<16xf32>
      %add3A_556 = arith.addf %abs3A_540, %abs3A_553 : vector<16xf32>
      %add3A_557 = vector.broadcast %scan3A_79 : f32 to vector<16xf32>
      %add3A_558 = arith.addf %add3A_556, %add3A_557 : vector<16xf32>
      %sub3A_559 = arith.subf %add3A_558, %abs3A_555 : vector<16xf32>
      %max3A_560 = arith.constant 0.000000e+00 : f32
      %max3A_561 = vector.broadcast %max3A_560 : f32 to vector<16xf32>
      %max3A_562 = arith.maximumf %sub3A_559, %max3A_561 : vector<16xf32>
      %sub3A_563 = vector.broadcast %scan3A_80 : f32 to vector<16xf32>
      %sub3A_564 = arith.subf %sub3A_563, %abs3A_540 : vector<16xf32>
      %max3A_565 = arith.constant 0.000000e+00 : f32
      %max3A_566 = vector.broadcast %max3A_565 : f32 to vector<16xf32>
      %max3A_567 = arith.maximumf %sub3A_564, %max3A_566 : vector<16xf32>
      %sub3A_568 = vector.broadcast %scan3A_80 : f32 to vector<16xf32>
      %sub3A_569 = arith.subf %sub3A_568, %abs3A_553 : vector<16xf32>
      %max3A_570 = arith.constant 0.000000e+00 : f32
      %max3A_571 = vector.broadcast %max3A_570 : f32 to vector<16xf32>
      %max3A_572 = arith.maximumf %sub3A_569, %max3A_571 : vector<16xf32>
      %add3A_573 = arith.constant 144 : i32
      %add3A_574 = arith.addi %add3A_573, %scan3A_395 : i32
      %get3A_575 = arith.index_cast %add3A_574 : i32 to index
      %get3A_576 = arith.constant 64 : index
      %get3A_577 = tpu.vector_load %arg9[%get3A_575, %get3A_576] {strides = array<i32>} : memref<224x256xf32, #tpu.memory_space<vmem>>, vector<1x16xf32>,
      %get3A_578 = vector.shape_cast %get3A_577 : vector<1x16xf32> to vector<16xf32>
      %add3A_579 = arith.constant 144 : i32
      %add3A_580 = arith.addi %add3A_579, %scan3A_395 : i32
      %get3A_581 = arith.index_cast %add3A_580 : i32 to index
      %get3A_582 = arith.constant 192 : index
      %get3A_583 = tpu.vector_load %arg9[%get3A_581, %get3A_582] {strides = array<i32>} : memref<224x256xf32, #tpu.memory_space<vmem>>, vector<1x16xf32>,
      %get3A_584 = vector.shape_cast %get3A_583 : vector<1x16xf32> to vector<16xf32>
      %abs3A_585 = math.absf %get3A_584 : vector<16xf32>
      %add3A_586 = arith.constant 160 : i32
      %add3A_587 = arith.addi %add3A_586, %scan3A_395 : i32
      %get3A_588 = arith.index_cast %add3A_587 : i32 to index
      %get3A_589 = arith.constant 64 : index
      %get3A_590 = tpu.vector_load %arg9[%get3A_588, %get3A_589] {strides = array<i32>} : memref<224x256xf32, #tpu.memory_space<vmem>>, vector<1x16xf32>,
      %get3A_591 = vector.shape_cast %get3A_590 : vector<1x16xf32> to vector<16xf32>
      %add3A_592 = arith.constant 160 : i32
      %add3A_593 = arith.addi %add3A_592, %scan3A_395 : i32
      %get3A_594 = arith.index_cast %add3A_593 : i32 to index
      %get3A_595 = arith.constant 192 : index
      %get3A_596 = tpu.vector_load %arg9[%get3A_594, %get3A_595] {strides = array<i32>} : memref<224x256xf32, #tpu.memory_space<vmem>>, vector<1x16xf32>,
      %get3A_597 = vector.shape_cast %get3A_596 : vector<1x16xf32> to vector<16xf32>
      %abs3A_598 = math.absf %get3A_597 : vector<16xf32>
      %sub3A_599 = arith.subf %get3A_578, %get3A_591 : vector<16xf32>
      %abs3A_600 = math.absf %sub3A_599 : vector<16xf32>
      %add3A_601 = arith.addf %abs3A_585, %abs3A_598 : vector<16xf32>
      %add3A_602 = vector.broadcast %scan3A_79 : f32 to vector<16xf32>
      %add3A_603 = arith.addf %add3A_601, %add3A_602 : vector<16xf32>
      %sub3A_604 = arith.subf %add3A_603, %abs3A_600 : vector<16xf32>
      %max3A_605 = arith.constant 0.000000e+00 : f32
      %max3A_606 = vector.broadcast %max3A_605 : f32 to vector<16xf32>
      %max3A_607 = arith.maximumf %sub3A_604, %max3A_606 : vector<16xf32>
      %sub3A_608 = vector.broadcast %scan3A_80 : f32 to vector<16xf32>
      %sub3A_609 = arith.subf %sub3A_608, %abs3A_585 : vector<16xf32>
      %max3A_610 = arith.constant 0.000000e+00 : f32
      %max3A_611 = vector.broadcast %max3A_610 : f32 to vector<16xf32>
      %max3A_612 = arith.maximumf %sub3A_609, %max3A_611 : vector<16xf32>
      %sub3A_613 = vector.broadcast %scan3A_80 : f32 to vector<16xf32>
      %sub3A_614 = arith.subf %sub3A_613, %abs3A_598 : vector<16xf32>
      %max3A_615 = arith.constant 0.000000e+00 : f32
      %max3A_616 = vector.broadcast %max3A_615 : f32 to vector<16xf32>
      %max3A_617 = arith.maximumf %sub3A_614, %max3A_616 : vector<16xf32>
      %add3A_618 = arith.constant 144 : i32
      %add3A_619 = arith.addi %add3A_618, %scan3A_395 : i32
      %get3A_620 = arith.index_cast %add3A_619 : i32 to index
      %get3A_621 = arith.constant 80 : index
      %get3A_622 = tpu.vector_load %arg9[%get3A_620, %get3A_621] {strides = array<i32>} : memref<224x256xf32, #tpu.memory_space<vmem>>, vector<1x16xf32>,
      %get3A_623 = vector.shape_cast %get3A_622 : vector<1x16xf32> to vector<16xf32>
      %add3A_624 = arith.constant 144 : i32
      %add3A_625 = arith.addi %add3A_624, %scan3A_395 : i32
      %get3A_626 = arith.index_cast %add3A_625 : i32 to index
      %get3A_627 = arith.constant 208 : index
      %get3A_628 = tpu.vector_load %arg9[%get3A_626, %get3A_627] {strides = array<i32>} : memref<224x256xf32, #tpu.memory_space<vmem>>, vector<1x16xf32>,
      %get3A_629 = vector.shape_cast %get3A_628 : vector<1x16xf32> to vector<16xf32>
      %abs3A_630 = math.absf %get3A_629 : vector<16xf32>
      %add3A_631 = arith.constant 160 : i32
      %add3A_632 = arith.addi %add3A_631, %scan3A_395 : i32
      %get3A_633 = arith.index_cast %add3A_632 : i32 to index
      %get3A_634 = arith.constant 80 : index
      %get3A_635 = tpu.vector_load %arg9[%get3A_633, %get3A_634] {strides = array<i32>} : memref<224x256xf32, #tpu.memory_space<vmem>>, vector<1x16xf32>,
      %get3A_636 = vector.shape_cast %get3A_635 : vector<1x16xf32> to vector<16xf32>
      %add3A_637 = arith.constant 160 : i32
      %add3A_638 = arith.addi %add3A_637, %scan3A_395 : i32
      %get3A_639 = arith.index_cast %add3A_638 : i32 to index
      %get3A_640 = arith.constant 208 : index
      %get3A_641 = tpu.vector_load %arg9[%get3A_639, %get3A_640] {strides = array<i32>} : memref<224x256xf32, #tpu.memory_space<vmem>>, vector<1x16xf32>,
      %get3A_642 = vector.shape_cast %get3A_641 : vector<1x16xf32> to vector<16xf32>
      %abs3A_643 = math.absf %get3A_642 : vector<16xf32>
      %sub3A_644 = arith.subf %get3A_623, %get3A_636 : vector<16xf32>
      %abs3A_645 = math.absf %sub3A_644 : vector<16xf32>
      %add3A_646 = arith.addf %abs3A_630, %abs3A_643 : vector<16xf32>
      %add3A_647 = vector.broadcast %scan3A_79 : f32 to vector<16xf32>
      %add3A_648 = arith.addf %add3A_646, %add3A_647 : vector<16xf32>
      %sub3A_649 = arith.subf %add3A_648, %abs3A_645 : vector<16xf32>
      %max3A_650 = arith.constant 0.000000e+00 : f32
      %max3A_651 = vector.broadcast %max3A_650 : f32 to vector<16xf32>
      %max3A_652 = arith.maximumf %sub3A_649, %max3A_651 : vector<16xf32>
      %sub3A_653 = vector.broadcast %scan3A_80 : f32 to vector<16xf32>
      %sub3A_654 = arith.subf %sub3A_653, %abs3A_630 : vector<16xf32>
      %max3A_655 = arith.constant 0.000000e+00 : f32
      %max3A_656 = vector.broadcast %max3A_655 : f32 to vector<16xf32>
      %max3A_657 = arith.maximumf %sub3A_654, %max3A_656 : vector<16xf32>
      %sub3A_658 = vector.broadcast %scan3A_80 : f32 to vector<16xf32>
      %sub3A_659 = arith.subf %sub3A_658, %abs3A_643 : vector<16xf32>
      %max3A_660 = arith.constant 0.000000e+00 : f32
      %max3A_661 = vector.broadcast %max3A_660 : f32 to vector<16xf32>
      %max3A_662 = arith.maximumf %sub3A_659, %max3A_661 : vector<16xf32>
      %add3A_663 = arith.constant 144 : i32
      %add3A_664 = arith.addi %add3A_663, %scan3A_395 : i32
      %get3A_665 = arith.index_cast %add3A_664 : i32 to index
      %get3A_666 = arith.constant 96 : index
      %get3A_667 = tpu.vector_load %arg9[%get3A_665, %get3A_666] {strides = array<i32>} : memref<224x256xf32, #tpu.memory_space<vmem>>, vector<1x16xf32>,
      %get3A_668 = vector.shape_cast %get3A_667 : vector<1x16xf32> to vector<16xf32>
      %add3A_669 = arith.constant 144 : i32
      %add3A_670 = arith.addi %add3A_669, %scan3A_395 : i32
      %get3A_671 = arith.index_cast %add3A_670 : i32 to index
      %get3A_672 = arith.constant 224 : index
      %get3A_673 = tpu.vector_load %arg9[%get3A_671, %get3A_672] {strides = array<i32>} : memref<224x256xf32, #tpu.memory_space<vmem>>, vector<1x16xf32>,
      %get3A_674 = vector.shape_cast %get3A_673 : vector<1x16xf32> to vector<16xf32>
      %abs3A_675 = math.absf %get3A_674 : vector<16xf32>
      %add3A_676 = arith.constant 160 : i32
      %add3A_677 = arith.addi %add3A_676, %scan3A_395 : i32
      %get3A_678 = arith.index_cast %add3A_677 : i32 to index
      %get3A_679 = arith.constant 96 : index
      %get3A_680 = tpu.vector_load %arg9[%get3A_678, %get3A_679] {strides = array<i32>} : memref<224x256xf32, #tpu.memory_space<vmem>>, vector<1x16xf32>,
      %get3A_681 = vector.shape_cast %get3A_680 : vector<1x16xf32> to vector<16xf32>
      %add3A_682 = arith.constant 160 : i32
      %add3A_683 = arith.addi %add3A_682, %scan3A_395 : i32
      %get3A_684 = arith.index_cast %add3A_683 : i32 to index
      %get3A_685 = arith.constant 224 : index
      %get3A_686 = tpu.vector_load %arg9[%get3A_684, %get3A_685] {strides = array<i32>} : memref<224x256xf32, #tpu.memory_space<vmem>>, vector<1x16xf32>,
      %get3A_687 = vector.shape_cast %get3A_686 : vector<1x16xf32> to vector<16xf32>
      %abs3A_688 = math.absf %get3A_687 : vector<16xf32>
      %sub3A_689 = arith.subf %get3A_668, %get3A_681 : vector<16xf32>
      %abs3A_690 = math.absf %sub3A_689 : vector<16xf32>
      %add3A_691 = arith.addf %abs3A_675, %abs3A_688 : vector<16xf32>
      %add3A_692 = vector.broadcast %scan3A_79 : f32 to vector<16xf32>
      %add3A_693 = arith.addf %add3A_691, %add3A_692 : vector<16xf32>
      %sub3A_694 = arith.subf %add3A_693, %abs3A_690 : vector<16xf32>
      %max3A_695 = arith.constant 0.000000e+00 : f32
      %max3A_696 = vector.broadcast %max3A_695 : f32 to vector<16xf32>
      %max3A_697 = arith.maximumf %sub3A_694, %max3A_696 : vector<16xf32>
      %sub3A_698 = vector.broadcast %scan3A_80 : f32 to vector<16xf32>
      %sub3A_699 = arith.subf %sub3A_698, %abs3A_675 : vector<16xf32>
      %max3A_700 = arith.constant 0.000000e+00 : f32
      %max3A_701 = vector.broadcast %max3A_700 : f32 to vector<16xf32>
      %max3A_702 = arith.maximumf %sub3A_699, %max3A_701 : vector<16xf32>
      %sub3A_703 = vector.broadcast %scan3A_80 : f32 to vector<16xf32>
      %sub3A_704 = arith.subf %sub3A_703, %abs3A_688 : vector<16xf32>
      %max3A_705 = arith.constant 0.000000e+00 : f32
      %max3A_706 = vector.broadcast %max3A_705 : f32 to vector<16xf32>
      %max3A_707 = arith.maximumf %sub3A_704, %max3A_706 : vector<16xf32>
      %add3A_708 = arith.constant 144 : i32
      %add3A_709 = arith.addi %add3A_708, %scan3A_395 : i32
      %get3A_710 = arith.index_cast %add3A_709 : i32 to index
      %get3A_711 = arith.constant 112 : index
      %get3A_712 = tpu.vector_load %arg9[%get3A_710, %get3A_711] {strides = array<i32>} : memref<224x256xf32, #tpu.memory_space<vmem>>, vector<1x16xf32>,
      %get3A_713 = vector.shape_cast %get3A_712 : vector<1x16xf32> to vector<16xf32>
      %add3A_714 = arith.constant 144 : i32
      %add3A_715 = arith.addi %add3A_714, %scan3A_395 : i32
      %get3A_716 = arith.index_cast %add3A_715 : i32 to index
      %get3A_717 = arith.constant 240 : index
      %get3A_718 = tpu.vector_load %arg9[%get3A_716, %get3A_717] {strides = array<i32>} : memref<224x256xf32, #tpu.memory_space<vmem>>, vector<1x16xf32>,
      %get3A_719 = vector.shape_cast %get3A_718 : vector<1x16xf32> to vector<16xf32>
      %abs3A_720 = math.absf %get3A_719 : vector<16xf32>
      %add3A_721 = arith.constant 160 : i32
      %add3A_722 = arith.addi %add3A_721, %scan3A_395 : i32
      %get3A_723 = arith.index_cast %add3A_722 : i32 to index
      %get3A_724 = arith.constant 112 : index
      %get3A_725 = tpu.vector_load %arg9[%get3A_723, %get3A_724] {strides = array<i32>} : memref<224x256xf32, #tpu.memory_space<vmem>>, vector<1x16xf32>,
      %get3A_726 = vector.shape_cast %get3A_725 : vector<1x16xf32> to vector<16xf32>
      %add3A_727 = arith.constant 160 : i32
      %add3A_728 = arith.addi %add3A_727, %scan3A_395 : i32
      %get3A_729 = arith.index_cast %add3A_728 : i32 to index
      %get3A_730 = arith.constant 240 : index
      %get3A_731 = tpu.vector_load %arg9[%get3A_729, %get3A_730] {strides = array<i32>} : memref<224x256xf32, #tpu.memory_space<vmem>>, vector<1x16xf32>,
      %get3A_732 = vector.shape_cast %get3A_731 : vector<1x16xf32> to vector<16xf32>
      %abs3A_733 = math.absf %get3A_732 : vector<16xf32>
      %sub3A_734 = arith.subf %get3A_713, %get3A_726 : vector<16xf32>
      %abs3A_735 = math.absf %sub3A_734 : vector<16xf32>
      %add3A_736 = arith.addf %abs3A_720, %abs3A_733 : vector<16xf32>
      %add3A_737 = vector.broadcast %scan3A_79 : f32 to vector<16xf32>
      %add3A_738 = arith.addf %add3A_736, %add3A_737 : vector<16xf32>
      %sub3A_739 = arith.subf %add3A_738, %abs3A_735 : vector<16xf32>
      %max3A_740 = arith.constant 0.000000e+00 : f32
      %max3A_741 = vector.broadcast %max3A_740 : f32 to vector<16xf32>
      %max3A_742 = arith.maximumf %sub3A_739, %max3A_741 : vector<16xf32>
      %sub3A_743 = vector.broadcast %scan3A_80 : f32 to vector<16xf32>
      %sub3A_744 = arith.subf %sub3A_743, %abs3A_720 : vector<16xf32>
      %max3A_745 = arith.constant 0.000000e+00 : f32
      %max3A_746 = vector.broadcast %max3A_745 : f32 to vector<16xf32>
      %max3A_747 = arith.maximumf %sub3A_744, %max3A_746 : vector<16xf32>
      %sub3A_748 = vector.broadcast %scan3A_80 : f32 to vector<16xf32>
      %sub3A_749 = arith.subf %sub3A_748, %abs3A_733 : vector<16xf32>
      %max3A_750 = arith.constant 0.000000e+00 : f32
      %max3A_751 = vector.broadcast %max3A_750 : f32 to vector<16xf32>
      %max3A_752 = arith.maximumf %sub3A_749, %max3A_751 : vector<16xf32>
      %add3A_753 = arith.constant 48 : i32
      %add3A_754 = arith.addi %add3A_753, %scan3A_395 : i32
      %mul3A_755 = arith.mulf %max3A_427, %max3A_427 : vector<16xf32>
      %mul3A_756 = arith.mulf %max3A_472, %max3A_472 : vector<16xf32>
      %add3A_757 = arith.addf %mul3A_755, %mul3A_756 : vector<16xf32>
      %mul3A_758 = arith.mulf %max3A_517, %max3A_517 : vector<16xf32>
      %add3A_759 = arith.addf %add3A_757, %mul3A_758 : vector<16xf32>
      %mul3A_760 = arith.mulf %max3A_562, %max3A_562 : vector<16xf32>
      %add3A_761 = arith.addf %add3A_759, %mul3A_760 : vector<16xf32>
      %mul3A_762 = arith.mulf %max3A_607, %max3A_607 : vector<16xf32>
      %add3A_763 = arith.addf %add3A_761, %mul3A_762 : vector<16xf32>
      %mul3A_764 = arith.mulf %max3A_652, %max3A_652 : vector<16xf32>
      %add3A_765 = arith.addf %add3A_763, %mul3A_764 : vector<16xf32>
      %mul3A_766 = arith.mulf %max3A_697, %max3A_697 : vector<16xf32>
      %add3A_767 = arith.addf %add3A_765, %mul3A_766 : vector<16xf32>
      %mul3A_768 = arith.mulf %max3A_742, %max3A_742 : vector<16xf32>
      %add3A_769 = arith.addf %add3A_767, %mul3A_768 : vector<16xf32>
      %jit3A = arith.constant 8 : i32
      %div3A = arith.divsi %add3A_754, %jit3A : i32
      %sign3A = arith.constant 0 : i32
      %sign3A_770 = arith.cmpi sgt, %add3A_754, %sign3A : i32
      %sign3A_771 = arith.extui %sign3A_770 : i1 to i32
      %sign3A_772 = arith.constant 0 : i32
      %sign3A_773 = arith.cmpi slt, %add3A_754, %sign3A_772 : i32
      %sign3A_774 = arith.extui %sign3A_773 : i1 to i32
      %sign3A_775 = arith.subi %sign3A_771, %sign3A_774 : i32
      %sign3A_776 = arith.constant 0 : i32
      %sign3A_777 = arith.cmpi sgt, %jit3A, %sign3A_776 : i32
      %sign3A_778 = arith.extui %sign3A_777 : i1 to i32
      %sign3A_779 = arith.constant 0 : i32
      %sign3A_780 = arith.cmpi slt, %jit3A, %sign3A_779 : i32
      %sign3A_781 = arith.extui %sign3A_780 : i1 to i32
      %sign3A_782 = arith.subi %sign3A_778, %sign3A_781 : i32
      %ne3A = arith.cmpi ne, %sign3A_775, %sign3A_782 : i32
      %rem3A = arith.remsi %add3A_754, %jit3A : i32
      %ne3A_783 = arith.constant 0 : i32
      %ne3A_784 = arith.cmpi ne, %rem3A, %ne3A_783 : i32
      %and3A = arith.andi %ne3A, %ne3A_784 : i1
      %sub3A_785 = arith.constant 1 : i32
      %sub3A_786 = arith.subi %div3A, %sub3A_785 : i32
      %select_n3A = arith.select %and3A, %sub3A_786, %div3A : i32
      %jit3A_787 = arith.constant 8 : i32
      %eq3A = arith.constant 0 : i32
      %eq3A_788 = arith.cmpi eq, %jit3A_787, %eq3A : i32
      %jit3A_789 = arith.constant 1 : i32
      %select_n3A_790 = arith.select %eq3A_788, %jit3A_789, %jit3A_787 : i32
      %rem3A_791 = arith.remsi %add3A_754, %select_n3A_790 : i32
      %ne3A_792 = arith.constant 0 : i32
      %ne3A_793 = arith.cmpi ne, %rem3A_791, %ne3A_792 : i32
      %lt3A = arith.constant 0 : i32
      %lt3A_794 = arith.cmpi slt, %rem3A_791, %lt3A : i32
      %lt3A_795 = arith.constant 0 : i32
      %lt3A_796 = arith.cmpi slt, %select_n3A_790, %lt3A_795 : i32
      %ne3A_797 = arith.xori %lt3A_794, %lt3A_796 : i1
      %and3A_798 = arith.andi %ne3A_797, %ne3A_793 : i1
      %add3A_799 = arith.addi %rem3A_791, %select_n3A_790 : i32
      %select_n3A_800 = arith.select %and3A_798, %add3A_799, %rem3A_791 : i32
      %mul3A_801 = arith.constant 16 : i32
      %mul3A_802 = arith.muli %select_n3A_800, %mul3A_801 : i32
      %swap3A_803 = arith.index_cast %select_n3A : i32 to index
      %swap3A_804 = arith.index_cast %mul3A_802 : i32 to index
      %swap3A_805 = tpu.vector_load %arg11[%swap3A_803, %swap3A_804] {strides = array<i32>} : memref<48x128xf32, #tpu.memory_space<vmem>>, vector<1x16xf32>,
      %swap3A_806 = vector.shape_cast %swap3A_805 : vector<1x16xf32> to vector<16xf32>
      %swap3A_807 = vector.shape_cast %add3A_769 : vector<16xf32> to vector<1x16xf32>
      tpu.vector_store %arg11[%swap3A_803, %swap3A_804], %swap3A_807 {strides = array<i32>} : memref<48x128xf32, #tpu.memory_space<vmem>>, vector<1x16xf32>,
      %add3A_808 = arith.constant 64 : i32
      %add3A_809 = arith.addi %add3A_808, %scan3A_395 : i32
      %mul3A_810 = arith.mulf %max3A_432, %max3A_432 : vector<16xf32>
      %mul3A_811 = arith.mulf %max3A_477, %max3A_477 : vector<16xf32>
      %add3A_812 = arith.addf %mul3A_810, %mul3A_811 : vector<16xf32>
      %mul3A_813 = arith.mulf %max3A_522, %max3A_522 : vector<16xf32>
      %add3A_814 = arith.addf %add3A_812, %mul3A_813 : vector<16xf32>
      %mul3A_815 = arith.mulf %max3A_567, %max3A_567 : vector<16xf32>
      %add3A_816 = arith.addf %add3A_814, %mul3A_815 : vector<16xf32>
      %mul3A_817 = arith.mulf %max3A_612, %max3A_612 : vector<16xf32>
      %add3A_818 = arith.addf %add3A_816, %mul3A_817 : vector<16xf32>
      %mul3A_819 = arith.mulf %max3A_657, %max3A_657 : vector<16xf32>
      %add3A_820 = arith.addf %add3A_818, %mul3A_819 : vector<16xf32>
      %mul3A_821 = arith.mulf %max3A_702, %max3A_702 : vector<16xf32>
      %add3A_822 = arith.addf %add3A_820, %mul3A_821 : vector<16xf32>
      %mul3A_823 = arith.mulf %max3A_747, %max3A_747 : vector<16xf32>
      %add3A_824 = arith.addf %add3A_822, %mul3A_823 : vector<16xf32>
      %jit3A_825 = arith.constant 8 : i32
      %div3A_826 = arith.divsi %add3A_809, %jit3A_825 : i32
      %sign3A_827 = arith.constant 0 : i32
      %sign3A_828 = arith.cmpi sgt, %add3A_809, %sign3A_827 : i32
      %sign3A_829 = arith.extui %sign3A_828 : i1 to i32
      %sign3A_830 = arith.constant 0 : i32
      %sign3A_831 = arith.cmpi slt, %add3A_809, %sign3A_830 : i32
      %sign3A_832 = arith.extui %sign3A_831 : i1 to i32
      %sign3A_833 = arith.subi %sign3A_829, %sign3A_832 : i32
      %sign3A_834 = arith.constant 0 : i32
      %sign3A_835 = arith.cmpi sgt, %jit3A_825, %sign3A_834 : i32
      %sign3A_836 = arith.extui %sign3A_835 : i1 to i32
      %sign3A_837 = arith.constant 0 : i32
      %sign3A_838 = arith.cmpi slt, %jit3A_825, %sign3A_837 : i32
      %sign3A_839 = arith.extui %sign3A_838 : i1 to i32
      %sign3A_840 = arith.subi %sign3A_836, %sign3A_839 : i32
      %ne3A_841 = arith.cmpi ne, %sign3A_833, %sign3A_840 : i32
      %rem3A_842 = arith.remsi %add3A_809, %jit3A_825 : i32
      %ne3A_843 = arith.constant 0 : i32
      %ne3A_844 = arith.cmpi ne, %rem3A_842, %ne3A_843 : i32
      %and3A_845 = arith.andi %ne3A_841, %ne3A_844 : i1
      %sub3A_846 = arith.constant 1 : i32
      %sub3A_847 = arith.subi %div3A_826, %sub3A_846 : i32
      %select_n3A_848 = arith.select %and3A_845, %sub3A_847, %div3A_826 : i32
      %jit3A_849 = arith.constant 8 : i32
      %eq3A_850 = arith.constant 0 : i32
      %eq3A_851 = arith.cmpi eq, %jit3A_849, %eq3A_850 : i32
      %jit3A_852 = arith.constant 1 : i32
      %select_n3A_853 = arith.select %eq3A_851, %jit3A_852, %jit3A_849 : i32
      %rem3A_854 = arith.remsi %add3A_809, %select_n3A_853 : i32
      %ne3A_855 = arith.constant 0 : i32
      %ne3A_856 = arith.cmpi ne, %rem3A_854, %ne3A_855 : i32
      %lt3A_857 = arith.constant 0 : i32
      %lt3A_858 = arith.cmpi slt, %rem3A_854, %lt3A_857 : i32
      %lt3A_859 = arith.constant 0 : i32
      %lt3A_860 = arith.cmpi slt, %select_n3A_853, %lt3A_859 : i32
      %ne3A_861 = arith.xori %lt3A_858, %lt3A_860 : i1
      %and3A_862 = arith.andi %ne3A_861, %ne3A_856 : i1
      %add3A_863 = arith.addi %rem3A_854, %select_n3A_853 : i32
      %select_n3A_864 = arith.select %and3A_862, %add3A_863, %rem3A_854 : i32
      %mul3A_865 = arith.constant 16 : i32
      %mul3A_866 = arith.muli %select_n3A_864, %mul3A_865 : i32
      %swap3A_867 = arith.index_cast %select_n3A_848 : i32 to index
      %swap3A_868 = arith.index_cast %mul3A_866 : i32 to index
      %swap3A_869 = tpu.vector_load %arg11[%swap3A_867, %swap3A_868] {strides = array<i32>} : memref<48x128xf32, #tpu.memory_space<vmem>>, vector<1x16xf32>,
      %swap3A_870 = vector.shape_cast %swap3A_869 : vector<1x16xf32> to vector<16xf32>
      %swap3A_871 = vector.shape_cast %add3A_824 : vector<16xf32> to vector<1x16xf32>
      tpu.vector_store %arg11[%swap3A_867, %swap3A_868], %swap3A_871 {strides = array<i32>} : memref<48x128xf32, #tpu.memory_space<vmem>>, vector<1x16xf32>,
      %add3A_872 = arith.constant 80 : i32
      %add3A_873 = arith.addi %add3A_872, %scan3A_395 : i32
      %mul3A_874 = arith.mulf %max3A_437, %max3A_437 : vector<16xf32>
      %mul3A_875 = arith.mulf %max3A_482, %max3A_482 : vector<16xf32>
      %add3A_876 = arith.addf %mul3A_874, %mul3A_875 : vector<16xf32>
      %mul3A_877 = arith.mulf %max3A_527, %max3A_527 : vector<16xf32>
      %add3A_878 = arith.addf %add3A_876, %mul3A_877 : vector<16xf32>
      %mul3A_879 = arith.mulf %max3A_572, %max3A_572 : vector<16xf32>
      %add3A_880 = arith.addf %add3A_878, %mul3A_879 : vector<16xf32>
      %mul3A_881 = arith.mulf %max3A_617, %max3A_617 : vector<16xf32>
      %add3A_882 = arith.addf %add3A_880, %mul3A_881 : vector<16xf32>
      %mul3A_883 = arith.mulf %max3A_662, %max3A_662 : vector<16xf32>
      %add3A_884 = arith.addf %add3A_882, %mul3A_883 : vector<16xf32>
      %mul3A_885 = arith.mulf %max3A_707, %max3A_707 : vector<16xf32>
      %add3A_886 = arith.addf %add3A_884, %mul3A_885 : vector<16xf32>
      %mul3A_887 = arith.mulf %max3A_752, %max3A_752 : vector<16xf32>
      %add3A_888 = arith.addf %add3A_886, %mul3A_887 : vector<16xf32>
      %jit3A_889 = arith.constant 8 : i32
      %div3A_890 = arith.divsi %add3A_873, %jit3A_889 : i32
      %sign3A_891 = arith.constant 0 : i32
      %sign3A_892 = arith.cmpi sgt, %add3A_873, %sign3A_891 : i32
      %sign3A_893 = arith.extui %sign3A_892 : i1 to i32
      %sign3A_894 = arith.constant 0 : i32
      %sign3A_895 = arith.cmpi slt, %add3A_873, %sign3A_894 : i32
      %sign3A_896 = arith.extui %sign3A_895 : i1 to i32
      %sign3A_897 = arith.subi %sign3A_893, %sign3A_896 : i32
      %sign3A_898 = arith.constant 0 : i32
      %sign3A_899 = arith.cmpi sgt, %jit3A_889, %sign3A_898 : i32
      %sign3A_900 = arith.extui %sign3A_899 : i1 to i32
      %sign3A_901 = arith.constant 0 : i32
      %sign3A_902 = arith.cmpi slt, %jit3A_889, %sign3A_901 : i32
      %sign3A_903 = arith.extui %sign3A_902 : i1 to i32
      %sign3A_904 = arith.subi %sign3A_900, %sign3A_903 : i32
      %ne3A_905 = arith.cmpi ne, %sign3A_897, %sign3A_904 : i32
      %rem3A_906 = arith.remsi %add3A_873, %jit3A_889 : i32
      %ne3A_907 = arith.constant 0 : i32
      %ne3A_908 = arith.cmpi ne, %rem3A_906, %ne3A_907 : i32
      %and3A_909 = arith.andi %ne3A_905, %ne3A_908 : i1
      %sub3A_910 = arith.constant 1 : i32
      %sub3A_911 = arith.subi %div3A_890, %sub3A_910 : i32
      %select_n3A_912 = arith.select %and3A_909, %sub3A_911, %div3A_890 : i32
      %jit3A_913 = arith.constant 8 : i32
      %eq3A_914 = arith.constant 0 : i32
      %eq3A_915 = arith.cmpi eq, %jit3A_913, %eq3A_914 : i32
      %jit3A_916 = arith.constant 1 : i32
      %select_n3A_917 = arith.select %eq3A_915, %jit3A_916, %jit3A_913 : i32
      %rem3A_918 = arith.remsi %add3A_873, %select_n3A_917 : i32
      %ne3A_919 = arith.constant 0 : i32
      %ne3A_920 = arith.cmpi ne, %rem3A_918, %ne3A_919 : i32
      %lt3A_921 = arith.constant 0 : i32
      %lt3A_922 = arith.cmpi slt, %rem3A_918, %lt3A_921 : i32
      %lt3A_923 = arith.constant 0 : i32
      %lt3A_924 = arith.cmpi slt, %select_n3A_917, %lt3A_923 : i32
      %ne3A_925 = arith.xori %lt3A_922, %lt3A_924 : i1
      %and3A_926 = arith.andi %ne3A_925, %ne3A_920 : i1
      %add3A_927 = arith.addi %rem3A_918, %select_n3A_917 : i32
      %select_n3A_928 = arith.select %and3A_926, %add3A_927, %rem3A_918 : i32
      %mul3A_929 = arith.constant 16 : i32
      %mul3A_930 = arith.muli %select_n3A_928, %mul3A_929 : i32
      %swap3A_931 = arith.index_cast %select_n3A_912 : i32 to index
      %swap3A_932 = arith.index_cast %mul3A_930 : i32 to index
      %swap3A_933 = tpu.vector_load %arg11[%swap3A_931, %swap3A_932] {strides = array<i32>} : memref<48x128xf32, #tpu.memory_space<vmem>>, vector<1x16xf32>,
      %swap3A_934 = vector.shape_cast %swap3A_933 : vector<1x16xf32> to vector<16xf32>
      %swap3A_935 = vector.shape_cast %add3A_888 : vector<16xf32> to vector<1x16xf32>
      tpu.vector_store %arg11[%swap3A_931, %swap3A_932], %swap3A_935 {strides = array<i32>} : memref<48x128xf32, #tpu.memory_space<vmem>>, vector<1x16xf32>,
      %scan3A_936 = arith.constant 0 : i32
      scf.yield %scan3A_936 : i32
    }
    %scan3A_87 = arith.constant 16 : i32
    %neg3A = arith.constant 0.000000e+00 : f32
    %neg3A_88 = arith.constant 5.000000e-02 : f32
    %neg3A_89 = arith.subf %neg3A, %neg3A_88 : f32
    %scan3A_90 = arith.constant 1.000000e-01 : f32
    %scan3A_91 = arith.constant 0 : i32
    %scan3A_92 = arith.constant 0 : i32
    %scan3A_93 = arith.constant 16 : i32
    %scan3A_94 = arith.addi %scan3A_92, %scan3A_93 : i32
    %scan3A_95 = arith.constant 1 : i32
    %scan3A_96 = scf.for %scan3A_395 = %scan3A_92 to %scan3A_94 step %scan3A_95 iter_args(%scan3A_396 = %scan3A_91) -> (i32)  : i32 {
      %add3A_397 = arith.constant 176 : i32
      %add3A_398 = arith.addi %add3A_397, %scan3A_395 : i32
      %get3A = arith.index_cast %add3A_398 : i32 to index
      %get3A_399 = arith.constant 0 : index
      %get3A_400 = tpu.vector_load %arg9[%get3A, %get3A_399] {strides = array<i32>} : memref<224x256xf32, #tpu.memory_space<vmem>>, vector<1x16xf32>,
      %get3A_401 = vector.shape_cast %get3A_400 : vector<1x16xf32> to vector<16xf32>
      %add3A_402 = arith.constant 176 : i32
      %add3A_403 = arith.addi %add3A_402, %scan3A_395 : i32
      %get3A_404 = arith.index_cast %add3A_403 : i32 to index
      %get3A_405 = arith.constant 128 : index
      %get3A_406 = tpu.vector_load %arg9[%get3A_404, %get3A_405] {strides = array<i32>} : memref<224x256xf32, #tpu.memory_space<vmem>>, vector<1x16xf32>,
      %get3A_407 = vector.shape_cast %get3A_406 : vector<1x16xf32> to vector<16xf32>
      %abs3A = math.absf %get3A_407 : vector<16xf32>
      %add3A_408 = arith.constant 192 : i32
      %add3A_409 = arith.addi %add3A_408, %scan3A_395 : i32
      %get3A_410 = arith.index_cast %add3A_409 : i32 to index
      %get3A_411 = arith.constant 0 : index
      %get3A_412 = tpu.vector_load %arg9[%get3A_410, %get3A_411] {strides = array<i32>} : memref<224x256xf32, #tpu.memory_space<vmem>>, vector<1x16xf32>,
      %get3A_413 = vector.shape_cast %get3A_412 : vector<1x16xf32> to vector<16xf32>
      %add3A_414 = arith.constant 192 : i32
      %add3A_415 = arith.addi %add3A_414, %scan3A_395 : i32
      %get3A_416 = arith.index_cast %add3A_415 : i32 to index
      %get3A_417 = arith.constant 128 : index
      %get3A_418 = tpu.vector_load %arg9[%get3A_416, %get3A_417] {strides = array<i32>} : memref<224x256xf32, #tpu.memory_space<vmem>>, vector<1x16xf32>,
      %get3A_419 = vector.shape_cast %get3A_418 : vector<1x16xf32> to vector<16xf32>
      %abs3A_420 = math.absf %get3A_419 : vector<16xf32>
      %sub3A = arith.subf %get3A_401, %get3A_413 : vector<16xf32>
      %abs3A_421 = math.absf %sub3A : vector<16xf32>
      %sub3A_422 = arith.subf %abs3A_421, %abs3A : vector<16xf32>
      %sub3A_423 = arith.subf %sub3A_422, %abs3A_420 : vector<16xf32>
      %add3A_424 = vector.broadcast %neg3A_89 : f32 to vector<16xf32>
      %add3A_425 = arith.addf %sub3A_423, %add3A_424 : vector<16xf32>
      %max3A = arith.constant 0.000000e+00 : f32
      %max3A_426 = vector.broadcast %max3A : f32 to vector<16xf32>
      %max3A_427 = arith.maximumf %add3A_425, %max3A_426 : vector<16xf32>
      %sub3A_428 = vector.broadcast %scan3A_90 : f32 to vector<16xf32>
      %sub3A_429 = arith.subf %sub3A_428, %abs3A : vector<16xf32>
      %max3A_430 = arith.constant 0.000000e+00 : f32
      %max3A_431 = vector.broadcast %max3A_430 : f32 to vector<16xf32>
      %max3A_432 = arith.maximumf %sub3A_429, %max3A_431 : vector<16xf32>
      %sub3A_433 = vector.broadcast %scan3A_90 : f32 to vector<16xf32>
      %sub3A_434 = arith.subf %sub3A_433, %abs3A_420 : vector<16xf32>
      %max3A_435 = arith.constant 0.000000e+00 : f32
      %max3A_436 = vector.broadcast %max3A_435 : f32 to vector<16xf32>
      %max3A_437 = arith.maximumf %sub3A_434, %max3A_436 : vector<16xf32>
      %add3A_438 = arith.constant 176 : i32
      %add3A_439 = arith.addi %add3A_438, %scan3A_395 : i32
      %get3A_440 = arith.index_cast %add3A_439 : i32 to index
      %get3A_441 = arith.constant 16 : index
      %get3A_442 = tpu.vector_load %arg9[%get3A_440, %get3A_441] {strides = array<i32>} : memref<224x256xf32, #tpu.memory_space<vmem>>, vector<1x16xf32>,
      %get3A_443 = vector.shape_cast %get3A_442 : vector<1x16xf32> to vector<16xf32>
      %add3A_444 = arith.constant 176 : i32
      %add3A_445 = arith.addi %add3A_444, %scan3A_395 : i32
      %get3A_446 = arith.index_cast %add3A_445 : i32 to index
      %get3A_447 = arith.constant 144 : index
      %get3A_448 = tpu.vector_load %arg9[%get3A_446, %get3A_447] {strides = array<i32>} : memref<224x256xf32, #tpu.memory_space<vmem>>, vector<1x16xf32>,
      %get3A_449 = vector.shape_cast %get3A_448 : vector<1x16xf32> to vector<16xf32>
      %abs3A_450 = math.absf %get3A_449 : vector<16xf32>
      %add3A_451 = arith.constant 192 : i32
      %add3A_452 = arith.addi %add3A_451, %scan3A_395 : i32
      %get3A_453 = arith.index_cast %add3A_452 : i32 to index
      %get3A_454 = arith.constant 16 : index
      %get3A_455 = tpu.vector_load %arg9[%get3A_453, %get3A_454] {strides = array<i32>} : memref<224x256xf32, #tpu.memory_space<vmem>>, vector<1x16xf32>,
      %get3A_456 = vector.shape_cast %get3A_455 : vector<1x16xf32> to vector<16xf32>
      %add3A_457 = arith.constant 192 : i32
      %add3A_458 = arith.addi %add3A_457, %scan3A_395 : i32
      %get3A_459 = arith.index_cast %add3A_458 : i32 to index
      %get3A_460 = arith.constant 144 : index
      %get3A_461 = tpu.vector_load %arg9[%get3A_459, %get3A_460] {strides = array<i32>} : memref<224x256xf32, #tpu.memory_space<vmem>>, vector<1x16xf32>,
      %get3A_462 = vector.shape_cast %get3A_461 : vector<1x16xf32> to vector<16xf32>
      %abs3A_463 = math.absf %get3A_462 : vector<16xf32>
      %sub3A_464 = arith.subf %get3A_443, %get3A_456 : vector<16xf32>
      %abs3A_465 = math.absf %sub3A_464 : vector<16xf32>
      %sub3A_466 = arith.subf %abs3A_465, %abs3A_450 : vector<16xf32>
      %sub3A_467 = arith.subf %sub3A_466, %abs3A_463 : vector<16xf32>
      %add3A_468 = vector.broadcast %neg3A_89 : f32 to vector<16xf32>
      %add3A_469 = arith.addf %sub3A_467, %add3A_468 : vector<16xf32>
      %max3A_470 = arith.constant 0.000000e+00 : f32
      %max3A_471 = vector.broadcast %max3A_470 : f32 to vector<16xf32>
      %max3A_472 = arith.maximumf %add3A_469, %max3A_471 : vector<16xf32>
      %sub3A_473 = vector.broadcast %scan3A_90 : f32 to vector<16xf32>
      %sub3A_474 = arith.subf %sub3A_473, %abs3A_450 : vector<16xf32>
      %max3A_475 = arith.constant 0.000000e+00 : f32
      %max3A_476 = vector.broadcast %max3A_475 : f32 to vector<16xf32>
      %max3A_477 = arith.maximumf %sub3A_474, %max3A_476 : vector<16xf32>
      %sub3A_478 = vector.broadcast %scan3A_90 : f32 to vector<16xf32>
      %sub3A_479 = arith.subf %sub3A_478, %abs3A_463 : vector<16xf32>
      %max3A_480 = arith.constant 0.000000e+00 : f32
      %max3A_481 = vector.broadcast %max3A_480 : f32 to vector<16xf32>
      %max3A_482 = arith.maximumf %sub3A_479, %max3A_481 : vector<16xf32>
      %add3A_483 = arith.constant 176 : i32
      %add3A_484 = arith.addi %add3A_483, %scan3A_395 : i32
      %get3A_485 = arith.index_cast %add3A_484 : i32 to index
      %get3A_486 = arith.constant 32 : index
      %get3A_487 = tpu.vector_load %arg9[%get3A_485, %get3A_486] {strides = array<i32>} : memref<224x256xf32, #tpu.memory_space<vmem>>, vector<1x16xf32>,
      %get3A_488 = vector.shape_cast %get3A_487 : vector<1x16xf32> to vector<16xf32>
      %add3A_489 = arith.constant 176 : i32
      %add3A_490 = arith.addi %add3A_489, %scan3A_395 : i32
      %get3A_491 = arith.index_cast %add3A_490 : i32 to index
      %get3A_492 = arith.constant 160 : index
      %get3A_493 = tpu.vector_load %arg9[%get3A_491, %get3A_492] {strides = array<i32>} : memref<224x256xf32, #tpu.memory_space<vmem>>, vector<1x16xf32>,
      %get3A_494 = vector.shape_cast %get3A_493 : vector<1x16xf32> to vector<16xf32>
      %abs3A_495 = math.absf %get3A_494 : vector<16xf32>
      %add3A_496 = arith.constant 192 : i32
      %add3A_497 = arith.addi %add3A_496, %scan3A_395 : i32
      %get3A_498 = arith.index_cast %add3A_497 : i32 to index
      %get3A_499 = arith.constant 32 : index
      %get3A_500 = tpu.vector_load %arg9[%get3A_498, %get3A_499] {strides = array<i32>} : memref<224x256xf32, #tpu.memory_space<vmem>>, vector<1x16xf32>,
      %get3A_501 = vector.shape_cast %get3A_500 : vector<1x16xf32> to vector<16xf32>
      %add3A_502 = arith.constant 192 : i32
      %add3A_503 = arith.addi %add3A_502, %scan3A_395 : i32
      %get3A_504 = arith.index_cast %add3A_503 : i32 to index
      %get3A_505 = arith.constant 160 : index
      %get3A_506 = tpu.vector_load %arg9[%get3A_504, %get3A_505] {strides = array<i32>} : memref<224x256xf32, #tpu.memory_space<vmem>>, vector<1x16xf32>,
      %get3A_507 = vector.shape_cast %get3A_506 : vector<1x16xf32> to vector<16xf32>
      %abs3A_508 = math.absf %get3A_507 : vector<16xf32>
      %sub3A_509 = arith.subf %get3A_488, %get3A_501 : vector<16xf32>
      %abs3A_510 = math.absf %sub3A_509 : vector<16xf32>
      %sub3A_511 = arith.subf %abs3A_510, %abs3A_495 : vector<16xf32>
      %sub3A_512 = arith.subf %sub3A_511, %abs3A_508 : vector<16xf32>
      %add3A_513 = vector.broadcast %neg3A_89 : f32 to vector<16xf32>
      %add3A_514 = arith.addf %sub3A_512, %add3A_513 : vector<16xf32>
      %max3A_515 = arith.constant 0.000000e+00 : f32
      %max3A_516 = vector.broadcast %max3A_515 : f32 to vector<16xf32>
      %max3A_517 = arith.maximumf %add3A_514, %max3A_516 : vector<16xf32>
      %sub3A_518 = vector.broadcast %scan3A_90 : f32 to vector<16xf32>
      %sub3A_519 = arith.subf %sub3A_518, %abs3A_495 : vector<16xf32>
      %max3A_520 = arith.constant 0.000000e+00 : f32
      %max3A_521 = vector.broadcast %max3A_520 : f32 to vector<16xf32>
      %max3A_522 = arith.maximumf %sub3A_519, %max3A_521 : vector<16xf32>
      %sub3A_523 = vector.broadcast %scan3A_90 : f32 to vector<16xf32>
      %sub3A_524 = arith.subf %sub3A_523, %abs3A_508 : vector<16xf32>
      %max3A_525 = arith.constant 0.000000e+00 : f32
      %max3A_526 = vector.broadcast %max3A_525 : f32 to vector<16xf32>
      %max3A_527 = arith.maximumf %sub3A_524, %max3A_526 : vector<16xf32>
      %add3A_528 = arith.constant 176 : i32
      %add3A_529 = arith.addi %add3A_528, %scan3A_395 : i32
      %get3A_530 = arith.index_cast %add3A_529 : i32 to index
      %get3A_531 = arith.constant 48 : index
      %get3A_532 = tpu.vector_load %arg9[%get3A_530, %get3A_531] {strides = array<i32>} : memref<224x256xf32, #tpu.memory_space<vmem>>, vector<1x16xf32>,
      %get3A_533 = vector.shape_cast %get3A_532 : vector<1x16xf32> to vector<16xf32>
      %add3A_534 = arith.constant 176 : i32
      %add3A_535 = arith.addi %add3A_534, %scan3A_395 : i32
      %get3A_536 = arith.index_cast %add3A_535 : i32 to index
      %get3A_537 = arith.constant 176 : index
      %get3A_538 = tpu.vector_load %arg9[%get3A_536, %get3A_537] {strides = array<i32>} : memref<224x256xf32, #tpu.memory_space<vmem>>, vector<1x16xf32>,
      %get3A_539 = vector.shape_cast %get3A_538 : vector<1x16xf32> to vector<16xf32>
      %abs3A_540 = math.absf %get3A_539 : vector<16xf32>
      %add3A_541 = arith.constant 192 : i32
      %add3A_542 = arith.addi %add3A_541, %scan3A_395 : i32
      %get3A_543 = arith.index_cast %add3A_542 : i32 to index
      %get3A_544 = arith.constant 48 : index
      %get3A_545 = tpu.vector_load %arg9[%get3A_543, %get3A_544] {strides = array<i32>} : memref<224x256xf32, #tpu.memory_space<vmem>>, vector<1x16xf32>,
      %get3A_546 = vector.shape_cast %get3A_545 : vector<1x16xf32> to vector<16xf32>
      %add3A_547 = arith.constant 192 : i32
      %add3A_548 = arith.addi %add3A_547, %scan3A_395 : i32
      %get3A_549 = arith.index_cast %add3A_548 : i32 to index
      %get3A_550 = arith.constant 176 : index
      %get3A_551 = tpu.vector_load %arg9[%get3A_549, %get3A_550] {strides = array<i32>} : memref<224x256xf32, #tpu.memory_space<vmem>>, vector<1x16xf32>,
      %get3A_552 = vector.shape_cast %get3A_551 : vector<1x16xf32> to vector<16xf32>
      %abs3A_553 = math.absf %get3A_552 : vector<16xf32>
      %sub3A_554 = arith.subf %get3A_533, %get3A_546 : vector<16xf32>
      %abs3A_555 = math.absf %sub3A_554 : vector<16xf32>
      %sub3A_556 = arith.subf %abs3A_555, %abs3A_540 : vector<16xf32>
      %sub3A_557 = arith.subf %sub3A_556, %abs3A_553 : vector<16xf32>
      %add3A_558 = vector.broadcast %neg3A_89 : f32 to vector<16xf32>
      %add3A_559 = arith.addf %sub3A_557, %add3A_558 : vector<16xf32>
      %max3A_560 = arith.constant 0.000000e+00 : f32
      %max3A_561 = vector.broadcast %max3A_560 : f32 to vector<16xf32>
      %max3A_562 = arith.maximumf %add3A_559, %max3A_561 : vector<16xf32>
      %sub3A_563 = vector.broadcast %scan3A_90 : f32 to vector<16xf32>
      %sub3A_564 = arith.subf %sub3A_563, %abs3A_540 : vector<16xf32>
      %max3A_565 = arith.constant 0.000000e+00 : f32
      %max3A_566 = vector.broadcast %max3A_565 : f32 to vector<16xf32>
      %max3A_567 = arith.maximumf %sub3A_564, %max3A_566 : vector<16xf32>
      %sub3A_568 = vector.broadcast %scan3A_90 : f32 to vector<16xf32>
      %sub3A_569 = arith.subf %sub3A_568, %abs3A_553 : vector<16xf32>
      %max3A_570 = arith.constant 0.000000e+00 : f32
      %max3A_571 = vector.broadcast %max3A_570 : f32 to vector<16xf32>
      %max3A_572 = arith.maximumf %sub3A_569, %max3A_571 : vector<16xf32>
      %add3A_573 = arith.constant 176 : i32
      %add3A_574 = arith.addi %add3A_573, %scan3A_395 : i32
      %get3A_575 = arith.index_cast %add3A_574 : i32 to index
      %get3A_576 = arith.constant 64 : index
      %get3A_577 = tpu.vector_load %arg9[%get3A_575, %get3A_576] {strides = array<i32>} : memref<224x256xf32, #tpu.memory_space<vmem>>, vector<1x16xf32>,
      %get3A_578 = vector.shape_cast %get3A_577 : vector<1x16xf32> to vector<16xf32>
      %add3A_579 = arith.constant 176 : i32
      %add3A_580 = arith.addi %add3A_579, %scan3A_395 : i32
      %get3A_581 = arith.index_cast %add3A_580 : i32 to index
      %get3A_582 = arith.constant 192 : index
      %get3A_583 = tpu.vector_load %arg9[%get3A_581, %get3A_582] {strides = array<i32>} : memref<224x256xf32, #tpu.memory_space<vmem>>, vector<1x16xf32>,
      %get3A_584 = vector.shape_cast %get3A_583 : vector<1x16xf32> to vector<16xf32>
      %abs3A_585 = math.absf %get3A_584 : vector<16xf32>
      %add3A_586 = arith.constant 192 : i32
      %add3A_587 = arith.addi %add3A_586, %scan3A_395 : i32
      %get3A_588 = arith.index_cast %add3A_587 : i32 to index
      %get3A_589 = arith.constant 64 : index
      %get3A_590 = tpu.vector_load %arg9[%get3A_588, %get3A_589] {strides = array<i32>} : memref<224x256xf32, #tpu.memory_space<vmem>>, vector<1x16xf32>,
      %get3A_591 = vector.shape_cast %get3A_590 : vector<1x16xf32> to vector<16xf32>
      %add3A_592 = arith.constant 192 : i32
      %add3A_593 = arith.addi %add3A_592, %scan3A_395 : i32
      %get3A_594 = arith.index_cast %add3A_593 : i32 to index
      %get3A_595 = arith.constant 192 : index
      %get3A_596 = tpu.vector_load %arg9[%get3A_594, %get3A_595] {strides = array<i32>} : memref<224x256xf32, #tpu.memory_space<vmem>>, vector<1x16xf32>,
      %get3A_597 = vector.shape_cast %get3A_596 : vector<1x16xf32> to vector<16xf32>
      %abs3A_598 = math.absf %get3A_597 : vector<16xf32>
      %sub3A_599 = arith.subf %get3A_578, %get3A_591 : vector<16xf32>
      %abs3A_600 = math.absf %sub3A_599 : vector<16xf32>
      %sub3A_601 = arith.subf %abs3A_600, %abs3A_585 : vector<16xf32>
      %sub3A_602 = arith.subf %sub3A_601, %abs3A_598 : vector<16xf32>
      %add3A_603 = vector.broadcast %neg3A_89 : f32 to vector<16xf32>
      %add3A_604 = arith.addf %sub3A_602, %add3A_603 : vector<16xf32>
      %max3A_605 = arith.constant 0.000000e+00 : f32
      %max3A_606 = vector.broadcast %max3A_605 : f32 to vector<16xf32>
      %max3A_607 = arith.maximumf %add3A_604, %max3A_606 : vector<16xf32>
      %sub3A_608 = vector.broadcast %scan3A_90 : f32 to vector<16xf32>
      %sub3A_609 = arith.subf %sub3A_608, %abs3A_585 : vector<16xf32>
      %max3A_610 = arith.constant 0.000000e+00 : f32
      %max3A_611 = vector.broadcast %max3A_610 : f32 to vector<16xf32>
      %max3A_612 = arith.maximumf %sub3A_609, %max3A_611 : vector<16xf32>
      %sub3A_613 = vector.broadcast %scan3A_90 : f32 to vector<16xf32>
      %sub3A_614 = arith.subf %sub3A_613, %abs3A_598 : vector<16xf32>
      %max3A_615 = arith.constant 0.000000e+00 : f32
      %max3A_616 = vector.broadcast %max3A_615 : f32 to vector<16xf32>
      %max3A_617 = arith.maximumf %sub3A_614, %max3A_616 : vector<16xf32>
      %add3A_618 = arith.constant 176 : i32
      %add3A_619 = arith.addi %add3A_618, %scan3A_395 : i32
      %get3A_620 = arith.index_cast %add3A_619 : i32 to index
      %get3A_621 = arith.constant 80 : index
      %get3A_622 = tpu.vector_load %arg9[%get3A_620, %get3A_621] {strides = array<i32>} : memref<224x256xf32, #tpu.memory_space<vmem>>, vector<1x16xf32>,
      %get3A_623 = vector.shape_cast %get3A_622 : vector<1x16xf32> to vector<16xf32>
      %add3A_624 = arith.constant 176 : i32
      %add3A_625 = arith.addi %add3A_624, %scan3A_395 : i32
      %get3A_626 = arith.index_cast %add3A_625 : i32 to index
      %get3A_627 = arith.constant 208 : index
      %get3A_628 = tpu.vector_load %arg9[%get3A_626, %get3A_627] {strides = array<i32>} : memref<224x256xf32, #tpu.memory_space<vmem>>, vector<1x16xf32>,
      %get3A_629 = vector.shape_cast %get3A_628 : vector<1x16xf32> to vector<16xf32>
      %abs3A_630 = math.absf %get3A_629 : vector<16xf32>
      %add3A_631 = arith.constant 192 : i32
      %add3A_632 = arith.addi %add3A_631, %scan3A_395 : i32
      %get3A_633 = arith.index_cast %add3A_632 : i32 to index
      %get3A_634 = arith.constant 80 : index
      %get3A_635 = tpu.vector_load %arg9[%get3A_633, %get3A_634] {strides = array<i32>} : memref<224x256xf32, #tpu.memory_space<vmem>>, vector<1x16xf32>,
      %get3A_636 = vector.shape_cast %get3A_635 : vector<1x16xf32> to vector<16xf32>
      %add3A_637 = arith.constant 192 : i32
      %add3A_638 = arith.addi %add3A_637, %scan3A_395 : i32
      %get3A_639 = arith.index_cast %add3A_638 : i32 to index
      %get3A_640 = arith.constant 208 : index
      %get3A_641 = tpu.vector_load %arg9[%get3A_639, %get3A_640] {strides = array<i32>} : memref<224x256xf32, #tpu.memory_space<vmem>>, vector<1x16xf32>,
      %get3A_642 = vector.shape_cast %get3A_641 : vector<1x16xf32> to vector<16xf32>
      %abs3A_643 = math.absf %get3A_642 : vector<16xf32>
      %sub3A_644 = arith.subf %get3A_623, %get3A_636 : vector<16xf32>
      %abs3A_645 = math.absf %sub3A_644 : vector<16xf32>
      %sub3A_646 = arith.subf %abs3A_645, %abs3A_630 : vector<16xf32>
      %sub3A_647 = arith.subf %sub3A_646, %abs3A_643 : vector<16xf32>
      %add3A_648 = vector.broadcast %neg3A_89 : f32 to vector<16xf32>
      %add3A_649 = arith.addf %sub3A_647, %add3A_648 : vector<16xf32>
      %max3A_650 = arith.constant 0.000000e+00 : f32
      %max3A_651 = vector.broadcast %max3A_650 : f32 to vector<16xf32>
      %max3A_652 = arith.maximumf %add3A_649, %max3A_651 : vector<16xf32>
      %sub3A_653 = vector.broadcast %scan3A_90 : f32 to vector<16xf32>
      %sub3A_654 = arith.subf %sub3A_653, %abs3A_630 : vector<16xf32>
      %max3A_655 = arith.constant 0.000000e+00 : f32
      %max3A_656 = vector.broadcast %max3A_655 : f32 to vector<16xf32>
      %max3A_657 = arith.maximumf %sub3A_654, %max3A_656 : vector<16xf32>
      %sub3A_658 = vector.broadcast %scan3A_90 : f32 to vector<16xf32>
      %sub3A_659 = arith.subf %sub3A_658, %abs3A_643 : vector<16xf32>
      %max3A_660 = arith.constant 0.000000e+00 : f32
      %max3A_661 = vector.broadcast %max3A_660 : f32 to vector<16xf32>
      %max3A_662 = arith.maximumf %sub3A_659, %max3A_661 : vector<16xf32>
      %add3A_663 = arith.constant 176 : i32
      %add3A_664 = arith.addi %add3A_663, %scan3A_395 : i32
      %get3A_665 = arith.index_cast %add3A_664 : i32 to index
      %get3A_666 = arith.constant 96 : index
      %get3A_667 = tpu.vector_load %arg9[%get3A_665, %get3A_666] {strides = array<i32>} : memref<224x256xf32, #tpu.memory_space<vmem>>, vector<1x16xf32>,
      %get3A_668 = vector.shape_cast %get3A_667 : vector<1x16xf32> to vector<16xf32>
      %add3A_669 = arith.constant 176 : i32
      %add3A_670 = arith.addi %add3A_669, %scan3A_395 : i32
      %get3A_671 = arith.index_cast %add3A_670 : i32 to index
      %get3A_672 = arith.constant 224 : index
      %get3A_673 = tpu.vector_load %arg9[%get3A_671, %get3A_672] {strides = array<i32>} : memref<224x256xf32, #tpu.memory_space<vmem>>, vector<1x16xf32>,
      %get3A_674 = vector.shape_cast %get3A_673 : vector<1x16xf32> to vector<16xf32>
      %abs3A_675 = math.absf %get3A_674 : vector<16xf32>
      %add3A_676 = arith.constant 192 : i32
      %add3A_677 = arith.addi %add3A_676, %scan3A_395 : i32
      %get3A_678 = arith.index_cast %add3A_677 : i32 to index
      %get3A_679 = arith.constant 96 : index
      %get3A_680 = tpu.vector_load %arg9[%get3A_678, %get3A_679] {strides = array<i32>} : memref<224x256xf32, #tpu.memory_space<vmem>>, vector<1x16xf32>,
      %get3A_681 = vector.shape_cast %get3A_680 : vector<1x16xf32> to vector<16xf32>
      %add3A_682 = arith.constant 192 : i32
      %add3A_683 = arith.addi %add3A_682, %scan3A_395 : i32
      %get3A_684 = arith.index_cast %add3A_683 : i32 to index
      %get3A_685 = arith.constant 224 : index
      %get3A_686 = tpu.vector_load %arg9[%get3A_684, %get3A_685] {strides = array<i32>} : memref<224x256xf32, #tpu.memory_space<vmem>>, vector<1x16xf32>,
      %get3A_687 = vector.shape_cast %get3A_686 : vector<1x16xf32> to vector<16xf32>
      %abs3A_688 = math.absf %get3A_687 : vector<16xf32>
      %sub3A_689 = arith.subf %get3A_668, %get3A_681 : vector<16xf32>
      %abs3A_690 = math.absf %sub3A_689 : vector<16xf32>
      %sub3A_691 = arith.subf %abs3A_690, %abs3A_675 : vector<16xf32>
      %sub3A_692 = arith.subf %sub3A_691, %abs3A_688 : vector<16xf32>
      %add3A_693 = vector.broadcast %neg3A_89 : f32 to vector<16xf32>
      %add3A_694 = arith.addf %sub3A_692, %add3A_693 : vector<16xf32>
      %max3A_695 = arith.constant 0.000000e+00 : f32
      %max3A_696 = vector.broadcast %max3A_695 : f32 to vector<16xf32>
      %max3A_697 = arith.maximumf %add3A_694, %max3A_696 : vector<16xf32>
      %sub3A_698 = vector.broadcast %scan3A_90 : f32 to vector<16xf32>
      %sub3A_699 = arith.subf %sub3A_698, %abs3A_675 : vector<16xf32>
      %max3A_700 = arith.constant 0.000000e+00 : f32
      %max3A_701 = vector.broadcast %max3A_700 : f32 to vector<16xf32>
      %max3A_702 = arith.maximumf %sub3A_699, %max3A_701 : vector<16xf32>
      %sub3A_703 = vector.broadcast %scan3A_90 : f32 to vector<16xf32>
      %sub3A_704 = arith.subf %sub3A_703, %abs3A_688 : vector<16xf32>
      %max3A_705 = arith.constant 0.000000e+00 : f32
      %max3A_706 = vector.broadcast %max3A_705 : f32 to vector<16xf32>
      %max3A_707 = arith.maximumf %sub3A_704, %max3A_706 : vector<16xf32>
      %add3A_708 = arith.constant 176 : i32
      %add3A_709 = arith.addi %add3A_708, %scan3A_395 : i32
      %get3A_710 = arith.index_cast %add3A_709 : i32 to index
      %get3A_711 = arith.constant 112 : index
      %get3A_712 = tpu.vector_load %arg9[%get3A_710, %get3A_711] {strides = array<i32>} : memref<224x256xf32, #tpu.memory_space<vmem>>, vector<1x16xf32>,
      %get3A_713 = vector.shape_cast %get3A_712 : vector<1x16xf32> to vector<16xf32>
      %add3A_714 = arith.constant 176 : i32
      %add3A_715 = arith.addi %add3A_714, %scan3A_395 : i32
      %get3A_716 = arith.index_cast %add3A_715 : i32 to index
      %get3A_717 = arith.constant 240 : index
      %get3A_718 = tpu.vector_load %arg9[%get3A_716, %get3A_717] {strides = array<i32>} : memref<224x256xf32, #tpu.memory_space<vmem>>, vector<1x16xf32>,
      %get3A_719 = vector.shape_cast %get3A_718 : vector<1x16xf32> to vector<16xf32>
      %abs3A_720 = math.absf %get3A_719 : vector<16xf32>
      %add3A_721 = arith.constant 192 : i32
      %add3A_722 = arith.addi %add3A_721, %scan3A_395 : i32
      %get3A_723 = arith.index_cast %add3A_722 : i32 to index
      %get3A_724 = arith.constant 112 : index
      %get3A_725 = tpu.vector_load %arg9[%get3A_723, %get3A_724] {strides = array<i32>} : memref<224x256xf32, #tpu.memory_space<vmem>>, vector<1x16xf32>,
      %get3A_726 = vector.shape_cast %get3A_725 : vector<1x16xf32> to vector<16xf32>
      %add3A_727 = arith.constant 192 : i32
      %add3A_728 = arith.addi %add3A_727, %scan3A_395 : i32
      %get3A_729 = arith.index_cast %add3A_728 : i32 to index
      %get3A_730 = arith.constant 240 : index
      %get3A_731 = tpu.vector_load %arg9[%get3A_729, %get3A_730] {strides = array<i32>} : memref<224x256xf32, #tpu.memory_space<vmem>>, vector<1x16xf32>,
      %get3A_732 = vector.shape_cast %get3A_731 : vector<1x16xf32> to vector<16xf32>
      %abs3A_733 = math.absf %get3A_732 : vector<16xf32>
      %sub3A_734 = arith.subf %get3A_713, %get3A_726 : vector<16xf32>
      %abs3A_735 = math.absf %sub3A_734 : vector<16xf32>
      %sub3A_736 = arith.subf %abs3A_735, %abs3A_720 : vector<16xf32>
      %sub3A_737 = arith.subf %sub3A_736, %abs3A_733 : vector<16xf32>
      %add3A_738 = vector.broadcast %neg3A_89 : f32 to vector<16xf32>
      %add3A_739 = arith.addf %sub3A_737, %add3A_738 : vector<16xf32>
      %max3A_740 = arith.constant 0.000000e+00 : f32
      %max3A_741 = vector.broadcast %max3A_740 : f32 to vector<16xf32>
      %max3A_742 = arith.maximumf %add3A_739, %max3A_741 : vector<16xf32>
      %sub3A_743 = vector.broadcast %scan3A_90 : f32 to vector<16xf32>
      %sub3A_744 = arith.subf %sub3A_743, %abs3A_720 : vector<16xf32>
      %max3A_745 = arith.constant 0.000000e+00 : f32
      %max3A_746 = vector.broadcast %max3A_745 : f32 to vector<16xf32>
      %max3A_747 = arith.maximumf %sub3A_744, %max3A_746 : vector<16xf32>
      %sub3A_748 = vector.broadcast %scan3A_90 : f32 to vector<16xf32>
      %sub3A_749 = arith.subf %sub3A_748, %abs3A_733 : vector<16xf32>
      %max3A_750 = arith.constant 0.000000e+00 : f32
      %max3A_751 = vector.broadcast %max3A_750 : f32 to vector<16xf32>
      %max3A_752 = arith.maximumf %sub3A_749, %max3A_751 : vector<16xf32>
      %add3A_753 = arith.constant 96 : i32
      %add3A_754 = arith.addi %add3A_753, %scan3A_395 : i32
      %mul3A_755 = arith.mulf %max3A_427, %max3A_427 : vector<16xf32>
      %mul3A_756 = arith.mulf %max3A_472, %max3A_472 : vector<16xf32>
      %add3A_757 = arith.addf %mul3A_755, %mul3A_756 : vector<16xf32>
      %mul3A_758 = arith.mulf %max3A_517, %max3A_517 : vector<16xf32>
      %add3A_759 = arith.addf %add3A_757, %mul3A_758 : vector<16xf32>
      %mul3A_760 = arith.mulf %max3A_562, %max3A_562 : vector<16xf32>
      %add3A_761 = arith.addf %add3A_759, %mul3A_760 : vector<16xf32>
      %mul3A_762 = arith.mulf %max3A_607, %max3A_607 : vector<16xf32>
      %add3A_763 = arith.addf %add3A_761, %mul3A_762 : vector<16xf32>
      %mul3A_764 = arith.mulf %max3A_652, %max3A_652 : vector<16xf32>
      %add3A_765 = arith.addf %add3A_763, %mul3A_764 : vector<16xf32>
      %mul3A_766 = arith.mulf %max3A_697, %max3A_697 : vector<16xf32>
      %add3A_767 = arith.addf %add3A_765, %mul3A_766 : vector<16xf32>
      %mul3A_768 = arith.mulf %max3A_742, %max3A_742 : vector<16xf32>
      %add3A_769 = arith.addf %add3A_767, %mul3A_768 : vector<16xf32>
      %jit3A = arith.constant 8 : i32
      %div3A = arith.divsi %add3A_754, %jit3A : i32
      %sign3A = arith.constant 0 : i32
      %sign3A_770 = arith.cmpi sgt, %add3A_754, %sign3A : i32
      %sign3A_771 = arith.extui %sign3A_770 : i1 to i32
      %sign3A_772 = arith.constant 0 : i32
      %sign3A_773 = arith.cmpi slt, %add3A_754, %sign3A_772 : i32
      %sign3A_774 = arith.extui %sign3A_773 : i1 to i32
      %sign3A_775 = arith.subi %sign3A_771, %sign3A_774 : i32
      %sign3A_776 = arith.constant 0 : i32
      %sign3A_777 = arith.cmpi sgt, %jit3A, %sign3A_776 : i32
      %sign3A_778 = arith.extui %sign3A_777 : i1 to i32
      %sign3A_779 = arith.constant 0 : i32
      %sign3A_780 = arith.cmpi slt, %jit3A, %sign3A_779 : i32
      %sign3A_781 = arith.extui %sign3A_780 : i1 to i32
      %sign3A_782 = arith.subi %sign3A_778, %sign3A_781 : i32
      %ne3A = arith.cmpi ne, %sign3A_775, %sign3A_782 : i32
      %rem3A = arith.remsi %add3A_754, %jit3A : i32
      %ne3A_783 = arith.constant 0 : i32
      %ne3A_784 = arith.cmpi ne, %rem3A, %ne3A_783 : i32
      %and3A = arith.andi %ne3A, %ne3A_784 : i1
      %sub3A_785 = arith.constant 1 : i32
      %sub3A_786 = arith.subi %div3A, %sub3A_785 : i32
      %select_n3A = arith.select %and3A, %sub3A_786, %div3A : i32
      %jit3A_787 = arith.constant 8 : i32
      %eq3A = arith.constant 0 : i32
      %eq3A_788 = arith.cmpi eq, %jit3A_787, %eq3A : i32
      %jit3A_789 = arith.constant 1 : i32
      %select_n3A_790 = arith.select %eq3A_788, %jit3A_789, %jit3A_787 : i32
      %rem3A_791 = arith.remsi %add3A_754, %select_n3A_790 : i32
      %ne3A_792 = arith.constant 0 : i32
      %ne3A_793 = arith.cmpi ne, %rem3A_791, %ne3A_792 : i32
      %lt3A = arith.constant 0 : i32
      %lt3A_794 = arith.cmpi slt, %rem3A_791, %lt3A : i32
      %lt3A_795 = arith.constant 0 : i32
      %lt3A_796 = arith.cmpi slt, %select_n3A_790, %lt3A_795 : i32
      %ne3A_797 = arith.xori %lt3A_794, %lt3A_796 : i1
      %and3A_798 = arith.andi %ne3A_797, %ne3A_793 : i1
      %add3A_799 = arith.addi %rem3A_791, %select_n3A_790 : i32
      %select_n3A_800 = arith.select %and3A_798, %add3A_799, %rem3A_791 : i32
      %mul3A_801 = arith.constant 16 : i32
      %mul3A_802 = arith.muli %select_n3A_800, %mul3A_801 : i32
      %swap3A_803 = arith.index_cast %select_n3A : i32 to index
      %swap3A_804 = arith.index_cast %mul3A_802 : i32 to index
      %swap3A_805 = tpu.vector_load %arg11[%swap3A_803, %swap3A_804] {strides = array<i32>} : memref<48x128xf32, #tpu.memory_space<vmem>>, vector<1x16xf32>,
      %swap3A_806 = vector.shape_cast %swap3A_805 : vector<1x16xf32> to vector<16xf32>
      %swap3A_807 = vector.shape_cast %add3A_769 : vector<16xf32> to vector<1x16xf32>
      tpu.vector_store %arg11[%swap3A_803, %swap3A_804], %swap3A_807 {strides = array<i32>} : memref<48x128xf32, #tpu.memory_space<vmem>>, vector<1x16xf32>,
      %add3A_808 = arith.constant 112 : i32
      %add3A_809 = arith.addi %add3A_808, %scan3A_395 : i32
      %mul3A_810 = arith.mulf %max3A_432, %max3A_432 : vector<16xf32>
      %mul3A_811 = arith.mulf %max3A_477, %max3A_477 : vector<16xf32>
      %add3A_812 = arith.addf %mul3A_810, %mul3A_811 : vector<16xf32>
      %mul3A_813 = arith.mulf %max3A_522, %max3A_522 : vector<16xf32>
      %add3A_814 = arith.addf %add3A_812, %mul3A_813 : vector<16xf32>
      %mul3A_815 = arith.mulf %max3A_567, %max3A_567 : vector<16xf32>
      %add3A_816 = arith.addf %add3A_814, %mul3A_815 : vector<16xf32>
      %mul3A_817 = arith.mulf %max3A_612, %max3A_612 : vector<16xf32>
      %add3A_818 = arith.addf %add3A_816, %mul3A_817 : vector<16xf32>
      %mul3A_819 = arith.mulf %max3A_657, %max3A_657 : vector<16xf32>
      %add3A_820 = arith.addf %add3A_818, %mul3A_819 : vector<16xf32>
      %mul3A_821 = arith.mulf %max3A_702, %max3A_702 : vector<16xf32>
      %add3A_822 = arith.addf %add3A_820, %mul3A_821 : vector<16xf32>
      %mul3A_823 = arith.mulf %max3A_747, %max3A_747 : vector<16xf32>
      %add3A_824 = arith.addf %add3A_822, %mul3A_823 : vector<16xf32>
      %jit3A_825 = arith.constant 8 : i32
      %div3A_826 = arith.divsi %add3A_809, %jit3A_825 : i32
      %sign3A_827 = arith.constant 0 : i32
      %sign3A_828 = arith.cmpi sgt, %add3A_809, %sign3A_827 : i32
      %sign3A_829 = arith.extui %sign3A_828 : i1 to i32
      %sign3A_830 = arith.constant 0 : i32
      %sign3A_831 = arith.cmpi slt, %add3A_809, %sign3A_830 : i32
      %sign3A_832 = arith.extui %sign3A_831 : i1 to i32
      %sign3A_833 = arith.subi %sign3A_829, %sign3A_832 : i32
      %sign3A_834 = arith.constant 0 : i32
      %sign3A_835 = arith.cmpi sgt, %jit3A_825, %sign3A_834 : i32
      %sign3A_836 = arith.extui %sign3A_835 : i1 to i32
      %sign3A_837 = arith.constant 0 : i32
      %sign3A_838 = arith.cmpi slt, %jit3A_825, %sign3A_837 : i32
      %sign3A_839 = arith.extui %sign3A_838 : i1 to i32
      %sign3A_840 = arith.subi %sign3A_836, %sign3A_839 : i32
      %ne3A_841 = arith.cmpi ne, %sign3A_833, %sign3A_840 : i32
      %rem3A_842 = arith.remsi %add3A_809, %jit3A_825 : i32
      %ne3A_843 = arith.constant 0 : i32
      %ne3A_844 = arith.cmpi ne, %rem3A_842, %ne3A_843 : i32
      %and3A_845 = arith.andi %ne3A_841, %ne3A_844 : i1
      %sub3A_846 = arith.constant 1 : i32
      %sub3A_847 = arith.subi %div3A_826, %sub3A_846 : i32
      %select_n3A_848 = arith.select %and3A_845, %sub3A_847, %div3A_826 : i32
      %jit3A_849 = arith.constant 8 : i32
      %eq3A_850 = arith.constant 0 : i32
      %eq3A_851 = arith.cmpi eq, %jit3A_849, %eq3A_850 : i32
      %jit3A_852 = arith.constant 1 : i32
      %select_n3A_853 = arith.select %eq3A_851, %jit3A_852, %jit3A_849 : i32
      %rem3A_854 = arith.remsi %add3A_809, %select_n3A_853 : i32
      %ne3A_855 = arith.constant 0 : i32
      %ne3A_856 = arith.cmpi ne, %rem3A_854, %ne3A_855 : i32
      %lt3A_857 = arith.constant 0 : i32
      %lt3A_858 = arith.cmpi slt, %rem3A_854, %lt3A_857 : i32
      %lt3A_859 = arith.constant 0 : i32
      %lt3A_860 = arith.cmpi slt, %select_n3A_853, %lt3A_859 : i32
      %ne3A_861 = arith.xori %lt3A_858, %lt3A_860 : i1
      %and3A_862 = arith.andi %ne3A_861, %ne3A_856 : i1
      %add3A_863 = arith.addi %rem3A_854, %select_n3A_853 : i32
      %select_n3A_864 = arith.select %and3A_862, %add3A_863, %rem3A_854 : i32
      %mul3A_865 = arith.constant 16 : i32
      %mul3A_866 = arith.muli %select_n3A_864, %mul3A_865 : i32
      %swap3A_867 = arith.index_cast %select_n3A_848 : i32 to index
      %swap3A_868 = arith.index_cast %mul3A_866 : i32 to index
      %swap3A_869 = tpu.vector_load %arg11[%swap3A_867, %swap3A_868] {strides = array<i32>} : memref<48x128xf32, #tpu.memory_space<vmem>>, vector<1x16xf32>,
      %swap3A_870 = vector.shape_cast %swap3A_869 : vector<1x16xf32> to vector<16xf32>
      %swap3A_871 = vector.shape_cast %add3A_824 : vector<16xf32> to vector<1x16xf32>
      tpu.vector_store %arg11[%swap3A_867, %swap3A_868], %swap3A_871 {strides = array<i32>} : memref<48x128xf32, #tpu.memory_space<vmem>>, vector<1x16xf32>,
      %add3A_872 = arith.constant 128 : i32
      %add3A_873 = arith.addi %add3A_872, %scan3A_395 : i32
      %mul3A_874 = arith.mulf %max3A_437, %max3A_437 : vector<16xf32>
      %mul3A_875 = arith.mulf %max3A_482, %max3A_482 : vector<16xf32>
      %add3A_876 = arith.addf %mul3A_874, %mul3A_875 : vector<16xf32>
      %mul3A_877 = arith.mulf %max3A_527, %max3A_527 : vector<16xf32>
      %add3A_878 = arith.addf %add3A_876, %mul3A_877 : vector<16xf32>
      %mul3A_879 = arith.mulf %max3A_572, %max3A_572 : vector<16xf32>
      %add3A_880 = arith.addf %add3A_878, %mul3A_879 : vector<16xf32>
      %mul3A_881 = arith.mulf %max3A_617, %max3A_617 : vector<16xf32>
      %add3A_882 = arith.addf %add3A_880, %mul3A_881 : vector<16xf32>
      %mul3A_883 = arith.mulf %max3A_662, %max3A_662 : vector<16xf32>
      %add3A_884 = arith.addf %add3A_882, %mul3A_883 : vector<16xf32>
      %mul3A_885 = arith.mulf %max3A_707, %max3A_707 : vector<16xf32>
      %add3A_886 = arith.addf %add3A_884, %mul3A_885 : vector<16xf32>
      %mul3A_887 = arith.mulf %max3A_752, %max3A_752 : vector<16xf32>
      %add3A_888 = arith.addf %add3A_886, %mul3A_887 : vector<16xf32>
      %jit3A_889 = arith.constant 8 : i32
      %div3A_890 = arith.divsi %add3A_873, %jit3A_889 : i32
      %sign3A_891 = arith.constant 0 : i32
      %sign3A_892 = arith.cmpi sgt, %add3A_873, %sign3A_891 : i32
      %sign3A_893 = arith.extui %sign3A_892 : i1 to i32
      %sign3A_894 = arith.constant 0 : i32
      %sign3A_895 = arith.cmpi slt, %add3A_873, %sign3A_894 : i32
      %sign3A_896 = arith.extui %sign3A_895 : i1 to i32
      %sign3A_897 = arith.subi %sign3A_893, %sign3A_896 : i32
      %sign3A_898 = arith.constant 0 : i32
      %sign3A_899 = arith.cmpi sgt, %jit3A_889, %sign3A_898 : i32
      %sign3A_900 = arith.extui %sign3A_899 : i1 to i32
      %sign3A_901 = arith.constant 0 : i32
      %sign3A_902 = arith.cmpi slt, %jit3A_889, %sign3A_901 : i32
      %sign3A_903 = arith.extui %sign3A_902 : i1 to i32
      %sign3A_904 = arith.subi %sign3A_900, %sign3A_903 : i32
      %ne3A_905 = arith.cmpi ne, %sign3A_897, %sign3A_904 : i32
      %rem3A_906 = arith.remsi %add3A_873, %jit3A_889 : i32
      %ne3A_907 = arith.constant 0 : i32
      %ne3A_908 = arith.cmpi ne, %rem3A_906, %ne3A_907 : i32
      %and3A_909 = arith.andi %ne3A_905, %ne3A_908 : i1
      %sub3A_910 = arith.constant 1 : i32
      %sub3A_911 = arith.subi %div3A_890, %sub3A_910 : i32
      %select_n3A_912 = arith.select %and3A_909, %sub3A_911, %div3A_890 : i32
      %jit3A_913 = arith.constant 8 : i32
      %eq3A_914 = arith.constant 0 : i32
      %eq3A_915 = arith.cmpi eq, %jit3A_913, %eq3A_914 : i32
      %jit3A_916 = arith.constant 1 : i32
      %select_n3A_917 = arith.select %eq3A_915, %jit3A_916, %jit3A_913 : i32
      %rem3A_918 = arith.remsi %add3A_873, %select_n3A_917 : i32
      %ne3A_919 = arith.constant 0 : i32
      %ne3A_920 = arith.cmpi ne, %rem3A_918, %ne3A_919 : i32
      %lt3A_921 = arith.constant 0 : i32
      %lt3A_922 = arith.cmpi slt, %rem3A_918, %lt3A_921 : i32
      %lt3A_923 = arith.constant 0 : i32
      %lt3A_924 = arith.cmpi slt, %select_n3A_917, %lt3A_923 : i32
      %ne3A_925 = arith.xori %lt3A_922, %lt3A_924 : i1
      %and3A_926 = arith.andi %ne3A_925, %ne3A_920 : i1
      %add3A_927 = arith.addi %rem3A_918, %select_n3A_917 : i32
      %select_n3A_928 = arith.select %and3A_926, %add3A_927, %rem3A_918 : i32
      %mul3A_929 = arith.constant 16 : i32
      %mul3A_930 = arith.muli %select_n3A_928, %mul3A_929 : i32
      %swap3A_931 = arith.index_cast %select_n3A_912 : i32 to index
      %swap3A_932 = arith.index_cast %mul3A_930 : i32 to index
      %swap3A_933 = tpu.vector_load %arg11[%swap3A_931, %swap3A_932] {strides = array<i32>} : memref<48x128xf32, #tpu.memory_space<vmem>>, vector<1x16xf32>,
      %swap3A_934 = vector.shape_cast %swap3A_933 : vector<1x16xf32> to vector<16xf32>
      %swap3A_935 = vector.shape_cast %add3A_888 : vector<16xf32> to vector<1x16xf32>
      tpu.vector_store %arg11[%swap3A_931, %swap3A_932], %swap3A_935 {strides = array<i32>} : memref<48x128xf32, #tpu.memory_space<vmem>>, vector<1x16xf32>,
      %scan3A_936 = arith.constant 0 : i32
      scf.yield %scan3A_936 : i32
    }
    %scan3A_97 = arith.constant 16 : i32
    %scan3A_98 = arith.constant 0 : i32
    %scan3A_99 = arith.constant 0 : i32
    %scan3A_100 = arith.constant 16 : i32
    %scan3A_101 = arith.addi %scan3A_99, %scan3A_100 : i32
    %scan3A_102 = arith.constant 1 : i32
    %scan3A_103 = scf.for %scan3A_395 = %scan3A_99 to %scan3A_101 step %scan3A_102 iter_args(%scan3A_396 = %scan3A_98) -> (i32)  : i32 {
      %add3A_397 = arith.constant 208 : i32
      %add3A_398 = arith.addi %add3A_397, %scan3A_395 : i32
      %get3A = arith.index_cast %add3A_398 : i32 to index
      %get3A_399 = arith.constant 0 : index
      %get3A_400 = tpu.vector_load %arg9[%get3A, %get3A_399] {strides = array<i32>} : memref<224x256xf32, #tpu.memory_space<vmem>>, vector<1x16xf32>,
      %get3A_401 = vector.shape_cast %get3A_400 : vector<1x16xf32> to vector<16xf32>
      %add3A_402 = arith.constant 208 : i32
      %add3A_403 = arith.addi %add3A_402, %scan3A_395 : i32
      %get3A_404 = arith.index_cast %add3A_403 : i32 to index
      %get3A_405 = arith.constant 128 : index
      %get3A_406 = tpu.vector_load %arg9[%get3A_404, %get3A_405] {strides = array<i32>} : memref<224x256xf32, #tpu.memory_space<vmem>>, vector<1x16xf32>,
      %get3A_407 = vector.shape_cast %get3A_406 : vector<1x16xf32> to vector<16xf32>
      %abs3A = math.absf %get3A_407 : vector<16xf32>
      %mul3A_408 = arith.constant 5.000000e-01 : f32
      %mul3A_409 = vector.broadcast %mul3A_408 : f32 to vector<16xf32>
      %mul3A_410 = arith.mulf %abs3A, %mul3A_409 : vector<16xf32>
      %sub3A = arith.constant 4.000000e+00 : f32
      %sub3A_411 = vector.broadcast %sub3A : f32 to vector<16xf32>
      %sub3A_412 = arith.subf %sub3A_411, %mul3A_410 : vector<16xf32>
      %max3A = arith.constant 0.000000e+00 : f32
      %max3A_413 = vector.broadcast %max3A : f32 to vector<16xf32>
      %max3A_414 = arith.maximumf %sub3A_412, %max3A_413 : vector<16xf32>
      %add3A_415 = arith.constant 4.000000e+00 : f32
      %add3A_416 = vector.broadcast %add3A_415 : f32 to vector<16xf32>
      %add3A_417 = arith.addf %add3A_416, %get3A_401 : vector<16xf32>
      %max3A_418 = arith.constant 0.000000e+00 : f32
      %max3A_419 = vector.broadcast %max3A_418 : f32 to vector<16xf32>
      %max3A_420 = arith.maximumf %add3A_417, %max3A_419 : vector<16xf32>
      %add3A_421 = arith.constant 208 : i32
      %add3A_422 = arith.addi %add3A_421, %scan3A_395 : i32
      %get3A_423 = arith.index_cast %add3A_422 : i32 to index
      %get3A_424 = arith.constant 16 : index
      %get3A_425 = tpu.vector_load %arg9[%get3A_423, %get3A_424] {strides = array<i32>} : memref<224x256xf32, #tpu.memory_space<vmem>>, vector<1x16xf32>,
      %get3A_426 = vector.shape_cast %get3A_425 : vector<1x16xf32> to vector<16xf32>
      %add3A_427 = arith.constant 208 : i32
      %add3A_428 = arith.addi %add3A_427, %scan3A_395 : i32
      %get3A_429 = arith.index_cast %add3A_428 : i32 to index
      %get3A_430 = arith.constant 144 : index
      %get3A_431 = tpu.vector_load %arg9[%get3A_429, %get3A_430] {strides = array<i32>} : memref<224x256xf32, #tpu.memory_space<vmem>>, vector<1x16xf32>,
      %get3A_432 = vector.shape_cast %get3A_431 : vector<1x16xf32> to vector<16xf32>
      %abs3A_433 = math.absf %get3A_432 : vector<16xf32>
      %mul3A_434 = arith.constant 5.000000e-01 : f32
      %mul3A_435 = vector.broadcast %mul3A_434 : f32 to vector<16xf32>
      %mul3A_436 = arith.mulf %abs3A_433, %mul3A_435 : vector<16xf32>
      %sub3A_437 = arith.constant 4.000000e+00 : f32
      %sub3A_438 = vector.broadcast %sub3A_437 : f32 to vector<16xf32>
      %sub3A_439 = arith.subf %sub3A_438, %mul3A_436 : vector<16xf32>
      %max3A_440 = arith.constant 0.000000e+00 : f32
      %max3A_441 = vector.broadcast %max3A_440 : f32 to vector<16xf32>
      %max3A_442 = arith.maximumf %sub3A_439, %max3A_441 : vector<16xf32>
      %add3A_443 = arith.constant 4.000000e+00 : f32
      %add3A_444 = vector.broadcast %add3A_443 : f32 to vector<16xf32>
      %add3A_445 = arith.addf %add3A_444, %get3A_426 : vector<16xf32>
      %max3A_446 = arith.constant 0.000000e+00 : f32
      %max3A_447 = vector.broadcast %max3A_446 : f32 to vector<16xf32>
      %max3A_448 = arith.maximumf %add3A_445, %max3A_447 : vector<16xf32>
      %add3A_449 = arith.constant 208 : i32
      %add3A_450 = arith.addi %add3A_449, %scan3A_395 : i32
      %get3A_451 = arith.index_cast %add3A_450 : i32 to index
      %get3A_452 = arith.constant 32 : index
      %get3A_453 = tpu.vector_load %arg9[%get3A_451, %get3A_452] {strides = array<i32>} : memref<224x256xf32, #tpu.memory_space<vmem>>, vector<1x16xf32>,
      %get3A_454 = vector.shape_cast %get3A_453 : vector<1x16xf32> to vector<16xf32>
      %add3A_455 = arith.constant 208 : i32
      %add3A_456 = arith.addi %add3A_455, %scan3A_395 : i32
      %get3A_457 = arith.index_cast %add3A_456 : i32 to index
      %get3A_458 = arith.constant 160 : index
      %get3A_459 = tpu.vector_load %arg9[%get3A_457, %get3A_458] {strides = array<i32>} : memref<224x256xf32, #tpu.memory_space<vmem>>, vector<1x16xf32>,
      %get3A_460 = vector.shape_cast %get3A_459 : vector<1x16xf32> to vector<16xf32>
      %abs3A_461 = math.absf %get3A_460 : vector<16xf32>
      %mul3A_462 = arith.constant 5.000000e-01 : f32
      %mul3A_463 = vector.broadcast %mul3A_462 : f32 to vector<16xf32>
      %mul3A_464 = arith.mulf %abs3A_461, %mul3A_463 : vector<16xf32>
      %sub3A_465 = arith.constant 4.000000e+00 : f32
      %sub3A_466 = vector.broadcast %sub3A_465 : f32 to vector<16xf32>
      %sub3A_467 = arith.subf %sub3A_466, %mul3A_464 : vector<16xf32>
      %max3A_468 = arith.constant 0.000000e+00 : f32
      %max3A_469 = vector.broadcast %max3A_468 : f32 to vector<16xf32>
      %max3A_470 = arith.maximumf %sub3A_467, %max3A_469 : vector<16xf32>
      %add3A_471 = arith.constant 4.000000e+00 : f32
      %add3A_472 = vector.broadcast %add3A_471 : f32 to vector<16xf32>
      %add3A_473 = arith.addf %add3A_472, %get3A_454 : vector<16xf32>
      %max3A_474 = arith.constant 0.000000e+00 : f32
      %max3A_475 = vector.broadcast %max3A_474 : f32 to vector<16xf32>
      %max3A_476 = arith.maximumf %add3A_473, %max3A_475 : vector<16xf32>
      %add3A_477 = arith.constant 208 : i32
      %add3A_478 = arith.addi %add3A_477, %scan3A_395 : i32
      %get3A_479 = arith.index_cast %add3A_478 : i32 to index
      %get3A_480 = arith.constant 48 : index
      %get3A_481 = tpu.vector_load %arg9[%get3A_479, %get3A_480] {strides = array<i32>} : memref<224x256xf32, #tpu.memory_space<vmem>>, vector<1x16xf32>,
      %get3A_482 = vector.shape_cast %get3A_481 : vector<1x16xf32> to vector<16xf32>
      %add3A_483 = arith.constant 208 : i32
      %add3A_484 = arith.addi %add3A_483, %scan3A_395 : i32
      %get3A_485 = arith.index_cast %add3A_484 : i32 to index
      %get3A_486 = arith.constant 176 : index
      %get3A_487 = tpu.vector_load %arg9[%get3A_485, %get3A_486] {strides = array<i32>} : memref<224x256xf32, #tpu.memory_space<vmem>>, vector<1x16xf32>,
      %get3A_488 = vector.shape_cast %get3A_487 : vector<1x16xf32> to vector<16xf32>
      %abs3A_489 = math.absf %get3A_488 : vector<16xf32>
      %mul3A_490 = arith.constant 5.000000e-01 : f32
      %mul3A_491 = vector.broadcast %mul3A_490 : f32 to vector<16xf32>
      %mul3A_492 = arith.mulf %abs3A_489, %mul3A_491 : vector<16xf32>
      %sub3A_493 = arith.constant 4.000000e+00 : f32
      %sub3A_494 = vector.broadcast %sub3A_493 : f32 to vector<16xf32>
      %sub3A_495 = arith.subf %sub3A_494, %mul3A_492 : vector<16xf32>
      %max3A_496 = arith.constant 0.000000e+00 : f32
      %max3A_497 = vector.broadcast %max3A_496 : f32 to vector<16xf32>
      %max3A_498 = arith.maximumf %sub3A_495, %max3A_497 : vector<16xf32>
      %add3A_499 = arith.constant 4.000000e+00 : f32
      %add3A_500 = vector.broadcast %add3A_499 : f32 to vector<16xf32>
      %add3A_501 = arith.addf %add3A_500, %get3A_482 : vector<16xf32>
      %max3A_502 = arith.constant 0.000000e+00 : f32
      %max3A_503 = vector.broadcast %max3A_502 : f32 to vector<16xf32>
      %max3A_504 = arith.maximumf %add3A_501, %max3A_503 : vector<16xf32>
      %add3A_505 = arith.constant 208 : i32
      %add3A_506 = arith.addi %add3A_505, %scan3A_395 : i32
      %get3A_507 = arith.index_cast %add3A_506 : i32 to index
      %get3A_508 = arith.constant 64 : index
      %get3A_509 = tpu.vector_load %arg9[%get3A_507, %get3A_508] {strides = array<i32>} : memref<224x256xf32, #tpu.memory_space<vmem>>, vector<1x16xf32>,
      %get3A_510 = vector.shape_cast %get3A_509 : vector<1x16xf32> to vector<16xf32>
      %add3A_511 = arith.constant 208 : i32
      %add3A_512 = arith.addi %add3A_511, %scan3A_395 : i32
      %get3A_513 = arith.index_cast %add3A_512 : i32 to index
      %get3A_514 = arith.constant 192 : index
      %get3A_515 = tpu.vector_load %arg9[%get3A_513, %get3A_514] {strides = array<i32>} : memref<224x256xf32, #tpu.memory_space<vmem>>, vector<1x16xf32>,
      %get3A_516 = vector.shape_cast %get3A_515 : vector<1x16xf32> to vector<16xf32>
      %abs3A_517 = math.absf %get3A_516 : vector<16xf32>
      %mul3A_518 = arith.constant 5.000000e-01 : f32
      %mul3A_519 = vector.broadcast %mul3A_518 : f32 to vector<16xf32>
      %mul3A_520 = arith.mulf %abs3A_517, %mul3A_519 : vector<16xf32>
      %sub3A_521 = arith.constant 4.000000e+00 : f32
      %sub3A_522 = vector.broadcast %sub3A_521 : f32 to vector<16xf32>
      %sub3A_523 = arith.subf %sub3A_522, %mul3A_520 : vector<16xf32>
      %max3A_524 = arith.constant 0.000000e+00 : f32
      %max3A_525 = vector.broadcast %max3A_524 : f32 to vector<16xf32>
      %max3A_526 = arith.maximumf %sub3A_523, %max3A_525 : vector<16xf32>
      %add3A_527 = arith.constant 4.000000e+00 : f32
      %add3A_528 = vector.broadcast %add3A_527 : f32 to vector<16xf32>
      %add3A_529 = arith.addf %add3A_528, %get3A_510 : vector<16xf32>
      %max3A_530 = arith.constant 0.000000e+00 : f32
      %max3A_531 = vector.broadcast %max3A_530 : f32 to vector<16xf32>
      %max3A_532 = arith.maximumf %add3A_529, %max3A_531 : vector<16xf32>
      %add3A_533 = arith.constant 208 : i32
      %add3A_534 = arith.addi %add3A_533, %scan3A_395 : i32
      %get3A_535 = arith.index_cast %add3A_534 : i32 to index
      %get3A_536 = arith.constant 80 : index
      %get3A_537 = tpu.vector_load %arg9[%get3A_535, %get3A_536] {strides = array<i32>} : memref<224x256xf32, #tpu.memory_space<vmem>>, vector<1x16xf32>,
      %get3A_538 = vector.shape_cast %get3A_537 : vector<1x16xf32> to vector<16xf32>
      %add3A_539 = arith.constant 208 : i32
      %add3A_540 = arith.addi %add3A_539, %scan3A_395 : i32
      %get3A_541 = arith.index_cast %add3A_540 : i32 to index
      %get3A_542 = arith.constant 208 : index
      %get3A_543 = tpu.vector_load %arg9[%get3A_541, %get3A_542] {strides = array<i32>} : memref<224x256xf32, #tpu.memory_space<vmem>>, vector<1x16xf32>,
      %get3A_544 = vector.shape_cast %get3A_543 : vector<1x16xf32> to vector<16xf32>
      %abs3A_545 = math.absf %get3A_544 : vector<16xf32>
      %mul3A_546 = arith.constant 5.000000e-01 : f32
      %mul3A_547 = vector.broadcast %mul3A_546 : f32 to vector<16xf32>
      %mul3A_548 = arith.mulf %abs3A_545, %mul3A_547 : vector<16xf32>
      %sub3A_549 = arith.constant 4.000000e+00 : f32
      %sub3A_550 = vector.broadcast %sub3A_549 : f32 to vector<16xf32>
      %sub3A_551 = arith.subf %sub3A_550, %mul3A_548 : vector<16xf32>
      %max3A_552 = arith.constant 0.000000e+00 : f32
      %max3A_553 = vector.broadcast %max3A_552 : f32 to vector<16xf32>
      %max3A_554 = arith.maximumf %sub3A_551, %max3A_553 : vector<16xf32>
      %add3A_555 = arith.constant 4.000000e+00 : f32
      %add3A_556 = vector.broadcast %add3A_555 : f32 to vector<16xf32>
      %add3A_557 = arith.addf %add3A_556, %get3A_538 : vector<16xf32>
      %max3A_558 = arith.constant 0.000000e+00 : f32
      %max3A_559 = vector.broadcast %max3A_558 : f32 to vector<16xf32>
      %max3A_560 = arith.maximumf %add3A_557, %max3A_559 : vector<16xf32>
      %add3A_561 = arith.constant 208 : i32
      %add3A_562 = arith.addi %add3A_561, %scan3A_395 : i32
      %get3A_563 = arith.index_cast %add3A_562 : i32 to index
      %get3A_564 = arith.constant 96 : index
      %get3A_565 = tpu.vector_load %arg9[%get3A_563, %get3A_564] {strides = array<i32>} : memref<224x256xf32, #tpu.memory_space<vmem>>, vector<1x16xf32>,
      %get3A_566 = vector.shape_cast %get3A_565 : vector<1x16xf32> to vector<16xf32>
      %add3A_567 = arith.constant 208 : i32
      %add3A_568 = arith.addi %add3A_567, %scan3A_395 : i32
      %get3A_569 = arith.index_cast %add3A_568 : i32 to index
      %get3A_570 = arith.constant 224 : index
      %get3A_571 = tpu.vector_load %arg9[%get3A_569, %get3A_570] {strides = array<i32>} : memref<224x256xf32, #tpu.memory_space<vmem>>, vector<1x16xf32>,
      %get3A_572 = vector.shape_cast %get3A_571 : vector<1x16xf32> to vector<16xf32>
      %abs3A_573 = math.absf %get3A_572 : vector<16xf32>
      %mul3A_574 = arith.constant 5.000000e-01 : f32
      %mul3A_575 = vector.broadcast %mul3A_574 : f32 to vector<16xf32>
      %mul3A_576 = arith.mulf %abs3A_573, %mul3A_575 : vector<16xf32>
      %sub3A_577 = arith.constant 4.000000e+00 : f32
      %sub3A_578 = vector.broadcast %sub3A_577 : f32 to vector<16xf32>
      %sub3A_579 = arith.subf %sub3A_578, %mul3A_576 : vector<16xf32>
      %max3A_580 = arith.constant 0.000000e+00 : f32
      %max3A_581 = vector.broadcast %max3A_580 : f32 to vector<16xf32>
      %max3A_582 = arith.maximumf %sub3A_579, %max3A_581 : vector<16xf32>
      %add3A_583 = arith.constant 4.000000e+00 : f32
      %add3A_584 = vector.broadcast %add3A_583 : f32 to vector<16xf32>
      %add3A_585 = arith.addf %add3A_584, %get3A_566 : vector<16xf32>
      %max3A_586 = arith.constant 0.000000e+00 : f32
      %max3A_587 = vector.broadcast %max3A_586 : f32 to vector<16xf32>
      %max3A_588 = arith.maximumf %add3A_585, %max3A_587 : vector<16xf32>
      %add3A_589 = arith.constant 208 : i32
      %add3A_590 = arith.addi %add3A_589, %scan3A_395 : i32
      %get3A_591 = arith.index_cast %add3A_590 : i32 to index
      %get3A_592 = arith.constant 112 : index
      %get3A_593 = tpu.vector_load %arg9[%get3A_591, %get3A_592] {strides = array<i32>} : memref<224x256xf32, #tpu.memory_space<vmem>>, vector<1x16xf32>,
      %get3A_594 = vector.shape_cast %get3A_593 : vector<1x16xf32> to vector<16xf32>
      %add3A_595 = arith.constant 208 : i32
      %add3A_596 = arith.addi %add3A_595, %scan3A_395 : i32
      %get3A_597 = arith.index_cast %add3A_596 : i32 to index
      %get3A_598 = arith.constant 240 : index
      %get3A_599 = tpu.vector_load %arg9[%get3A_597, %get3A_598] {strides = array<i32>} : memref<224x256xf32, #tpu.memory_space<vmem>>, vector<1x16xf32>,
      %get3A_600 = vector.shape_cast %get3A_599 : vector<1x16xf32> to vector<16xf32>
      %abs3A_601 = math.absf %get3A_600 : vector<16xf32>
      %mul3A_602 = arith.constant 5.000000e-01 : f32
      %mul3A_603 = vector.broadcast %mul3A_602 : f32 to vector<16xf32>
      %mul3A_604 = arith.mulf %abs3A_601, %mul3A_603 : vector<16xf32>
      %sub3A_605 = arith.constant 4.000000e+00 : f32
      %sub3A_606 = vector.broadcast %sub3A_605 : f32 to vector<16xf32>
      %sub3A_607 = arith.subf %sub3A_606, %mul3A_604 : vector<16xf32>
      %max3A_608 = arith.constant 0.000000e+00 : f32
      %max3A_609 = vector.broadcast %max3A_608 : f32 to vector<16xf32>
      %max3A_610 = arith.maximumf %sub3A_607, %max3A_609 : vector<16xf32>
      %add3A_611 = arith.constant 4.000000e+00 : f32
      %add3A_612 = vector.broadcast %add3A_611 : f32 to vector<16xf32>
      %add3A_613 = arith.addf %add3A_612, %get3A_594 : vector<16xf32>
      %max3A_614 = arith.constant 0.000000e+00 : f32
      %max3A_615 = vector.broadcast %max3A_614 : f32 to vector<16xf32>
      %max3A_616 = arith.maximumf %add3A_613, %max3A_615 : vector<16xf32>
      %add3A_617 = arith.constant 304 : i32
      %add3A_618 = arith.addi %add3A_617, %scan3A_395 : i32
      %mul3A_619 = arith.mulf %max3A_414, %max3A_414 : vector<16xf32>
      %mul3A_620 = arith.mulf %max3A_442, %max3A_442 : vector<16xf32>
      %add3A_621 = arith.addf %mul3A_619, %mul3A_620 : vector<16xf32>
      %mul3A_622 = arith.mulf %max3A_470, %max3A_470 : vector<16xf32>
      %add3A_623 = arith.addf %add3A_621, %mul3A_622 : vector<16xf32>
      %mul3A_624 = arith.mulf %max3A_498, %max3A_498 : vector<16xf32>
      %add3A_625 = arith.addf %add3A_623, %mul3A_624 : vector<16xf32>
      %mul3A_626 = arith.mulf %max3A_526, %max3A_526 : vector<16xf32>
      %add3A_627 = arith.addf %add3A_625, %mul3A_626 : vector<16xf32>
      %mul3A_628 = arith.mulf %max3A_554, %max3A_554 : vector<16xf32>
      %add3A_629 = arith.addf %add3A_627, %mul3A_628 : vector<16xf32>
      %mul3A_630 = arith.mulf %max3A_582, %max3A_582 : vector<16xf32>
      %add3A_631 = arith.addf %add3A_629, %mul3A_630 : vector<16xf32>
      %mul3A_632 = arith.mulf %max3A_610, %max3A_610 : vector<16xf32>
      %add3A_633 = arith.addf %add3A_631, %mul3A_632 : vector<16xf32>
      %jit3A = arith.constant 8 : i32
      %div3A = arith.divsi %add3A_618, %jit3A : i32
      %sign3A = arith.constant 0 : i32
      %sign3A_634 = arith.cmpi sgt, %add3A_618, %sign3A : i32
      %sign3A_635 = arith.extui %sign3A_634 : i1 to i32
      %sign3A_636 = arith.constant 0 : i32
      %sign3A_637 = arith.cmpi slt, %add3A_618, %sign3A_636 : i32
      %sign3A_638 = arith.extui %sign3A_637 : i1 to i32
      %sign3A_639 = arith.subi %sign3A_635, %sign3A_638 : i32
      %sign3A_640 = arith.constant 0 : i32
      %sign3A_641 = arith.cmpi sgt, %jit3A, %sign3A_640 : i32
      %sign3A_642 = arith.extui %sign3A_641 : i1 to i32
      %sign3A_643 = arith.constant 0 : i32
      %sign3A_644 = arith.cmpi slt, %jit3A, %sign3A_643 : i32
      %sign3A_645 = arith.extui %sign3A_644 : i1 to i32
      %sign3A_646 = arith.subi %sign3A_642, %sign3A_645 : i32
      %ne3A = arith.cmpi ne, %sign3A_639, %sign3A_646 : i32
      %rem3A = arith.remsi %add3A_618, %jit3A : i32
      %ne3A_647 = arith.constant 0 : i32
      %ne3A_648 = arith.cmpi ne, %rem3A, %ne3A_647 : i32
      %and3A = arith.andi %ne3A, %ne3A_648 : i1
      %sub3A_649 = arith.constant 1 : i32
      %sub3A_650 = arith.subi %div3A, %sub3A_649 : i32
      %select_n3A = arith.select %and3A, %sub3A_650, %div3A : i32
      %jit3A_651 = arith.constant 8 : i32
      %eq3A = arith.constant 0 : i32
      %eq3A_652 = arith.cmpi eq, %jit3A_651, %eq3A : i32
      %jit3A_653 = arith.constant 1 : i32
      %select_n3A_654 = arith.select %eq3A_652, %jit3A_653, %jit3A_651 : i32
      %rem3A_655 = arith.remsi %add3A_618, %select_n3A_654 : i32
      %ne3A_656 = arith.constant 0 : i32
      %ne3A_657 = arith.cmpi ne, %rem3A_655, %ne3A_656 : i32
      %lt3A = arith.constant 0 : i32
      %lt3A_658 = arith.cmpi slt, %rem3A_655, %lt3A : i32
      %lt3A_659 = arith.constant 0 : i32
      %lt3A_660 = arith.cmpi slt, %select_n3A_654, %lt3A_659 : i32
      %ne3A_661 = arith.xori %lt3A_658, %lt3A_660 : i1
      %and3A_662 = arith.andi %ne3A_661, %ne3A_657 : i1
      %add3A_663 = arith.addi %rem3A_655, %select_n3A_654 : i32
      %select_n3A_664 = arith.select %and3A_662, %add3A_663, %rem3A_655 : i32
      %mul3A_665 = arith.constant 16 : i32
      %mul3A_666 = arith.muli %select_n3A_664, %mul3A_665 : i32
      %swap3A_667 = arith.index_cast %select_n3A : i32 to index
      %swap3A_668 = arith.index_cast %mul3A_666 : i32 to index
      %swap3A_669 = tpu.vector_load %arg11[%swap3A_667, %swap3A_668] {strides = array<i32>} : memref<48x128xf32, #tpu.memory_space<vmem>>, vector<1x16xf32>,
      %swap3A_670 = vector.shape_cast %swap3A_669 : vector<1x16xf32> to vector<16xf32>
      %swap3A_671 = vector.shape_cast %add3A_633 : vector<16xf32> to vector<1x16xf32>
      tpu.vector_store %arg11[%swap3A_667, %swap3A_668], %swap3A_671 {strides = array<i32>} : memref<48x128xf32, #tpu.memory_space<vmem>>, vector<1x16xf32>,
      %add3A_672 = arith.constant 320 : i32
      %add3A_673 = arith.addi %add3A_672, %scan3A_395 : i32
      %mul3A_674 = arith.mulf %max3A_420, %max3A_420 : vector<16xf32>
      %mul3A_675 = arith.mulf %max3A_448, %max3A_448 : vector<16xf32>
      %add3A_676 = arith.addf %mul3A_674, %mul3A_675 : vector<16xf32>
      %mul3A_677 = arith.mulf %max3A_476, %max3A_476 : vector<16xf32>
      %add3A_678 = arith.addf %add3A_676, %mul3A_677 : vector<16xf32>
      %mul3A_679 = arith.mulf %max3A_504, %max3A_504 : vector<16xf32>
      %add3A_680 = arith.addf %add3A_678, %mul3A_679 : vector<16xf32>
      %mul3A_681 = arith.mulf %max3A_532, %max3A_532 : vector<16xf32>
      %add3A_682 = arith.addf %add3A_680, %mul3A_681 : vector<16xf32>
      %mul3A_683 = arith.mulf %max3A_560, %max3A_560 : vector<16xf32>
      %add3A_684 = arith.addf %add3A_682, %mul3A_683 : vector<16xf32>
      %mul3A_685 = arith.mulf %max3A_588, %max3A_588 : vector<16xf32>
      %add3A_686 = arith.addf %add3A_684, %mul3A_685 : vector<16xf32>
      %mul3A_687 = arith.mulf %max3A_616, %max3A_616 : vector<16xf32>
      %add3A_688 = arith.addf %add3A_686, %mul3A_687 : vector<16xf32>
      %jit3A_689 = arith.constant 8 : i32
      %div3A_690 = arith.divsi %add3A_673, %jit3A_689 : i32
      %sign3A_691 = arith.constant 0 : i32
      %sign3A_692 = arith.cmpi sgt, %add3A_673, %sign3A_691 : i32
      %sign3A_693 = arith.extui %sign3A_692 : i1 to i32
      %sign3A_694 = arith.constant 0 : i32
      %sign3A_695 = arith.cmpi slt, %add3A_673, %sign3A_694 : i32
      %sign3A_696 = arith.extui %sign3A_695 : i1 to i32
      %sign3A_697 = arith.subi %sign3A_693, %sign3A_696 : i32
      %sign3A_698 = arith.constant 0 : i32
      %sign3A_699 = arith.cmpi sgt, %jit3A_689, %sign3A_698 : i32
      %sign3A_700 = arith.extui %sign3A_699 : i1 to i32
      %sign3A_701 = arith.constant 0 : i32
      %sign3A_702 = arith.cmpi slt, %jit3A_689, %sign3A_701 : i32
      %sign3A_703 = arith.extui %sign3A_702 : i1 to i32
      %sign3A_704 = arith.subi %sign3A_700, %sign3A_703 : i32
      %ne3A_705 = arith.cmpi ne, %sign3A_697, %sign3A_704 : i32
      %rem3A_706 = arith.remsi %add3A_673, %jit3A_689 : i32
      %ne3A_707 = arith.constant 0 : i32
      %ne3A_708 = arith.cmpi ne, %rem3A_706, %ne3A_707 : i32
      %and3A_709 = arith.andi %ne3A_705, %ne3A_708 : i1
      %sub3A_710 = arith.constant 1 : i32
      %sub3A_711 = arith.subi %div3A_690, %sub3A_710 : i32
      %select_n3A_712 = arith.select %and3A_709, %sub3A_711, %div3A_690 : i32
      %jit3A_713 = arith.constant 8 : i32
      %eq3A_714 = arith.constant 0 : i32
      %eq3A_715 = arith.cmpi eq, %jit3A_713, %eq3A_714 : i32
      %jit3A_716 = arith.constant 1 : i32
      %select_n3A_717 = arith.select %eq3A_715, %jit3A_716, %jit3A_713 : i32
      %rem3A_718 = arith.remsi %add3A_673, %select_n3A_717 : i32
      %ne3A_719 = arith.constant 0 : i32
      %ne3A_720 = arith.cmpi ne, %rem3A_718, %ne3A_719 : i32
      %lt3A_721 = arith.constant 0 : i32
      %lt3A_722 = arith.cmpi slt, %rem3A_718, %lt3A_721 : i32
      %lt3A_723 = arith.constant 0 : i32
      %lt3A_724 = arith.cmpi slt, %select_n3A_717, %lt3A_723 : i32
      %ne3A_725 = arith.xori %lt3A_722, %lt3A_724 : i1
      %and3A_726 = arith.andi %ne3A_725, %ne3A_720 : i1
      %add3A_727 = arith.addi %rem3A_718, %select_n3A_717 : i32
      %select_n3A_728 = arith.select %and3A_726, %add3A_727, %rem3A_718 : i32
      %mul3A_729 = arith.constant 16 : i32
      %mul3A_730 = arith.muli %select_n3A_728, %mul3A_729 : i32
      %swap3A_731 = arith.index_cast %select_n3A_712 : i32 to index
      %swap3A_732 = arith.index_cast %mul3A_730 : i32 to index
      %swap3A_733 = tpu.vector_load %arg11[%swap3A_731, %swap3A_732] {strides = array<i32>} : memref<48x128xf32, #tpu.memory_space<vmem>>, vector<1x16xf32>,
      %swap3A_734 = vector.shape_cast %swap3A_733 : vector<1x16xf32> to vector<16xf32>
      %swap3A_735 = vector.shape_cast %add3A_688 : vector<16xf32> to vector<1x16xf32>
      tpu.vector_store %arg11[%swap3A_731, %swap3A_732], %swap3A_735 {strides = array<i32>} : memref<48x128xf32, #tpu.memory_space<vmem>>, vector<1x16xf32>,
      %scan3A_736 = arith.constant 0 : i32
      scf.yield %scan3A_736 : i32
    }
    %scan3A_104 = arith.constant 16 : i32
    %broadcast_in_dim3A = arith.constant 0.000000e+00 : f32
    %broadcast_in_dim3A_105 = vector.broadcast %broadcast_in_dim3A : f32 to vector<16xf32>
    %swap3A = arith.constant 42 : i32
    %swap3A_106 = arith.index_cast %swap3A : i32 to index
    %swap3A_107 = arith.constant 0 : index
    %swap3A_108 = tpu.vector_load %arg11[%swap3A_106, %swap3A_107] {strides = array<i32>} : memref<48x128xf32, #tpu.memory_space<vmem>>, vector<1x16xf32>,
    %swap3A_109 = vector.shape_cast %swap3A_108 : vector<1x16xf32> to vector<16xf32>
    %swap3A_110 = vector.shape_cast %broadcast_in_dim3A_105 : vector<16xf32> to vector<1x16xf32>
    tpu.vector_store %arg11[%swap3A_106, %swap3A_107], %swap3A_110 {strides = array<i32>} : memref<48x128xf32, #tpu.memory_space<vmem>>, vector<1x16xf32>,
    %swap3A_111 = arith.constant 42 : i32
    %swap3A_112 = arith.index_cast %swap3A_111 : i32 to index
    %swap3A_113 = arith.constant 16 : index
    %swap3A_114 = tpu.vector_load %arg11[%swap3A_112, %swap3A_113] {strides = array<i32>} : memref<48x128xf32, #tpu.memory_space<vmem>>, vector<1x16xf32>,
    %swap3A_115 = vector.shape_cast %swap3A_114 : vector<1x16xf32> to vector<16xf32>
    %swap3A_116 = vector.shape_cast %broadcast_in_dim3A_105 : vector<16xf32> to vector<1x16xf32>
    tpu.vector_store %arg11[%swap3A_112, %swap3A_113], %swap3A_116 {strides = array<i32>} : memref<48x128xf32, #tpu.memory_space<vmem>>, vector<1x16xf32>,
    %swap3A_117 = arith.constant 42 : i32
    %swap3A_118 = arith.index_cast %swap3A_117 : i32 to index
    %swap3A_119 = arith.constant 32 : index
    %swap3A_120 = tpu.vector_load %arg11[%swap3A_118, %swap3A_119] {strides = array<i32>} : memref<48x128xf32, #tpu.memory_space<vmem>>, vector<1x16xf32>,
    %swap3A_121 = vector.shape_cast %swap3A_120 : vector<1x16xf32> to vector<16xf32>
    %swap3A_122 = vector.shape_cast %broadcast_in_dim3A_105 : vector<16xf32> to vector<1x16xf32>
    tpu.vector_store %arg11[%swap3A_118, %swap3A_119], %swap3A_122 {strides = array<i32>} : memref<48x128xf32, #tpu.memory_space<vmem>>, vector<1x16xf32>,
    %swap3A_123 = arith.constant 42 : i32
    %swap3A_124 = arith.index_cast %swap3A_123 : i32 to index
    %swap3A_125 = arith.constant 48 : index
    %swap3A_126 = tpu.vector_load %arg11[%swap3A_124, %swap3A_125] {strides = array<i32>} : memref<48x128xf32, #tpu.memory_space<vmem>>, vector<1x16xf32>,
    %swap3A_127 = vector.shape_cast %swap3A_126 : vector<1x16xf32> to vector<16xf32>
    %swap3A_128 = vector.shape_cast %broadcast_in_dim3A_105 : vector<16xf32> to vector<1x16xf32>
    tpu.vector_store %arg11[%swap3A_124, %swap3A_125], %swap3A_128 {strides = array<i32>} : memref<48x128xf32, #tpu.memory_space<vmem>>, vector<1x16xf32>,
    %swap3A_129 = arith.constant 42 : i32
    %swap3A_130 = arith.index_cast %swap3A_129 : i32 to index
    %swap3A_131 = arith.constant 64 : index
    %swap3A_132 = tpu.vector_load %arg11[%swap3A_130, %swap3A_131] {strides = array<i32>} : memref<48x128xf32, #tpu.memory_space<vmem>>, vector<1x16xf32>,
    %swap3A_133 = vector.shape_cast %swap3A_132 : vector<1x16xf32> to vector<16xf32>
    %swap3A_134 = vector.shape_cast %broadcast_in_dim3A_105 : vector<16xf32> to vector<1x16xf32>
    tpu.vector_store %arg11[%swap3A_130, %swap3A_131], %swap3A_134 {strides = array<i32>} : memref<48x128xf32, #tpu.memory_space<vmem>>, vector<1x16xf32>,
    %swap3A_135 = arith.constant 42 : i32
    %swap3A_136 = arith.index_cast %swap3A_135 : i32 to index
    %swap3A_137 = arith.constant 80 : index
    %swap3A_138 = tpu.vector_load %arg11[%swap3A_136, %swap3A_137] {strides = array<i32>} : memref<48x128xf32, #tpu.memory_space<vmem>>, vector<1x16xf32>,
    %swap3A_139 = vector.shape_cast %swap3A_138 : vector<1x16xf32> to vector<16xf32>
    %swap3A_140 = vector.shape_cast %broadcast_in_dim3A_105 : vector<16xf32> to vector<1x16xf32>
    tpu.vector_store %arg11[%swap3A_136, %swap3A_137], %swap3A_140 {strides = array<i32>} : memref<48x128xf32, #tpu.memory_space<vmem>>, vector<1x16xf32>,
    %swap3A_141 = arith.constant 42 : i32
    %swap3A_142 = arith.index_cast %swap3A_141 : i32 to index
    %swap3A_143 = arith.constant 96 : index
    %swap3A_144 = tpu.vector_load %arg11[%swap3A_142, %swap3A_143] {strides = array<i32>} : memref<48x128xf32, #tpu.memory_space<vmem>>, vector<1x16xf32>,
    %swap3A_145 = vector.shape_cast %swap3A_144 : vector<1x16xf32> to vector<16xf32>
    %swap3A_146 = vector.shape_cast %broadcast_in_dim3A_105 : vector<16xf32> to vector<1x16xf32>
    tpu.vector_store %arg11[%swap3A_142, %swap3A_143], %swap3A_146 {strides = array<i32>} : memref<48x128xf32, #tpu.memory_space<vmem>>, vector<1x16xf32>,
    %swap3A_147 = arith.constant 42 : i32
    %swap3A_148 = arith.index_cast %swap3A_147 : i32 to index
    %swap3A_149 = arith.constant 112 : index
    %swap3A_150 = tpu.vector_load %arg11[%swap3A_148, %swap3A_149] {strides = array<i32>} : memref<48x128xf32, #tpu.memory_space<vmem>>, vector<1x16xf32>,
    %swap3A_151 = vector.shape_cast %swap3A_150 : vector<1x16xf32> to vector<16xf32>
    %swap3A_152 = vector.shape_cast %broadcast_in_dim3A_105 : vector<16xf32> to vector<1x16xf32>
    tpu.vector_store %arg11[%swap3A_148, %swap3A_149], %swap3A_152 {strides = array<i32>} : memref<48x128xf32, #tpu.memory_space<vmem>>, vector<1x16xf32>,
    %swap3A_153 = arith.constant 43 : i32
    %swap3A_154 = arith.index_cast %swap3A_153 : i32 to index
    %swap3A_155 = arith.constant 0 : index
    %swap3A_156 = tpu.vector_load %arg11[%swap3A_154, %swap3A_155] {strides = array<i32>} : memref<48x128xf32, #tpu.memory_space<vmem>>, vector<1x16xf32>,
    %swap3A_157 = vector.shape_cast %swap3A_156 : vector<1x16xf32> to vector<16xf32>
    %swap3A_158 = vector.shape_cast %broadcast_in_dim3A_105 : vector<16xf32> to vector<1x16xf32>
    tpu.vector_store %arg11[%swap3A_154, %swap3A_155], %swap3A_158 {strides = array<i32>} : memref<48x128xf32, #tpu.memory_space<vmem>>, vector<1x16xf32>,
    %swap3A_159 = arith.constant 43 : i32
    %swap3A_160 = arith.index_cast %swap3A_159 : i32 to index
    %swap3A_161 = arith.constant 16 : index
    %swap3A_162 = tpu.vector_load %arg11[%swap3A_160, %swap3A_161] {strides = array<i32>} : memref<48x128xf32, #tpu.memory_space<vmem>>, vector<1x16xf32>,
    %swap3A_163 = vector.shape_cast %swap3A_162 : vector<1x16xf32> to vector<16xf32>
    %swap3A_164 = vector.shape_cast %broadcast_in_dim3A_105 : vector<16xf32> to vector<1x16xf32>
    tpu.vector_store %arg11[%swap3A_160, %swap3A_161], %swap3A_164 {strides = array<i32>} : memref<48x128xf32, #tpu.memory_space<vmem>>, vector<1x16xf32>,
    %swap3A_165 = arith.constant 43 : i32
    %swap3A_166 = arith.index_cast %swap3A_165 : i32 to index
    %swap3A_167 = arith.constant 32 : index
    %swap3A_168 = tpu.vector_load %arg11[%swap3A_166, %swap3A_167] {strides = array<i32>} : memref<48x128xf32, #tpu.memory_space<vmem>>, vector<1x16xf32>,
    %swap3A_169 = vector.shape_cast %swap3A_168 : vector<1x16xf32> to vector<16xf32>
    %swap3A_170 = vector.shape_cast %broadcast_in_dim3A_105 : vector<16xf32> to vector<1x16xf32>
    tpu.vector_store %arg11[%swap3A_166, %swap3A_167], %swap3A_170 {strides = array<i32>} : memref<48x128xf32, #tpu.memory_space<vmem>>, vector<1x16xf32>,
    %swap3A_171 = arith.constant 43 : i32
    %swap3A_172 = arith.index_cast %swap3A_171 : i32 to index
    %swap3A_173 = arith.constant 48 : index
    %swap3A_174 = tpu.vector_load %arg11[%swap3A_172, %swap3A_173] {strides = array<i32>} : memref<48x128xf32, #tpu.memory_space<vmem>>, vector<1x16xf32>,
    %swap3A_175 = vector.shape_cast %swap3A_174 : vector<1x16xf32> to vector<16xf32>
    %swap3A_176 = vector.shape_cast %broadcast_in_dim3A_105 : vector<16xf32> to vector<1x16xf32>
    tpu.vector_store %arg11[%swap3A_172, %swap3A_173], %swap3A_176 {strides = array<i32>} : memref<48x128xf32, #tpu.memory_space<vmem>>, vector<1x16xf32>,
    %swap3A_177 = arith.constant 43 : i32
    %swap3A_178 = arith.index_cast %swap3A_177 : i32 to index
    %swap3A_179 = arith.constant 64 : index
    %swap3A_180 = tpu.vector_load %arg11[%swap3A_178, %swap3A_179] {strides = array<i32>} : memref<48x128xf32, #tpu.memory_space<vmem>>, vector<1x16xf32>,
    %swap3A_181 = vector.shape_cast %swap3A_180 : vector<1x16xf32> to vector<16xf32>
    %swap3A_182 = vector.shape_cast %broadcast_in_dim3A_105 : vector<16xf32> to vector<1x16xf32>
    tpu.vector_store %arg11[%swap3A_178, %swap3A_179], %swap3A_182 {strides = array<i32>} : memref<48x128xf32, #tpu.memory_space<vmem>>, vector<1x16xf32>,
    %swap3A_183 = arith.constant 43 : i32
    %swap3A_184 = arith.index_cast %swap3A_183 : i32 to index
    %swap3A_185 = arith.constant 80 : index
    %swap3A_186 = tpu.vector_load %arg11[%swap3A_184, %swap3A_185] {strides = array<i32>} : memref<48x128xf32, #tpu.memory_space<vmem>>, vector<1x16xf32>,
    %swap3A_187 = vector.shape_cast %swap3A_186 : vector<1x16xf32> to vector<16xf32>
    %swap3A_188 = vector.shape_cast %broadcast_in_dim3A_105 : vector<16xf32> to vector<1x16xf32>
    tpu.vector_store %arg11[%swap3A_184, %swap3A_185], %swap3A_188 {strides = array<i32>} : memref<48x128xf32, #tpu.memory_space<vmem>>, vector<1x16xf32>,
    %swap3A_189 = arith.constant 43 : i32
    %swap3A_190 = arith.index_cast %swap3A_189 : i32 to index
    %swap3A_191 = arith.constant 96 : index
    %swap3A_192 = tpu.vector_load %arg11[%swap3A_190, %swap3A_191] {strides = array<i32>} : memref<48x128xf32, #tpu.memory_space<vmem>>, vector<1x16xf32>,
    %swap3A_193 = vector.shape_cast %swap3A_192 : vector<1x16xf32> to vector<16xf32>
    %swap3A_194 = vector.shape_cast %broadcast_in_dim3A_105 : vector<16xf32> to vector<1x16xf32>
    tpu.vector_store %arg11[%swap3A_190, %swap3A_191], %swap3A_194 {strides = array<i32>} : memref<48x128xf32, #tpu.memory_space<vmem>>, vector<1x16xf32>,
    %swap3A_195 = arith.constant 43 : i32
    %swap3A_196 = arith.index_cast %swap3A_195 : i32 to index
    %swap3A_197 = arith.constant 112 : index
    %swap3A_198 = tpu.vector_load %arg11[%swap3A_196, %swap3A_197] {strides = array<i32>} : memref<48x128xf32, #tpu.memory_space<vmem>>, vector<1x16xf32>,
    %swap3A_199 = vector.shape_cast %swap3A_198 : vector<1x16xf32> to vector<16xf32>
    %swap3A_200 = vector.shape_cast %broadcast_in_dim3A_105 : vector<16xf32> to vector<1x16xf32>
    tpu.vector_store %arg11[%swap3A_196, %swap3A_197], %swap3A_200 {strides = array<i32>} : memref<48x128xf32, #tpu.memory_space<vmem>>, vector<1x16xf32>,
    %swap3A_201 = arith.constant 44 : i32
    %swap3A_202 = arith.index_cast %swap3A_201 : i32 to index
    %swap3A_203 = arith.constant 0 : index
    %swap3A_204 = tpu.vector_load %arg11[%swap3A_202, %swap3A_203] {strides = array<i32>} : memref<48x128xf32, #tpu.memory_space<vmem>>, vector<1x16xf32>,
    %swap3A_205 = vector.shape_cast %swap3A_204 : vector<1x16xf32> to vector<16xf32>
    %swap3A_206 = vector.shape_cast %broadcast_in_dim3A_105 : vector<16xf32> to vector<1x16xf32>
    tpu.vector_store %arg11[%swap3A_202, %swap3A_203], %swap3A_206 {strides = array<i32>} : memref<48x128xf32, #tpu.memory_space<vmem>>, vector<1x16xf32>,
    %swap3A_207 = arith.constant 44 : i32
    %swap3A_208 = arith.index_cast %swap3A_207 : i32 to index
    %swap3A_209 = arith.constant 16 : index
    %swap3A_210 = tpu.vector_load %arg11[%swap3A_208, %swap3A_209] {strides = array<i32>} : memref<48x128xf32, #tpu.memory_space<vmem>>, vector<1x16xf32>,
    %swap3A_211 = vector.shape_cast %swap3A_210 : vector<1x16xf32> to vector<16xf32>
    %swap3A_212 = vector.shape_cast %broadcast_in_dim3A_105 : vector<16xf32> to vector<1x16xf32>
    tpu.vector_store %arg11[%swap3A_208, %swap3A_209], %swap3A_212 {strides = array<i32>} : memref<48x128xf32, #tpu.memory_space<vmem>>, vector<1x16xf32>,
    %swap3A_213 = arith.constant 44 : i32
    %swap3A_214 = arith.index_cast %swap3A_213 : i32 to index
    %swap3A_215 = arith.constant 32 : index
    %swap3A_216 = tpu.vector_load %arg11[%swap3A_214, %swap3A_215] {strides = array<i32>} : memref<48x128xf32, #tpu.memory_space<vmem>>, vector<1x16xf32>,
    %swap3A_217 = vector.shape_cast %swap3A_216 : vector<1x16xf32> to vector<16xf32>
    %swap3A_218 = vector.shape_cast %broadcast_in_dim3A_105 : vector<16xf32> to vector<1x16xf32>
    tpu.vector_store %arg11[%swap3A_214, %swap3A_215], %swap3A_218 {strides = array<i32>} : memref<48x128xf32, #tpu.memory_space<vmem>>, vector<1x16xf32>,
    %swap3A_219 = arith.constant 44 : i32
    %swap3A_220 = arith.index_cast %swap3A_219 : i32 to index
    %swap3A_221 = arith.constant 48 : index
    %swap3A_222 = tpu.vector_load %arg11[%swap3A_220, %swap3A_221] {strides = array<i32>} : memref<48x128xf32, #tpu.memory_space<vmem>>, vector<1x16xf32>,
    %swap3A_223 = vector.shape_cast %swap3A_222 : vector<1x16xf32> to vector<16xf32>
    %swap3A_224 = vector.shape_cast %broadcast_in_dim3A_105 : vector<16xf32> to vector<1x16xf32>
    tpu.vector_store %arg11[%swap3A_220, %swap3A_221], %swap3A_224 {strides = array<i32>} : memref<48x128xf32, #tpu.memory_space<vmem>>, vector<1x16xf32>,
    %swap3A_225 = arith.constant 44 : i32
    %swap3A_226 = arith.index_cast %swap3A_225 : i32 to index
    %swap3A_227 = arith.constant 64 : index
    %swap3A_228 = tpu.vector_load %arg11[%swap3A_226, %swap3A_227] {strides = array<i32>} : memref<48x128xf32, #tpu.memory_space<vmem>>, vector<1x16xf32>,
    %swap3A_229 = vector.shape_cast %swap3A_228 : vector<1x16xf32> to vector<16xf32>
    %swap3A_230 = vector.shape_cast %broadcast_in_dim3A_105 : vector<16xf32> to vector<1x16xf32>
    tpu.vector_store %arg11[%swap3A_226, %swap3A_227], %swap3A_230 {strides = array<i32>} : memref<48x128xf32, #tpu.memory_space<vmem>>, vector<1x16xf32>,
    %swap3A_231 = arith.constant 44 : i32
    %swap3A_232 = arith.index_cast %swap3A_231 : i32 to index
    %swap3A_233 = arith.constant 80 : index
    %swap3A_234 = tpu.vector_load %arg11[%swap3A_232, %swap3A_233] {strides = array<i32>} : memref<48x128xf32, #tpu.memory_space<vmem>>, vector<1x16xf32>,
    %swap3A_235 = vector.shape_cast %swap3A_234 : vector<1x16xf32> to vector<16xf32>
    %swap3A_236 = vector.shape_cast %broadcast_in_dim3A_105 : vector<16xf32> to vector<1x16xf32>
    tpu.vector_store %arg11[%swap3A_232, %swap3A_233], %swap3A_236 {strides = array<i32>} : memref<48x128xf32, #tpu.memory_space<vmem>>, vector<1x16xf32>,
    %swap3A_237 = arith.constant 44 : i32
    %swap3A_238 = arith.index_cast %swap3A_237 : i32 to index
    %swap3A_239 = arith.constant 96 : index
    %swap3A_240 = tpu.vector_load %arg11[%swap3A_238, %swap3A_239] {strides = array<i32>} : memref<48x128xf32, #tpu.memory_space<vmem>>, vector<1x16xf32>,
    %swap3A_241 = vector.shape_cast %swap3A_240 : vector<1x16xf32> to vector<16xf32>
    %swap3A_242 = vector.shape_cast %broadcast_in_dim3A_105 : vector<16xf32> to vector<1x16xf32>
    tpu.vector_store %arg11[%swap3A_238, %swap3A_239], %swap3A_242 {strides = array<i32>} : memref<48x128xf32, #tpu.memory_space<vmem>>, vector<1x16xf32>,
    %swap3A_243 = arith.constant 44 : i32
    %swap3A_244 = arith.index_cast %swap3A_243 : i32 to index
    %swap3A_245 = arith.constant 112 : index
    %swap3A_246 = tpu.vector_load %arg11[%swap3A_244, %swap3A_245] {strides = array<i32>} : memref<48x128xf32, #tpu.memory_space<vmem>>, vector<1x16xf32>,
    %swap3A_247 = vector.shape_cast %swap3A_246 : vector<1x16xf32> to vector<16xf32>
    %swap3A_248 = vector.shape_cast %broadcast_in_dim3A_105 : vector<16xf32> to vector<1x16xf32>
    tpu.vector_store %arg11[%swap3A_244, %swap3A_245], %swap3A_248 {strides = array<i32>} : memref<48x128xf32, #tpu.memory_space<vmem>>, vector<1x16xf32>,
    %swap3A_249 = arith.constant 45 : i32
    %swap3A_250 = arith.index_cast %swap3A_249 : i32 to index
    %swap3A_251 = arith.constant 0 : index
    %swap3A_252 = tpu.vector_load %arg11[%swap3A_250, %swap3A_251] {strides = array<i32>} : memref<48x128xf32, #tpu.memory_space<vmem>>, vector<1x16xf32>,
    %swap3A_253 = vector.shape_cast %swap3A_252 : vector<1x16xf32> to vector<16xf32>
    %swap3A_254 = vector.shape_cast %broadcast_in_dim3A_105 : vector<16xf32> to vector<1x16xf32>
    tpu.vector_store %arg11[%swap3A_250, %swap3A_251], %swap3A_254 {strides = array<i32>} : memref<48x128xf32, #tpu.memory_space<vmem>>, vector<1x16xf32>,
    %swap3A_255 = arith.constant 45 : i32
    %swap3A_256 = arith.index_cast %swap3A_255 : i32 to index
    %swap3A_257 = arith.constant 16 : index
    %swap3A_258 = tpu.vector_load %arg11[%swap3A_256, %swap3A_257] {strides = array<i32>} : memref<48x128xf32, #tpu.memory_space<vmem>>, vector<1x16xf32>,
    %swap3A_259 = vector.shape_cast %swap3A_258 : vector<1x16xf32> to vector<16xf32>
    %swap3A_260 = vector.shape_cast %broadcast_in_dim3A_105 : vector<16xf32> to vector<1x16xf32>
    tpu.vector_store %arg11[%swap3A_256, %swap3A_257], %swap3A_260 {strides = array<i32>} : memref<48x128xf32, #tpu.memory_space<vmem>>, vector<1x16xf32>,
    %swap3A_261 = arith.constant 45 : i32
    %swap3A_262 = arith.index_cast %swap3A_261 : i32 to index
    %swap3A_263 = arith.constant 32 : index
    %swap3A_264 = tpu.vector_load %arg11[%swap3A_262, %swap3A_263] {strides = array<i32>} : memref<48x128xf32, #tpu.memory_space<vmem>>, vector<1x16xf32>,
    %swap3A_265 = vector.shape_cast %swap3A_264 : vector<1x16xf32> to vector<16xf32>
    %swap3A_266 = vector.shape_cast %broadcast_in_dim3A_105 : vector<16xf32> to vector<1x16xf32>
    tpu.vector_store %arg11[%swap3A_262, %swap3A_263], %swap3A_266 {strides = array<i32>} : memref<48x128xf32, #tpu.memory_space<vmem>>, vector<1x16xf32>,
    %swap3A_267 = arith.constant 45 : i32
    %swap3A_268 = arith.index_cast %swap3A_267 : i32 to index
    %swap3A_269 = arith.constant 48 : index
    %swap3A_270 = tpu.vector_load %arg11[%swap3A_268, %swap3A_269] {strides = array<i32>} : memref<48x128xf32, #tpu.memory_space<vmem>>, vector<1x16xf32>,
    %swap3A_271 = vector.shape_cast %swap3A_270 : vector<1x16xf32> to vector<16xf32>
    %swap3A_272 = vector.shape_cast %broadcast_in_dim3A_105 : vector<16xf32> to vector<1x16xf32>
    tpu.vector_store %arg11[%swap3A_268, %swap3A_269], %swap3A_272 {strides = array<i32>} : memref<48x128xf32, #tpu.memory_space<vmem>>, vector<1x16xf32>,
    %swap3A_273 = arith.constant 45 : i32
    %swap3A_274 = arith.index_cast %swap3A_273 : i32 to index
    %swap3A_275 = arith.constant 64 : index
    %swap3A_276 = tpu.vector_load %arg11[%swap3A_274, %swap3A_275] {strides = array<i32>} : memref<48x128xf32, #tpu.memory_space<vmem>>, vector<1x16xf32>,
    %swap3A_277 = vector.shape_cast %swap3A_276 : vector<1x16xf32> to vector<16xf32>
    %swap3A_278 = vector.shape_cast %broadcast_in_dim3A_105 : vector<16xf32> to vector<1x16xf32>
    tpu.vector_store %arg11[%swap3A_274, %swap3A_275], %swap3A_278 {strides = array<i32>} : memref<48x128xf32, #tpu.memory_space<vmem>>, vector<1x16xf32>,
    %swap3A_279 = arith.constant 45 : i32
    %swap3A_280 = arith.index_cast %swap3A_279 : i32 to index
    %swap3A_281 = arith.constant 80 : index
    %swap3A_282 = tpu.vector_load %arg11[%swap3A_280, %swap3A_281] {strides = array<i32>} : memref<48x128xf32, #tpu.memory_space<vmem>>, vector<1x16xf32>,
    %swap3A_283 = vector.shape_cast %swap3A_282 : vector<1x16xf32> to vector<16xf32>
    %swap3A_284 = vector.shape_cast %broadcast_in_dim3A_105 : vector<16xf32> to vector<1x16xf32>
    tpu.vector_store %arg11[%swap3A_280, %swap3A_281], %swap3A_284 {strides = array<i32>} : memref<48x128xf32, #tpu.memory_space<vmem>>, vector<1x16xf32>,
    %swap3A_285 = arith.constant 45 : i32
    %swap3A_286 = arith.index_cast %swap3A_285 : i32 to index
    %swap3A_287 = arith.constant 96 : index
    %swap3A_288 = tpu.vector_load %arg11[%swap3A_286, %swap3A_287] {strides = array<i32>} : memref<48x128xf32, #tpu.memory_space<vmem>>, vector<1x16xf32>,
    %swap3A_289 = vector.shape_cast %swap3A_288 : vector<1x16xf32> to vector<16xf32>
    %swap3A_290 = vector.shape_cast %broadcast_in_dim3A_105 : vector<16xf32> to vector<1x16xf32>
    tpu.vector_store %arg11[%swap3A_286, %swap3A_287], %swap3A_290 {strides = array<i32>} : memref<48x128xf32, #tpu.memory_space<vmem>>, vector<1x16xf32>,
    %swap3A_291 = arith.constant 45 : i32
    %swap3A_292 = arith.index_cast %swap3A_291 : i32 to index
    %swap3A_293 = arith.constant 112 : index
    %swap3A_294 = tpu.vector_load %arg11[%swap3A_292, %swap3A_293] {strides = array<i32>} : memref<48x128xf32, #tpu.memory_space<vmem>>, vector<1x16xf32>,
    %swap3A_295 = vector.shape_cast %swap3A_294 : vector<1x16xf32> to vector<16xf32>
    %swap3A_296 = vector.shape_cast %broadcast_in_dim3A_105 : vector<16xf32> to vector<1x16xf32>
    tpu.vector_store %arg11[%swap3A_292, %swap3A_293], %swap3A_296 {strides = array<i32>} : memref<48x128xf32, #tpu.memory_space<vmem>>, vector<1x16xf32>,
    %swap3A_297 = arith.constant 46 : i32
    %swap3A_298 = arith.index_cast %swap3A_297 : i32 to index
    %swap3A_299 = arith.constant 0 : index
    %swap3A_300 = tpu.vector_load %arg11[%swap3A_298, %swap3A_299] {strides = array<i32>} : memref<48x128xf32, #tpu.memory_space<vmem>>, vector<1x16xf32>,
    %swap3A_301 = vector.shape_cast %swap3A_300 : vector<1x16xf32> to vector<16xf32>
    %swap3A_302 = vector.shape_cast %broadcast_in_dim3A_105 : vector<16xf32> to vector<1x16xf32>
    tpu.vector_store %arg11[%swap3A_298, %swap3A_299], %swap3A_302 {strides = array<i32>} : memref<48x128xf32, #tpu.memory_space<vmem>>, vector<1x16xf32>,
    %swap3A_303 = arith.constant 46 : i32
    %swap3A_304 = arith.index_cast %swap3A_303 : i32 to index
    %swap3A_305 = arith.constant 16 : index
    %swap3A_306 = tpu.vector_load %arg11[%swap3A_304, %swap3A_305] {strides = array<i32>} : memref<48x128xf32, #tpu.memory_space<vmem>>, vector<1x16xf32>,
    %swap3A_307 = vector.shape_cast %swap3A_306 : vector<1x16xf32> to vector<16xf32>
    %swap3A_308 = vector.shape_cast %broadcast_in_dim3A_105 : vector<16xf32> to vector<1x16xf32>
    tpu.vector_store %arg11[%swap3A_304, %swap3A_305], %swap3A_308 {strides = array<i32>} : memref<48x128xf32, #tpu.memory_space<vmem>>, vector<1x16xf32>,
    %swap3A_309 = arith.constant 46 : i32
    %swap3A_310 = arith.index_cast %swap3A_309 : i32 to index
    %swap3A_311 = arith.constant 32 : index
    %swap3A_312 = tpu.vector_load %arg11[%swap3A_310, %swap3A_311] {strides = array<i32>} : memref<48x128xf32, #tpu.memory_space<vmem>>, vector<1x16xf32>,
    %swap3A_313 = vector.shape_cast %swap3A_312 : vector<1x16xf32> to vector<16xf32>
    %swap3A_314 = vector.shape_cast %broadcast_in_dim3A_105 : vector<16xf32> to vector<1x16xf32>
    tpu.vector_store %arg11[%swap3A_310, %swap3A_311], %swap3A_314 {strides = array<i32>} : memref<48x128xf32, #tpu.memory_space<vmem>>, vector<1x16xf32>,
    %swap3A_315 = arith.constant 46 : i32
    %swap3A_316 = arith.index_cast %swap3A_315 : i32 to index
    %swap3A_317 = arith.constant 48 : index
    %swap3A_318 = tpu.vector_load %arg11[%swap3A_316, %swap3A_317] {strides = array<i32>} : memref<48x128xf32, #tpu.memory_space<vmem>>, vector<1x16xf32>,
    %swap3A_319 = vector.shape_cast %swap3A_318 : vector<1x16xf32> to vector<16xf32>
    %swap3A_320 = vector.shape_cast %broadcast_in_dim3A_105 : vector<16xf32> to vector<1x16xf32>
    tpu.vector_store %arg11[%swap3A_316, %swap3A_317], %swap3A_320 {strides = array<i32>} : memref<48x128xf32, #tpu.memory_space<vmem>>, vector<1x16xf32>,
    %swap3A_321 = arith.constant 46 : i32
    %swap3A_322 = arith.index_cast %swap3A_321 : i32 to index
    %swap3A_323 = arith.constant 64 : index
    %swap3A_324 = tpu.vector_load %arg11[%swap3A_322, %swap3A_323] {strides = array<i32>} : memref<48x128xf32, #tpu.memory_space<vmem>>, vector<1x16xf32>,
    %swap3A_325 = vector.shape_cast %swap3A_324 : vector<1x16xf32> to vector<16xf32>
    %swap3A_326 = vector.shape_cast %broadcast_in_dim3A_105 : vector<16xf32> to vector<1x16xf32>
    tpu.vector_store %arg11[%swap3A_322, %swap3A_323], %swap3A_326 {strides = array<i32>} : memref<48x128xf32, #tpu.memory_space<vmem>>, vector<1x16xf32>,
    %swap3A_327 = arith.constant 46 : i32
    %swap3A_328 = arith.index_cast %swap3A_327 : i32 to index
    %swap3A_329 = arith.constant 80 : index
    %swap3A_330 = tpu.vector_load %arg11[%swap3A_328, %swap3A_329] {strides = array<i32>} : memref<48x128xf32, #tpu.memory_space<vmem>>, vector<1x16xf32>,
    %swap3A_331 = vector.shape_cast %swap3A_330 : vector<1x16xf32> to vector<16xf32>
    %swap3A_332 = vector.shape_cast %broadcast_in_dim3A_105 : vector<16xf32> to vector<1x16xf32>
    tpu.vector_store %arg11[%swap3A_328, %swap3A_329], %swap3A_332 {strides = array<i32>} : memref<48x128xf32, #tpu.memory_space<vmem>>, vector<1x16xf32>,
    %swap3A_333 = arith.constant 46 : i32
    %swap3A_334 = arith.index_cast %swap3A_333 : i32 to index
    %swap3A_335 = arith.constant 96 : index
    %swap3A_336 = tpu.vector_load %arg11[%swap3A_334, %swap3A_335] {strides = array<i32>} : memref<48x128xf32, #tpu.memory_space<vmem>>, vector<1x16xf32>,
    %swap3A_337 = vector.shape_cast %swap3A_336 : vector<1x16xf32> to vector<16xf32>
    %swap3A_338 = vector.shape_cast %broadcast_in_dim3A_105 : vector<16xf32> to vector<1x16xf32>
    tpu.vector_store %arg11[%swap3A_334, %swap3A_335], %swap3A_338 {strides = array<i32>} : memref<48x128xf32, #tpu.memory_space<vmem>>, vector<1x16xf32>,
    %swap3A_339 = arith.constant 46 : i32
    %swap3A_340 = arith.index_cast %swap3A_339 : i32 to index
    %swap3A_341 = arith.constant 112 : index
    %swap3A_342 = tpu.vector_load %arg11[%swap3A_340, %swap3A_341] {strides = array<i32>} : memref<48x128xf32, #tpu.memory_space<vmem>>, vector<1x16xf32>,
    %swap3A_343 = vector.shape_cast %swap3A_342 : vector<1x16xf32> to vector<16xf32>
    %swap3A_344 = vector.shape_cast %broadcast_in_dim3A_105 : vector<16xf32> to vector<1x16xf32>
    tpu.vector_store %arg11[%swap3A_340, %swap3A_341], %swap3A_344 {strides = array<i32>} : memref<48x128xf32, #tpu.memory_space<vmem>>, vector<1x16xf32>,
    %swap3A_345 = arith.constant 47 : i32
    %swap3A_346 = arith.index_cast %swap3A_345 : i32 to index
    %swap3A_347 = arith.constant 0 : index
    %swap3A_348 = tpu.vector_load %arg11[%swap3A_346, %swap3A_347] {strides = array<i32>} : memref<48x128xf32, #tpu.memory_space<vmem>>, vector<1x16xf32>,
    %swap3A_349 = vector.shape_cast %swap3A_348 : vector<1x16xf32> to vector<16xf32>
    %swap3A_350 = vector.shape_cast %broadcast_in_dim3A_105 : vector<16xf32> to vector<1x16xf32>
    tpu.vector_store %arg11[%swap3A_346, %swap3A_347], %swap3A_350 {strides = array<i32>} : memref<48x128xf32, #tpu.memory_space<vmem>>, vector<1x16xf32>,
    %swap3A_351 = arith.constant 47 : i32
    %swap3A_352 = arith.index_cast %swap3A_351 : i32 to index
    %swap3A_353 = arith.constant 16 : index
    %swap3A_354 = tpu.vector_load %arg11[%swap3A_352, %swap3A_353] {strides = array<i32>} : memref<48x128xf32, #tpu.memory_space<vmem>>, vector<1x16xf32>,
    %swap3A_355 = vector.shape_cast %swap3A_354 : vector<1x16xf32> to vector<16xf32>
    %swap3A_356 = vector.shape_cast %broadcast_in_dim3A_105 : vector<16xf32> to vector<1x16xf32>
    tpu.vector_store %arg11[%swap3A_352, %swap3A_353], %swap3A_356 {strides = array<i32>} : memref<48x128xf32, #tpu.memory_space<vmem>>, vector<1x16xf32>,
    %swap3A_357 = arith.constant 47 : i32
    %swap3A_358 = arith.index_cast %swap3A_357 : i32 to index
    %swap3A_359 = arith.constant 32 : index
    %swap3A_360 = tpu.vector_load %arg11[%swap3A_358, %swap3A_359] {strides = array<i32>} : memref<48x128xf32, #tpu.memory_space<vmem>>, vector<1x16xf32>,
    %swap3A_361 = vector.shape_cast %swap3A_360 : vector<1x16xf32> to vector<16xf32>
    %swap3A_362 = vector.shape_cast %broadcast_in_dim3A_105 : vector<16xf32> to vector<1x16xf32>
    tpu.vector_store %arg11[%swap3A_358, %swap3A_359], %swap3A_362 {strides = array<i32>} : memref<48x128xf32, #tpu.memory_space<vmem>>, vector<1x16xf32>,
    %swap3A_363 = arith.constant 47 : i32
    %swap3A_364 = arith.index_cast %swap3A_363 : i32 to index
    %swap3A_365 = arith.constant 48 : index
    %swap3A_366 = tpu.vector_load %arg11[%swap3A_364, %swap3A_365] {strides = array<i32>} : memref<48x128xf32, #tpu.memory_space<vmem>>, vector<1x16xf32>,
    %swap3A_367 = vector.shape_cast %swap3A_366 : vector<1x16xf32> to vector<16xf32>
    %swap3A_368 = vector.shape_cast %broadcast_in_dim3A_105 : vector<16xf32> to vector<1x16xf32>
    tpu.vector_store %arg11[%swap3A_364, %swap3A_365], %swap3A_368 {strides = array<i32>} : memref<48x128xf32, #tpu.memory_space<vmem>>, vector<1x16xf32>,
    %swap3A_369 = arith.constant 47 : i32
    %swap3A_370 = arith.index_cast %swap3A_369 : i32 to index
    %swap3A_371 = arith.constant 64 : index
    %swap3A_372 = tpu.vector_load %arg11[%swap3A_370, %swap3A_371] {strides = array<i32>} : memref<48x128xf32, #tpu.memory_space<vmem>>, vector<1x16xf32>,
    %swap3A_373 = vector.shape_cast %swap3A_372 : vector<1x16xf32> to vector<16xf32>
    %swap3A_374 = vector.shape_cast %broadcast_in_dim3A_105 : vector<16xf32> to vector<1x16xf32>
    tpu.vector_store %arg11[%swap3A_370, %swap3A_371], %swap3A_374 {strides = array<i32>} : memref<48x128xf32, #tpu.memory_space<vmem>>, vector<1x16xf32>,
    %swap3A_375 = arith.constant 47 : i32
    %swap3A_376 = arith.index_cast %swap3A_375 : i32 to index
    %swap3A_377 = arith.constant 80 : index
    %swap3A_378 = tpu.vector_load %arg11[%swap3A_376, %swap3A_377] {strides = array<i32>} : memref<48x128xf32, #tpu.memory_space<vmem>>, vector<1x16xf32>,
    %swap3A_379 = vector.shape_cast %swap3A_378 : vector<1x16xf32> to vector<16xf32>
    %swap3A_380 = vector.shape_cast %broadcast_in_dim3A_105 : vector<16xf32> to vector<1x16xf32>
    tpu.vector_store %arg11[%swap3A_376, %swap3A_377], %swap3A_380 {strides = array<i32>} : memref<48x128xf32, #tpu.memory_space<vmem>>, vector<1x16xf32>,
    %swap3A_381 = arith.constant 47 : i32
    %swap3A_382 = arith.index_cast %swap3A_381 : i32 to index
    %swap3A_383 = arith.constant 96 : index
    %swap3A_384 = tpu.vector_load %arg11[%swap3A_382, %swap3A_383] {strides = array<i32>} : memref<48x128xf32, #tpu.memory_space<vmem>>, vector<1x16xf32>,
    %swap3A_385 = vector.shape_cast %swap3A_384 : vector<1x16xf32> to vector<16xf32>
    %swap3A_386 = vector.shape_cast %broadcast_in_dim3A_105 : vector<16xf32> to vector<1x16xf32>
    tpu.vector_store %arg11[%swap3A_382, %swap3A_383], %swap3A_386 {strides = array<i32>} : memref<48x128xf32, #tpu.memory_space<vmem>>, vector<1x16xf32>,
    %swap3A_387 = arith.constant 47 : i32
    %swap3A_388 = arith.index_cast %swap3A_387 : i32 to index
    %swap3A_389 = arith.constant 112 : index
    %swap3A_390 = tpu.vector_load %arg11[%swap3A_388, %swap3A_389] {strides = array<i32>} : memref<48x128xf32, #tpu.memory_space<vmem>>, vector<1x16xf32>,
    %swap3A_391 = vector.shape_cast %swap3A_390 : vector<1x16xf32> to vector<16xf32>
    %swap3A_392 = vector.shape_cast %broadcast_in_dim3A_105 : vector<16xf32> to vector<1x16xf32>
    tpu.vector_store %arg11[%swap3A_388, %swap3A_389], %swap3A_392 {strides = array<i32>} : memref<48x128xf32, #tpu.memory_space<vmem>>, vector<1x16xf32>,
    %mul3A_393 = arith.constant 48 : i32
    %mul3A_394 = arith.muli %add3A, %mul3A_393 : i32
    "tpu.region"() ({
      %run_scoped3A = tpu.sem_alloc : memref<!tpu.dma_semaphore, #tpu.memory_space<semaphore_mem>>
      %dma_start3A_395 = arith.constant 0 : i32
      %dma_start3A_396 = tpu.memref_slice %arg6[%mul3A_394, %dma_start3A_395] : memref<1536x128xf32, #tpu.memory_space<hbm>> -> memref<48x128xf32, #tpu.memory_space<hbm>>
      %dma_start3A_397 = arith.constant 0 : i32
      %dma_start3A_398 = tpu.memref_slice %arg6[%mul3A_394, %dma_start3A_397] : memref<1536x128xf32, #tpu.memory_space<hbm>> -> memref<48x128xf32, #tpu.memory_space<hbm>>
      tpu.enqueue_dma source(%arg11 : memref<48x128xf32, #tpu.memory_space<vmem>>) target(%dma_start3A_398 : memref<48x128xf32, #tpu.memory_space<hbm>>) target_semaphore(%run_scoped3A : memref<!tpu.dma_semaphore, #tpu.memory_space<semaphore_mem>>)
      %dma_wait3A_399 = arith.constant 0 : i32
      %dma_wait3A_400 = tpu.memref_slice %arg6[%mul3A_394, %dma_wait3A_399] : memref<1536x128xf32, #tpu.memory_space<hbm>> -> memref<48x128xf32, #tpu.memory_space<hbm>>
      %dma_wait3A_401 = arith.constant 0 : i32
      %dma_wait3A_402 = tpu.memref_slice %arg6[%mul3A_394, %dma_wait3A_401] : memref<1536x128xf32, #tpu.memory_space<hbm>> -> memref<48x128xf32, #tpu.memory_space<hbm>>
      tpu.wait_dma2 semaphore(%run_scoped3A : memref<!tpu.dma_semaphore, #tpu.memory_space<semaphore_mem>>) src(%arg11 : memref<48x128xf32, #tpu.memory_space<vmem>>) dst(%dma_wait3A_402 : memref<48x128xf32, #tpu.memory_space<hbm>>)
      tpu.yield
    }) : () -> ()
    return
  }
}

module attributes {stable_mosaic.version = 14 : i64} {
  func.func @_finalize_body(%arg0: memref<1536x128xf32, #tpu.memory_space<vmem>>, %arg1: memref<1x1xf32, #tpu.memory_space<smem>>) attributes {dimension_semantics = [], scalar_prefetch = 0 : i64, scratch_operands = 0 : i64, tpu.core_type = #tpu.core_type<tc>} {
    %get3A = arith.constant 0 : index
    %get3A_0 = arith.constant 0 : index
    %get3A_1 = vector.load %arg0[%get3A, %get3A_0] : memref<1536x128xf32, #tpu.memory_space<vmem>>, vector<1536x128xf32>
    %iota3A = tpu.iota {dimensions = array<i32: 0>} : vector<128x8xi32>
    %jit3A = arith.constant 16 : i32
    %div3A = vector.broadcast %jit3A : i32 to vector<128x8xi32>
    %div3A_2 = arith.divsi %iota3A, %div3A : vector<128x8xi32>
    %sign3A = arith.constant 0 : i32
    %sign3A_3 = vector.broadcast %sign3A : i32 to vector<128x8xi32>
    %sign3A_4 = arith.cmpi sgt, %iota3A, %sign3A_3 : vector<128x8xi32>
    %sign3A_5 = arith.extui %sign3A_4 : vector<128x8xi1> to vector<128x8xi32>
    %sign3A_6 = arith.constant 0 : i32
    %sign3A_7 = vector.broadcast %sign3A_6 : i32 to vector<128x8xi32>
    %sign3A_8 = arith.cmpi slt, %iota3A, %sign3A_7 : vector<128x8xi32>
    %sign3A_9 = arith.extui %sign3A_8 : vector<128x8xi1> to vector<128x8xi32>
    %sign3A_10 = arith.subi %sign3A_5, %sign3A_9 : vector<128x8xi32>
    %sign3A_11 = arith.constant 0 : i32
    %sign3A_12 = arith.cmpi sgt, %jit3A, %sign3A_11 : i32
    %sign3A_13 = arith.extui %sign3A_12 : i1 to i32
    %sign3A_14 = arith.constant 0 : i32
    %sign3A_15 = arith.cmpi slt, %jit3A, %sign3A_14 : i32
    %sign3A_16 = arith.extui %sign3A_15 : i1 to i32
    %sign3A_17 = arith.subi %sign3A_13, %sign3A_16 : i32
    %ne3A = vector.broadcast %sign3A_17 : i32 to vector<128x8xi32>
    %ne3A_18 = arith.cmpi ne, %sign3A_10, %ne3A : vector<128x8xi32>
    %rem3A = vector.broadcast %jit3A : i32 to vector<128x8xi32>
    %rem3A_19 = arith.remsi %iota3A, %rem3A : vector<128x8xi32>
    %ne3A_20 = arith.constant 0 : i32
    %ne3A_21 = vector.broadcast %ne3A_20 : i32 to vector<128x8xi32>
    %ne3A_22 = arith.cmpi ne, %rem3A_19, %ne3A_21 : vector<128x8xi32>
    %and3A = arith.andi %ne3A_18, %ne3A_22 : vector<128x8xi1>
    %sub3A = arith.constant 1 : i32
    %sub3A_23 = vector.broadcast %sub3A : i32 to vector<128x8xi32>
    %sub3A_24 = arith.subi %div3A_2, %sub3A_23 : vector<128x8xi32>
    %select_n3A = arith.select %and3A, %sub3A_24, %div3A_2 : vector<128x8xi1>, vector<128x8xi32>
    %iota3A_25 = tpu.iota {dimensions = array<i32: 1>} : vector<128x8xi32>
    %eq3A = arith.cmpi eq, %select_n3A, %iota3A_25 : vector<128x8xi32>
    %convert_element_type3A = arith.extui %eq3A : vector<128x8xi1> to vector<128x8xi32>
    %convert_element_type3A_26 = arith.sitofp %convert_element_type3A : vector<128x8xi32> to vector<128x8xf32>
    %convert_element_type3A_27 = arith.truncf %get3A_1 : vector<1536x128xf32> to vector<1536x128xbf16>
    %convert_element_type3A_28 = arith.extf %convert_element_type3A_27 : vector<1536x128xbf16> to vector<1536x128xf32>
    %sub3A_29 = arith.subf %get3A_1, %convert_element_type3A_28 : vector<1536x128xf32>
    %dot_general3A = arith.constant dense<0.000000e+00> : vector<1536x8xf32>
    %dot_general3A_30 = tpu.matmul %convert_element_type3A_28, %convert_element_type3A_26, %dot_general3A {dimension_numbers = #tpu.dot_dimension_numbers<[1], [0], [0], [1], [0, 0, 1, 1], [], []>, transpose_lhs_hint = false} : vector<1536x128xf32>, vector<128x8xf32>, vector<1536x8xf32> -> vector<1536x8xf32>
    %dot_general3A_31 = arith.constant dense<0.000000e+00> : vector<1536x8xf32>
    %dot_general3A_32 = tpu.matmul %sub3A_29, %convert_element_type3A_26, %dot_general3A_31 {dimension_numbers = #tpu.dot_dimension_numbers<[1], [0], [0], [1], [0, 0, 1, 1], [], []>, transpose_lhs_hint = false} : vector<1536x128xf32>, vector<128x8xf32>, vector<1536x8xf32> -> vector<1536x8xf32>
    %add3A = arith.addf %dot_general3A_30, %dot_general3A_32 : vector<1536x8xf32>
    %sqrt3A = math.sqrt %add3A : vector<1536x8xf32>
    %reduce_sum3A = vector.shape_cast %sqrt3A : vector<1536x8xf32> to vector<1x1536x8xf32>
    %reduce_sum3A_33 = arith.constant dense<0.000000e+00> : vector<1xf32>
    %reduce_sum3A_34 = vector.multi_reduction <add>, %reduce_sum3A, %reduce_sum3A_33 [1, 2] : vector<1x1536x8xf32> to vector<1xf32>
    %reduce_sum3A_35 = vector.shape_cast %reduce_sum3A_34 : vector<1xf32> to vector<1x1x1xf32>
    %reduce_sum3A_36 = vector.extract %reduce_sum3A_35[0, 0, 0] : f32 from vector<1x1x1xf32>
    %mul3A = arith.constant 0.001953125 : f32
    %mul3A_37 = arith.mulf %reduce_sum3A_36, %mul3A : f32
    %swap3A = arith.constant 0 : index
    %swap3A_38 = arith.constant 0 : index
    %swap3A_39 = memref.load %arg1[%swap3A, %swap3A_38] : memref<1x1xf32, #tpu.memory_space<smem>>
    memref.store %mul3A_37, %arg1[%swap3A, %swap3A_38] : memref<1x1xf32, #tpu.memory_space<smem>>
    return
  }
}

</mosaic_0001>

<sc_bundles>
// kernel: kernel.4.cloned.1.call-start
scs
__scs_entry_jumppad:
0x0: {  	(pc) =	sbr.rel $0x88, $3  }
0x1: {  	(tag) =	ssettag $0x0;
	lr =	simm.s32 $0x1  }
0x2: {  	[smem:$0x3F98] =	sst lr;
	_ =	strace $0xD0000000  }
0x3: {  	_ = 	snop  }
0x4: {  	_ = 	snop  }
0x5: {  	_ = 	snop  }
0x6: {  	_ = 	snop  }
0x7: {  	_ = 	snop  }
__scs_overlays_trampoline_lowered:
0x8: {  	[smem:$0x3FA7] =	sst s0  }
0x9: {  	[smem:$0x3FA8] =	sst s1  }
0xa: {  	[smem:$0x3FA9] =	sst s2  }
0xb: {  	[smem:$0x3FAA] =	sst s3  }
0xc: {  	[smem:$0x3FAB] =	sst s4  }
0xd: {  	[smem:$0x3FAC] =	sst s5  }
0xe: {  	[smem:$0x3FAD] =	sst s6  }
0xf: {  	[smem:$0x3FAE] =	sst s7  }
0x10: {  	[smem:$0x3FAF] =	sst s8  }
0x11: {  	[smem:$0x3FB0] =	sst s9;
	s0 =	simm.s32 @!p0 $0x0  }
0x12: {  	s1 =	sld [smem:$0x3F96];
	s0 =	simm.s32 @p0 $0x1  }
0x13: {  	[smem:$0x3FB1] =	sst s0;
	s0 =	simm.s32 @!p1 $0x0  }
0x14: {  	s2 =	sld [smem:$0x3F95];
	s0 =	simm.s32 @p1 $0x1  }
0x15: {  	[smem:$0x3FB2] =	sst s0;
	s0 =	simm.s32 @!p2 $0x0  }
0x16: {  	s3 =	sld [smem:$0x3FDB];
	s0 =	simm.s32 @p2 $0x1  }
0x17: {  	s4 =	simm.s32 $0x1BF5;
	[smem:$0x3FB4] =	sst s0  }
0x18: {  	s0 =	sld [smem:$0x3F97];
	_ =	swait.ge [sflag:s4], $0x0  }
0x19: {  	s7 =	sld [smem:$0x3F98]  }
0x1a: {  	s8 =	sadd.s32 $0xFFFFE003, lr  }
0x1b: {  	s9 =	sadd.s32 $0xFFFFFEF7, lr;
	s5 =	simm.s32 $0xFFFFFFFF;
	p2 =	slt.u32 s8, $0xFFFFF086  }
0x1c: {  	p1 =	slt.u32 s9, $0xF7A;
	s5 =	simm.s32 @!p2 $0x0  }
0x1d: {  	s5 =	simm.s32 @p1 $0x1;
	p0 =	seq.s32 s7, s2  }
0x1e: {  	s7 =	smul.u32 @!p0 $0xF7A, s2;
	p2 =	seq.s32 @!p0 s5, $0x0  }
0x1f: {  	s9 =	smul.u32 $0xF7A, s1;
	s8 =	simm.s32 @!p0 $0x1BF5;
	p2 =	por !p2, p0  }
0x20: {  	[sflag:s8] =	ssyncset.s32 @!p0 $0xFFFFF086;
	s6 =	sadd.s32 @!p0 s3, s7;
	s7 =	simm.s32 @!p0 $0x108  }
0x21: {  	s3 =	sadd.s32 s3, s9;
	s6 =	sadd.s32 @!p0 $0x88, s6;
	s7 =	simm.s32 @p2 $0x1082  }
0x22: {  	[simem:s7], [sflag:s8] =	dma.local @!p0 [hbm:s6], $0xF7A  }
0x23: {  	s9 =	sor.u32 $0xD0000000, s2;
	s6 =	simm.s32 $0x108;
	_ =	swait.ge @!p0 [sflag:s8], $0x0  }
0x24: {  	s3 =	sadd.s32 $0x88, s3;
	s6 =	simm.s32 @!p1 $0x1082;
	[sflag:s4] =	ssyncset.s32 $0xFFFFF086  }
0x25: {  	[simem:s6], [sflag:s4] =	dma.local [hbm:s3], $0xF7A  }
0x26: {  	[smem:$0x3F98] =	sst s1;
	(tag) =	ssettag s2;
	_ =	strace s9  }
0x27: {  	s1 =	sld [smem:$0x3FA8]  }
0x28: {  	s2 =	sld [smem:$0x3FA9]  }
0x29: {  	s4 =	sld [smem:$0x3FAB]  }
0x2a: {  	p0 =	seq.s32 s5, $0x0;
	s5 =	sld [smem:$0x3FAC]  }
0x2b: {  	s6 =	sld [smem:$0x3FAD]  }
0x2c: {  	s7 =	sld [smem:$0x3FAE]  }
0x2d: {  	s3 =	simm.s32 $0x108;
	s8 =	sld [smem:$0x3FAF]  }
0x2e: {  	s3 =	simm.s32 @!p0 $0x1082;
	s9 =	sld [smem:$0x3FB0]  }
0x2f: {  	lr =	sadd.s32 s0, s3;
	s0 =	sld [smem:$0x3FA7]  }
0x30: {  	s3 =	sld [smem:$0x3FAA]  }
0x31: {  	[smem:$0x3FB3] =	sst s10  }
0x32: {  	s10 =	sld [smem:$0x3FB1];
	_ =	sdelay $0x3  }
0x33: {  	p0 =	seq.s32 s10, $0x1;
	s10 =	sld [smem:$0x3FB3];
	_ =	sdelay $0x3  }
0x34: {  	[smem:$0x3FB3] =	sst s10  }
0x35: {  	s10 =	sld [smem:$0x3FB2];
	_ =	sdelay $0x3  }
0x36: {  	p1 =	seq.s32 s10, $0x1;
	s10 =	sld [smem:$0x3FB3];
	_ =	sdelay $0x3  }
0x37: {  	[smem:$0x3FB3] =	sst s10  }
0x38: {  	s10 =	sld [smem:$0x3FB4]  }
0x39: {  	_ = 	snop;
	(pc) =	sbr.ind lr, $3  }
0x3a: {  	_ = 	snop  }
0x3b: {  	_ = 	snop  }
0x3c: {  	p2 =	seq.s32 s10, $0x1;
	s10 =	sld [smem:$0x3FB3]  }
0x3d: {  	_ =	shalt  }
0x3e: {  	_ =	shalt  }
0x3f: {  	_ =	shalt  }
0x40: {  	_ =	shalt  }
0x41: {  	_ =	shalt  }
0x42: {  	_ =	shalt  }
0x43: {  	_ =	shalt  }
0x44: {  	_ =	shalt  }
0x45: {  	_ =	shalt  }
0x46: {  	_ =	shalt  }
0x47: {  	_ =	shalt  }
0x48: {  	_ =	shalt  }
0x49: {  	_ =	shalt  }
0x4a: {  	_ =	shalt  }
0x4b: {  	_ =	shalt  }
0x4c: {  	_ =	shalt  }
0x4d: {  	_ =	shalt  }
0x4e: {  	_ =	shalt  }
0x4f: {  	_ =	shalt  }
0x50: {  	_ =	shalt  }
0x51: {  	_ =	shalt  }
0x52: {  	_ =	shalt  }
0x53: {  	_ =	shalt  }
0x54: {  	_ =	shalt  }
0x55: {  	_ =	shalt  }
0x56: {  	_ =	shalt  }
0x57: {  	_ =	shalt  }
0x58: {  	_ =	shalt  }
0x59: {  	_ =	shalt  }
0x5a: {  	_ =	shalt  }
0x5b: {  	_ =	shalt  }
0x5c: {  	_ =	shalt  }
0x5d: {  	_ =	shalt  }
0x5e: {  	_ =	shalt  }
0x5f: {  	_ =	shalt  }
0x60: {  	_ =	shalt  }
0x61: {  	_ =	shalt  }
0x62: {  	_ =	shalt  }
0x63: {  	_ =	shalt  }
0x64: {  	_ =	shalt  }
0x65: {  	_ =	shalt  }
0x66: {  	_ =	shalt  }
0x67: {  	_ =	shalt  }
0x68: {  	_ =	shalt  }
0x69: {  	_ =	shalt  }
0x6a: {  	_ =	shalt  }
0x6b: {  	_ =	shalt  }
0x6c: {  	_ =	shalt  }
0x6d: {  	_ =	shalt  }
0x6e: {  	_ =	shalt  }
0x6f: {  	_ =	shalt  }
0x70: {  	_ =	shalt  }
0x71: {  	_ =	shalt  }
0x72: {  	_ =	shalt  }
0x73: {  	_ =	shalt  }
0x74: {  	_ =	shalt  }
0x75: {  	_ =	shalt  }
0x76: {  	_ =	shalt  }
0x77: {  	_ =	shalt  }
0x78: {  	_ =	shalt  }
0x79: {  	_ =	shalt  }
0x7a: {  	_ =	shalt  }
0x7b: {  	_ =	shalt  }
0x7c: {  	_ =	shalt  }
0x7d: {  	_ =	shalt  }
0x7e: {  	_ =	shalt  }
0x7f: {  	_ =	shalt  }
0x80: {  	_ =	shalt  }
0x81: {  	_ =	shalt  }
0x82: {  	_ =	shalt  }
0x83: {  	_ =	shalt  }
0x84: {  	_ =	shalt  }
0x85: {  	_ =	shalt  }
0x86: {  	_ =	shalt  }
0x87: {  	_ =	shalt  }
.Lfunc_end0:
.L_simem_size_0:
called_computation_lowered:
.L_overlay_start_0:
0x88: {  	s2 =	sld [smem:$0x3FD9]  }
0x89: {  	s3 =	sld [smem:$0x3FFE];
	_ =	sdelay $0x1  }
0x8a: {  	s1 =	srdreg.scid  }
0x8b: {  	s0 =	sand.u32 $0x1, s1  }
0x8c: {  	s17 =	sshll.u32 s0, $0xA;
	s2 =	sadd.s32 s3, s2  }
0x8d: {  	s2 =	sadd.s32 s2, s17  }
0x8e: {  	[smem:$0x3FBF] =	sst s2  }
0x8f: {  	_ = 	snop  }
0x90: {  	s2 =	sld [smem:$0x3FC9];
	(tm) =	ssettm $0x1  }
0x91: {  	s18 =	sld [smem:$0x3FFB];
	_ =	sdelay $0x3  }
0x92: {  	_ =	strace s18  }
0x93: {  	s3 =	sld [smem:$0x3FFC];
	_ =	sdelay $0x3  }
0x94: {  	_ =	strace s3  }
0x95: {  	s3 =	sld [smem:$0x3FFD];
	_ =	sdelay $0x3  }
0x96: {  	_ =	strace s3  }
0x97: {  	_ =	strace $0x8FFFFFFF  }
0x98: {  	s19 =	sld [smem:$0x3FDB];
	_ =	sdelay $0x1  }
0x99: {  	s4 =	simm.s32 $_scs_section_size  }
0x9a: {  	s5 =	simm.s32 $_size__tile_overlayer_lowered;
	s6 =	simm.s32 $_tile_overlayer_lowered  }
0x9b: {  	s22 =	simm.s32 $0x1BFF;
	s21 =	sshll.u32 s6, $0x1;
	s3 =	sadd.s32 s4, s19  }
0x9c: {  	s7 =	simm.s32 $0x0;
	s20 =	sshll.u32 s5, $0x1;
	s5 =	sadd.s32 s21, s3  }
0x9d: {  	[timem:s7], [sflag:s22] =	dma.local [hbm:s5], s20  }
0x9e: {  	_ =	swait.ge [sflag:s22], s20  }
0x9f: {  	s4 =	ssub.s32 $0x0, s20;
	[sflag:s22] =	ssyncset.done $0x0  }
0xa0: {  	[sflag:s22] =	ssyncadd.s32 s4;
	_ =	sdelay $0x1  }
0xa1: {  	s23 =	simm.s32 $0x1B8B  }
0xa2: {  	_ =	swait.ge [sflag:s23], $0x1  }
0xa3: {  	[sflag:s23] =	ssyncset.done $0x0  }
0xa4: {  	s25 =	simm.s32 $0x1B8E;
	s24 =	sld [smem:$0x3FFE];
	[sflag:s23] =	ssyncadd.s32 $0xFFFFFFFF  }
0xa5: {  	s26 =	simm.s32 $execute0_lowered;
	[smem:$0x3FD2] =	sst s25  }
0xa6: {  	s5 =	sshll.u32 s26, $0x1;
	_ =	strace $0x80000046;
	[dreg:$0x1] =	wrdreg $0xFFFFFFFF  }
0xa7: {  	s28 =	simm.s32 $_size_execute0_lowered;
	s3 =	sadd.s32 s3, s5;
	[dreg:$0x0] =	wrdreg $0x0  }
0xa8: {  	s5 =	sshll.u32 s28, $0x1;
	[dreg:$0x2] =	wrdreg s3  }
0xa9: {  	[dreg:$0x3] =	wrdreg s5  }
0xaa: {  	[dreg:$0x4] =	wrdreg $0xC0  }
0xab: {  	_ =	task [dreg:s7], $0x5FFFF  }
0xac: {  	[dreg:$0x1] =	wrdreg $0xFFFFFFFF  }
0xad: {  	[dreg:$0x0] =	wrdreg $0x60  }
0xae: {  	[dreg:$0x2] =	wrdreg s2  }
0xaf: {  	[dreg:$0x3] =	wrdreg s24  }
0xb0: {  	[dreg:$0x4] =	wrdreg $0x9  }
0xb1: {  	_ =	task.clear_ibuf [dreg:s7], $0x5FFFF;
	_ =	strace $0x90000046  }
0xb2: {  	s29 =	simm.s32 $0x9;
	_ =	strace $0x80000048  }
0xb3: {  	_ =	swait.ge [sflag:s29], $0x1  }
0xb4: {  	[sflag:s29] =	ssyncadd.s32 $0xFFFFFFFF  }
0xb5: {  	_ =	strace $0x90000048  }
0xb6: {  	_ =	sfence  }
0xb7: {  	s30 =	sld [smem:$0x0];
	_ =	sdelay $0x2  }
0xb8: {  	s31 =	sshll.u32 s1, $0xD;
	s1 =	sshrl.u32 s1, $0x2  }
0xb9: {  	s3 =	sand.u32 $0x4000, s31;
	s1 =	sadd.s32 s1, s30  }
0xba: {  	s0 =	sor.u32 s3, s0;
	s1 =	sshll.u32 s1, $0x11  }
0xbb: {  	s0 =	sor.u32 s1, s0  }
0xbc: {  	s0 =	sadd.s32 $0x8F2B, s0  }
0xbd: {  	[sflag:s0] =	ssyncadd.remote.s32 $0x1  }
0xbe: {  	_ =	sfence.sel $0xFFFF  }
0xbf: {  	[dreg:$0x0] =	wrdreg $0xFFFFFFFF;
	(pc) =	sbr.abs _section_cstart, $3  }
0xc0: {  	[dreg:$0x1] =	wrdreg $0xFFFFFFFF  }
0xc1: {  	_ =	task.clear_ibuf [dreg:s7], $0x2FFFF;
	_ =	strace $0x9FFFFFFF  }
0xc2: {  	(tm) =	ssettm $0x7FFFFFFF  }
0xc3: {  	_ =	shalt  }
tec
execute0_lowered:
.L_overlay_start_1:
0x0: {  	(tag) =	ssettag $0x1  }
0x1: {  	s1 =	rddreg [dreg:$0x0]  }
0x2: {  	s0 =	rddreg [dreg:$0x1];
	s3 =	simm.s32 $0x0  }
0x3: {  	s2 =	srdreg.scid;
	s4 =	stileid.u32;
	s9 =	simm.s32 $0x4  }
0x4: {  	s16 =	simm.s32 $0xE180;
	s17 =	simm.s32 $0xE980;
	s18 =	simm.s32 $0xF180  }
0x5: {  	s19 =	simm.s32 $0xF980;
	s20 =	simm.s32 $0x1;
	s21 =	simm.s32 $0x3  }
0x6: {  	s22 =	simm.s32 $0x2;
	s23 =	simm.s32 $0x10180;
	s24 =	simm.s32 $0x0  }
0x7: {  	v0 =	vimm.s32 $0xFEDCBA9;
	v1 =	vimm.s32 $0x87654321;
	[smem:$0x7FF] =	sst s3;
	s2 =	sand.u32 $0x1, s2;
	s5 =	sshll.u32 s4, $0x1  }
0x8: {  	s4 =	sadd.s32 $0x600, s0;
	v0 =	vunpack.c.l.s4.s8 v0;
	v1 =	vunpack.c.l.s4.s8 v1;
	_ =	strace $0x80000047;
	s5 =	sor.u32 s2, s5  }
0x9: {  	v2 =	vlaneseq.u32;
	vm0 =	vmmov $0xffff;
	s2 =	ssub.s32 $0x2, s2;
	s6 =	sshll.u32 s5, $0x4;
	s7 =	smul.u32 $0x300, s5  }
0xa: {  	v3 =	vshrl.u32 v2, $0x3;
	s8 =	sshrl.u32 s2, $0x1;
	s5 =	sshll.u32 s5, $0x5;
	v4 =	vunpack.c.0.s8.s32 v0;
	v5 =	vunpack.c.0.s8.s32 v1;
	s6 =	sadd.s32 s6, s0  }
0xb: {  	vm1 =	vmmov $0x7fff;
	v0 =	vand.u32 $0x7, v2;
	v1 =	vmul.u32 $0x8, v3;
	s2 =	ssub.s32 s2, s8;
	s5 =	sadd.s32 s0, s5;
	s7 =	sadd.s32 s7, s0  }
0xc: {  	v2 =	vor.u32 $0x8, v2;
	s6 =	sadd.s32 $0x400, s6;
	s8 =	smax.u32 s2, $0x1;
	v3 =	vcombine.low v5, v4;
	v4 =	vimm.f32 $0.0e+00;
	s7 =	sadd.s32 $0x8400, s7  }
.LBB2_1:
0xd: {  	[tilespmem:s3], [sflag:$0x4] =	stream.linear.gather [hbm4b:s5+s3], $0x100, $0x38;
	[tilespmem:$0x11980] =	vst v63  }
0xe: {  	_ =	swait.ge [sflag:s9], $0x100  }
0xf: {  	[sflag:s9] =	ssyncset.done $0x0  }
0x10: {  	[sflag:s9] =	ssyncadd.s32 $0xFFFFFF00  }
0x11: {  	v5 =	vld [tilespmem:$0x0];
	_ =	sdelay $0x4  }
0x12: {  	v6 =	vshll.u32 v5, $0x1  }
0x13: {  	v5 =	vand.u32 $0x7, v5;
	v6 =	vand.u32 $0xFFFFFFF0, v6  }
0x14: {  	v5 =	vor.u32 v5, v6  }
0x15: {  	v6 =	vperm.xlane v5, v0;
	_ =	sdelay $0x1  }
0x16: {  	v5 =	vperm.xlane v5, v2;
	v6 =	vadd.s32 v1, v6;
	_ =	sdelay $0x1  }
0x17: {  	v5 =	vadd.s32 v1, v5;
	_ =	sdelay $0x1  }
0x18: {  	s0 =	simm.s32 $0x180  }
0x19: {  	[tilespmem:s0], [sflag:$0x1] =	stream.indirect_vreg.gather [hbm4b:s1+s3], $0x80, v6, vm0, $0xb8;
	[tilespmem:$0x11980] =	vst v63  }
0x1a: {  	s11 =	simm.s32 $0x980  }
0x1b: {  	[tilespmem:s11], [sflag:$0x1] =	stream.indirect_vreg.gather [hbm4b:s1+s3], $0x80, v5, vm0, $0xb8;
	[tilespmem:$0x11980] =	vst v63  }
0x1c: {  	v5 =	vld [tilespmem:$0x10];
	_ =	sdelay $0x4  }
0x1d: {  	v6 =	vshll.u32 v5, $0x1  }
0x1e: {  	v5 =	vand.u32 $0x7, v5;
	v6 =	vand.u32 $0xFFFFFFF0, v6  }
0x1f: {  	v5 =	vor.u32 v5, v6  }
0x20: {  	v6 =	vperm.xlane v5, v0;
	_ =	sdelay $0x1  }
0x21: {  	v5 =	vperm.xlane v5, v2;
	v6 =	vadd.s32 v1, v6;
	_ =	sdelay $0x1  }
0x22: {  	v5 =	vadd.s32 v1, v5;
	_ =	sdelay $0x1  }
0x23: {  	s12 =	simm.s32 $0x1180  }
0x24: {  	[tilespmem:s12], [sflag:$0x1] =	stream.indirect_vreg.gather [hbm4b:s1+s3], $0x80, v6, vm0, $0xb8;
	[tilespmem:$0x11980] =	vst v63  }
0x25: {  	s13 =	simm.s32 $0x1980  }
0x26: {  	[tilespmem:s13], [sflag:$0x1] =	stream.indirect_vreg.gather [hbm4b:s1+s3], $0x80, v5, vm0, $0xb8;
	[tilespmem:$0x11980] =	vst v63  }
0x27: {  	v5 =	vld [tilespmem:$0x20];
	_ =	sdelay $0x4  }
0x28: {  	v6 =	vshll.u32 v5, $0x1  }
0x29: {  	v5 =	vand.u32 $0x7, v5;
	v6 =	vand.u32 $0xFFFFFFF0, v6  }
0x2a: {  	v5 =	vor.u32 v5, v6  }
0x2b: {  	v6 =	vperm.xlane v5, v0;
	_ =	sdelay $0x1  }
0x2c: {  	v5 =	vperm.xlane v5, v2;
	v6 =	vadd.s32 v1, v6;
	_ =	sdelay $0x1  }
0x2d: {  	v5 =	vadd.s32 v1, v5;
	_ =	sdelay $0x1  }
0x2e: {  	s14 =	simm.s32 $0x2180  }
0x2f: {  	[tilespmem:s14], [sflag:$0x1] =	stream.indirect_vreg.gather [hbm4b:s1+s3], $0x80, v6, vm0, $0xb8;
	[tilespmem:$0x11980] =	vst v63  }
0x30: {  	s15 =	simm.s32 $0x2980  }
0x31: {  	[tilespmem:s15], [sflag:$0x1] =	stream.indirect_vreg.gather [hbm4b:s1+s3], $0x80, v5, vm0, $0xb8;
	[tilespmem:$0x11980] =	vst v63  }
0x32: {  	v5 =	vld [tilespmem:$0x30];
	_ =	sdelay $0x4  }
0x33: {  	v6 =	vshll.u32 v5, $0x1  }
0x34: {  	v5 =	vand.u32 $0x7, v5;
	v6 =	vand.u32 $0xFFFFFFF0, v6  }
0x35: {  	v5 =	vor.u32 v5, v6  }
0x36: {  	v6 =	vperm.xlane v5, v0;
	_ =	sdelay $0x1  }
0x37: {  	v5 =	vperm.xlane v5, v2;
	v6 =	vadd.s32 v1, v6;
	_ =	sdelay $0x1  }
0x38: {  	v5 =	vadd.s32 v1, v5;
	_ =	sdelay $0x1  }
0x39: {  	s25 =	simm.s32 $0x3180  }
0x3a: {  	[tilespmem:s25], [sflag:$0x1] =	stream.indirect_vreg.gather [hbm4b:s1+s3], $0x80, v6, vm0, $0xb8;
	[tilespmem:$0x11980] =	vst v63  }
0x3b: {  	s26 =	simm.s32 $0x3980  }
0x3c: {  	[tilespmem:s26], [sflag:$0x1] =	stream.indirect_vreg.gather [hbm4b:s1+s3], $0x80, v5, vm0, $0xb8;
	[tilespmem:$0x11980] =	vst v63  }
0x3d: {  	v5 =	vld [tilespmem:$0x40];
	_ =	sdelay $0x4  }
0x3e: {  	v6 =	vshll.u32 v5, $0x1  }
0x3f: {  	v5 =	vand.u32 $0x7, v5;
	v6 =	vand.u32 $0xFFFFFFF0, v6  }
0x40: {  	v5 =	vor.u32 v5, v6  }
0x41: {  	v6 =	vperm.xlane v5, v0;
	_ =	sdelay $0x1  }
0x42: {  	v5 =	vperm.xlane v5, v2;
	v6 =	vadd.s32 v1, v6;
	_ =	sdelay $0x1  }
0x43: {  	v5 =	vadd.s32 v1, v5;
	_ =	sdelay $0x1  }
0x44: {  	s30 =	simm.s32 $0x4180  }
0x45: {  	[tilespmem:s30], [sflag:$0x1] =	stream.indirect_vreg.gather [hbm4b:s1+s3], $0x80, v6, vm0, $0xb8;
	[tilespmem:$0x11980] =	vst v63  }
0x46: {  	s31 =	simm.s32 $0x4980  }
0x47: {  	[tilespmem:s31], [sflag:$0x1] =	stream.indirect_vreg.gather [hbm4b:s1+s3], $0x80, v5, vm0, $0xb8;
	[tilespmem:$0x11980] =	vst v63  }
0x48: {  	v5 =	vld [tilespmem:$0x50];
	_ =	sdelay $0x4  }
0x49: {  	v6 =	vshll.u32 v5, $0x1  }
0x4a: {  	v5 =	vand.u32 $0x7, v5;
	v6 =	vand.u32 $0xFFFFFFF0, v6  }
0x4b: {  	v5 =	vor.u32 v5, v6  }
0x4c: {  	v6 =	vperm.xlane v5, v0;
	_ =	sdelay $0x1  }
0x4d: {  	v5 =	vperm.xlane v5, v2;
	v6 =	vadd.s32 v1, v6;
	_ =	sdelay $0x1  }
0x4e: {  	v5 =	vadd.s32 v1, v5;
	_ =	sdelay $0x1  }
0x4f: {  	s2 =	simm.s32 $0x5180  }
0x50: {  	[tilespmem:s2], [sflag:$0x1] =	stream.indirect_vreg.gather [hbm4b:s1+s3], $0x80, v6, vm0, $0xb8;
	[tilespmem:$0x11980] =	vst v63  }
0x51: {  	s10 =	simm.s32 $0x5980  }
0x52: {  	[tilespmem:s10], [sflag:$0x1] =	stream.indirect_vreg.gather [hbm4b:s1+s3], $0x80, v5, vm0, $0xb8;
	[tilespmem:$0x11980] =	vst v63  }
0x53: {  	v5 =	vld [tilespmem:$0x60];
	_ =	sdelay $0x4  }
0x54: {  	v6 =	vshll.u32 v5, $0x1  }
0x55: {  	v5 =	vand.u32 $0x7, v5;
	v6 =	vand.u32 $0xFFFFFFF0, v6  }
0x56: {  	v5 =	vor.u32 v5, v6  }
0x57: {  	v6 =	vperm.xlane v5, v0;
	_ =	sdelay $0x1  }
0x58: {  	v5 =	vperm.xlane v5, v2;
	v6 =	vadd.s32 v1, v6;
	_ =	sdelay $0x1  }
0x59: {  	v5 =	vadd.s32 v1, v5;
	_ =	sdelay $0x1  }
0x5a: {  	s11 =	simm.s32 $0x6180  }
0x5b: {  	[tilespmem:s11], [sflag:$0x1] =	stream.indirect_vreg.gather [hbm4b:s1+s3], $0x80, v6, vm0, $0xb8;
	[tilespmem:$0x11980] =	vst v63  }
0x5c: {  	s12 =	simm.s32 $0x6980  }
0x5d: {  	[tilespmem:s12], [sflag:$0x1] =	stream.indirect_vreg.gather [hbm4b:s1+s3], $0x80, v5, vm0, $0xb8;
	[tilespmem:$0x11980] =	vst v63  }
0x5e: {  	v5 =	vld [tilespmem:$0x80];
	_ =	sdelay $0x4  }
0x5f: {  	v6 =	vshll.u32 v5, $0x1  }
0x60: {  	v5 =	vand.u32 $0x7, v5;
	v6 =	vand.u32 $0xFFFFFFF0, v6  }
0x61: {  	v5 =	vor.u32 v5, v6  }
0x62: {  	v6 =	vperm.xlane v5, v0;
	_ =	sdelay $0x1  }
0x63: {  	v5 =	vperm.xlane v5, v2;
	v6 =	vadd.s32 v1, v6;
	_ =	sdelay $0x1  }
0x64: {  	v5 =	vadd.s32 v1, v5;
	_ =	sdelay $0x1  }
0x65: {  	s13 =	simm.s32 $0x7180  }
0x66: {  	[tilespmem:s13], [sflag:$0x2] =	stream.indirect_vreg.gather [hbm4b:s1+s3], $0x80, v6, vm0, $0xb8;
	[tilespmem:$0x11980] =	vst v63  }
0x67: {  	s14 =	simm.s32 $0x7980  }
0x68: {  	[tilespmem:s14], [sflag:$0x2] =	stream.indirect_vreg.gather [hbm4b:s1+s3], $0x80, v5, vm0, $0xb8;
	[tilespmem:$0x11980] =	vst v63  }
0x69: {  	v5 =	vld [tilespmem:$0x90];
	_ =	sdelay $0x4  }
0x6a: {  	v6 =	vshll.u32 v5, $0x1  }
0x6b: {  	v5 =	vand.u32 $0x7, v5;
	v6 =	vand.u32 $0xFFFFFFF0, v6  }
0x6c: {  	v5 =	vor.u32 v5, v6  }
0x6d: {  	v6 =	vperm.xlane v5, v0;
	_ =	sdelay $0x1  }
0x6e: {  	v5 =	vperm.xlane v5, v2;
	v6 =	vadd.s32 v1, v6;
	_ =	sdelay $0x1  }
0x6f: {  	v5 =	vadd.s32 v1, v5;
	_ =	sdelay $0x1  }
0x70: {  	s15 =	simm.s32 $0x8180  }
0x71: {  	[tilespmem:s15], [sflag:$0x2] =	stream.indirect_vreg.gather [hbm4b:s1+s3], $0x80, v6, vm0, $0xb8;
	[tilespmem:$0x11980] =	vst v63  }
0x72: {  	s25 =	simm.s32 $0x8980  }
0x73: {  	[tilespmem:s25], [sflag:$0x2] =	stream.indirect_vreg.gather [hbm4b:s1+s3], $0x80, v5, vm0, $0xb8;
	[tilespmem:$0x11980] =	vst v63  }
0x74: {  	v5 =	vld [tilespmem:$0xA0];
	_ =	sdelay $0x4  }
0x75: {  	v6 =	vshll.u32 v5, $0x1  }
0x76: {  	v5 =	vand.u32 $0x7, v5;
	v6 =	vand.u32 $0xFFFFFFF0, v6  }
0x77: {  	v5 =	vor.u32 v5, v6  }
0x78: {  	v6 =	vperm.xlane v5, v0;
	_ =	sdelay $0x1  }
0x79: {  	v5 =	vperm.xlane v5, v2;
	v6 =	vadd.s32 v1, v6;
	_ =	sdelay $0x1  }
0x7a: {  	v5 =	vadd.s32 v1, v5;
	_ =	sdelay $0x1  }
0x7b: {  	s26 =	simm.s32 $0x9180  }
0x7c: {  	[tilespmem:s26], [sflag:$0x2] =	stream.indirect_vreg.gather [hbm4b:s1+s3], $0x80, v6, vm0, $0xb8;
	[tilespmem:$0x11980] =	vst v63  }
0x7d: {  	s30 =	simm.s32 $0x9980  }
0x7e: {  	[tilespmem:s30], [sflag:$0x2] =	stream.indirect_vreg.gather [hbm4b:s1+s3], $0x80, v5, vm0, $0xb8;
	[tilespmem:$0x11980] =	vst v63  }
0x7f: {  	v5 =	vld [tilespmem:$0xB0];
	_ =	sdelay $0x4  }
0x80: {  	v6 =	vshll.u32 v5, $0x1  }
0x81: {  	v5 =	vand.u32 $0x7, v5;
	v6 =	vand.u32 $0xFFFFFFF0, v6  }
0x82: {  	v5 =	vor.u32 v5, v6  }
0x83: {  	v6 =	vperm.xlane v5, v0;
	_ =	sdelay $0x1  }
0x84: {  	v5 =	vperm.xlane v5, v2;
	v6 =	vadd.s32 v1, v6;
	_ =	sdelay $0x1  }
0x85: {  	v5 =	vadd.s32 v1, v5;
	_ =	sdelay $0x1  }
0x86: {  	s31 =	simm.s32 $0xA180  }
0x87: {  	[tilespmem:s31], [sflag:$0x2] =	stream.indirect_vreg.gather [hbm4b:s1+s3], $0x80, v6, vm0, $0xb8;
	[tilespmem:$0x11980] =	vst v63  }
0x88: {  	s2 =	simm.s32 $0xA980  }
0x89: {  	[tilespmem:s2], [sflag:$0x2] =	stream.indirect_vreg.gather [hbm4b:s1+s3], $0x80, v5, vm0, $0xb8;
	[tilespmem:$0x11980] =	vst v63  }
0x8a: {  	v5 =	vld [tilespmem:$0xC0];
	_ =	sdelay $0x4  }
0x8b: {  	v6 =	vshll.u32 v5, $0x1  }
0x8c: {  	v5 =	vand.u32 $0x7, v5;
	v6 =	vand.u32 $0xFFFFFFF0, v6  }
0x8d: {  	v5 =	vor.u32 v5, v6  }
0x8e: {  	v6 =	vperm.xlane v5, v0;
	_ =	sdelay $0x1  }
0x8f: {  	v5 =	vperm.xlane v5, v2;
	v6 =	vadd.s32 v1, v6;
	_ =	sdelay $0x1  }
0x90: {  	v5 =	vadd.s32 v1, v5;
	_ =	sdelay $0x1  }
0x91: {  	s10 =	simm.s32 $0xB180  }
0x92: {  	[tilespmem:s10], [sflag:$0x2] =	stream.indirect_vreg.gather [hbm4b:s1+s3], $0x80, v6, vm0, $0xb8;
	[tilespmem:$0x11980] =	vst v63  }
0x93: {  	s11 =	simm.s32 $0xB980  }
0x94: {  	[tilespmem:s11], [sflag:$0x2] =	stream.indirect_vreg.gather [hbm4b:s1+s3], $0x80, v5, vm0, $0xb8;
	[tilespmem:$0x11980] =	vst v63  }
0x95: {  	v5 =	vld [tilespmem:$0xD0];
	_ =	sdelay $0x4  }
0x96: {  	v6 =	vshll.u32 v5, $0x1  }
0x97: {  	v5 =	vand.u32 $0x7, v5;
	v6 =	vand.u32 $0xFFFFFFF0, v6  }
0x98: {  	v5 =	vor.u32 v5, v6  }
0x99: {  	v6 =	vperm.xlane v5, v0;
	_ =	sdelay $0x1  }
0x9a: {  	v5 =	vperm.xlane v5, v2;
	v6 =	vadd.s32 v1, v6;
	_ =	sdelay $0x1  }
0x9b: {  	v5 =	vadd.s32 v1, v5;
	_ =	sdelay $0x1  }
0x9c: {  	s12 =	simm.s32 $0xC180  }
0x9d: {  	[tilespmem:s12], [sflag:$0x2] =	stream.indirect_vreg.gather [hbm4b:s1+s3], $0x80, v6, vm0, $0xb8;
	[tilespmem:$0x11980] =	vst v63  }
0x9e: {  	s13 =	simm.s32 $0xC980  }
0x9f: {  	[tilespmem:s13], [sflag:$0x2] =	stream.indirect_vreg.gather [hbm4b:s1+s3], $0x80, v5, vm0, $0xb8;
	[tilespmem:$0x11980] =	vst v63  }
0xa0: {  	v5 =	vld [tilespmem:$0xE0];
	_ =	sdelay $0x4  }
0xa1: {  	v6 =	vshll.u32 v5, $0x1  }
0xa2: {  	v5 =	vand.u32 $0x7, v5;
	v6 =	vand.u32 $0xFFFFFFF0, v6  }
0xa3: {  	v5 =	vor.u32 v5, v6  }
0xa4: {  	v6 =	vperm.xlane v5, v0;
	_ =	sdelay $0x1  }
0xa5: {  	v5 =	vperm.xlane v5, v2;
	v6 =	vadd.s32 v1, v6;
	_ =	sdelay $0x1  }
0xa6: {  	v5 =	vadd.s32 v1, v5;
	_ =	sdelay $0x1  }
0xa7: {  	s14 =	simm.s32 $0xD180  }
0xa8: {  	[tilespmem:s14], [sflag:$0x2] =	stream.indirect_vreg.gather [hbm4b:s1+s3], $0x80, v6, vm0, $0xb8;
	[tilespmem:$0x11980] =	vst v63  }
0xa9: {  	s15 =	simm.s32 $0xD980  }
0xaa: {  	[tilespmem:s15], [sflag:$0x2] =	stream.indirect_vreg.gather [hbm4b:s1+s3], $0x80, v5, vm0, $0xb8;
	[tilespmem:$0x11980] =	vst v63  }
0xab: {  	s25 =	simm.s32 $0x100  }
0xac: {  	[tilespmem:s25], [sflag:$0x4] =	stream.linear.gather [hbm4b:s6+s3], $0x80, $0x38;
	[tilespmem:$0x11980] =	vst v63  }
0xad: {  	_ =	swait.ge [sflag:s9], $0x80  }
0xae: {  	[sflag:s9] =	ssyncset.done $0x0  }
0xaf: {  	[sflag:s9] =	ssyncadd.s32 $0xFFFFFF80  }
0xb0: {  	v5 =	vld [tilespmem:$0x100];
	_ =	sdelay $0x4  }
0xb1: {  	v6 =	vshll.u32 v5, $0x1  }
0xb2: {  	v5 =	vand.u32 $0x7, v5;
	v6 =	vand.u32 $0xFFFFFFF0, v6  }
0xb3: {  	v5 =	vor.u32 v5, v6  }
0xb4: {  	v6 =	vperm.xlane v5, v0;
	_ =	sdelay $0x1  }
0xb5: {  	v5 =	vperm.xlane v5, v2;
	v6 =	vadd.s32 v1, v6;
	_ =	sdelay $0x1  }
0xb6: {  	v5 =	vadd.s32 v1, v5;
	_ =	sdelay $0x2  }
0xb7: {  	[tilespmem:s16], [sflag:$0x3] =	stream.indirect_vreg.gather [hbm4b:s4+s3], $0x80, v6, vm0, $0xb8;
	[tilespmem:$0x11980] =	vst v63  }
0xb8: {  	_ = 	snop  }
0xb9: {  	[tilespmem:s17], [sflag:$0x3] =	stream.indirect_vreg.gather [hbm4b:s4+s3], $0x80, v5, vm0, $0xb8;
	[tilespmem:$0x11980] =	vst v63  }
0xba: {  	v5 =	vld [tilespmem:$0x110];
	_ =	sdelay $0x4  }
0xbb: {  	v6 =	vshll.u32 v5, $0x1  }
0xbc: {  	v5 =	vand.u32 $0x7, v5;
	v6 =	vand.u32 $0xFFFFFFF0, v6  }
0xbd: {  	v5 =	vor.u32 v5, v6  }
0xbe: {  	v6 =	vperm.xlane v5, v0;
	_ =	sdelay $0x1  }
0xbf: {  	v5 =	vperm.xlane v5, v2;
	v6 =	vadd.s32 v1, v6;
	_ =	sdelay $0x1  }
0xc0: {  	v5 =	vadd.s32 v1, v5;
	_ =	sdelay $0x2  }
0xc1: {  	[tilespmem:s18], [sflag:$0x3] =	stream.indirect_vreg.gather [hbm4b:s4+s3], $0x80, v6, vm0, $0xb8;
	[tilespmem:$0x11980] =	vst v63  }
0xc2: {  	_ = 	snop  }
0xc3: {  	[tilespmem:s19], [sflag:$0x3] =	stream.indirect_vreg.gather [hbm4b:s4+s3], $0x80, v5, vm0, $0xb8;
	[tilespmem:$0x11980] =	vst v63  }
0xc4: {  	_ =	swait.ge [sflag:s20], $0x7000  }
0xc5: {  	s26 =	sand.u32 $0x800, s3;
	s2 =	sand.u32 $0x380, s3;
	[sflag:s20] =	ssyncset.done $0x0  }
0xc6: {  	s11 =	sor.u32 s2, s26;
	[sflag:s20] =	ssyncadd.s32 $0xFFFF9000  }
0xc7: {  	v5 =	vld [tilespmem:s11+$0x5A0]  }
0xc8: {  	v7 =	vld [tilespmem:s11+$0x190]  }
0xc9: {  	v8 =	vld [tilespmem:s11+$0x180]  }
0xca: {  	s30 =	simm.s32 $0x1000;
	v9 =	vld [tilespmem:s11+$0x5D0]  }
0xcb: {  	s0 =	sand.u32 $0x1800, s30;
	v10 =	vld [tilespmem:s11+$0x1A0]  }
0xcc: {  	s10 =	sor.u32 s2, s0;
	v11 =	vld [tilespmem:s11+$0x1D0]  }
0xcd: {  	v12 =	vld [tilespmem:s10+$0x1D0]  }
0xce: {  	v13 =	vld [tilespmem:s10+$0x590]  }
0xcf: {  	v14 =	vld [tilespmem:s10+$0x1A0]  }
0xd0: {  	v15 =	vld [tilespmem:s10+$0x180]  }
0xd1: {  	v16 =	vld [tilespmem:s10+$0x190]  }
0xd2: {  	v18 =	vld [tilespmem:s10+$0x5A0];
	_ =	sdelay $0x1  }
0xd3: {  	v6 =	vld [tilespmem:s11+$0x1B0]  }
0xd4: {  	v17 =	vld [tilespmem:s10+$0x580];
	v11 =	vsub.f32 v11, v12;
	v12 =	vand.u32 $0x7FFFFFFF, v5;
	v5 =	vand.u32 $0x7FFFFFFF, v9  }
0xd5: {  	v9 =	vld [tilespmem:s11+$0x590];
	v10 =	vsub.f32 v10, v14;
	v8 =	vsub.f32 v8, v15;
	v13 =	vand.u32 $0x7FFFFFFF, v13  }
0xd6: {  	v15 =	vld [tilespmem:s10+$0x1B0];
	v7 =	vsub.f32 v7, v16;
	v18 =	vand.u32 $0x7FFFFFFF, v18;
	v14 =	vsub.f32 $1.000000010e-01, v5  }
0xd7: {  	v16 =	vld [tilespmem:s10+$0x5D0];
	v19 =	vsub.f32 $1.000000010e-01, v13;
	v11 =	vand.u32 $0x7FFFFFFF, v11;
	v10 =	vand.u32 $0x7FFFFFFF, v10  }
0xd8: {  	v20 =	vld [tilespmem:s10+$0x5B0];
	v8 =	vand.u32 $0x7FFFFFFF, v8;
	v7 =	vand.u32 $0x7FFFFFFF, v7;
	v21 =	vadd.f32 v11, v5  }
0xd9: {  	v11 =	vld [tilespmem:s11+$0x580];
	v5 =	vmax.f32 v14, $0.0e+00;
	v14 =	vand.u32 $0x7FFFFFFF, v17;
	v10 =	vadd.f32 v10, v12  }
0xda: {  	v22 =	vld [tilespmem:s10+$0x1C0];
	v19 =	vmax.f32 v19, $0.0e+00;
	v12 =	vsub.f32 $1.000000010e-01, v12;
	v17 =	vsub.f32 $1.000000010e-01, v14  }
0xdb: {  	v23 =	vld [tilespmem:s11+$0x5B0];
	v19 =	vmul.f32 v19, v19;
	v10 =	vsub.f32 v10, v18;
	v9 =	vand.u32 $0x7FFFFFFF, v9  }
0xdc: {  	v24 =	vld [tilespmem:s11+$0x1C0];
	v15 =	vsub.f32 v6, v15;
	v16 =	vand.u32 $0x7FFFFFFF, v16;
	v17 =	vmax.f32 v17, $0.0e+00  }
0xdd: {  	v26 =	vld [tilespmem:s10+$0x5C0];
	v25 =	vsub.f32 $1.000000010e-01, v9;
	v29 =	vadd.f32 v7, v9;
	v17 =	vmul.f32 v17, v17  }
0xde: {  	v32 =	vld [tilespmem:s10+$0x5E0];
	v7 =	vand.u32 $0x7FFFFFFF, v20;
	v10 =	vadd.f32 $5.000000070e-02, v10;
	v27 =	vand.u32 $0x7FFFFFFF, v11  }
0xdf: {  	v9 =	vand.u32 $0x7FFFFFFF, v15;
	v28 =	vadd.f32 v19, v17;
	v17 =	vsub.f32 $1.000000010e-01, v27  }
0xe0: {  	v11 =	vsub.f32 $1.000000010e-01, v16;
	v6 =	vmax.f32 v10, $0.0e+00;
	v10 =	vld [tilespmem:s10+$0x5F0];
	v27 =	vadd.f32 v8, v27  }
0xe1: {  	v19 =	vld [tilespmem:s11+$0x5C0];
	v6 =	vmul.f32 v6, v6;
	v15 =	vmax.f32 v17, $0.0e+00;
	v17 =	vsub.f32 $1.000000010e-01, v18  }
0xe2: {  	v18 =	vand.u32 $0x7FFFFFFF, v23;
	v23 =	vand.u32 $0x7FFFFFFF, v26;
	v27 =	vsub.f32 v27, v14  }
0xe3: {  	v14 =	vand.u32 $0x7FFFFFFF, v32;
	v20 =	vadd.f32 v9, v18;
	v9 =	vsub.f32 v24, v22  }
0xe4: {  	v22 =	vmax.f32 v25, $0.0e+00;
	v18 =	vsub.f32 $1.000000010e-01, v18;
	v24 =	vsub.f32 $1.000000010e-01, v7  }
0xe5: {  	v26 =	vsub.f32 $1.000000010e-01, v23;
	v17 =	vmax.f32 v17, $0.0e+00;
	v25 =	vand.u32 $0x7FFFFFFF, v9  }
0xe6: {  	v9 =	vand.u32 $0x7FFFFFFF, v10;
	v10 =	vld [tilespmem:s11+$0x1F0];
	v30 =	vsub.f32 v20, v7;
	v7 =	vand.u32 $0x7FFFFFFF, v19  }
0xe7: {  	v24 =	vmax.f32 v24, $0.0e+00;
	v19 =	vmax.f32 v26, $0.0e+00;
	v26 =	vld [tilespmem:s10+$0x1F0];
	v31 =	vsub.f32 $1.000000010e-01, v7  }
0xe8: {  	v20 =	vadd.f32 v25, v7;
	v8 =	vmul.f32 v19, v19;
	v25 =	vmax.f32 v18, $0.0e+00  }
0xe9: {  	v7 =	vsub.f32 $1.000000010e-01, v9;
	v19 =	vmul.f32 v15, v15;
	v18 =	vmax.f32 v12, $0.0e+00  }
0xea: {  	v24 =	vmul.f32 v24, v24;
	v12 =	vmul.f32 v25, v25;
	v15 =	vsub.f32 v20, v23  }
0xeb: {  	s28 =	simm.s32 $0x0;
	v20 =	vmul.f32 v22, v22;
	v22 =	vmul.f32 v17, v17;
	v23 =	vsub.f32 v29, v13  }
0xec: {  	s29 =	simm.s32 $0x0;
	s31 =	simm.s32 $0x0;
	s25 =	simm.s32 $0x400;
	v25 =	vmax.f32 v31, $0.0e+00;
	v17 =	vsub.f32 v21, v16;
	v13 =	vld [tilespmem:s11+$0x1E0];
	v21 =	vsub.f32 v10, v26  }
0xed: {  	s0 =	sand.u32 $0x200, s31;
	s26 =	simm.s32 $0x10;
	s12 =	sand.u32 $0x600, s25;
	v16 =	vld [tilespmem:s10+$0x1E0];
	v15 =	vadd.f32 $5.000000070e-02, v15;
	v10 =	vmul.f32 v25, v25;
	v22 =	vadd.f32 v22, v28  }
0xee: {  	s2 =	sshrl.u32 s0, $0x2;
	s0 =	sshrl.u32 s12, $0x2;
	s10 =	simm.s32 $0x0;
	v26 =	vadd.f32 $5.000000070e-02, v23;
	v23 =	vld [tilespmem:s11+$0x5F0];
	v25 =	vadd.f32 $5.000000070e-02, v30;
	v21 =	vand.u32 $0x7FFFFFFF, v21  }
.LBB2_2:
0xef: {  	s28 =	sadd.s32 $0x80, s28  }
0xf0: {  	v27 =	vadd.f32 $5.000000070e-02, v27;
	v11 =	vmax.f32 v11, $0.0e+00;
	v19 =	vadd.f32 v20, v19;
	s29 =	sadd.s32 $0x100, s29;
	s25 =	sadd.s32 $0x40, s25;
	s12 =	smov.u32 s26  }
0xf1: {  	p0 =	sne.s32 s26, $0xF0;
	s26 =	sadd.s32 $0x10, s26;
	v20 =	vmax.f32 v26, $0.0e+00;
	v26 =	vsub.f32 $1.000000010e-01, v14;
	v18 =	vmul.f32 v18, v18;
	s13 =	sadd.s32 $0xFFFFFC00, s25  }
0xf2: {  	v22 =	vadd.f32 v24, v22;
	s30 =	sand.u32 $0x600, s25;
	v25 =	vmax.f32 v25, $0.0e+00;
	s13 =	sand.u32 $0x200, s13;
	v27 =	vmax.f32 v27, $0.0e+00  }
0xf3: {  	v17 =	vadd.f32 $5.000000070e-02, v17;
	v11 =	vmul.f32 v11, v11;
	s30 =	sshrl.u32 s30, $0x2;
	s31 =	sshrl.u32 s13, $0x2;
	v24 =	vld [tilespmem:s11+$0x5E0];
	v23 =	vand.u32 $0x7FFFFFFF, v23  }
0xf4: {  	v26 =	vmax.f32 v26, $0.0e+00;
	v21 =	vadd.f32 v21, v23;
	v23 =	vsub.f32 $1.000000010e-01, v23  }
0xf5: {  	v13 =	vsub.f32 v13, v16;
	v5 =	vmul.f32 v5, v5;
	v16 =	vmul.f32 v26, v26  }
0xf6: {  	v18 =	vadd.f32 v18, v19;
	v9 =	vsub.f32 v21, v9;
	v21 =	vmul.f32 v25, v25  }
0xf7: {  	v17 =	vmax.f32 v17, $0.0e+00;
	v13 =	vand.u32 $0x7FFFFFFF, v13;
	v19 =	vmul.f32 v20, v20  }
0xf8: {  	v15 =	vmax.f32 v15, $0.0e+00;
	v20 =	vmul.f32 v27, v27;
	v9 =	vadd.f32 $5.000000070e-02, v9  }
0xf9: {  	v15 =	vmul.f32 v15, v15;
	v12 =	vadd.f32 v12, v18;
	v24 =	vand.u32 $0x7FFFFFFF, v24  }
0xfa: {  	v17 =	vmul.f32 v17, v17;
	v18 =	vadd.f32 v19, v20;
	v9 =	vmax.f32 v9, $0.0e+00  }
0xfb: {  	v8 =	vadd.f32 v8, v22;
	v13 =	vadd.f32 v13, v24;
	v9 =	vmul.f32 v9, v9  }
0xfc: {  	v7 =	vmax.f32 v7, $0.0e+00;
	v6 =	vadd.f32 v6, v18;
	v19 =	vsub.f32 $1.000000010e-01, v24  }
0xfd: {  	v8 =	vadd.f32 v11, v8;
	v13 =	vsub.f32 v13, v14  }
0xfe: {  	v10 =	vadd.f32 v10, v12;
	v6 =	vadd.f32 v21, v6;
	v11 =	vmax.f32 v19, $0.0e+00  }
0xff: {  	v8 =	vadd.f32 v16, v8;
	v11 =	vmul.f32 v11, v11;
	v12 =	vadd.f32 $5.000000070e-02, v13  }
0x100: {  	v7 =	vmul.f32 v7, v7;
	v5 =	vadd.f32 v5, v10;
	v6 =	vadd.f32 v15, v6  }
0x101: {  	v10 =	vmax.f32 v12, $0.0e+00;
	v12 =	vmax.f32 v23, $0.0e+00  }
0x102: {  	v7 =	vadd.f32 v7, v8;
	v6 =	vadd.f32 v17, v6;
	v10 =	vmul.f32 v10, v10;
	_ =	sdelay $0x1  }
0x103: {  	v6 =	vadd.f32 v10, v6  }
0x104: {  	v5 =	vadd.f32 v11, v5;
	v8 =	vmul.f32 v12, v12  }
0x105: {  	s11 =	sand.u32 $0x70, s10;
	s10 =	smov.u32 s12;
	v6 =	vadd.f32 v9, v6  }
0x106: {  	s12 =	sor.u32 s11, s2;
	s2 =	smov.u32 s31;
	v5 =	vadd.f32 v8, v5  }
0x107: {  	s11 =	sor.u32 s11, s0;
	s0 =	smov.u32 s30;
	[tilespmem:s12+$0x10180] =	vst v6  }
0x108: {  	s13 =	sand.u32 $0x800, s29;
	s30 =	sand.u32 $0x380, s28;
	[tilespmem:s11+$0x10180] =	vst v5  }
0x109: {  	s11 =	sor.u32 s30, s13;
	[tilespmem:s12+$0x10380] =	vst v7  }
0x10a: {  	v6 =	vld [tilespmem:s11+$0x1B0]  }
0x10b: {  	v5 =	vld [tilespmem:s11+$0x5A0]  }
0x10c: {  	v7 =	vld [tilespmem:s11+$0x190]  }
0x10d: {  	v8 =	vld [tilespmem:s11+$0x180]  }
0x10e: {  	s12 =	sadd.s32 $0x1000, s29;
	v9 =	vld [tilespmem:s11+$0x5D0]  }
0x10f: {  	s12 =	sand.u32 $0x1800, s12;
	v10 =	vld [tilespmem:s11+$0x1A0]  }
0x110: {  	s12 =	sor.u32 s30, s12;
	v11 =	vld [tilespmem:s11+$0x1D0]  }
0x111: {  	v12 =	vld [tilespmem:s12+$0x1D0]  }
0x112: {  	v13 =	vld [tilespmem:s12+$0x590]  }
0x113: {  	v14 =	vld [tilespmem:s12+$0x1A0]  }
0x114: {  	v15 =	vld [tilespmem:s12+$0x180]  }
0x115: {  	v16 =	vld [tilespmem:s12+$0x190]  }
0x116: {  	v17 =	vld [tilespmem:s12+$0x580];
	v11 =	vsub.f32 v11, v12  }
0x117: {  	v12 =	vand.u32 $0x7FFFFFFF, v5;
	v5 =	vand.u32 $0x7FFFFFFF, v9;
	v18 =	vld [tilespmem:s12+$0x5A0]  }
0x118: {  	v9 =	vld [tilespmem:s11+$0x590];
	v10 =	vsub.f32 v10, v14;
	v11 =	vand.u32 $0x7FFFFFFF, v11;
	v14 =	vsub.f32 $1.000000010e-01, v5  }
0x119: {  	v8 =	vsub.f32 v8, v15;
	v15 =	vand.u32 $0x7FFFFFFF, v13;
	v13 =	vld [tilespmem:s12+$0x1B0];
	v21 =	vadd.f32 v11, v5  }
0x11a: {  	v11 =	vld [tilespmem:s11+$0x580];
	v19 =	vsub.f32 $1.000000010e-01, v15;
	v10 =	vand.u32 $0x7FFFFFFF, v10;
	v5 =	vmax.f32 v14, $0.0e+00  }
0x11b: {  	v7 =	vsub.f32 v7, v16;
	v14 =	vand.u32 $0x7FFFFFFF, v17;
	v10 =	vadd.f32 v10, v12;
	v16 =	vld [tilespmem:s12+$0x5D0]  }
0x11c: {  	v8 =	vand.u32 $0x7FFFFFFF, v8;
	v17 =	vsub.f32 $1.000000010e-01, v14;
	v18 =	vand.u32 $0x7FFFFFFF, v18;
	v20 =	vld [tilespmem:s12+$0x5B0]  }
0x11d: {  	v7 =	vand.u32 $0x7FFFFFFF, v7;
	v19 =	vmax.f32 v19, $0.0e+00;
	v10 =	vsub.f32 v10, v18;
	v22 =	vld [tilespmem:s12+$0x1C0]  }
0x11e: {  	v12 =	vsub.f32 $1.000000010e-01, v12;
	v19 =	vmul.f32 v19, v19;
	v17 =	vmax.f32 v17, $0.0e+00;
	v23 =	vld [tilespmem:s11+$0x5B0]  }
0x11f: {  	v9 =	vand.u32 $0x7FFFFFFF, v9;
	v10 =	vadd.f32 $5.000000070e-02, v10;
	v24 =	vld [tilespmem:s11+$0x1C0];
	v17 =	vmul.f32 v17, v17  }
0x120: {  	v25 =	vsub.f32 $1.000000010e-01, v9;
	v13 =	vsub.f32 v6, v13;
	v26 =	vld [tilespmem:s12+$0x5C0];
	v27 =	vand.u32 $0x7FFFFFFF, v16  }
0x121: {  	v28 =	vand.u32 $0x7FFFFFFF, v11;
	v6 =	vmax.f32 v10, $0.0e+00;
	v10 =	vld [tilespmem:s12+$0x5F0];
	v29 =	vadd.f32 v19, v17  }
0x122: {  	v16 =	vsub.f32 $1.000000010e-01, v28;
	v11 =	vsub.f32 $1.000000010e-01, v27;
	v17 =	vld [tilespmem:s11+$0x5C0];
	v6 =	vmul.f32 v6, v6  }
0x123: {  	v30 =	vadd.f32 v7, v9;
	v9 =	vand.u32 $0x7FFFFFFF, v13;
	v7 =	vand.u32 $0x7FFFFFFF, v20;
	v13 =	vld [tilespmem:s11+$0x1E0]  }
0x124: {  	v18 =	vsub.f32 $1.000000010e-01, v18;
	v19 =	vmax.f32 v16, $0.0e+00;
	v16 =	vand.u32 $0x7FFFFFFF, v23  }
0x125: {  	v20 =	vadd.f32 v9, v16;
	v9 =	vsub.f32 v24, v22;
	v23 =	vand.u32 $0x7FFFFFFF, v26  }
0x126: {  	v22 =	vmax.f32 v25, $0.0e+00;
	v24 =	vsub.f32 $1.000000010e-01, v16;
	v16 =	vsub.f32 $1.000000010e-01, v7  }
0x127: {  	v25 =	vand.u32 $0x7FFFFFFF, v9;
	v26 =	vsub.f32 $1.000000010e-01, v23;
	v9 =	vand.u32 $0x7FFFFFFF, v10;
	v31 =	vld [tilespmem:s11+$0x1F0]  }
0x128: {  	v32 =	vsub.f32 v20, v7;
	v33 =	vmax.f32 v16, $0.0e+00;
	v7 =	vand.u32 $0x7FFFFFFF, v17;
	v16 =	vld [tilespmem:s12+$0x1E0]  }
0x129: {  	v10 =	vmax.f32 v18, $0.0e+00;
	v17 =	vsub.f32 $1.000000010e-01, v7;
	v18 =	vmax.f32 v26, $0.0e+00;
	v26 =	vld [tilespmem:s12+$0x1F0]  }
0x12a: {  	v28 =	vadd.f32 v8, v28;
	v20 =	vadd.f32 v25, v7;
	v8 =	vmul.f32 v18, v18;
	v34 =	vld [tilespmem:s12+$0x5E0]  }
0x12b: {  	v19 =	vmul.f32 v19, v19;
	v24 =	vmax.f32 v24, $0.0e+00;
	v7 =	vsub.f32 $1.000000010e-01, v9  }
0x12c: {  	v23 =	vsub.f32 v20, v23;
	v20 =	vmul.f32 v22, v22;
	v22 =	vmul.f32 v10, v10  }
.Ltmp0:
0x12d: {  	v25 =	vsub.f32 v30, v15;
	v18 =	vmax.f32 v12, $0.0e+00;
	v12 =	vmul.f32 v24, v24;
	(pc) =	sbr.rel @p0 .LBB2_2-.Ltmp0, $4  }
0x12e: {  	v10 =	vmax.f32 v17, $0.0e+00;
	v17 =	vsub.f32 v21, v27;
	v21 =	vsub.f32 v31, v26  }
0x12f: {  	v10 =	vmul.f32 v10, v10;
	v15 =	vadd.f32 $5.000000070e-02, v23;
	v22 =	vadd.f32 v22, v29  }
0x130: {  	v24 =	vmul.f32 v33, v33;
	v27 =	vsub.f32 v28, v14;
	v26 =	vadd.f32 $5.000000070e-02, v25;
	v23 =	vld [tilespmem:s11+$0x5F0]  }
0x131: {  	v25 =	vadd.f32 $5.000000070e-02, v32;
	v14 =	vand.u32 $0x7FFFFFFF, v34;
	v21 =	vand.u32 $0x7FFFFFFF, v21  }
0x132: {  	v27 =	vadd.f32 $5.000000070e-02, v27  }
0x133: {  	v11 =	vmax.f32 v11, $0.0e+00;
	v19 =	vadd.f32 v20, v19;
	v20 =	vmax.f32 v26, $0.0e+00  }
0x134: {  	v26 =	vsub.f32 $1.000000010e-01, v14;
	v18 =	vmul.f32 v18, v18;
	v22 =	vadd.f32 v24, v22;
	v24 =	vld [tilespmem:s11+$0x5E0]  }
0x135: {  	v17 =	vadd.f32 $5.000000070e-02, v17;
	v13 =	vsub.f32 v13, v16;
	v5 =	vmul.f32 v5, v5  }
0x136: {  	v15 =	vmax.f32 v15, $0.0e+00;
	v25 =	vmax.f32 v25, $0.0e+00;
	v27 =	vmax.f32 v27, $0.0e+00  }
0x137: {  	v16 =	vmul.f32 v20, v20;
	v13 =	vand.u32 $0x7FFFFFFF, v13;
	v20 =	vmul.f32 v27, v27  }
0x138: {  	v18 =	vadd.f32 v18, v19;
	v8 =	vadd.f32 v8, v22;
	v23 =	vand.u32 $0x7FFFFFFF, v23  }
0x139: {  	v21 =	vadd.f32 v21, v23;
	v24 =	vand.u32 $0x7FFFFFFF, v24;
	v16 =	vadd.f32 v16, v20  }
0x13a: {  	v11 =	vmul.f32 v11, v11;
	v23 =	vsub.f32 $1.000000010e-01, v23;
	v13 =	vadd.f32 v13, v24  }
0x13b: {  	v9 =	vsub.f32 v21, v9;
	v21 =	vmul.f32 v25, v25;
	v6 =	vadd.f32 v6, v16  }
0x13c: {  	v15 =	vmul.f32 v15, v15;
	v12 =	vadd.f32 v12, v18;
	v13 =	vsub.f32 v13, v14  }
0x13d: {  	v26 =	vmax.f32 v26, $0.0e+00;
	v8 =	vadd.f32 v11, v8;
	v6 =	vadd.f32 v21, v6  }
0x13e: {  	v20 =	vmul.f32 v26, v26;
	v14 =	vmax.f32 v17, $0.0e+00;
	v13 =	vadd.f32 $5.000000070e-02, v13  }
0x13f: {  	v16 =	vsub.f32 $1.000000010e-01, v24;
	v14 =	vmul.f32 v14, v14;
	v6 =	vadd.f32 v15, v6  }
0x140: {  	v10 =	vadd.f32 v10, v12;
	v9 =	vadd.f32 $5.000000070e-02, v9;
	v12 =	vmax.f32 v13, $0.0e+00  }
0x141: {  	v13 =	vmax.f32 v16, $0.0e+00;
	v6 =	vadd.f32 v14, v6;
	v12 =	vmul.f32 v12, v12  }
0x142: {  	v5 =	vadd.f32 v5, v10;
	v9 =	vmax.f32 v9, $0.0e+00;
	v13 =	vmul.f32 v13, v13  }
0x143: {  	v10 =	vmax.f32 v23, $0.0e+00;
	v9 =	vmul.f32 v9, v9;
	v6 =	vadd.f32 v12, v6  }
0x144: {  	v7 =	vmax.f32 v7, $0.0e+00;
	v10 =	vmul.f32 v10, v10;
	v5 =	vadd.f32 v13, v5  }
0x145: {  	s10 =	sand.u32 $0x70, s10;
	v7 =	vmul.f32 v7, v7;
	v8 =	vadd.f32 v20, v8;
	v6 =	vadd.f32 v9, v6  }
0x146: {  	s2 =	sor.u32 s10, s2;
	v5 =	vadd.f32 v10, v5  }
0x147: {  	s28 =	simm.s32 $0x0;
	s0 =	sor.u32 s10, s0;
	v7 =	vadd.f32 v7, v8;
	[tilespmem:s2+$0x10180] =	vst v6  }
0x148: {  	s14 =	sand.u32 $0x800, s28;
	s15 =	sand.u32 $0x380, s28;
	[tilespmem:s0+$0x10180] =	vst v5  }
0x149: {  	s26 =	sor.u32 s15, s14;
	[tilespmem:s2+$0x10380] =	vst v7  }
0x14a: {  	s25 =	sand.u32 $0xFFFFF800, s28;
	v5 =	vld [tilespmem:s26+$0x2190]  }
0x14b: {  	s0 =	sadd.s32 $0x0, s25;
	v6 =	vld [tilespmem:s26+$0x3190]  }
0x14c: {  	s31 =	sor.u32 $0x3400, s0;
	v7 =	vld [tilespmem:s26+$0x3180]  }
0x14d: {  	s10 =	sor.u32 $0x2400, s0;
	v8 =	vld [tilespmem:s31+$0x1A0]  }
0x14e: {  	v9 =	vld [tilespmem:s10+$0x1A0]  }
0x14f: {  	v10 =	vld [tilespmem:s31+$0x190]  }
0x150: {  	v11 =	vld [tilespmem:s10+$0x190]  }
0x151: {  	v12 =	vld [tilespmem:s31+$0x180]  }
0x152: {  	v13 =	vld [tilespmem:s26+$0x2180]  }
0x153: {  	s25 =	sor.u32 $0x4400, s0;
	v14 =	vld [tilespmem:s10+$0x180]  }
0x154: {  	v15 =	vld [tilespmem:s25+$0x1C0]  }
0x155: {  	v16 =	vld [tilespmem:s26+$0x21A0];
	v10 =	vand.u32 $0x7FFFFFFF, v10;
	v11 =	vand.u32 $0x7FFFFFFF, v11  }
0x156: {  	v20 =	vld [tilespmem:s31+$0x1B0];
	v12 =	vand.u32 $0x7FFFFFFF, v12;
	v9 =	vand.u32 $0x7FFFFFFF, v9;
	v17 =	vsub.f32 v6, v10  }
0x157: {  	v22 =	vld [tilespmem:s26+$0x31B0];
	v8 =	vand.u32 $0x7FFFFFFF, v8;
	v6 =	vadd.f32 v10, v6;
	v18 =	vsub.f32 v5, v11  }
0x158: {  	v14 =	vand.u32 $0x7FFFFFFF, v14;
	v11 =	vadd.f32 v11, v5;
	v19 =	vsub.f32 v7, v12  }
0x159: {  	v10 =	vld [tilespmem:s26+$0x31A0];
	v7 =	vadd.f32 v12, v7;
	v12 =	vmax.f32 v18, v17;
	v17 =	vsub.f32 v13, v14  }
0x15a: {  	v21 =	vld [tilespmem:s10+$0x1B0];
	v5 =	vand.u32 $0x7FFFFFFF, v15;
	v18 =	vsub.f32 v16, v9;
	v13 =	vadd.f32 v14, v13  }
0x15b: {  	v6 =	vmin.f32 v11, v6;
	v9 =	vadd.f32 v9, v16;
	v16 =	vand.u32 $0x7FFFFFFF, v20  }
0x15c: {  	v15 =	vld [tilespmem:s26+$0x21B0];
	v23 =	vadd.f32 v16, v22;
	v16 =	vsub.f32 v22, v16;
	v14 =	vmax.f32 v17, v19  }
0x15d: {  	v13 =	vmin.f32 v13, v7;
	v7 =	vsub.f32 v6, v12;
	v17 =	vadd.f32 v6, v12  }
0x15e: {  	v11 =	vadd.f32 v8, v10;
	v19 =	vsub.f32 v13, v14  }
0x15f: {  	v21 =	vand.u32 $0x7FFFFFFF, v21;
	v20 =	vld [tilespmem:s26+$0x4180];
	v8 =	vsub.f32 v10, v8;
	v24 =	vadd.f32 v13, v14  }
0x160: {  	v14 =	vsub.f32 v14, v13;
	v13 =	vld [tilespmem:s26+$0x41A0];
	v10 =	vmul.f32 $5.000000000e-01, v7;
	v7 =	vsub.f32 v12, v6  }
0x161: {  	v12 =	vadd.f32 v21, v15;
	v9 =	vmin.f32 v9, v11;
	v11 =	vld [tilespmem:s26+$0x4190];
	v6 =	vmax.f32 v18, v8  }
0x162: {  	v15 =	vsub.f32 v15, v21;
	v8 =	vld [tilespmem:s31+$0x1C0];
	v22 =	vadd.f32 v9, v6  }
0x163: {  	v18 =	vmul.f32 $5.000000000e-01, v24;
	v25 =	vsub.f32 v9, v6;
	v6 =	vsub.f32 v6, v9;
	v9 =	vld [tilespmem:s10+$0x1C0]  }
0x164: {  	v17 =	vmul.f32 $5.000000000e-01, v17;
	v19 =	vmul.f32 $5.000000000e-01, v19  }
0x165: {  	v24 =	vld [tilespmem:s26+$0x31C0];
	v29 =	vmax.f32 v14, $0.0e+00;
	v15 =	vmax.f32 v15, v16;
	v18 =	vsub.f32 v18, v20  }
0x166: {  	v12 =	vmin.f32 v12, v23;
	v16 =	vld [tilespmem:s26+$0x21C0];
	v20 =	vmul.f32 $5.000000000e-01, v22;
	v26 =	vmax.f32 v6, $0.0e+00  }
0x167: {  	v23 =	vld [tilespmem:s25+$0x1A0];
	v6 =	vsub.f32 v17, v11;
	v8 =	vand.u32 $0x7FFFFFFF, v8;
	v17 =	vand.u32 $0x7FFFFFFF, v18  }
0x168: {  	v11 =	vld [tilespmem:s26+$0x41B0];
	v18 =	vadd.f32 v12, v15;
	v20 =	vsub.f32 v20, v13;
	v9 =	vand.u32 $0x7FFFFFFF, v9  }
0x169: {  	v28 =	vld [tilespmem:s10+$0x1D0];
	v27 =	vadd.f32 v17, v19;
	v22 =	vand.u32 $0x7FFFFFFF, v6;
	v6 =	vsub.f32 v15, v12  }
0x16a: {  	v12 =	vsub.f32 v12, v15;
	v15 =	vmul.f32 $5.000000000e-01, v18;
	v18 =	vadd.f32 v8, v24  }
0x16b: {  	v21 =	vmul.f32 $5.000000000e-01, v25;
	v19 =	vld [tilespmem:s25+$0x1B0];
	v8 =	vsub.f32 v24, v8;
	v24 =	vsub.f32 v16, v9  }
0x16c: {  	v25 =	vld [tilespmem:s25+$0x180];
	v9 =	vadd.f32 v9, v16;
	v14 =	vand.u32 $0x7FFFFFFF, v20;
	v13 =	vadd.f32 v22, v10  }
0x16d: {  	v17 =	vand.u32 $0x7FFFFFFF, v23;
	v20 =	vld [tilespmem:s25+$0x190];
	v23 =	vadd.f32 v14, v21;
	v15 =	vsub.f32 v15, v11  }
0x16e: {  	v10 =	vld [tilespmem:s26+$0x21D0];
	v14 =	vand.u32 $0x7FFFFFFF, v28;
	v6 =	vmax.f32 v6, $0.0e+00;
	v12 =	vmul.f32 $5.000000000e-01, v12  }
0x16f: {  	v22 =	vld [tilespmem:s31+$0x1D0];
	v16 =	vmin.f32 v9, v18;
	v6 =	vmul.f32 v6, v6;
	v15 =	vand.u32 $0x7FFFFFFF, v15  }
0x170: {  	v21 =	vld [tilespmem:s10+$0x1E0];
	v9 =	vand.u32 $0x7FFFFFFF, v19;
	v19 =	vmax.f32 v24, v8;
	v12 =	vadd.f32 v15, v12  }
0x171: {  	s11 =	simm.s32 $0x0;
	s29 =	simm.s32 $0x0;
	v11 =	vld [tilespmem:s26+$0x31D0];
	v8 =	vmul.f32 v26, v26;
	v18 =	vsub.f32 v19, v16;
	v15 =	vand.u32 $0x7FFFFFFF, v25  }
0x172: {  	s30 =	simm.s32 $0x0;
	s0 =	simm.s32 $0x40;
	s2 =	simm.s32 $0x0;
	v15 =	vsub.f32 v27, v15;
	v24 =	vsub.f32 v12, v9;
	v12 =	vld [tilespmem:s26+$0x21E0];
	v9 =	vmul.f32 v29, v29  }
.LBB2_4:
0x173: {  	s28 =	sadd.s32 $0x80, s28  }
0x174: {  	v17 =	vsub.f32 v23, v17;
	v23 =	vld [tilespmem:s26+$0x41C0];
	v25 =	vsub.f32 v16, v19;
	v22 =	vand.u32 $0x7FFFFFFF, v22;
	s2 =	sadd.s32 $0x100, s2;
	s11 =	sadd.s32 $0x10, s11;
	p0 =	sne.s32 s0, $0x3C0  }
0x175: {  	v26 =	vsub.f32 v10, v14;
	s12 =	smov.u32 s0;
	s0 =	sadd.s32 $0x40, s0;
	v24 =	vadd.f32 $5.000000070e-02, v24;
	v21 =	vand.u32 $0x7FFFFFFF, v21;
	v27 =	vld [tilespmem:s31+$0x1E0]  }
0x176: {  	v16 =	vadd.f32 v16, v19;
	v19 =	vadd.f32 v22, v11;
	v20 =	vand.u32 $0x7FFFFFFF, v20  }
0x177: {  	v18 =	vmax.f32 v18, $0.0e+00;
	v17 =	vadd.f32 $5.000000070e-02, v17;
	v13 =	vsub.f32 v13, v20  }
0x178: {  	v18 =	vmul.f32 v18, v18;
	v16 =	vmul.f32 $5.000000000e-01, v16;
	v20 =	vadd.f32 v21, v12  }
0x179: {  	v15 =	vadd.f32 $5.000000070e-02, v15;
	v11 =	vsub.f32 v11, v22;
	v25 =	vmul.f32 $5.000000000e-01, v25;
	v22 =	vld [tilespmem:s26+$0x31E0]  }
0x17a: {  	v7 =	vmax.f32 v7, $0.0e+00;
	v13 =	vadd.f32 $5.000000070e-02, v13;
	v16 =	vsub.f32 v16, v23  }
0x17b: {  	v15 =	vmax.f32 v15, $0.0e+00;
	v11 =	vmax.f32 v26, v11;
	v23 =	vand.u32 $0x7FFFFFFF, v27  }
0x17c: {  	v10 =	vadd.f32 v14, v10;
	v15 =	vmul.f32 v15, v15;
	v16 =	vand.u32 $0x7FFFFFFF, v16;
	v14 =	vld [tilespmem:s10+$0x1F0]  }
0x17d: {  	v12 =	vsub.f32 v12, v21;
	v13 =	vmax.f32 v13, $0.0e+00;
	v16 =	vadd.f32 v16, v25  }
0x17e: {  	v10 =	vmin.f32 v10, v19;
	v13 =	vmul.f32 v13, v13;
	v19 =	vadd.f32 v23, v22;
	v21 =	vld [tilespmem:s26+$0x21F0]  }
0x17f: {  	v7 =	vmul.f32 v7, v7;
	v17 =	vmax.f32 v17, $0.0e+00;
	v5 =	vsub.f32 v16, v5;
	v16 =	vld [tilespmem:s26+$0x41D0]  }
0x180: {  	v25 =	vadd.f32 v10, v11;
	v22 =	vsub.f32 v22, v23;
	v19 =	vmin.f32 v20, v19  }
0x181: {  	v17 =	vmul.f32 v17, v17;
	v5 =	vadd.f32 $5.000000070e-02, v5;
	v20 =	vsub.f32 v10, v11;
	v23 =	vld [tilespmem:s31+$0x1F0]  }
0x182: {  	v7 =	vadd.f32 v7, v9;
	v25 =	vmul.f32 $5.000000000e-01, v25;
	v14 =	vand.u32 $0x7FFFFFFF, v14  }
0x183: {  	v12 =	vmax.f32 v12, v22;
	v5 =	vmax.f32 v5, $0.0e+00;
	v9 =	vld [tilespmem:s25+$0x1D0];
	v22 =	vadd.f32 v14, v21  }
0x184: {  	v5 =	vmul.f32 v5, v5;
	v16 =	vsub.f32 v25, v16;
	v25 =	vsub.f32 v19, v12;
	v26 =	vld [tilespmem:s26+$0x31F0]  }
0x185: {  	v10 =	vsub.f32 v11, v10;
	v11 =	vsub.f32 v12, v19;
	v20 =	vmul.f32 $5.000000000e-01, v20  }
0x186: {  	v7 =	vadd.f32 v8, v7;
	v16 =	vand.u32 $0x7FFFFFFF, v16;
	v23 =	vand.u32 $0x7FFFFFFF, v23  }
0x187: {  	v8 =	vmax.f32 v24, $0.0e+00;
	v14 =	vsub.f32 v21, v14;
	v16 =	vadd.f32 v16, v20  }
0x188: {  	v6 =	vadd.f32 v6, v7;
	v10 =	vmax.f32 v10, $0.0e+00;
	v9 =	vand.u32 $0x7FFFFFFF, v9  }
0x189: {  	v7 =	vsub.f32 v16, v9;
	v9 =	vmax.f32 v11, $0.0e+00;
	v11 =	vsub.f32 v26, v23  }
0x18a: {  	v6 =	vadd.f32 v18, v6;
	v13 =	vadd.f32 v13, v15;
	v10 =	vmul.f32 v10, v10  }
0x18b: {  	v8 =	vmul.f32 v8, v8;
	v16 =	vadd.f32 v23, v26;
	v7 =	vadd.f32 $5.000000070e-02, v7;
	v15 =	vld [tilespmem:s26+$0x41E0]  }
0x18c: {  	v12 =	vadd.f32 v19, v12;
	v6 =	vadd.f32 v10, v6;
	v20 =	vmul.f32 $5.000000000e-01, v25;
	v18 =	vld [tilespmem:s25+$0x1E0]  }
0x18d: {  	v11 =	vmax.f32 v14, v11;
	v14 =	vmin.f32 v22, v16;
	v7 =	vmax.f32 v7, $0.0e+00;
	v10 =	vld [tilespmem:s26+$0x41F0]  }
0x18e: {  	v12 =	vmul.f32 $5.000000000e-01, v12;
	v16 =	vadd.f32 v14, v11;
	v7 =	vmul.f32 v7, v7  }
0x18f: {  	v13 =	vadd.f32 v17, v13;
	v19 =	vsub.f32 v14, v11  }
0x190: {  	v11 =	vsub.f32 v11, v14;
	v12 =	vsub.f32 v12, v15;
	v15 =	vmul.f32 $5.000000000e-01, v16  }
0x191: {  	v8 =	vadd.f32 v8, v13;
	v9 =	vmul.f32 v9, v9;
	v14 =	vand.u32 $0x7FFFFFFF, v18;
	v16 =	vld [tilespmem:s25+$0x1F0]  }
0x192: {  	v11 =	vmax.f32 v11, $0.0e+00;
	v12 =	vand.u32 $0x7FFFFFFF, v12;
	v10 =	vsub.f32 v15, v10  }
0x193: {  	v5 =	vadd.f32 v5, v8;
	v13 =	vmul.f32 $5.000000000e-01, v19;
	v12 =	vadd.f32 v12, v20  }
0x194: {  	v6 =	vadd.f32 v9, v6;
	v9 =	vmul.f32 v11, v11;
	v8 =	vand.u32 $0x7FFFFFFF, v10  }
0x195: {  	s10 =	sand.u32 $0x200, s29;
	s29 =	smov.u32 s12;
	v10 =	vsub.f32 v12, v14;
	v8 =	vadd.f32 v8, v13  }
0x196: {  	s12 =	sand.u32 $0x70, s30;
	s30 =	smov.u32 s11;
	s10 =	sshrl.u32 s10, $0x2;
	v5 =	vadd.f32 v7, v5;
	v6 =	vadd.f32 v9, v6;
	v11 =	vand.u32 $0x7FFFFFFF, v16  }
0x197: {  	s10 =	sor.u32 s12, s10;
	v7 =	vadd.f32 $5.000000070e-02, v10;
	v8 =	vsub.f32 v8, v11  }
0x198: {  	[tilespmem:s10+$0x10B80] =	vst v6  }
0x199: {  	v6 =	vmax.f32 v7, $0.0e+00;
	v7 =	vadd.f32 $5.000000070e-02, v8  }
0x19a: {  	v6 =	vmul.f32 v6, v6  }
0x19b: {  	v7 =	vmax.f32 v7, $0.0e+00  }
0x19c: {  	v5 =	vadd.f32 v6, v5;
	v6 =	vmul.f32 v7, v7;
	_ =	sdelay $0x1  }
0x19d: {  	v5 =	vadd.f32 v6, v5  }
0x19e: {  	s13 =	sand.u32 $0x380, s28;
	s12 =	sand.u32 $0x800, s2  }
0x19f: {  	s26 =	sor.u32 s13, s12;
	[tilespmem:s10+$0x10A80] =	vst v5  }
0x1a0: {  	s10 =	sand.u32 $0xFFFFF800, s2;
	v5 =	vld [tilespmem:s26+$0x2190]  }
0x1a1: {  	s12 =	sadd.s32 s10, s28;
	v6 =	vld [tilespmem:s26+$0x3190]  }
0x1a2: {  	s10 =	sor.u32 $0x2400, s12;
	s31 =	sor.u32 $0x3400, s12;
	s25 =	sor.u32 $0x4400, s12;
	v7 =	vld [tilespmem:s26+$0x3180]  }
0x1a3: {  	v8 =	vld [tilespmem:s31+$0x1A0]  }
0x1a4: {  	v9 =	vld [tilespmem:s10+$0x1A0]  }
0x1a5: {  	v10 =	vld [tilespmem:s26+$0x2180]  }
0x1a6: {  	v11 =	vld [tilespmem:s25+$0x1C0]  }
0x1a7: {  	v12 =	vld [tilespmem:s31+$0x190]  }
0x1a8: {  	v13 =	vld [tilespmem:s10+$0x190]  }
0x1a9: {  	v14 =	vld [tilespmem:s31+$0x180]  }
0x1aa: {  	v15 =	vld [tilespmem:s10+$0x180]  }
0x1ab: {  	v16 =	vld [tilespmem:s26+$0x4190]  }
0x1ac: {  	v12 =	vand.u32 $0x7FFFFFFF, v12;
	v17 =	vld [tilespmem:s26+$0x21A0]  }
0x1ad: {  	v13 =	vand.u32 $0x7FFFFFFF, v13;
	v18 =	vsub.f32 v6, v12;
	v6 =	vadd.f32 v12, v6;
	v12 =	vld [tilespmem:s26+$0x31A0]  }
0x1ae: {  	v14 =	vand.u32 $0x7FFFFFFF, v14;
	v19 =	vsub.f32 v5, v13;
	v13 =	vadd.f32 v13, v5;
	v20 =	vld [tilespmem:s31+$0x1B0]  }
0x1af: {  	v8 =	vand.u32 $0x7FFFFFFF, v8;
	v9 =	vand.u32 $0x7FFFFFFF, v9;
	v21 =	vsub.f32 v7, v14;
	v22 =	vld [tilespmem:s10+$0x1B0]  }
0x1b0: {  	v15 =	vand.u32 $0x7FFFFFFF, v15;
	v7 =	vadd.f32 v14, v7;
	v14 =	vmax.f32 v19, v18  }
0x1b1: {  	v5 =	vand.u32 $0x7FFFFFFF, v11;
	v18 =	vsub.f32 v10, v15;
	v19 =	vsub.f32 v17, v9;
	v23 =	vld [tilespmem:s26+$0x31B0]  }
0x1b2: {  	v10 =	vadd.f32 v15, v10;
	v6 =	vmin.f32 v13, v6;
	v11 =	vadd.f32 v8, v12;
	v13 =	vld [tilespmem:s26+$0x21B0]  }
0x1b3: {  	v9 =	vadd.f32 v9, v17;
	v18 =	vmax.f32 v18, v21;
	v15 =	vld [tilespmem:s26+$0x4180];
	v17 =	vand.u32 $0x7FFFFFFF, v20  }
0x1b4: {  	v10 =	vmin.f32 v10, v7;
	v7 =	vsub.f32 v6, v14;
	v20 =	vadd.f32 v6, v14  }
0x1b5: {  	v8 =	vsub.f32 v12, v8;
	v21 =	vsub.f32 v10, v18  }
0x1b6: {  	v12 =	vmul.f32 $5.000000000e-01, v7;
	v22 =	vand.u32 $0x7FFFFFFF, v22;
	v24 =	vadd.f32 v17, v23  }
0x1b7: {  	v25 =	vadd.f32 v10, v18;
	v9 =	vmin.f32 v9, v11;
	v11 =	vsub.f32 v23, v17;
	v17 =	vld [tilespmem:s31+$0x1C0]  }
0x1b8: {  	v7 =	vsub.f32 v14, v6;
	v6 =	vmax.f32 v19, v8;
	v8 =	vadd.f32 v22, v13;
	v14 =	vld [tilespmem:s26+$0x31C0]  }
0x1b9: {  	v19 =	vmul.f32 $5.000000000e-01, v25;
	v20 =	vmul.f32 $5.000000000e-01, v20;
	v23 =	vadd.f32 v9, v6;
	v25 =	vld [tilespmem:s10+$0x1C0]  }
0x1ba: {  	v21 =	vmul.f32 $5.000000000e-01, v21;
	v26 =	vsub.f32 v9, v6;
	v6 =	vsub.f32 v6, v9  }
0x1bb: {  	v13 =	vsub.f32 v13, v22;
	v9 =	vsub.f32 v19, v15;
	v15 =	vmul.f32 $5.000000000e-01, v23;
	v19 =	vld [tilespmem:s26+$0x21C0]  }
0x1bc: {  	v18 =	vsub.f32 v18, v10;
	v27 =	vmax.f32 v6, $0.0e+00;
	v10 =	vld [tilespmem:s26+$0x41A0];
	v6 =	vand.u32 $0x7FFFFFFF, v17  }
0x1bd: {  	v16 =	vsub.f32 v20, v16;
	v11 =	vmax.f32 v13, v11;
	v8 =	vmin.f32 v8, v24;
	v17 =	vld [tilespmem:s26+$0x41B0]  }
0x1be: {  	v20 =	vmul.f32 $5.000000000e-01, v26;
	v9 =	vand.u32 $0x7FFFFFFF, v9;
	v13 =	vadd.f32 v8, v11  }
0x1bf: {  	v16 =	vand.u32 $0x7FFFFFFF, v16;
	v23 =	vsub.f32 v11, v8;
	v24 =	vand.u32 $0x7FFFFFFF, v25;
	v22 =	vld [tilespmem:s25+$0x1A0]  }
0x1c0: {  	v8 =	vsub.f32 v8, v11;
	v11 =	vmul.f32 $5.000000000e-01, v13;
	v26 =	vadd.f32 v6, v14;
	v25 =	vld [tilespmem:s25+$0x180]  }
0x1c1: {  	v9 =	vadd.f32 v9, v21;
	v13 =	vmax.f32 v23, $0.0e+00;
	v14 =	vsub.f32 v14, v6;
	v28 =	vld [tilespmem:s25+$0x1B0]  }
0x1c2: {  	v6 =	vmul.f32 v13, v13;
	v15 =	vsub.f32 v15, v10;
	v10 =	vsub.f32 v11, v17;
	v11 =	vld [tilespmem:s26+$0x31D0]  }
0x1c3: {  	v8 =	vmul.f32 $5.000000000e-01, v8;
	v29 =	vsub.f32 v19, v24;
	v19 =	vadd.f32 v24, v19;
	v30 =	vld [tilespmem:s10+$0x1D0]  }
0x1c4: {  	v13 =	vadd.f32 v16, v12;
	v17 =	vand.u32 $0x7FFFFFFF, v22;
	v12 =	vand.u32 $0x7FFFFFFF, v10;
	v10 =	vld [tilespmem:s26+$0x21D0]  }
.Ltmp1:
0x1c5: {  	v31 =	vmax.f32 v18, $0.0e+00;
	v15 =	vand.u32 $0x7FFFFFFF, v15;
	v12 =	vadd.f32 v12, v8;
	v22 =	vld [tilespmem:s31+$0x1D0];
	(pc) =	sbr.rel @p0 .LBB2_4-.Ltmp1, $4  }
0x1c6: {  	v16 =	vmin.f32 v19, v26;
	v23 =	vadd.f32 v15, v20;
	v8 =	vand.u32 $0x7FFFFFFF, v25;
	v21 =	vld [tilespmem:s10+$0x1E0]  }
0x1c7: {  	v19 =	vmax.f32 v29, v14;
	v24 =	vand.u32 $0x7FFFFFFF, v28;
	v20 =	vld [tilespmem:s25+$0x190]  }
0x1c8: {  	v18 =	vsub.f32 v19, v16;
	v15 =	vsub.f32 v9, v8;
	v8 =	vmul.f32 v27, v27  }
0x1c9: {  	v9 =	vmul.f32 v31, v31;
	v24 =	vsub.f32 v12, v24;
	v14 =	vand.u32 $0x7FFFFFFF, v30;
	v12 =	vld [tilespmem:s26+$0x21E0]  }
0x1ca: {  	v17 =	vsub.f32 v23, v17;
	v23 =	vsub.f32 v16, v19;
	v22 =	vand.u32 $0x7FFFFFFF, v22  }
0x1cb: {  	v26 =	vsub.f32 v10, v14;
	v16 =	vadd.f32 v16, v19;
	v18 =	vmax.f32 v18, $0.0e+00  }
0x1cc: {  	v25 =	vld [tilespmem:s26+$0x41C0];
	v15 =	vadd.f32 $5.000000070e-02, v15;
	v7 =	vmax.f32 v7, $0.0e+00;
	v10 =	vadd.f32 v14, v10  }
0x1cd: {  	v24 =	vadd.f32 $5.000000070e-02, v24;
	v21 =	vand.u32 $0x7FFFFFFF, v21;
	v19 =	vadd.f32 v22, v11  }
0x1ce: {  	v18 =	vmul.f32 v18, v18;
	v11 =	vsub.f32 v11, v22;
	v7 =	vmul.f32 v7, v7  }
0x1cf: {  	v27 =	vld [tilespmem:s31+$0x1E0];
	v20 =	vand.u32 $0x7FFFFFFF, v20;
	v17 =	vadd.f32 $5.000000070e-02, v17;
	v16 =	vmul.f32 $5.000000000e-01, v16  }
0x1d0: {  	v22 =	vld [tilespmem:s26+$0x31E0];
	v23 =	vmul.f32 $5.000000000e-01, v23;
	v15 =	vmax.f32 v15, $0.0e+00;
	v13 =	vsub.f32 v13, v20  }
0x1d1: {  	v11 =	vmax.f32 v26, v11;
	v14 =	vmul.f32 v15, v15;
	v16 =	vsub.f32 v16, v25  }
0x1d2: {  	v10 =	vmin.f32 v10, v19;
	v7 =	vadd.f32 v7, v9;
	v24 =	vmax.f32 v24, $0.0e+00  }
0x1d3: {  	v15 =	vld [tilespmem:s10+$0x1F0];
	v20 =	vadd.f32 v21, v12;
	v12 =	vsub.f32 v12, v21;
	v16 =	vand.u32 $0x7FFFFFFF, v16  }
0x1d4: {  	v21 =	vld [tilespmem:s26+$0x21F0];
	v13 =	vadd.f32 $5.000000070e-02, v13;
	v25 =	vand.u32 $0x7FFFFFFF, v27;
	v16 =	vadd.f32 v16, v23  }
0x1d5: {  	v17 =	vmax.f32 v17, $0.0e+00;
	v7 =	vadd.f32 v8, v7;
	v19 =	vadd.f32 v25, v22  }
0x1d6: {  	v22 =	vsub.f32 v22, v25;
	v13 =	vmax.f32 v13, $0.0e+00;
	v5 =	vsub.f32 v16, v5;
	v16 =	vld [tilespmem:s26+$0x41D0]  }
0x1d7: {  	v25 =	vld [tilespmem:s31+$0x1F0];
	v6 =	vadd.f32 v6, v7;
	v23 =	vadd.f32 v10, v11;
	v19 =	vmin.f32 v20, v19  }
0x1d8: {  	v9 =	vld [tilespmem:s26+$0x31F0];
	v20 =	vsub.f32 v10, v11;
	v15 =	vand.u32 $0x7FFFFFFF, v15;
	v12 =	vmax.f32 v12, v22  }
0x1d9: {  	v10 =	vsub.f32 v11, v10;
	v22 =	vadd.f32 v15, v21;
	v23 =	vmul.f32 $5.000000000e-01, v23  }
0x1da: {  	v13 =	vmul.f32 v13, v13;
	v11 =	vsub.f32 v12, v19;
	v8 =	vsub.f32 v21, v15  }
0x1db: {  	v17 =	vmul.f32 v17, v17;
	v6 =	vadd.f32 v18, v6;
	v16 =	vsub.f32 v23, v16  }
0x1dc: {  	v26 =	vld [tilespmem:s25+$0x1D0];
	v20 =	vmul.f32 $5.000000000e-01, v20;
	v13 =	vadd.f32 v13, v14;
	v25 =	vand.u32 $0x7FFFFFFF, v25  }
0x1dd: {  	v21 =	vld [tilespmem:s26+$0x41E0];
	v15 =	vand.u32 $0x7FFFFFFF, v16;
	v16 =	vsub.f32 v9, v25;
	v9 =	vadd.f32 v25, v9  }
0x1de: {  	v10 =	vmax.f32 v10, $0.0e+00;
	v23 =	vsub.f32 v19, v12;
	v12 =	vadd.f32 v19, v12  }
0x1df: {  	v15 =	vadd.f32 v15, v20;
	v20 =	vld [tilespmem:s26+$0x41F0];
	v8 =	vmax.f32 v8, v16;
	v9 =	vmin.f32 v22, v9  }
0x1e0: {  	v14 =	vld [tilespmem:s25+$0x1E0];
	v10 =	vmul.f32 v10, v10;
	v7 =	vmul.f32 $5.000000000e-01, v12;
	v12 =	vadd.f32 v9, v8  }
0x1e1: {  	v11 =	vmax.f32 v11, $0.0e+00;
	v5 =	vadd.f32 $5.000000070e-02, v5;
	v13 =	vadd.f32 v17, v13  }
0x1e2: {  	v19 =	vand.u32 $0x7FFFFFFF, v26;
	v7 =	vsub.f32 v7, v21;
	v12 =	vmul.f32 $5.000000000e-01, v12  }
0x1e3: {  	v16 =	vmul.f32 $5.000000000e-01, v23;
	v15 =	vsub.f32 v15, v19;
	v18 =	vsub.f32 v9, v8;
	v19 =	vld [tilespmem:s25+$0x1F0]  }
0x1e4: {  	v6 =	vadd.f32 v10, v6;
	v7 =	vand.u32 $0x7FFFFFFF, v7;
	v12 =	vsub.f32 v12, v20  }
0x1e5: {  	v14 =	vand.u32 $0x7FFFFFFF, v14;
	v7 =	vadd.f32 v7, v16;
	v16 =	vmul.f32 $5.000000000e-01, v18  }
0x1e6: {  	v15 =	vadd.f32 $5.000000070e-02, v15;
	v20 =	vmul.f32 v24, v24;
	v12 =	vand.u32 $0x7FFFFFFF, v12  }
0x1e7: {  	v5 =	vmax.f32 v5, $0.0e+00;
	v7 =	vsub.f32 v7, v14;
	v12 =	vadd.f32 v12, v16  }
0x1e8: {  	v5 =	vmul.f32 v5, v5;
	v10 =	vadd.f32 v20, v13;
	v13 =	vand.u32 $0x7FFFFFFF, v19  }
0x1e9: {  	v14 =	vmax.f32 v15, $0.0e+00;
	v7 =	vadd.f32 $5.000000070e-02, v7;
	v12 =	vsub.f32 v12, v13  }
0x1ea: {  	v8 =	vsub.f32 v8, v9;
	v5 =	vadd.f32 v5, v10;
	v13 =	vmul.f32 v14, v14  }
0x1eb: {  	v9 =	vmul.f32 v11, v11;
	v7 =	vmax.f32 v7, $0.0e+00;
	v10 =	vadd.f32 $5.000000070e-02, v12  }
0x1ec: {  	v8 =	vmax.f32 v8, $0.0e+00;
	v7 =	vmul.f32 v7, v7;
	v5 =	vadd.f32 v13, v5  }
0x1ed: {  	v6 =	vadd.f32 v9, v6;
	v8 =	vmul.f32 v8, v8;
	v9 =	vmax.f32 v10, $0.0e+00  }
0x1ee: {  	s0 =	sand.u32 $0x200, s29;
	v5 =	vadd.f32 v7, v5;
	v7 =	vmul.f32 v9, v9  }
0x1ef: {  	s2 =	sand.u32 $0x70, s30;
	s0 =	sshrl.u32 s0, $0x2;
	v6 =	vadd.f32 v8, v6  }
0x1f0: {  	s0 =	sor.u32 s2, s0;
	v5 =	vadd.f32 v7, v5  }
0x1f1: {  	[tilespmem:s0+$0x10B80] =	vst v6  }
0x1f2: {  	s25 =	simm.s32 $0x0;
	[tilespmem:s0+$0x10A80] =	vst v5  }
0x1f3: {  	s26 =	sand.u32 $0xFFFFF800, s25;
	_ =	swait.ge [sflag:s21], $0x2000  }
0x1f4: {  	s0 =	sadd.s32 $0x0, s26;
	[sflag:s21] =	ssyncset.done $0x0  }
0x1f5: {  	s29 =	sor.u32 $0x6400, s0;
	[sflag:s21] =	ssyncadd.s32 $0xFFFFE000  }
0x1f6: {  	v5 =	vld [tilespmem:s29+$0x1B0]  }
0x1f7: {  	s30 =	sor.u32 $0x5400, s0;
	v6 =	vld [tilespmem:s29+$0x1E0]  }
0x1f8: {  	v7 =	vld [tilespmem:s30+$0x1E0]  }
0x1f9: {  	v8 =	vld [tilespmem:s30+$0x1F0]  }
0x1fa: {  	v10 =	vld [tilespmem:s30+$0x1A0]  }
0x1fb: {  	s31 =	sand.u32 $0x800, s25;
	s11 =	sand.u32 $0x380, s25;
	v11 =	vld [tilespmem:s30+$0x1B0]  }
0x1fc: {  	s0 =	sor.u32 s11, s31;
	v12 =	vld [tilespmem:s30+$0x180]  }
0x1fd: {  	v9 =	vld [tilespmem:s0+$0x61E0]  }
0x1fe: {  	v13 =	vld [tilespmem:s30+$0x190]  }
0x1ff: {  	v14 =	vld [tilespmem:s30+$0x1C0]  }
0x200: {  	v15 =	vld [tilespmem:s0+$0x51E0]  }
0x201: {  	v16 =	vld [tilespmem:s0+$0x61B0]  }
0x202: {  	v17 =	vld [tilespmem:s0+$0xE1F0]  }
0x203: {  	v18 =	vld [tilespmem:s0+$0x51B0]  }
0x204: {  	v20 =	vld [tilespmem:s0+$0xE1B0]  }
0x205: {  	v22 =	vld [tilespmem:s0+$0xE1E0]  }
0x206: {  	v23 =	vld [tilespmem:s0+$0x51F0]  }
0x207: {  	v24 =	vld [tilespmem:s0+$0x5180]  }
0x208: {  	v26 =	vld [tilespmem:s0+$0xE180]  }
0x209: {  	v27 =	vld [tilespmem:s0+$0xE190]  }
0x20a: {  	v32 =	vld [tilespmem:s0+$0x5190]  }
0x20b: {  	v19 =	vld [tilespmem:s30+$0x1D0]  }
0x20c: {  	v21 =	vld [tilespmem:s0+$0x61F0];
	v25 =	vand.u32 $0x7FFFFFFF, v5;
	v15 =	vadd.f32 v22, v15;
	v31 =	vand.u32 $0x7FFFFFFF, v8  }
0x20d: {  	v28 =	vld [tilespmem:s0+$0x51D0];
	v7 =	vand.u32 $0x7FFFFFFF, v7;
	v29 =	vand.u32 $0x7FFFFFFF, v6;
	v24 =	vadd.f32 v26, v24  }
0x20e: {  	v36 =	vld [tilespmem:s0+$0x6190];
	v18 =	vadd.f32 v20, v18;
	v33 =	vand.u32 $0x7FFFFFFF, v14;
	v17 =	vadd.f32 v23, v17  }
0x20f: {  	v37 =	vld [tilespmem:s0+$0x61D0];
	v14 =	vand.u32 $0x7FFFFFFF, v13;
	v27 =	vadd.f32 v27, v32;
	v5 =	vsub.f32 $1.000000010e-01, v25  }
0x210: {  	v22 =	vld [tilespmem:s0+$0xE1D0];
	v20 =	vand.u32 $0x7FFFFFFF, v12;
	v30 =	vsub.f32 $1.000000010e-01, v7;
	v6 =	vsub.f32 $1.000000010e-01, v29  }
0x211: {  	v26 =	vld.msk [tilespmem:s0+$0xE580], $0x1;
	v11 =	vand.u32 $0x7FFFFFFF, v11;
	v23 =	vsub.f32 $1.000000010e-01, v14;
	v35 =	vsub.f32 $1.000000010e-01, v20  }
0x212: {  	v8 =	vld [tilespmem:s0+$0x51C0];
	v10 =	vand.u32 $0x7FFFFFFF, v10;
	v63 =	vsub.f32 $1.000000010e-01, v31;
	v15 =	vsub.f32 v15, v9  }
0x213: {  	v9 =	vand.u32 $0x7FFFFFFF, v19;
	v19 =	vld [tilespmem:s0+$0xE1C0];
	v16 =	vsub.f32 v18, v16;
	v17 =	vsub.f32 v17, v21  }
0x214: {  	v18 =	vld [tilespmem:s0+$0x6180];
	v12 =	vmax.f32 v23, $0.0e+00;
	v23 =	vsub.f32 $1.000000010e-01, v33;
	v15 =	vand.u32 $0x7FFFFFFF, v15  }
0x215: {  	v16 =	vand.u32 $0x7FFFFFFF, v16;
	v7 =	vadd.f32 v15, v7;
	v15 =	vld [tilespmem:s0+$0x51A0];
	v13 =	vadd.f32 v22, v28  }
0x216: {  	v5 =	vmax.f32 v5, $0.0e+00;
	v28 =	vld [tilespmem:s29+$0x1F0];
	(v2sf) =	vpush v26, $0x0;
	v21 =	vadd.f32 v16, v11  }
0x217: {  	v34 =	vmax.f32 v30, $0.0e+00;
	v22 =	vld [tilespmem:s0+$0xE1A0];
	v16 =	vsub.f32 $1.000000010e-01, v9;
	v11 =	vsub.f32 $1.000000010e-01, v11  }
0x218: {  	v30 =	vld [tilespmem:s0+$0x61A0];
	v17 =	vand.u32 $0x7FFFFFFF, v17;
	v7 =	vsub.f32 v7, v29;
	v62 =	vadd.f32 v19, v8  }
0x219: {  	v5 =	vmul.f32 v5, v5;
	v29 =	vld [tilespmem:s29+$0x180];
	v8 =	vadd.f32 v17, v31;
	v17 =	vsub.f32 v21, v25  }
0x21a: {  	v18 =	vsub.f32 v24, v18;
	v24 =	vld [tilespmem:s0+$0x61C0];
	v21 =	vmul.f32 v12, v12;
	v11 =	vmax.f32 v11, $0.0e+00  }
0x21b: {  	v25 =	vmax.f32 v35, $0.0e+00;
	v11 =	vmul.f32 v11, v11;
	v12 =	vand.u32 $0x7FFFFFFF, v28  }
0x21c: {  	v32 =	vand.u32 $0x7FFFFFFF, v18;
	v22 =	vadd.f32 v22, v15;
	v15 =	vsub.f32 v8, v12  }
0x21d: {  	v8 =	vmax.f32 v23, $0.0e+00;
	v23 =	vmul.f32 v25, v25;
	v25 =	vsub.f32 v27, v36  }
0x21e: {  	v27 =	vsub.f32 $1.000000010e-01, v10;
	v19 =	vand.u32 $0x7FFFFFFF, v29;
	v22 =	vsub.f32 v22, v30  }
0x21f: {  	v8 =	vmul.f32 v8, v8;
	v24 =	vsub.f32 v62, v24;
	v29 =	vsub.f32 v13, v37  }
0x220: {  	v30 =	vld [tilespmem:s29+$0x190];
	v25 =	vand.u32 $0x7FFFFFFF, v25;
	v13 =	vmax.f32 v27, $0.0e+00;
	v27 =	vmul.f32 v26, v26  }
0x221: {  	v26 =	vld [tilespmem:s29+$0x1A0];
	v31 =	vsub.f32 $1.000000010e-01, v19;
	v28 =	vand.u32 $0x7FFFFFFF, v22;
	v24 =	vand.u32 $0x7FFFFFFF, v24  }
0x222: {  	s28 =	simm.s32 $0x0;
	s2 =	simm.s32 $0x10;
	v22 =	vld [tilespmem:s29+$0x1D0];
	v18 =	vmul.f32 v13, v13;
	v28 =	vadd.f32 v28, v10;
	v24 =	vadd.f32 v24, v33  }
0x223: {  	s10 =	simm.s32 $0x0;
	s26 =	simm.s32 $0x0;
	s0 =	simm.s32 $0x40;
	v13 =	vperm.xlane v27, v3;
	v27 =	vld [tilespmem:s29+$0x1C0];
	v33 =	vmax.f32 v63, $0.0e+00;
	v10 =	vmul.f32 v34, v34  }
.LBB2_6:
0x224: {  	s25 =	sadd.s32 $0x80, s25  }
0x225: {  	v20 =	vadd.f32 v32, v20;
	v30 =	vand.u32 $0x7FFFFFFF, v30;
	v29 =	vand.u32 $0x7FFFFFFF, v29;
	s10 =	sadd.s32 $0x100, s10;
	s11 =	spop (v2sf);
	s12 =	smov.u32 s0  }
0x226: {  	p0 =	sne.s32 s0, $0x3C0;
	s0 =	sadd.s32 $0x40, s0;
	v14 =	vadd.f32 v25, v14;
	v21 =	vadd.f32 v21, v23;
	v23 =	vmul.f32 v33, v33;
	s11 =	sand.u32 $0x7FFFFFFF, s11  }
0x227: {  	v25 =	vmax.f32 v31, $0.0e+00;
	v26 =	vand.u32 $0x7FFFFFFF, v26;
	v9 =	vadd.f32 v29, v9;
	s11 =	ssub.f32 $5.000000070e-02, s11  }
0x228: {  	v16 =	vmax.f32 v16, $0.0e+00;
	v28 =	vsub.f32 v28, v26;
	v27 =	vand.u32 $0x7FFFFFFF, v27  }
0x229: {  	v14 =	vsub.f32 v14, v30;
	v25 =	vmul.f32 v25, v25;
	v29 =	vsub.f32 $1.000000010e-01, v27  }
0x22a: {  	v22 =	vand.u32 $0x7FFFFFFF, v22;
	v26 =	vsub.f32 $1.000000010e-01, v26;
	v17 =	vadd.f32 s11, v17  }
0x22b: {  	v16 =	vmul.f32 v16, v16;
	v19 =	vsub.f32 v20, v19;
	v20 =	vsub.f32 v24, v27  }
0x22c: {  	v24 =	vsub.f32 $1.000000010e-01, v30;
	v14 =	vadd.f32 s11, v14;
	v27 =	vmax.f32 v29, $0.0e+00  }
0x22d: {  	v9 =	vsub.f32 v9, v22;
	v20 =	vadd.f32 s11, v20;
	v17 =	vmax.f32 v17, $0.0e+00  }
0x22e: {  	v19 =	vadd.f32 s11, v19;
	v28 =	vadd.f32 s11, v28;
	v24 =	vmax.f32 v24, $0.0e+00  }
0x22f: {  	v26 =	vmax.f32 v26, $0.0e+00;
	v15 =	vadd.f32 s11, v15;
	v17 =	vmul.f32 v17, v17  }
0x230: {  	v9 =	vadd.f32 s11, v9;
	v14 =	vmax.f32 v14, $0.0e+00;
	v28 =	vmax.f32 v28, $0.0e+00  }
0x231: {  	v12 =	vsub.f32 $1.000000010e-01, v12;
	v26 =	vmul.f32 v26, v26;
	v15 =	vmax.f32 v15, $0.0e+00  }
0x232: {  	v18 =	vadd.f32 v18, v21;
	v21 =	vmul.f32 v24, v24;
	v20 =	vmax.f32 v20, $0.0e+00  }
0x233: {  	v12 =	vmax.f32 v12, $0.0e+00;
	v7 =	vadd.f32 s11, v7;
	s11 =	sand.u32 $0x200, s26;
	s26 =	smov.u32 s12;
	v14 =	vmul.f32 v14, v14  }
0x234: {  	s13 =	sand.u32 $0x70, s28;
	s12 =	sand.u32 $0xFFFFF800, s10;
	v19 =	vmax.f32 v19, $0.0e+00;
	s11 =	sshrl.u32 s11, $0x2;
	v9 =	vmax.f32 v9, $0.0e+00;
	v21 =	vadd.f32 v21, v25  }
0x235: {  	v13 =	vsel vm1, $0x0, v13;
	s28 =	smov.u32 s2;
	v22 =	vsub.f32 $1.000000010e-01, v22;
	s12 =	sadd.s32 s12, s25;
	v19 =	vmul.f32 v19, v19;
	s13 =	sor.u32 s13, s11  }
0x236: {  	v11 =	vadd.f32 v11, v18;
	s11 =	sor.u32 $0x6400, s12;
	v18 =	vadd.f32 v26, v21;
	[tilespmem:s13+$0x10F80] =	vst v13  }
0x237: {  	v15 =	vmul.f32 v15, v15;
	v13 =	vadd.f32 v14, v19;
	v14 =	vmul.f32 v28, v28  }
0x238: {  	v6 =	vmax.f32 v6, $0.0e+00;
	v5 =	vadd.f32 v5, v18;
	v18 =	vmul.f32 v27, v27  }
0x239: {  	v8 =	vadd.f32 v8, v11;
	v19 =	vmax.f32 v22, $0.0e+00;
	v13 =	vadd.f32 v14, v13  }
0x23a: {  	v5 =	vadd.f32 v18, v5;
	v11 =	vmul.f32 v19, v19  }
0x23b: {  	v8 =	vadd.f32 v16, v8;
	v14 =	vmul.f32 v20, v20;
	v13 =	vadd.f32 v17, v13  }
0x23c: {  	v6 =	vmul.f32 v6, v6;
	v5 =	vadd.f32 v11, v5  }
0x23d: {  	v9 =	vmul.f32 v9, v9;
	v8 =	vadd.f32 v10, v8;
	v11 =	vadd.f32 v14, v13  }
0x23e: {  	v7 =	vmax.f32 v7, $0.0e+00;
	v5 =	vadd.f32 v6, v5;
	v6 =	vmul.f32 v12, v12  }
0x23f: {  	v7 =	vmul.f32 v7, v7;
	v8 =	vadd.f32 v23, v8;
	v9 =	vadd.f32 v9, v11  }
0x240: {  	v5 =	vadd.f32 v6, v5  }
0x241: {  	v6 =	vadd.f32 v7, v9;
	[tilespmem:s13+$0x10D80] =	vst v8  }
0x242: {  	[tilespmem:s13+$0x10E80] =	vst v5  }
0x243: {  	v5 =	vadd.f32 v15, v6;
	_ =	sdelay $0x1  }
0x244: {  	[tilespmem:s13+$0x10C80] =	vst v5  }
0x245: {  	s13 =	sor.u32 $0x5400, s12;
	v5 =	vld [tilespmem:s11+$0x1B0]  }
0x246: {  	v6 =	vld [tilespmem:s11+$0x1E0]  }
0x247: {  	s29 =	sand.u32 $0x380, s25;
	s12 =	sand.u32 $0x800, s10;
	v7 =	vld [tilespmem:s13+$0x1E0]  }
0x248: {  	s12 =	sor.u32 s29, s12;
	v8 =	vld [tilespmem:s13+$0x1F0]  }
0x249: {  	v10 =	vld [tilespmem:s13+$0x1A0]  }
0x24a: {  	v11 =	vld [tilespmem:s13+$0x1B0]  }
0x24b: {  	v12 =	vld [tilespmem:s13+$0x180]  }
0x24c: {  	v9 =	vld [tilespmem:s12+$0x61E0]  }
0x24d: {  	v13 =	vld [tilespmem:s13+$0x190]  }
0x24e: {  	v14 =	vld [tilespmem:s13+$0x1C0]  }
0x24f: {  	v15 =	vld [tilespmem:s12+$0x51E0]  }
0x250: {  	v16 =	vld [tilespmem:s12+$0x61B0]  }
0x251: {  	v17 =	vld [tilespmem:s12+$0xE1F0]  }
0x252: {  	v18 =	vld [tilespmem:s12+$0x51B0]  }
0x253: {  	v19 =	vld [tilespmem:s13+$0x1D0]  }
0x254: {  	v20 =	vld [tilespmem:s12+$0xE1B0]  }
0x255: {  	v21 =	vld [tilespmem:s12+$0x61F0]  }
0x256: {  	v22 =	vld [tilespmem:s12+$0x51F0]  }
0x257: {  	v23 =	vld [tilespmem:s12+$0xE1E0]  }
0x258: {  	v24 =	vld [tilespmem:s12+$0xE190]  }
0x259: {  	v26 =	vand.u32 $0x7FFFFFFF, v5;
	v25 =	vld [tilespmem:s12+$0x5180]  }
0x25a: {  	v5 =	vsub.f32 $1.000000010e-01, v26;
	v27 =	vld [tilespmem:s12+$0xE180]  }
0x25b: {  	v28 =	vld [tilespmem:s12+$0x51D0]  }
0x25c: {  	v5 =	vmax.f32 v5, $0.0e+00;
	v31 =	vand.u32 $0x7FFFFFFF, v8;
	v29 =	vld [tilespmem:s12+$0xE1D0];
	v15 =	vadd.f32 v23, v15  }
0x25d: {  	v7 =	vand.u32 $0x7FFFFFFF, v7;
	v5 =	vmul.f32 v5, v5;
	v8 =	vld [tilespmem:s12+$0x51C0]  }
0x25e: {  	v30 =	vand.u32 $0x7FFFFFFF, v6;
	v32 =	vsub.f32 $1.000000010e-01, v7;
	v23 =	vld [tilespmem:s12+$0x5190];
	v15 =	vsub.f32 v15, v9  }
0x25f: {  	v6 =	vsub.f32 $1.000000010e-01, v30;
	v25 =	vadd.f32 v27, v25;
	v27 =	vld [tilespmem:s12+$0xE1C0]  }
0x260: {  	v34 =	vmax.f32 v32, $0.0e+00;
	v9 =	vand.u32 $0x7FFFFFFF, v19;
	v33 =	vld.msk [tilespmem:s12+$0xE580], $0x1;
	v15 =	vand.u32 $0x7FFFFFFF, v15  }
0x261: {  	v35 =	vand.u32 $0x7FFFFFFF, v14;
	v18 =	vadd.f32 v20, v18;
	v19 =	vld [tilespmem:s12+$0x51A0];
	v7 =	vadd.f32 v15, v7  }
0x262: {  	v14 =	vand.u32 $0x7FFFFFFF, v13;
	v28 =	vadd.f32 v29, v28;
	v15 =	vadd.f32 v22, v17;
	v13 =	vld [tilespmem:s12+$0x61A0]  }
0x263: {  	v11 =	vand.u32 $0x7FFFFFFF, v11;
	v16 =	vsub.f32 v18, v16;
	v22 =	vld [tilespmem:s12+$0xE1A0];
	v7 =	vsub.f32 v7, v30  }
0x264: {  	v10 =	vand.u32 $0x7FFFFFFF, v10;
	v17 =	vsub.f32 $1.000000010e-01, v14;
	v15 =	vsub.f32 v15, v21;
	v18 =	vld [tilespmem:s12+$0x6180]  }
0x265: {  	v16 =	vand.u32 $0x7FFFFFFF, v16;
	v24 =	vadd.f32 v24, v23;
	v23 =	vld [tilespmem:s11+$0x1F0];
	(v2sf) =	vpush v33, $0x0  }
0x266: {  	v21 =	vadd.f32 v16, v11;
	v16 =	vsub.f32 $1.000000010e-01, v9;
	v15 =	vand.u32 $0x7FFFFFFF, v15;
	v29 =	vld [tilespmem:s11+$0x180]  }
0x267: {  	v20 =	vand.u32 $0x7FFFFFFF, v12;
	v27 =	vadd.f32 v27, v8;
	v8 =	vadd.f32 v15, v31;
	v32 =	vld [tilespmem:s12+$0x61D0]  }
0x268: {  	v12 =	vmax.f32 v17, $0.0e+00;
	v17 =	vsub.f32 v21, v26;
	v15 =	vsub.f32 $1.000000010e-01, v20;
	v30 =	vld [tilespmem:s12+$0x6190]  }
0x269: {  	v21 =	vmul.f32 v12, v12;
	v22 =	vadd.f32 v22, v19;
	v18 =	vsub.f32 v25, v18;
	v25 =	vld [tilespmem:s12+$0x61C0]  }
0x26a: {  	v11 =	vsub.f32 $1.000000010e-01, v11;
	v26 =	vsub.f32 $1.000000010e-01, v35;
	v12 =	vand.u32 $0x7FFFFFFF, v23  }
0x26b: {  	v23 =	vmax.f32 v15, $0.0e+00;
	v19 =	vand.u32 $0x7FFFFFFF, v29;
	v15 =	vsub.f32 v8, v12  }
0x26c: {  	v11 =	vmax.f32 v11, $0.0e+00;
	v8 =	vmax.f32 v26, $0.0e+00;
	v23 =	vmul.f32 v23, v23  }
0x26d: {  	v13 =	vsub.f32 v22, v13;
	v8 =	vmul.f32 v8, v8;
	v24 =	vsub.f32 v24, v30  }
0x26e: {  	v36 =	vsub.f32 $1.000000010e-01, v10;
	v11 =	vmul.f32 v11, v11;
	v27 =	vsub.f32 v27, v25;
	v22 =	vld [tilespmem:s11+$0x1D0]  }
.Ltmp2:
0x26f: {  	v13 =	vand.u32 $0x7FFFFFFF, v13;
	v29 =	vsub.f32 v28, v32;
	v30 =	vld [tilespmem:s11+$0x190];
	v25 =	vand.u32 $0x7FFFFFFF, v24;
	(pc) =	sbr.rel @p0 .LBB2_6-.Ltmp2, $4  }
0x270: {  	v33 =	vmul.f32 v33, v33;
	v24 =	vmax.f32 v36, $0.0e+00;
	v26 =	vld [tilespmem:s11+$0x1A0];
	v36 =	vand.u32 $0x7FFFFFFF, v27  }
0x271: {  	v37 =	vsub.f32 $1.000000010e-01, v31;
	v32 =	vand.u32 $0x7FFFFFFF, v18;
	v18 =	vmul.f32 v24, v24;
	v27 =	vld [tilespmem:s11+$0x1C0]  }
0x272: {  	v28 =	vadd.f32 v13, v10;
	v13 =	vperm.xlane v33, v3;
	v24 =	vadd.f32 v36, v35  }
0x273: {  	s2 =	sadd.s32 $0x10, s2;
	v31 =	vsub.f32 $1.000000010e-01, v19;
	v33 =	vmax.f32 v37, $0.0e+00;
	v10 =	vmul.f32 v34, v34  }
0x274: {  	v20 =	vadd.f32 v32, v20  }
0x275: {  	v30 =	vand.u32 $0x7FFFFFFF, v30;
	v29 =	vand.u32 $0x7FFFFFFF, v29;
	v14 =	vadd.f32 v25, v14  }
0x276: {  	v21 =	vadd.f32 v21, v23;
	v23 =	vmul.f32 v33, v33;
	v16 =	vmax.f32 v16, $0.0e+00  }
0x277: {  	v22 =	vand.u32 $0x7FFFFFFF, v22;
	v12 =	vsub.f32 $1.000000010e-01, v12;
	v25 =	vand.u32 $0x7FFFFFFF, v26  }
0x278: {  	v6 =	vmax.f32 v6, $0.0e+00;
	v9 =	vadd.f32 v29, v9;
	v28 =	vsub.f32 v28, v25  }
0x279: {  	s0 =	spop (v2sf);
	v26 =	vmax.f32 v31, $0.0e+00;
	v14 =	vsub.f32 v14, v30;
	v25 =	vsub.f32 $1.000000010e-01, v25  }
0x27a: {  	s0 =	sand.u32 $0x7FFFFFFF, s0;
	v16 =	vmul.f32 v16, v16;
	v19 =	vsub.f32 v20, v19;
	v20 =	vsub.f32 $1.000000010e-01, v30  }
0x27b: {  	s0 =	ssub.f32 $5.000000070e-02, s0;
	v27 =	vand.u32 $0x7FFFFFFF, v27;
	v18 =	vadd.f32 v18, v21;
	v21 =	vsub.f32 $1.000000010e-01, v22  }
0x27c: {  	v6 =	vmul.f32 v6, v6;
	v29 =	vsub.f32 $1.000000010e-01, v27;
	v24 =	vsub.f32 v24, v27  }
0x27d: {  	v26 =	vmul.f32 v26, v26;
	v9 =	vsub.f32 v9, v22;
	v17 =	vadd.f32 s0, v17  }
0x27e: {  	v12 =	vmax.f32 v12, $0.0e+00;
	v14 =	vadd.f32 s0, v14;
	v19 =	vadd.f32 s0, v19  }
0x27f: {  	v20 =	vmax.f32 v20, $0.0e+00;
	v28 =	vadd.f32 s0, v28;
	v15 =	vadd.f32 s0, v15  }
0x280: {  	v25 =	vmax.f32 v25, $0.0e+00;
	v7 =	vadd.f32 s0, v7;
	v11 =	vadd.f32 v11, v18  }
0x281: {  	v20 =	vmul.f32 v20, v20;
	v14 =	vmax.f32 v14, $0.0e+00;
	v19 =	vmax.f32 v19, $0.0e+00  }
0x282: {  	v27 =	vmax.f32 v29, $0.0e+00;
	v14 =	vmul.f32 v14, v14;
	v19 =	vmul.f32 v19, v19  }
0x283: {  	v25 =	vmul.f32 v25, v25;
	v28 =	vmax.f32 v28, $0.0e+00;
	v20 =	vadd.f32 v20, v26  }
0x284: {  	v24 =	vadd.f32 s0, v24;
	v14 =	vadd.f32 v14, v19;
	v19 =	vmul.f32 v28, v28  }
0x285: {  	v9 =	vadd.f32 s0, v9;
	v17 =	vmax.f32 v17, $0.0e+00;
	v20 =	vadd.f32 v25, v20  }
0x286: {  	v18 =	vmul.f32 v27, v27;
	v17 =	vmul.f32 v17, v17;
	v14 =	vadd.f32 v19, v14  }
0x287: {  	v8 =	vadd.f32 v8, v11;
	v24 =	vmax.f32 v24, $0.0e+00;
	v5 =	vadd.f32 v5, v20  }
0x288: {  	v19 =	vmax.f32 v21, $0.0e+00;
	v11 =	vadd.f32 v17, v14;
	v14 =	vmul.f32 v24, v24  }
0x289: {  	v9 =	vmax.f32 v9, $0.0e+00;
	v5 =	vadd.f32 v18, v5;
	v17 =	vmul.f32 v19, v19  }
0x28a: {  	v8 =	vadd.f32 v16, v8;
	v9 =	vmul.f32 v9, v9;
	v11 =	vadd.f32 v14, v11  }
0x28b: {  	v15 =	vmax.f32 v15, $0.0e+00;
	v7 =	vmax.f32 v7, $0.0e+00;
	v5 =	vadd.f32 v17, v5  }
0x28c: {  	s25 =	sand.u32 $0x200, s26;
	v7 =	vmul.f32 v7, v7;
	v8 =	vadd.f32 v10, v8;
	v9 =	vadd.f32 v9, v11  }
0x28d: {  	s2 =	sand.u32 $0x70, s28;
	s0 =	sshrl.u32 s25, $0x2;
	v10 =	vsel vm1, $0x0, v13;
	v5 =	vadd.f32 v6, v5;
	v6 =	vmul.f32 v12, v12  }
0x28e: {  	s0 =	sor.u32 s2, s0;
	v8 =	vadd.f32 v23, v8;
	v11 =	vmul.f32 v15, v15;
	v7 =	vadd.f32 v7, v9  }
0x28f: {  	[tilespmem:s0+$0x10F80] =	vst v10;
	v5 =	vadd.f32 v6, v5  }
0x290: {  	[tilespmem:s0+$0x10D80] =	vst v8;
	v6 =	vadd.f32 v11, v7  }
0x291: {  	[tilespmem:s0+$0x10E80] =	vst v5  }
0x292: {  	s25 =	simm.s32 $0x0;
	[tilespmem:s0+$0x10C80] =	vst v6  }
0x293: {  	s26 =	sand.u32 $0xFFFFF800, s25;
	_ =	swait.ge [sflag:s22], $0x7000  }
0x294: {  	s28 =	sadd.s32 $0x0, s26;
	[sflag:s22] =	ssyncset.done $0x0  }
0x295: {  	s30 =	sor.u32 $0x8400, s28;
	[sflag:s22] =	ssyncadd.s32 $0xFFFF9000  }
0x296: {  	v6 =	vld [tilespmem:s30+$0x1A0]  }
0x297: {  	v7 =	vld [tilespmem:s30+$0x190]  }
0x298: {  	v5 =	vld [tilespmem:s30+$0x180]  }
0x299: {  	s0 =	sor.u32 $0x7400, s28;
	v9 =	vld [tilespmem:s30+$0x1B0]  }
0x29a: {  	v10 =	vld [tilespmem:s0+$0x1E0]  }
0x29b: {  	v11 =	vld [tilespmem:s0+$0x1F0]  }
0x29c: {  	v12 =	vld [tilespmem:s0+$0x1A0]  }
0x29d: {  	s31 =	sand.u32 $0x800, s25;
	s10 =	sand.u32 $0x380, s25;
	v13 =	vld [tilespmem:s0+$0x1B0]  }
0x29e: {  	s26 =	sor.u32 s10, s31;
	v14 =	vld [tilespmem:s0+$0x180]  }
0x29f: {  	v15 =	vld [tilespmem:s26+$0x81E0]  }
0x2a0: {  	v16 =	vld [tilespmem:s0+$0x190]  }
0x2a1: {  	v17 =	vld [tilespmem:s0+$0x1C0]  }
0x2a2: {  	v18 =	vld [tilespmem:s26+$0x71E0]  }
0x2a3: {  	v19 =	vld [tilespmem:s26+$0x81B0]  }
0x2a4: {  	v26 =	vld [tilespmem:s26+$0xF1E0]  }
0x2a5: {  	v31 =	vld [tilespmem:s26+$0x7180]  }
0x2a6: {  	v56 =	vld [tilespmem:s26+$0xF180]  }
0x2a7: {  	v20 =	vld [tilespmem:s26+$0xF1F0]  }
0x2a8: {  	v27 =	vld [tilespmem:s26+$0x71F0]  }
0x2a9: {  	v21 =	vld [tilespmem:s26+$0x71B0];
	v5 =	vand.u32 $0x7FFFFFFF, v5;
	v8 =	vand.u32 $0x7FFFFFFF, v7  }
0x2aa: {  	v22 =	vld [tilespmem:s0+$0x1D0];
	v7 =	vand.u32 $0x7FFFFFFF, v6;
	v30 =	vand.u32 $0x7FFFFFFF, v9;
	v18 =	vsub.f32 v18, v26  }
0x2ab: {  	v29 =	vld [tilespmem:s26+$0x8180];
	v35 =	vand.u32 $0x7FFFFFFF, v14;
	v14 =	vand.u32 $0x7FFFFFFF, v16;
	v16 =	vsub.f32 v31, v56  }
0x2ac: {  	v23 =	vld [tilespmem:s26+$0xF1B0];
	v10 =	vand.u32 $0x7FFFFFFF, v10;
	v25 =	vsub.f32 $1.000000010e-01, v5;
	v28 =	vsub.f32 $1.000000010e-01, v8  }
0x2ad: {  	v24 =	vld [tilespmem:s26+$0x81F0];
	v34 =	vand.u32 $0x7FFFFFFF, v11;
	v20 =	vsub.f32 v27, v20;
	v9 =	vsub.f32 $1.000000010e-01, v7  }
0x2ae: {  	v57 =	vld [tilespmem:s26+$0xF190];
	v11 =	vsub.f32 v18, v15;
	v25 =	vmax.f32 v25, $0.0e+00;
	v6 =	vmax.f32 v28, $0.0e+00  }
0x2af: {  	v36 =	vld [tilespmem:s26+$0x71C0];
	v15 =	vsub.f32 $1.000000010e-01, v10;
	v25 =	vmul.f32 v25, v25;
	v6 =	vmul.f32 v6, v6  }
0x2b0: {  	v18 =	vld [tilespmem:s26+$0x7190];
	v29 =	vsub.f32 v16, v29;
	v28 =	vsub.f32 $1.000000010e-01, v30;
	v26 =	vmax.f32 v9, $0.0e+00  }
0x2b1: {  	v16 =	vand.u32 $0x7FFFFFFF, v22;
	v22 =	vld [tilespmem:s26+$0x71A0];
	v6 =	vadd.f32 v6, v25;
	v25 =	vmul.f32 v26, v26  }
0x2b2: {  	v13 =	vand.u32 $0x7FFFFFFF, v13;
	v20 =	vsub.f32 v20, v24;
	v9 =	vmax.f32 v28, $0.0e+00;
	v28 =	vld [tilespmem:s26+$0x71D0]  }
0x2b3: {  	v58 =	vmax.f32 v15, $0.0e+00;
	v15 =	vsub.f32 v21, v23;
	v6 =	vadd.f32 v25, v6;
	v25 =	vld.msk [tilespmem:s26+$0xF580], $0x1  }
0x2b4: {  	v31 =	vsub.f32 $1.000000010e-01, v35;
	v37 =	vsub.f32 $1.000000010e-01, v14;
	v21 =	vand.u32 $0x7FFFFFFF, v17;
	v26 =	vld [tilespmem:s26+$0xF1D0]  }
0x2b5: {  	v20 =	vand.u32 $0x7FFFFFFF, v20;
	v15 =	vsub.f32 v15, v19;
	v19 =	vand.u32 $0x7FFFFFFF, v12;
	v12 =	vld [tilespmem:s26+$0xF1A0]  }
0x2b6: {  	v17 =	vld [tilespmem:s26+$0xF1C0];
	v29 =	vand.u32 $0x7FFFFFFF, v29;
	v20 =	vsub.f32 v20, v34;
	v62 =	vsub.f32 $1.000000010e-01, v21  }
0x2b7: {  	v29 =	vsub.f32 v29, v35;
	v27 =	vsub.f32 v18, v57;
	v15 =	vand.u32 $0x7FFFFFFF, v15  }
0x2b8: {  	v24 =	vld [tilespmem:s26+$0x81A0];
	v18 =	vsub.f32 v15, v13;
	(v2sf) =	vpush v25, $0x0  }
0x2b9: {  	v23 =	vsub.f32 v28, v26;
	v26 =	vsub.f32 $1.000000010e-01, v16;
	v28 =	vld [tilespmem:s30+$0x1F0]  }
0x2ba: {  	v60 =	vmax.f32 v37, $0.0e+00;
	v13 =	vsub.f32 $1.000000010e-01, v13;
	v12 =	vsub.f32 v22, v12;
	v22 =	vld [tilespmem:s26+$0x81C0]  }
0x2bb: {  	v15 =	vmax.f32 v26, $0.0e+00;
	v26 =	vmax.f32 v31, $0.0e+00;
	v31 =	vsub.f32 v36, v17;
	v17 =	vld [tilespmem:s26+$0x81D0]  }
0x2bc: {  	v59 =	vld [tilespmem:s26+$0x8190];
	v61 =	vsub.f32 $1.000000010e-01, v19;
	v37 =	vmax.f32 v62, $0.0e+00;
	v13 =	vmax.f32 v13, $0.0e+00  }
0x2bd: {  	v18 =	vsub.f32 v18, v30;
	v30 =	vmul.f32 v60, v60;
	v13 =	vmul.f32 v13, v13  }
0x2be: {  	v12 =	vsub.f32 v12, v24;
	v63 =	vmul.f32 v25, v25;
	v26 =	vmul.f32 v26, v26  }
0x2bf: {  	v28 =	vand.u32 $0x7FFFFFFF, v28;
	v22 =	vsub.f32 v31, v22;
	v31 =	vsub.f32 $1.000000010e-01, v34  }
0x2c0: {  	v24 =	vand.u32 $0x7FFFFFFF, v12;
	v23 =	vsub.f32 v23, v17;
	v17 =	vsub.f32 v20, v28  }
0x2c1: {  	v12 =	vmul.f32 v37, v37;
	v20 =	vadd.f32 v30, v26;
	v26 =	vsub.f32 v27, v59  }
0x2c2: {  	v30 =	vmax.f32 v61, $0.0e+00;
	v22 =	vand.u32 $0x7FFFFFFF, v22;
	v27 =	vld [tilespmem:s30+$0x1D0];
	v23 =	vand.u32 $0x7FFFFFFF, v23  }
0x2c3: {  	v22 =	vsub.f32 v22, v21;
	v26 =	vand.u32 $0x7FFFFFFF, v26;
	v23 =	vsub.f32 v23, v16  }
0x2c4: {  	s11 =	simm.s32 $0x40;
	s29 =	sand.u32 $0x70, s25;
	s12 =	sand.u32 $0x200, s25;
	v21 =	vperm.xlane v63, v3;
	v16 =	vsub.f32 $1.000000010e-01, v28;
	v28 =	vsub.f32 v26, v14  }
0x2c5: {  	s2 =	simm.s32 $0x80;
	s10 =	simm.s32 $0x10;
	s0 =	simm.s32 $0x100;
	v25 =	vld [tilespmem:s30+$0x1C0];
	v26 =	vmul.f32 v30, v30;
	v14 =	vmul.f32 v58, v58;
	v30 =	vmax.f32 v31, $0.0e+00  }
.LBB2_8:
0x2c6: {  	s14 =	sand.u32 $0x70, s10  }
0x2c7: {  	v19 =	vsub.f32 v24, v19;
	v24 =	vand.u32 $0x7FFFFFFF, v27;
	s12 =	sshrl.u32 s12, $0x2;
	v27 =	vmul.f32 v30, v30;
	s15 =	spop (v2sf);
	s31 =	smov.u32 s11  }
0x2c8: {  	s13 =	sadd.s32 $0x40, s11;
	v8 =	vsub.f32 v28, v8;
	s15 =	sand.u32 $0x7FFFFFFF, s15;
	v28 =	vsub.f32 $1.000000010e-01, v24;
	v30 =	vld [tilespmem:s30+$0x1E0];
	s12 =	sor.u32 s29, s12;
	v21 =	vsel vm1, $0x0, v21  }
0x2c9: {  	v11 =	vand.u32 $0x7FFFFFFF, v11;
	v5 =	vsub.f32 v29, v5;
	v23 =	vsub.f32 v23, v24;
	s29 =	smov.u32 s14;
	s15 =	sadd.f32 $5.000000070e-02, s15;
	[tilespmem:s12+$0x11380] =	vst v21  }
0x2ca: {  	p0 =	sne.s32 s11, $0x3C0;
	v10 =	vsub.f32 v11, v10;
	v11 =	vadd.f32 v26, v20;
	v21 =	vand.u32 $0x7FFFFFFF, v25  }
0x2cb: {  	v9 =	vmul.f32 v9, v9;
	v7 =	vsub.f32 v19, v7;
	v5 =	vadd.f32 s15, v5  }
0x2cc: {  	v15 =	vmul.f32 v15, v15;
	v19 =	vsub.f32 $1.000000010e-01, v21;
	v18 =	vadd.f32 s15, v18  }
0x2cd: {  	v20 =	vsub.f32 v22, v21;
	v5 =	vmax.f32 v5, $0.0e+00;
	v21 =	vand.u32 $0x7FFFFFFF, v30  }
0x2ce: {  	v22 =	vmax.f32 v28, $0.0e+00;
	v24 =	vsub.f32 $1.000000010e-01, v21;
	v5 =	vmul.f32 v5, v5  }
0x2cf: {  	v8 =	vadd.f32 s15, v8;
	v18 =	vmax.f32 v18, $0.0e+00;
	v10 =	vsub.f32 v10, v21  }
0x2d0: {  	v7 =	vadd.f32 s15, v7;
	v21 =	vadd.f32 s15, v23;
	v23 =	vmax.f32 v24, $0.0e+00  }
0x2d1: {  	v17 =	vadd.f32 s15, v17;
	v18 =	vmul.f32 v18, v18;
	v23 =	vmul.f32 v23, v23  }
0x2d2: {  	v19 =	vmax.f32 v19, $0.0e+00;
	v8 =	vmax.f32 v8, $0.0e+00;
	v7 =	vmax.f32 v7, $0.0e+00  }
0x2d3: {  	v6 =	vadd.f32 v9, v6;
	v8 =	vmul.f32 v8, v8;
	v21 =	vmax.f32 v21, $0.0e+00  }
0x2d4: {  	v9 =	vmax.f32 v16, $0.0e+00;
	v16 =	vmul.f32 v19, v19;
	v7 =	vmul.f32 v7, v7  }
0x2d5: {  	v11 =	vadd.f32 v13, v11;
	v10 =	vadd.f32 s15, v10  }
0x2d6: {  	s11 =	sand.u32 $0xFFFFF800, s0;
	v13 =	vadd.f32 s15, v20;
	v6 =	vadd.f32 v16, v6;
	v16 =	vmul.f32 v22, v22  }
0x2d7: {  	s11 =	sadd.s32 s11, s2;
	v5 =	vadd.f32 v8, v5;
	v8 =	vadd.f32 v12, v11;
	v10 =	vmax.f32 v10, $0.0e+00  }
0x2d8: {  	s30 =	sor.u32 $0x8400, s11;
	v11 =	vmax.f32 v13, $0.0e+00;
	v6 =	vadd.f32 v16, v6;
	v10 =	vmul.f32 v10, v10  }
0x2d9: {  	v5 =	vadd.f32 v7, v5;
	v7 =	vadd.f32 v15, v8  }
0x2da: {  	v9 =	vmul.f32 v9, v9;
	v8 =	vmul.f32 v11, v11;
	v6 =	vadd.f32 v23, v6  }
0x2db: {  	v5 =	vadd.f32 v18, v5;
	v7 =	vadd.f32 v14, v7  }
0x2dc: {  	v6 =	vadd.f32 v9, v6  }
0x2dd: {  	v5 =	vadd.f32 v8, v5;
	v8 =	vmul.f32 v21, v21;
	v7 =	vadd.f32 v27, v7  }
0x2de: {  	v9 =	vmax.f32 v17, $0.0e+00;
	[tilespmem:s12+$0x11280] =	vst v6  }
0x2df: {  	v5 =	vadd.f32 v8, v5;
	v6 =	vmul.f32 v9, v9;
	[tilespmem:s12+$0x11180] =	vst v7;
	_ =	sdelay $0x1  }
0x2e0: {  	v5 =	vadd.f32 v10, v5;
	_ =	sdelay $0x1  }
0x2e1: {  	v5 =	vadd.f32 v6, v5;
	_ =	sdelay $0x1  }
0x2e2: {  	[tilespmem:s12+$0x11080] =	vst v5  }
0x2e3: {  	v6 =	vld [tilespmem:s30+$0x1A0]  }
0x2e4: {  	v7 =	vld [tilespmem:s30+$0x190]  }
0x2e5: {  	v5 =	vld [tilespmem:s30+$0x180]  }
0x2e6: {  	s11 =	sor.u32 $0x7400, s11;
	v9 =	vld [tilespmem:s30+$0x1B0]  }
0x2e7: {  	v10 =	vld [tilespmem:s11+$0x1E0]  }
0x2e8: {  	s14 =	sand.u32 $0x380, s2;
	s12 =	sand.u32 $0x800, s0;
	v11 =	vld [tilespmem:s11+$0x1F0]  }
0x2e9: {  	s12 =	sor.u32 s14, s12;
	v12 =	vld [tilespmem:s11+$0x1A0]  }
0x2ea: {  	v5 =	vand.u32 $0x7FFFFFFF, v5;
	v13 =	vld [tilespmem:s11+$0x1B0]  }
0x2eb: {  	v14 =	vld [tilespmem:s11+$0x180];
	v8 =	vsub.f32 $1.000000010e-01, v5  }
0x2ec: {  	v15 =	vld [tilespmem:s12+$0x81E0]  }
0x2ed: {  	v8 =	vmax.f32 v8, $0.0e+00;
	v16 =	vld [tilespmem:s11+$0x190]  }
0x2ee: {  	v17 =	vld [tilespmem:s11+$0x1C0];
	v18 =	vmul.f32 v8, v8  }
0x2ef: {  	v19 =	vld [tilespmem:s12+$0x71E0]  }
0x2f0: {  	v20 =	vld [tilespmem:s12+$0x81B0]  }
0x2f1: {  	v21 =	vld [tilespmem:s12+$0xF1F0]  }
0x2f2: {  	v22 =	vld [tilespmem:s12+$0x71B0]  }
0x2f3: {  	v23 =	vld [tilespmem:s11+$0x1D0]  }
0x2f4: {  	v24 =	vld [tilespmem:s12+$0xF1B0]  }
0x2f5: {  	v25 =	vld [tilespmem:s12+$0x81F0]  }
0x2f6: {  	v26 =	vld [tilespmem:s12+$0x71F0]  }
0x2f7: {  	v8 =	vand.u32 $0x7FFFFFFF, v7;
	v27 =	vld [tilespmem:s12+$0xF1E0]  }
0x2f8: {  	v7 =	vsub.f32 $1.000000010e-01, v8;
	v28 =	vld [tilespmem:s12+$0x8180]  }
0x2f9: {  	v29 =	vld [tilespmem:s12+$0xF190]  }
0x2fa: {  	v32 =	vand.u32 $0x7FFFFFFF, v9;
	v31 =	vmax.f32 v7, $0.0e+00;
	v7 =	vand.u32 $0x7FFFFFFF, v6;
	v30 =	vld [tilespmem:s12+$0x7180]  }
0x2fb: {  	v9 =	vsub.f32 $1.000000010e-01, v32;
	v6 =	vsub.f32 $1.000000010e-01, v7;
	v31 =	vmul.f32 v31, v31;
	v33 =	vld [tilespmem:s12+$0xF180]  }
0x2fc: {  	v34 =	vld [tilespmem:s12+$0x71D0];
	v19 =	vsub.f32 v19, v27  }
0x2fd: {  	v9 =	vmax.f32 v9, $0.0e+00;
	v6 =	vmax.f32 v6, $0.0e+00;
	v18 =	vadd.f32 v31, v18;
	v27 =	vld [tilespmem:s12+$0xF1D0]  }
0x2fe: {  	v10 =	vand.u32 $0x7FFFFFFF, v10;
	v35 =	vand.u32 $0x7FFFFFFF, v11;
	v6 =	vmul.f32 v6, v6;
	v31 =	vld [tilespmem:s12+$0x71C0]  }
0x2ff: {  	v11 =	vsub.f32 v19, v15;
	v15 =	vsub.f32 $1.000000010e-01, v10;
	v36 =	vld [tilespmem:s12+$0x7190]  }
0x300: {  	v37 =	vand.u32 $0x7FFFFFFF, v14;
	v14 =	vand.u32 $0x7FFFFFFF, v16;
	v6 =	vadd.f32 v6, v18;
	v16 =	vld [tilespmem:s12+$0xF1C0]  }
0x301: {  	v18 =	vsub.f32 v30, v33;
	v30 =	vsub.f32 $1.000000010e-01, v37;
	v33 =	vmax.f32 v15, $0.0e+00;
	v38 =	vld.msk [tilespmem:s12+$0xF580], $0x1  }
0x302: {  	v39 =	vsub.f32 $1.000000010e-01, v14;
	v15 =	vsub.f32 v22, v24;
	v22 =	vand.u32 $0x7FFFFFFF, v17;
	v40 =	vld [tilespmem:s12+$0x71A0]  }
0x303: {  	v23 =	vand.u32 $0x7FFFFFFF, v23;
	v28 =	vsub.f32 v18, v28;
	v18 =	vsub.f32 v26, v21;
	v17 =	vld [tilespmem:s12+$0x81A0]  }
0x304: {  	v13 =	vand.u32 $0x7FFFFFFF, v13;
	v15 =	vsub.f32 v15, v20;
	v20 =	vsub.f32 v34, v27  }
0x305: {  	v19 =	vand.u32 $0x7FFFFFFF, v12;
	v21 =	vsub.f32 $1.000000010e-01, v23;
	v18 =	vsub.f32 v18, v25;
	v12 =	vld [tilespmem:s12+$0xF1A0]  }
0x306: {  	v25 =	vsub.f32 v36, v29;
	v15 =	vand.u32 $0x7FFFFFFF, v15;
	v24 =	vld [tilespmem:s30+$0x1F0];
	(v2sf) =	vpush v38, $0x0  }
0x307: {  	v26 =	vsub.f32 v15, v13;
	v15 =	vmax.f32 v21, $0.0e+00;
	v18 =	vand.u32 $0x7FFFFFFF, v18  }
0x308: {  	v21 =	vmax.f32 v30, $0.0e+00;
	v16 =	vsub.f32 v31, v16;
	v30 =	vsub.f32 v18, v35;
	v29 =	vld [tilespmem:s12+$0x81D0]  }
0x309: {  	v27 =	vmax.f32 v39, $0.0e+00;
	v13 =	vsub.f32 $1.000000010e-01, v13;
	v18 =	vsub.f32 v26, v32;
	v31 =	vld [tilespmem:s12+$0x8190]  }
0x30a: {  	v21 =	vmul.f32 v21, v21;
	v32 =	vmul.f32 v27, v27;
	v12 =	vsub.f32 v40, v12;
	v26 =	vld [tilespmem:s12+$0x81C0]  }
0x30b: {  	v34 =	vsub.f32 $1.000000010e-01, v19;
	v13 =	vmax.f32 v13, $0.0e+00;
	v27 =	vsub.f32 $1.000000010e-01, v22  }
0x30c: {  	v13 =	vmul.f32 v13, v13;
	v36 =	vand.u32 $0x7FFFFFFF, v24;
	v12 =	vsub.f32 v12, v17  }
0x30d: {  	v39 =	vmax.f32 v27, $0.0e+00;
	v17 =	vsub.f32 v30, v36;
	v27 =	vld [tilespmem:s30+$0x1D0];
	v29 =	vsub.f32 v20, v29  }
0x30e: {  	v20 =	vadd.f32 v32, v21;
	v24 =	vand.u32 $0x7FFFFFFF, v12;
	v12 =	vmul.f32 v39, v39  }
0x30f: {  	v21 =	vsub.f32 v25, v31;
	v25 =	vsub.f32 v16, v26;
	v16 =	vand.u32 $0x7FFFFFFF, v29  }
.Ltmp3:
0x310: {  	v26 =	vmax.f32 v34, $0.0e+00;
	v23 =	vsub.f32 v16, v23;
	v16 =	vsub.f32 $1.000000010e-01, v36;
	(pc) =	sbr.rel @p0 .LBB2_8-.Ltmp3, $4  }
0x311: {  	v29 =	vand.u32 $0x7FFFFFFF, v28;
	v21 =	vand.u32 $0x7FFFFFFF, v21;
	v30 =	vand.u32 $0x7FFFFFFF, v25  }
0x312: {  	v31 =	vmul.f32 v38, v38;
	v28 =	vsub.f32 v21, v14;
	v21 =	vsub.f32 $1.000000010e-01, v35;
	v25 =	vld [tilespmem:s30+$0x1C0]  }
0x313: {  	s10 =	sadd.s32 $0x10, s10;
	s0 =	sadd.s32 $0x100, s0;
	v26 =	vmul.f32 v26, v26;
	v14 =	vmul.f32 v33, v33;
	v22 =	vsub.f32 v30, v22  }
0x314: {  	s2 =	sadd.s32 $0x80, s2;
	s11 =	smov.u32 s13;
	s12 =	sand.u32 $0x200, s31;
	v29 =	vsub.f32 v29, v37;
	v30 =	vmax.f32 v21, $0.0e+00;
	v21 =	vperm.xlane v31, v3  }
0x315: {  	v19 =	vsub.f32 v24, v19;
	v24 =	vand.u32 $0x7FFFFFFF, v27  }
0x316: {  	v8 =	vsub.f32 v28, v8;
	v11 =	vand.u32 $0x7FFFFFFF, v11;
	v27 =	vsub.f32 $1.000000010e-01, v24  }
0x317: {  	s0 =	spop (v2sf);
	v9 =	vmul.f32 v9, v9;
	v5 =	vsub.f32 v29, v5;
	v23 =	vsub.f32 v23, v24  }
0x318: {  	v63 =	vld [tilespmem:s30+$0x1E0];
	s0 =	sand.u32 $0x7FFFFFFF, s0;
	v10 =	vsub.f32 v11, v10;
	v11 =	vadd.f32 v26, v20  }
0x319: {  	s0 =	sadd.f32 $5.000000070e-02, s0;
	v20 =	vand.u32 $0x7FFFFFFF, v25;
	v7 =	vsub.f32 v19, v7;
	v6 =	vadd.f32 v9, v6  }
0x31a: {  	v15 =	vmul.f32 v15, v15;
	v19 =	vsub.f32 $1.000000010e-01, v20;
	v20 =	vsub.f32 v22, v20  }
0x31b: {  	v24 =	vmul.f32 v30, v30;
	v5 =	vadd.f32 s0, v5;
	v18 =	vadd.f32 s0, v18  }
0x31c: {  	v25 =	vmax.f32 v27, $0.0e+00;
	v8 =	vadd.f32 s0, v8;
	v7 =	vadd.f32 s0, v7  }
0x31d: {  	v17 =	vadd.f32 s0, v17;
	v22 =	vand.u32 $0x7FFFFFFF, v63;
	v19 =	vmax.f32 v19, $0.0e+00  }
0x31e: {  	v9 =	vadd.f32 s0, v20;
	v5 =	vmax.f32 v5, $0.0e+00;
	v8 =	vmax.f32 v8, $0.0e+00  }
0x31f: {  	v26 =	vsub.f32 $1.000000010e-01, v22;
	v5 =	vmul.f32 v5, v5;
	v8 =	vmul.f32 v8, v8  }
0x320: {  	v18 =	vmax.f32 v18, $0.0e+00;
	v10 =	vsub.f32 v10, v22;
	v7 =	vmax.f32 v7, $0.0e+00  }
0x321: {  	v22 =	vadd.f32 s0, v23;
	v7 =	vmul.f32 v7, v7;
	v5 =	vadd.f32 v8, v5  }
0x322: {  	v18 =	vmul.f32 v18, v18;
	v23 =	vmax.f32 v26, $0.0e+00;
	v8 =	vmul.f32 v19, v19  }
0x323: {  	v10 =	vadd.f32 s0, v10;
	v19 =	vmul.f32 v23, v23;
	v5 =	vadd.f32 v7, v5  }
0x324: {  	v7 =	vadd.f32 v13, v11;
	v6 =	vadd.f32 v8, v6;
	v8 =	vmax.f32 v9, $0.0e+00  }
0x325: {  	v9 =	vmul.f32 v25, v25;
	v8 =	vmul.f32 v8, v8;
	v5 =	vadd.f32 v18, v5  }
0x326: {  	v10 =	vmax.f32 v10, $0.0e+00;
	v11 =	vmax.f32 v22, $0.0e+00;
	v7 =	vadd.f32 v12, v7  }
0x327: {  	v6 =	vadd.f32 v9, v6;
	v5 =	vadd.f32 v8, v5;
	v8 =	vmul.f32 v11, v11  }
0x328: {  	v10 =	vmul.f32 v10, v10;
	v9 =	vmax.f32 v16, $0.0e+00;
	v7 =	vadd.f32 v15, v7  }
0x329: {  	v9 =	vmul.f32 v9, v9;
	v6 =	vadd.f32 v19, v6;
	v5 =	vadd.f32 v8, v5  }
0x32a: {  	s15 =	sshrl.u32 s12, $0x2;
	v11 =	vmax.f32 v17, $0.0e+00;
	v8 =	vsel vm1, $0x0, v21;
	v7 =	vadd.f32 v14, v7  }
0x32b: {  	s0 =	sor.u32 s29, s15;
	v6 =	vadd.f32 v9, v6;
	v9 =	vmul.f32 v11, v11;
	v5 =	vadd.f32 v10, v5  }
0x32c: {  	[tilespmem:s0+$0x11380] =	vst v8;
	v7 =	vadd.f32 v24, v7  }
0x32d: {  	[tilespmem:s0+$0x11280] =	vst v6;
	v5 =	vadd.f32 v9, v5  }
0x32e: {  	[tilespmem:s0+$0x11180] =	vst v7  }
0x32f: {  	[tilespmem:s0+$0x11080] =	vst v5  }
0x330: {  	v5 =	vld [tilespmem:s26+$0xA1F0]  }
0x331: {  	v6 =	vld [tilespmem:s26+$0x91F0]  }
0x332: {  	v7 =	vld [tilespmem:s26+$0xA1B0]  }
0x333: {  	s10 =	sor.u32 $0xA400, s28;
	v8 =	vld [tilespmem:s26+$0x91B0]  }
0x334: {  	s11 =	sor.u32 $0x9400, s28;
	v10 =	vld [tilespmem:s10+$0x1B0]  }
0x335: {  	v11 =	vld [tilespmem:s11+$0x1B0]  }
0x336: {  	v12 =	vld [tilespmem:s10+$0x190]  }
0x337: {  	v14 =	vld [tilespmem:s26+$0xA1A0]  }
0x338: {  	v19 =	vld [tilespmem:s26+$0x91A0]  }
0x339: {  	v13 =	vld [tilespmem:s11+$0x180]  }
0x33a: {  	v9 =	vld [tilespmem:s10+$0x1A0]  }
0x33b: {  	v7 =	vsub.f32 v8, v7;
	v8 =	vld [tilespmem:s11+$0x190]  }
0x33c: {  	v5 =	vsub.f32 v6, v5;
	v6 =	vld [tilespmem:s10+$0x180];
	v10 =	vand.u32 $0x7FFFFFFF, v10  }
0x33d: {  	v11 =	vand.u32 $0x7FFFFFFF, v11;
	v12 =	vand.u32 $0x7FFFFFFF, v12;
	v14 =	vsub.f32 v19, v14  }
0x33e: {  	v16 =	vld [tilespmem:s11+$0x1A0];
	v13 =	vand.u32 $0x7FFFFFFF, v13;
	v15 =	vsub.f32 $1.000000010e-01, v10;
	v10 =	vadd.f32 v10, v11  }
0x33f: {  	v20 =	vld [tilespmem:s26+$0x9190];
	v9 =	vand.u32 $0x7FFFFFFF, v9;
	v17 =	vsub.f32 $1.000000010e-01, v11;
	v18 =	vsub.f32 $1.000000010e-01, v12  }
0x340: {  	v11 =	vld [tilespmem:s26+$0xA190];
	v7 =	vand.u32 $0x7FFFFFFF, v7;
	v14 =	vand.u32 $0x7FFFFFFF, v14;
	v10 =	vadd.f32 $5.000000070e-02, v10  }
0x341: {  	v8 =	vand.u32 $0x7FFFFFFF, v8;
	v21 =	vand.u32 $0x7FFFFFFF, v6;
	v6 =	vsub.f32 $1.000000010e-01, v13  }
0x342: {  	v22 =	vld [tilespmem:s26+$0x9180];
	v15 =	vmax.f32 v15, $0.0e+00;
	v10 =	vsub.f32 v10, v7;
	v12 =	vadd.f32 v12, v8  }
0x343: {  	v23 =	vld [tilespmem:s26+$0xA180];
	v7 =	vand.u32 $0x7FFFFFFF, v16;
	v13 =	vadd.f32 v21, v13;
	v8 =	vsub.f32 $1.000000010e-01, v8  }
0x344: {  	v18 =	vmax.f32 v18, $0.0e+00;
	v16 =	vadd.f32 v9, v7;
	v24 =	vsub.f32 $1.000000010e-01, v7  }
0x345: {  	v7 =	vmul.f32 v18, v18;
	v11 =	vsub.f32 v20, v11;
	v6 =	vmax.f32 v6, $0.0e+00  }
0x346: {  	v10 =	vmax.f32 v10, $0.0e+00;
	v25 =	vmul.f32 v6, v6;
	v13 =	vadd.f32 $5.000000070e-02, v13  }
0x347: {  	v18 =	vld [tilespmem:s10+$0x1C0];
	v12 =	vadd.f32 $5.000000070e-02, v12;
	v16 =	vadd.f32 $5.000000070e-02, v16;
	v6 =	vmul.f32 v15, v15  }
0x348: {  	v19 =	vmax.f32 v8, $0.0e+00;
	v8 =	vsub.f32 $1.000000010e-01, v9;
	v9 =	vsub.f32 v22, v23  }
0x349: {  	v15 =	vld [tilespmem:s11+$0x1C0];
	v20 =	vmax.f32 v24, $0.0e+00;
	v11 =	vand.u32 $0x7FFFFFFF, v11;
	v10 =	vmul.f32 v10, v10  }
0x34a: {  	v22 =	vmax.f32 v8, $0.0e+00;
	v8 =	vmul.f32 v20, v20;
	v23 =	vsub.f32 v12, v11  }
0x34b: {  	v9 =	vand.u32 $0x7FFFFFFF, v9;
	v12 =	vsub.f32 $1.000000010e-01, v21;
	v14 =	vsub.f32 v16, v14  }
0x34c: {  	v21 =	vmul.f32 v19, v19;
	v11 =	vmul.f32 v22, v22;
	v18 =	vand.u32 $0x7FFFFFFF, v18  }
0x34d: {  	v9 =	vsub.f32 v13, v9;
	v22 =	vld [tilespmem:s10+$0x1D0];
	v24 =	vmax.f32 v12, $0.0e+00;
	v12 =	vmax.f32 v17, $0.0e+00  }
0x34e: {  	v19 =	vld [tilespmem:s11+$0x1D0];
	v14 =	vmax.f32 v14, $0.0e+00;
	v17 =	vadd.f32 v21, v25;
	v13 =	vand.u32 $0x7FFFFFFF, v15  }
0x34f: {  	v26 =	vmax.f32 v23, $0.0e+00;
	v16 =	vadd.f32 v18, v13;
	v18 =	vsub.f32 $1.000000010e-01, v18  }
0x350: {  	v21 =	vld [tilespmem:s26+$0xA1C0];
	v12 =	vmul.f32 v12, v12;
	v23 =	vmax.f32 v9, $0.0e+00;
	v24 =	vmul.f32 v24, v24  }
0x351: {  	s30 =	simm.s32 $0x0;
	s31 =	simm.s32 $0x0;
	v15 =	vld [tilespmem:s26+$0x91C0];
	v20 =	vsub.f32 $1.000000010e-01, v13;
	v13 =	vmul.f32 v14, v14;
	v9 =	vmax.f32 v18, $0.0e+00  }
0x352: {  	s2 =	simm.s32 $0x0;
	s29 =	simm.s32 $0x40;
	s0 =	simm.s32 $0x0;
	v14 =	vld [tilespmem:s11+$0x1E0];
	v18 =	vand.u32 $0x7FFFFFFF, v22;
	v22 =	vmul.f32 v26, v26;
	v9 =	vmul.f32 v9, v9  }
.LBB2_10:
0x353: {  	v19 =	vand.u32 $0x7FFFFFFF, v19;
	v25 =	vld [tilespmem:s26+$0xA1D0];
	v26 =	vsub.f32 $1.000000010e-01, v18;
	v7 =	vadd.f32 v7, v24;
	s25 =	sadd.s32 $0x80, s25;
	s30 =	sadd.s32 $0x100, s30;
	s31 =	sadd.s32 $0x10, s31  }
0x354: {  	p0 =	sne.s32 s29, $0x3C0;
	v20 =	vmax.f32 v20, $0.0e+00;
	v23 =	vmul.f32 v23, v23;
	s12 =	smov.u32 s29;
	s29 =	sadd.s32 $0x40, s29;
	v24 =	vld [tilespmem:s26+$0x91D0];
	v27 =	vsub.f32 $1.000000010e-01, v19  }
0x355: {  	v16 =	vadd.f32 $5.000000070e-02, v16;
	v26 =	vmax.f32 v26, $0.0e+00;
	v28 =	vld [tilespmem:s10+$0x1E0];
	v7 =	vadd.f32 v11, v7  }
0x356: {  	v8 =	vadd.f32 v8, v17;
	v17 =	vmul.f32 v20, v20;
	v11 =	vmax.f32 v27, $0.0e+00  }
0x357: {  	v20 =	vadd.f32 v22, v23;
	v15 =	vsub.f32 v15, v21;
	v21 =	vmul.f32 v26, v26  }
0x358: {  	v18 =	vadd.f32 v18, v19;
	v8 =	vadd.f32 v12, v8;
	v11 =	vmul.f32 v11, v11  }
0x359: {  	v14 =	vand.u32 $0x7FFFFFFF, v14;
	v13 =	vadd.f32 v13, v20;
	v12 =	vsub.f32 v24, v25  }
0x35a: {  	v18 =	vadd.f32 $5.000000070e-02, v18;
	v8 =	vadd.f32 v17, v8;
	v15 =	vand.u32 $0x7FFFFFFF, v15;
	v19 =	vld [tilespmem:s11+$0x1F0]  }
0x35b: {  	v10 =	vadd.f32 v10, v13;
	v15 =	vsub.f32 v16, v15;
	v17 =	vand.u32 $0x7FFFFFFF, v28;
	v16 =	vld [tilespmem:s26+$0xA1E0]  }
0x35c: {  	v12 =	vand.u32 $0x7FFFFFFF, v12;
	v13 =	vsub.f32 $1.000000010e-01, v17;
	v20 =	vld [tilespmem:s10+$0x1F0]  }
0x35d: {  	v6 =	vadd.f32 v6, v7;
	v8 =	vadd.f32 v11, v8;
	v15 =	vmax.f32 v15, $0.0e+00;
	v22 =	vld [tilespmem:s26+$0x91E0]  }
0x35e: {  	v11 =	vsub.f32 $1.000000010e-01, v14;
	v7 =	vadd.f32 v17, v14  }
0x35f: {  	v6 =	vadd.f32 v9, v6;
	v13 =	vmax.f32 v13, $0.0e+00;
	v14 =	vmul.f32 v15, v15  }
0x360: {  	v11 =	vmax.f32 v11, $0.0e+00;
	v9 =	vsub.f32 v18, v12;
	v12 =	vand.u32 $0x7FFFFFFF, v19  }
0x361: {  	v11 =	vmul.f32 v11, v11;
	v13 =	vmul.f32 v13, v13;
	v15 =	vand.u32 $0x7FFFFFFF, v20  }
0x362: {  	v9 =	vmax.f32 v9, $0.0e+00;
	v10 =	vadd.f32 v14, v10;
	v16 =	vsub.f32 v22, v16  }
0x363: {  	v5 =	vand.u32 $0x7FFFFFFF, v5;
	v8 =	vadd.f32 v11, v8;
	v14 =	vsub.f32 $1.000000010e-01, v15  }
0x364: {  	s11 =	sand.u32 $0x380, s25;
	s10 =	sand.u32 $0x800, s30;
	v7 =	vadd.f32 $5.000000070e-02, v7;
	v15 =	vadd.f32 v15, v12;
	v11 =	vand.u32 $0x7FFFFFFF, v16  }
0x365: {  	v6 =	vadd.f32 v21, v6;
	s26 =	sor.u32 s11, s10;
	v12 =	vsub.f32 $1.000000010e-01, v12;
	v14 =	vmax.f32 v14, $0.0e+00  }
0x366: {  	v7 =	vsub.f32 v7, v11;
	v11 =	vadd.f32 $5.000000070e-02, v15;
	v14 =	vmul.f32 v14, v14  }
0x367: {  	v9 =	vmul.f32 v9, v9;
	v6 =	vadd.f32 v13, v6;
	v12 =	vmax.f32 v12, $0.0e+00  }
0x368: {  	v7 =	vmax.f32 v7, $0.0e+00;
	v5 =	vsub.f32 v11, v5  }
0x369: {  	s10 =	sand.u32 $0x200, s2;
	s2 =	smov.u32 s12;
	v9 =	vadd.f32 v9, v10;
	v10 =	vmul.f32 v12, v12;
	v7 =	vmul.f32 v7, v7  }
0x36a: {  	s11 =	sand.u32 $0x70, s0;
	s0 =	smov.u32 s31;
	s10 =	sshrl.u32 s10, $0x2;
	v6 =	vadd.f32 v14, v6;
	v5 =	vmax.f32 v5, $0.0e+00  }
0x36b: {  	s10 =	sor.u32 s11, s10;
	v8 =	vadd.f32 v10, v8;
	v7 =	vadd.f32 v7, v9;
	v5 =	vmul.f32 v5, v5  }
0x36c: {  	[tilespmem:s10+$0x10680] =	vst v6  }
0x36d: {  	v5 =	vadd.f32 v5, v7;
	[tilespmem:s10+$0x10580] =	vst v8;
	_ =	sdelay $0x1  }
0x36e: {  	[tilespmem:s10+$0x10480] =	vst v5  }
0x36f: {  	v5 =	vld [tilespmem:s26+$0xA1F0]  }
0x370: {  	v6 =	vld [tilespmem:s26+$0x91F0];
	_ =	sdelay $0x1  }
0x371: {  	s10 =	sand.u32 $0xFFFFF800, s30;
	v7 =	vld [tilespmem:s26+$0xA1A0]  }
0x372: {  	s10 =	sadd.s32 s10, s25;
	v8 =	vld [tilespmem:s26+$0xA1B0]  }
0x373: {  	s11 =	sor.u32 $0x9400, s10;
	s10 =	sor.u32 $0xA400, s10;
	v9 =	vld [tilespmem:s26+$0x91B0]  }
0x374: {  	v10 =	vld [tilespmem:s10+$0x1A0];
	v5 =	vsub.f32 v6, v5  }
0x375: {  	v6 =	vld [tilespmem:s10+$0x1B0]  }
0x376: {  	v11 =	vld [tilespmem:s11+$0x1B0]  }
0x377: {  	v12 =	vld [tilespmem:s10+$0x190]  }
0x378: {  	v13 =	vld [tilespmem:s11+$0x180];
	v8 =	vsub.f32 v9, v8  }
0x379: {  	v9 =	vld [tilespmem:s11+$0x190]  }
0x37a: {  	v14 =	vld [tilespmem:s10+$0x180];
	v6 =	vand.u32 $0x7FFFFFFF, v6  }
0x37b: {  	v8 =	vand.u32 $0x7FFFFFFF, v8;
	v15 =	vld [tilespmem:s26+$0xA190];
	v11 =	vand.u32 $0x7FFFFFFF, v11;
	v16 =	vsub.f32 $1.000000010e-01, v6  }
0x37c: {  	v12 =	vand.u32 $0x7FFFFFFF, v12;
	v17 =	vld [tilespmem:s11+$0x1A0];
	v6 =	vadd.f32 v6, v11;
	v18 =	vsub.f32 $1.000000010e-01, v11  }
0x37d: {  	v11 =	vand.u32 $0x7FFFFFFF, v13;
	v13 =	vld [tilespmem:s26+$0x9190];
	v19 =	vsub.f32 $1.000000010e-01, v12;
	v16 =	vmax.f32 v16, $0.0e+00  }
0x37e: {  	v10 =	vand.u32 $0x7FFFFFFF, v10;
	v9 =	vand.u32 $0x7FFFFFFF, v9;
	v20 =	vld [tilespmem:s26+$0x91A0];
	v6 =	vadd.f32 $5.000000070e-02, v6  }
0x37f: {  	v21 =	vsub.f32 $1.000000010e-01, v11;
	v14 =	vand.u32 $0x7FFFFFFF, v14;
	v12 =	vadd.f32 v12, v9  }
0x380: {  	v19 =	vmax.f32 v19, $0.0e+00;
	v22 =	vld [tilespmem:s26+$0x9180];
	v11 =	vadd.f32 v14, v11;
	v23 =	vsub.f32 v6, v8  }
0x381: {  	v9 =	vsub.f32 $1.000000010e-01, v9;
	v6 =	vmax.f32 v21, $0.0e+00;
	v8 =	vld [tilespmem:s26+$0xA180];
	v17 =	vand.u32 $0x7FFFFFFF, v17  }
0x382: {  	v25 =	vmul.f32 v6, v6;
	v21 =	vadd.f32 v10, v17;
	v17 =	vsub.f32 $1.000000010e-01, v17;
	v24 =	vld [tilespmem:s10+$0x1C0]  }
0x383: {  	v26 =	vadd.f32 $5.000000070e-02, v11;
	v11 =	vsub.f32 v20, v7;
	v20 =	vld [tilespmem:s11+$0x1C0];
	v7 =	vmul.f32 v19, v19  }
0x384: {  	v12 =	vadd.f32 $5.000000070e-02, v12;
	v6 =	vmul.f32 v16, v16;
	v19 =	vadd.f32 $5.000000070e-02, v21  }
0x385: {  	v9 =	vmax.f32 v9, $0.0e+00;
	v13 =	vsub.f32 v13, v15;
	v10 =	vsub.f32 $1.000000010e-01, v10  }
0x386: {  	v16 =	vand.u32 $0x7FFFFFFF, v11;
	v15 =	vsub.f32 v22, v8;
	v8 =	vmax.f32 v17, $0.0e+00  }
0x387: {  	v10 =	vmax.f32 v10, $0.0e+00;
	v11 =	vand.u32 $0x7FFFFFFF, v13;
	v8 =	vmul.f32 v8, v8  }
0x388: {  	v17 =	vsub.f32 v12, v11;
	v11 =	vmul.f32 v10, v10;
	v13 =	vand.u32 $0x7FFFFFFF, v15  }
0x389: {  	v10 =	vsub.f32 $1.000000010e-01, v14;
	v12 =	vsub.f32 v19, v16;
	v14 =	vand.u32 $0x7FFFFFFF, v24;
	v19 =	vld [tilespmem:s11+$0x1D0]  }
0x38a: {  	v9 =	vmul.f32 v9, v9;
	v21 =	vsub.f32 v26, v13;
	v13 =	vand.u32 $0x7FFFFFFF, v20;
	v22 =	vld [tilespmem:s10+$0x1D0]  }
0x38b: {  	v24 =	vmax.f32 v10, $0.0e+00;
	v10 =	vmax.f32 v23, $0.0e+00;
	v15 =	vmax.f32 v18, $0.0e+00  }
.Ltmp4:
0x38c: {  	v18 =	vmax.f32 v12, $0.0e+00;
	v12 =	vmul.f32 v15, v15;
	v16 =	vadd.f32 v14, v13;
	(pc) =	sbr.rel @p0 .LBB2_10-.Ltmp4, $4  }
0x38d: {  	v20 =	vsub.f32 $1.000000010e-01, v13;
	v14 =	vsub.f32 $1.000000010e-01, v14;
	v13 =	vmul.f32 v18, v18;
	v15 =	vld [tilespmem:s26+$0x91C0]  }
0x38e: {  	v26 =	vmax.f32 v17, $0.0e+00;
	v10 =	vmul.f32 v10, v10;
	v17 =	vadd.f32 v9, v25  }
0x38f: {  	v24 =	vmul.f32 v24, v24;
	v23 =	vmax.f32 v21, $0.0e+00;
	v9 =	vmax.f32 v14, $0.0e+00;
	v14 =	vld [tilespmem:s11+$0x1E0]  }
0x390: {  	s28 =	simm.s32 $0x0;
	v9 =	vmul.f32 v9, v9;
	v18 =	vand.u32 $0x7FFFFFFF, v22;
	v22 =	vmul.f32 v26, v26;
	v21 =	vld [tilespmem:s26+$0xA1C0]  }
0x391: {  	v19 =	vand.u32 $0x7FFFFFFF, v19  }
0x392: {  	v26 =	vsub.f32 $1.000000010e-01, v18;
	v7 =	vadd.f32 v7, v24;
	v20 =	vmax.f32 v20, $0.0e+00  }
0x393: {  	v25 =	vld [tilespmem:s26+$0xA1D0];
	v23 =	vmul.f32 v23, v23;
	v16 =	vadd.f32 $5.000000070e-02, v16;
	v8 =	vadd.f32 v8, v17  }
0x394: {  	v45 =	vld [tilespmem:s26+$0x91D0];
	v5 =	vand.u32 $0x7FFFFFFF, v5;
	v27 =	vsub.f32 $1.000000010e-01, v19;
	v17 =	vmul.f32 v20, v20  }
0x395: {  	v18 =	vadd.f32 v18, v19;
	v26 =	vmax.f32 v26, $0.0e+00;
	v7 =	vadd.f32 v11, v7  }
0x396: {  	v28 =	vld [tilespmem:s10+$0x1E0];
	v20 =	vadd.f32 v22, v23;
	v8 =	vadd.f32 v12, v8;
	v11 =	vmax.f32 v27, $0.0e+00  }
0x397: {  	v18 =	vadd.f32 $5.000000070e-02, v18;
	v14 =	vand.u32 $0x7FFFFFFF, v14;
	v15 =	vsub.f32 v15, v21  }
0x398: {  	v22 =	vld [tilespmem:s26+$0x91E0];
	v11 =	vmul.f32 v11, v11;
	v13 =	vadd.f32 v13, v20;
	v8 =	vadd.f32 v17, v8  }
0x399: {  	v21 =	vmul.f32 v26, v26;
	v17 =	vld [tilespmem:s10+$0x1F0];
	v6 =	vadd.f32 v6, v7;
	v12 =	vsub.f32 v45, v25  }
0x39a: {  	v20 =	vld [tilespmem:s26+$0xA1E0];
	v15 =	vand.u32 $0x7FFFFFFF, v15;
	v10 =	vadd.f32 v10, v13;
	v8 =	vadd.f32 v11, v8  }
0x39b: {  	v19 =	vld [tilespmem:s11+$0x1F0];
	v6 =	vadd.f32 v9, v6;
	v15 =	vsub.f32 v16, v15;
	v16 =	vand.u32 $0x7FFFFFFF, v28  }
0x39c: {  	v12 =	vand.u32 $0x7FFFFFFF, v12;
	v13 =	vsub.f32 $1.000000010e-01, v16;
	v11 =	vadd.f32 v16, v14  }
0x39d: {  	v14 =	vsub.f32 $1.000000010e-01, v14;
	v9 =	vsub.f32 v18, v12;
	v7 =	vmax.f32 v15, $0.0e+00  }
0x39e: {  	v6 =	vadd.f32 v21, v6;
	v15 =	vand.u32 $0x7FFFFFFF, v17;
	v7 =	vmul.f32 v7, v7  }
0x39f: {  	v16 =	vsub.f32 v22, v20;
	v13 =	vmax.f32 v13, $0.0e+00;
	v12 =	vmax.f32 v14, $0.0e+00  }
0x3a0: {  	v14 =	vand.u32 $0x7FFFFFFF, v19;
	v11 =	vadd.f32 $5.000000070e-02, v11;
	v7 =	vadd.f32 v7, v10  }
0x3a1: {  	v9 =	vmax.f32 v9, $0.0e+00;
	v10 =	vsub.f32 $1.000000010e-01, v15;
	v15 =	vadd.f32 v15, v14  }
0x3a2: {  	v13 =	vmul.f32 v13, v13;
	v16 =	vand.u32 $0x7FFFFFFF, v16;
	v14 =	vsub.f32 $1.000000010e-01, v14  }
0x3a3: {  	v12 =	vmul.f32 v12, v12;
	v11 =	vsub.f32 v11, v16;
	v15 =	vadd.f32 $5.000000070e-02, v15  }
0x3a4: {  	v9 =	vmul.f32 v9, v9;
	v6 =	vadd.f32 v13, v6;
	v10 =	vmax.f32 v10, $0.0e+00  }
0x3a5: {  	v14 =	vmax.f32 v14, $0.0e+00;
	v11 =	vmax.f32 v11, $0.0e+00;
	v5 =	vsub.f32 v15, v5  }
0x3a6: {  	v7 =	vadd.f32 v9, v7;
	v10 =	vmul.f32 v10, v10;
	v9 =	vmul.f32 v11, v11  }
0x3a7: {  	s2 =	sand.u32 $0x200, s2;
	v8 =	vadd.f32 v12, v8;
	v11 =	vmul.f32 v14, v14;
	v5 =	vmax.f32 v5, $0.0e+00  }
0x3a8: {  	s0 =	sand.u32 $0x70, s0;
	s2 =	sshrl.u32 s2, $0x2;
	v6 =	vadd.f32 v10, v6;
	v7 =	vadd.f32 v9, v7;
	v5 =	vmul.f32 v5, v5  }
0x3a9: {  	s0 =	sor.u32 s0, s2;
	v8 =	vadd.f32 v11, v8  }
0x3aa: {  	s14 =	sand.u32 $0xFFFFF800, s28;
	[tilespmem:s0+$0x10680] =	vst v6;
	v5 =	vadd.f32 v5, v7  }
0x3ab: {  	s2 =	sadd.s32 $0x0, s14;
	[tilespmem:s0+$0x10580] =	vst v8  }
0x3ac: {  	s15 =	sor.u32 $0xC400, s2;
	[tilespmem:s0+$0x10480] =	vst v5  }
0x3ad: {  	v5 =	vld [tilespmem:s15+$0x180]  }
0x3ae: {  	s2 =	sor.u32 $0xB400, s2;
	v6 =	vld [tilespmem:s15+$0x190]  }
0x3af: {  	v7 =	vld [tilespmem:s2+$0x190]  }
0x3b0: {  	v8 =	vld [tilespmem:s2+$0x180]  }
0x3b1: {  	v10 =	vld [tilespmem:s2+$0x1A0]  }
0x3b2: {  	v12 =	vld [tilespmem:s2+$0x1B0]  }
0x3b3: {  	v16 =	vld [tilespmem:s2+$0x1C0]  }
0x3b4: {  	v18 =	vld [tilespmem:s2+$0x1F0]  }
0x3b5: {  	s31 =	sand.u32 $0x380, s28;
	s26 =	sand.u32 $0x800, s28;
	v20 =	vld [tilespmem:s2+$0x1D0]  }
0x3b6: {  	s25 =	sor.u32 s31, s26;
	v21 =	vld [tilespmem:s2+$0x1E0]  }
0x3b7: {  	v23 =	vld [tilespmem:s25+$0xB1F0]  }
0x3b8: {  	v46 =	vld [tilespmem:s25+$0xC1F0]  }
0x3b9: {  	v13 =	vand.u32 $0x7FFFFFFF, v8  }
0x3ba: {  	v14 =	vand.u32 $0x7FFFFFFF, v7;
	v15 =	vand.u32 $0x7FFFFFFF, v5;
	v10 =	vand.u32 $0x7FFFFFFF, v10  }
0x3bb: {  	v12 =	vand.u32 $0x7FFFFFFF, v12;
	v16 =	vand.u32 $0x7FFFFFFF, v16;
	v20 =	vand.u32 $0x7FFFFFFF, v20  }
0x3bc: {  	v9 =	vld [tilespmem:s15+$0x1B0];
	v18 =	vand.u32 $0x7FFFFFFF, v18;
	v5 =	vsub.f32 $1.000000010e-01, v13;
	v7 =	vsub.f32 $1.000000010e-01, v14  }
0x3bd: {  	v11 =	vld [tilespmem:s15+$0x1F0];
	v21 =	vand.u32 $0x7FFFFFFF, v21;
	v23 =	vsub.f32 v23, v46;
	v53 =	vand.u32 $0x7FFFFFFF, v6  }
0x3be: {  	v47 =	vld [tilespmem:s25+$0xB1A0];
	v19 =	vsub.f32 $1.000000010e-01, v10;
	v5 =	vmax.f32 v5, $0.0e+00;
	v7 =	vmax.f32 v7, $0.0e+00  }
0x3bf: {  	v50 =	vld [tilespmem:s25+$0xC180];
	v17 =	vsub.f32 $1.000000010e-01, v15;
	v5 =	vmul.f32 v5, v5;
	v7 =	vmul.f32 v7, v7  }
0x3c0: {  	v51 =	vld [tilespmem:s25+$0xB190];
	v22 =	vsub.f32 $1.000000010e-01, v12;
	v48 =	vsub.f32 $1.000000010e-01, v16;
	v19 =	vmax.f32 v19, $0.0e+00  }
0x3c1: {  	v8 =	vld [tilespmem:s15+$0x1A0];
	v49 =	vsub.f32 $1.000000010e-01, v20;
	v19 =	vmul.f32 v19, v19;
	v7 =	vadd.f32 v7, v5  }
0x3c2: {  	v29 =	vsub.f32 $1.000000010e-01, v21;
	v22 =	vmax.f32 v22, $0.0e+00;
	v5 =	vand.u32 $0x7FFFFFFF, v11;
	v11 =	vld [tilespmem:s25+$0xC1A0]  }
0x3c3: {  	v30 =	vsub.f32 $1.000000010e-01, v18;
	v7 =	vadd.f32 v19, v7;
	v19 =	vmul.f32 v22, v22;
	v22 =	vld [tilespmem:s25+$0xC190]  }
0x3c4: {  	v52 =	vld [tilespmem:s25+$0xB180];
	v23 =	vand.u32 $0x7FFFFFFF, v23;
	v26 =	vmax.f32 v48, $0.0e+00;
	v27 =	vmax.f32 v49, $0.0e+00  }
0x3c5: {  	v31 =	vld [tilespmem:s25+$0xC1B0];
	v6 =	vmax.f32 v29, $0.0e+00;
	v7 =	vadd.f32 v19, v7;
	v19 =	vmul.f32 v26, v26  }
0x3c6: {  	v54 =	vld [tilespmem:s25+$0xB1B0];
	v18 =	vsub.f32 v23, v18;
	v23 =	vmax.f32 v30, $0.0e+00;
	v6 =	vmul.f32 v6, v6  }
0x3c7: {  	v55 =	vld [tilespmem:s25+$0xB1C0];
	v11 =	vsub.f32 v47, v11;
	v7 =	vadd.f32 v19, v7;
	v19 =	vmul.f32 v27, v27  }
0x3c8: {  	v58 =	vld [tilespmem:s25+$0xC1D0];
	v57 =	vand.u32 $0x7FFFFFFF, v8;
	v8 =	vsub.f32 v18, v5;
	v22 =	vsub.f32 v51, v22  }
0x3c9: {  	v60 =	vld [tilespmem:s25+$0xC1E0];
	v11 =	vand.u32 $0x7FFFFFFF, v11;
	v7 =	vadd.f32 v19, v7;
	v19 =	vand.u32 $0x7FFFFFFF, v9  }
0x3ca: {  	v9 =	vld [tilespmem:s25+$0xC1C0];
	v10 =	vsub.f32 v11, v10;
	v56 =	vsub.f32 $1.000000010e-01, v19;
	v18 =	vand.u32 $0x7FFFFFFF, v22  }
0x3cb: {  	v11 =	vld [tilespmem:s25+$0xB1E0];
	v6 =	vadd.f32 v6, v7;
	v7 =	vmul.f32 v23, v23;
	v23 =	vsub.f32 v52, v50  }
0x3cc: {  	v59 =	vld [tilespmem:s25+$0xB1D0];
	v17 =	vmax.f32 v17, $0.0e+00;
	v10 =	vsub.f32 v10, v57;
	v14 =	vsub.f32 v18, v14  }
0x3cd: {  	v17 =	vmul.f32 v17, v17;
	v22 =	vsub.f32 $1.000000010e-01, v53;
	v18 =	vsub.f32 $1.000000010e-01, v57  }
0x3ce: {  	v23 =	vand.u32 $0x7FFFFFFF, v23;
	v10 =	vadd.f32 $-5.000000070e-02, v10;
	v14 =	vsub.f32 v14, v53  }
0x3cf: {  	v22 =	vmax.f32 v22, $0.0e+00;
	v13 =	vsub.f32 v23, v13;
	v23 =	vsub.f32 v54, v31  }
0x3d0: {  	v22 =	vmul.f32 v22, v22;
	v61 =	vsub.f32 v55, v9;
	v11 =	vsub.f32 v11, v60  }
0x3d1: {  	v10 =	vmax.f32 v10, $0.0e+00;
	v13 =	vsub.f32 v13, v15;
	v15 =	vsub.f32 v59, v58  }
0x3d2: {  	v62 =	vld [tilespmem:s15+$0x1D0];
	v14 =	vadd.f32 $-5.000000070e-02, v14;
	v17 =	vadd.f32 v22, v17;
	v9 =	vmul.f32 v10, v10  }
0x3d3: {  	v10 =	vmax.f32 v18, $0.0e+00;
	v18 =	vand.u32 $0x7FFFFFFF, v23;
	v23 =	vld [tilespmem:s15+$0x1C0];
	v15 =	vand.u32 $0x7FFFFFFF, v15  }
0x3d4: {  	v12 =	vsub.f32 v18, v12;
	v18 =	vand.u32 $0x7FFFFFFF, v61;
	v63 =	vsub.f32 v15, v20;
	v15 =	vld [tilespmem:s15+$0x1E0]  }
0x3d5: {  	v14 =	vmax.f32 v14, $0.0e+00;
	v13 =	vadd.f32 $-5.000000070e-02, v13;
	v16 =	vsub.f32 v18, v16  }
0x3d6: {  	v18 =	vmul.f32 v14, v14;
	v14 =	vmul.f32 v10, v10;
	v20 =	vand.u32 $0x7FFFFFFF, v11  }
0x3d7: {  	v12 =	vsub.f32 v12, v19;
	v11 =	vand.u32 $0x7FFFFFFF, v62;
	v13 =	vmax.f32 v13, $0.0e+00  }
0x3d8: {  	v20 =	vsub.f32 v20, v21;
	v19 =	vand.u32 $0x7FFFFFFF, v23;
	v21 =	vmul.f32 v13, v13  }
0x3d9: {  	v13 =	vmax.f32 v56, $0.0e+00;
	v10 =	vsub.f32 $1.000000010e-01, v19;
	v15 =	vand.u32 $0x7FFFFFFF, v15  }
0x3da: {  	v22 =	vsub.f32 v20, v15;
	v23 =	vsub.f32 $1.000000010e-01, v15;
	v15 =	vmul.f32 v13, v13  }
0x3db: {  	s29 =	simm.s32 $0x0;
	s30 =	simm.s32 $0x0;
	s11 =	simm.s32 $0x0;
	v13 =	vsub.f32 v16, v19;
	v16 =	vmax.f32 v10, $0.0e+00;
	v20 =	vadd.f32 v18, v21  }
0x3dc: {  	s10 =	simm.s32 $0x40;
	s0 =	simm.s32 $0x0;
	s2 =	simm.s32 $0x0;
	v18 =	vsub.f32 v63, v11;
	v19 =	vadd.f32 $-5.000000070e-02, v22;
	v10 =	vmax.f32 v23, $0.0e+00  }
.LBB2_12:
0x3dd: {  	v9 =	vadd.f32 v9, v20;
	v14 =	vadd.f32 v14, v17;
	s11 =	sadd.s32 $0x80, s11;
	s29 =	sadd.s32 $0x100, s29;
	s30 =	sadd.s32 $0x10, s30  }
0x3de: {  	p0 =	sne.s32 s10, $0x3C0;
	v12 =	vadd.f32 $-5.000000070e-02, v12;
	v8 =	vadd.f32 $-5.000000070e-02, v8;
	s12 =	smov.u32 s10;
	s10 =	sadd.s32 $0x40, s10;
	v17 =	vmax.f32 v19, $0.0e+00  }
0x3df: {  	s13 =	sand.u32 $0x200, s2;
	v18 =	vadd.f32 $-5.000000070e-02, v18;
	s2 =	smov.u32 s12;
	v14 =	vadd.f32 v15, v14;
	v15 =	vmul.f32 v16, v16  }
0x3e0: {  	v11 =	vsub.f32 $1.000000010e-01, v11;
	v6 =	vadd.f32 v7, v6;
	s12 =	sand.u32 $0x70, s0;
	s13 =	sshrl.u32 s13, $0x2;
	s0 =	smov.u32 s30;
	v16 =	vmul.f32 v17, v17  }
0x3e1: {  	v7 =	vmax.f32 v12, $0.0e+00;
	v12 =	vadd.f32 $-5.000000070e-02, v13;
	s12 =	sor.u32 s12, s13;
	v13 =	vadd.f32 v15, v14  }
0x3e2: {  	v11 =	vmax.f32 v11, $0.0e+00;
	v8 =	vmax.f32 v8, $0.0e+00;
	v7 =	vmul.f32 v7, v7;
	[tilespmem:s12+$0x10880] =	vst v6  }
0x3e3: {  	v8 =	vmul.f32 v8, v8;
	v6 =	vmax.f32 v12, $0.0e+00;
	v12 =	vmax.f32 v18, $0.0e+00  }
0x3e4: {  	v7 =	vadd.f32 v7, v9;
	v6 =	vmul.f32 v6, v6;
	v9 =	vmul.f32 v12, v12  }
0x3e5: {  	v5 =	vsub.f32 $1.000000010e-01, v5;
	v11 =	vmul.f32 v11, v11  }
0x3e6: {  	v6 =	vadd.f32 v6, v7  }
0x3e7: {  	v10 =	vmul.f32 v10, v10;
	v5 =	vmax.f32 v5, $0.0e+00;
	v7 =	vadd.f32 v11, v13  }
0x3e8: {  	v6 =	vadd.f32 v9, v6  }
0x3e9: {  	v5 =	vmul.f32 v5, v5;
	v7 =	vadd.f32 v10, v7  }
0x3ea: {  	v6 =	vadd.f32 v16, v6  }
0x3eb: {  	v5 =	vadd.f32 v5, v7  }
0x3ec: {  	v6 =	vadd.f32 v8, v6  }
0x3ed: {  	[tilespmem:s12+$0x10980] =	vst v5  }
0x3ee: {  	s13 =	sand.u32 $0xFFFFF800, s29;
	[tilespmem:s12+$0x10780] =	vst v6  }
0x3ef: {  	s12 =	sadd.s32 s13, s11  }
0x3f0: {  	s31 =	sor.u32 $0xC400, s12  }
0x3f1: {  	v5 =	vld [tilespmem:s31+$0x180]  }
0x3f2: {  	s13 =	sor.u32 $0xB400, s12;
	v6 =	vld [tilespmem:s31+$0x190]  }
0x3f3: {  	v7 =	vld [tilespmem:s13+$0x190]  }
0x3f4: {  	v8 =	vld [tilespmem:s13+$0x180]  }
0x3f5: {  	v9 =	vld [tilespmem:s31+$0x1B0]  }
0x3f6: {  	v10 =	vld [tilespmem:s13+$0x1A0]  }
0x3f7: {  	v11 =	vld [tilespmem:s31+$0x1F0]  }
0x3f8: {  	v12 =	vld [tilespmem:s13+$0x1B0]  }
0x3f9: {  	v14 =	vand.u32 $0x7FFFFFFF, v5;
	v15 =	vand.u32 $0x7FFFFFFF, v7;
	v13 =	vand.u32 $0x7FFFFFFF, v8;
	v8 =	vld [tilespmem:s31+$0x1A0]  }
0x3fa: {  	v7 =	vsub.f32 $1.000000010e-01, v15;
	v5 =	vsub.f32 $1.000000010e-01, v13;
	v16 =	vld [tilespmem:s13+$0x1C0]  }
0x3fb: {  	v17 =	vsub.f32 $1.000000010e-01, v14;
	v10 =	vand.u32 $0x7FFFFFFF, v10;
	v18 =	vld [tilespmem:s13+$0x1F0]  }
0x3fc: {  	s14 =	sand.u32 $0x380, s11;
	s12 =	sand.u32 $0x800, s29;
	v7 =	vmax.f32 v7, $0.0e+00;
	v5 =	vmax.f32 v5, $0.0e+00;
	v19 =	vsub.f32 $1.000000010e-01, v10;
	v20 =	vld [tilespmem:s13+$0x1D0]  }
0x3fd: {  	s12 =	sor.u32 s14, s12;
	v7 =	vmul.f32 v7, v7;
	v12 =	vand.u32 $0x7FFFFFFF, v12;
	v21 =	vld [tilespmem:s13+$0x1E0];
	v5 =	vmul.f32 v5, v5  }
0x3fe: {  	v17 =	vmax.f32 v17, $0.0e+00;
	v19 =	vmax.f32 v19, $0.0e+00;
	v22 =	vsub.f32 $1.000000010e-01, v12;
	v23 =	vld [tilespmem:s12+$0xB1F0]  }
0x3ff: {  	v16 =	vand.u32 $0x7FFFFFFF, v16;
	v24 =	vld [tilespmem:s12+$0xC1F0];
	v7 =	vadd.f32 v7, v5;
	v19 =	vmul.f32 v19, v19  }
0x400: {  	v5 =	vand.u32 $0x7FFFFFFF, v11;
	v25 =	vld [tilespmem:s12+$0xB1A0];
	v22 =	vmax.f32 v22, $0.0e+00;
	v26 =	vsub.f32 $1.000000010e-01, v16  }
0x401: {  	v11 =	vld [tilespmem:s12+$0xC1A0];
	v20 =	vand.u32 $0x7FFFFFFF, v20;
	v7 =	vadd.f32 v19, v7;
	v19 =	vmul.f32 v22, v22  }
0x402: {  	v18 =	vand.u32 $0x7FFFFFFF, v18;
	v22 =	vld [tilespmem:s12+$0xC190];
	v26 =	vmax.f32 v26, $0.0e+00;
	v27 =	vsub.f32 $1.000000010e-01, v20  }
0x403: {  	v21 =	vand.u32 $0x7FFFFFFF, v21;
	v28 =	vld [tilespmem:s12+$0xC180];
	v7 =	vadd.f32 v19, v7;
	v19 =	vmul.f32 v26, v26  }
0x404: {  	v29 =	vsub.f32 $1.000000010e-01, v21;
	v26 =	vld [tilespmem:s12+$0xB190];
	v27 =	vmax.f32 v27, $0.0e+00;
	v23 =	vsub.f32 v23, v24  }
0x405: {  	v30 =	vsub.f32 $1.000000010e-01, v18;
	v24 =	vld [tilespmem:s12+$0xB180];
	v7 =	vadd.f32 v19, v7;
	v19 =	vmul.f32 v27, v27  }
0x406: {  	v27 =	vand.u32 $0x7FFFFFFF, v6;
	v6 =	vmax.f32 v29, $0.0e+00;
	v31 =	vld [tilespmem:s12+$0xC1B0];
	v23 =	vand.u32 $0x7FFFFFFF, v23  }
0x407: {  	v11 =	vsub.f32 v25, v11;
	v6 =	vmul.f32 v6, v6;
	v25 =	vld [tilespmem:s12+$0xB1B0];
	v7 =	vadd.f32 v19, v7  }
0x408: {  	v19 =	vand.u32 $0x7FFFFFFF, v9;
	v18 =	vsub.f32 v23, v18;
	v23 =	vmax.f32 v30, $0.0e+00;
	v9 =	vld [tilespmem:s12+$0xC1C0]  }
0x409: {  	v11 =	vand.u32 $0x7FFFFFFF, v11;
	v22 =	vsub.f32 v26, v22;
	v26 =	vld [tilespmem:s12+$0xB1C0];
	v6 =	vadd.f32 v6, v7  }
0x40a: {  	v29 =	vsub.f32 $1.000000010e-01, v19;
	v10 =	vsub.f32 v11, v10;
	v7 =	vmul.f32 v23, v23;
	v11 =	vld [tilespmem:s12+$0xB1E0]  }
0x40b: {  	v23 =	vsub.f32 v24, v28;
	v24 =	vand.u32 $0x7FFFFFFF, v8;
	v8 =	vsub.f32 v18, v5;
	v28 =	vld [tilespmem:s12+$0xC1D0]  }
0x40c: {  	v18 =	vand.u32 $0x7FFFFFFF, v22;
	v22 =	vsub.f32 $1.000000010e-01, v27;
	v10 =	vsub.f32 v10, v24;
	v30 =	vld [tilespmem:s12+$0xB1D0]  }
0x40d: {  	v23 =	vand.u32 $0x7FFFFFFF, v23;
	v15 =	vsub.f32 v18, v15;
	v18 =	vsub.f32 $1.000000010e-01, v24;
	v24 =	vld [tilespmem:s12+$0xC1E0]  }
0x40e: {  	v13 =	vsub.f32 v23, v13;
	v22 =	vmax.f32 v22, $0.0e+00;
	v10 =	vadd.f32 $-5.000000070e-02, v10  }
0x40f: {  	v23 =	vsub.f32 v25, v31;
	v15 =	vsub.f32 v15, v27;
	v22 =	vmul.f32 v22, v22  }
0x410: {  	v17 =	vmul.f32 v17, v17;
	v25 =	vsub.f32 v26, v9;
	v10 =	vmax.f32 v10, $0.0e+00;
	v26 =	vld [tilespmem:s31+$0x1D0]  }
0x411: {  	v13 =	vsub.f32 v13, v14;
	v9 =	vmul.f32 v10, v10;
	v14 =	vsub.f32 v30, v28  }
0x412: {  	v10 =	vmax.f32 v18, $0.0e+00;
	v18 =	vand.u32 $0x7FFFFFFF, v23;
	v23 =	vld [tilespmem:s31+$0x1C0];
	v11 =	vsub.f32 v11, v24  }
0x413: {  	v15 =	vadd.f32 $-5.000000070e-02, v15;
	v12 =	vsub.f32 v18, v12;
	v14 =	vand.u32 $0x7FFFFFFF, v14  }
0x414: {  	v18 =	vand.u32 $0x7FFFFFFF, v25;
	v24 =	vsub.f32 v14, v20;
	v20 =	vld [tilespmem:s31+$0x1E0];
	v25 =	vand.u32 $0x7FFFFFFF, v11  }
0x415: {  	v13 =	vadd.f32 $-5.000000070e-02, v13;
	v12 =	vsub.f32 v12, v19;
	v14 =	vmax.f32 v15, $0.0e+00  }
0x416: {  	v16 =	vsub.f32 v18, v16;
	v11 =	vand.u32 $0x7FFFFFFF, v26;
	v18 =	vmul.f32 v14, v14  }
0x417: {  	v13 =	vmax.f32 v13, $0.0e+00;
	v14 =	vmul.f32 v10, v10;
	v19 =	vand.u32 $0x7FFFFFFF, v23  }
.Ltmp5:
0x418: {  	v15 =	vsub.f32 v25, v21;
	v21 =	vmul.f32 v13, v13;
	v10 =	vsub.f32 $1.000000010e-01, v19;
	(pc) =	sbr.rel @p0 .LBB2_12-.Ltmp5, $4  }
0x419: {  	v17 =	vadd.f32 v22, v17;
	v13 =	vmax.f32 v29, $0.0e+00;
	v20 =	vand.u32 $0x7FFFFFFF, v20  }
0x41a: {  	v22 =	vsub.f32 v15, v20;
	v23 =	vsub.f32 $1.000000010e-01, v20;
	v15 =	vmul.f32 v13, v13  }
0x41b: {  	v13 =	vsub.f32 v16, v19;
	v16 =	vmax.f32 v10, $0.0e+00;
	v20 =	vadd.f32 v18, v21  }
0x41c: {  	v18 =	vsub.f32 v24, v11;
	v19 =	vadd.f32 $-5.000000070e-02, v22;
	v10 =	vmax.f32 v23, $0.0e+00  }
0x41d: {  	v12 =	vadd.f32 $-5.000000070e-02, v12  }
0x41e: {  	v9 =	vadd.f32 v9, v20;
	v14 =	vadd.f32 v14, v17  }
0x41f: {  	v13 =	vadd.f32 $-5.000000070e-02, v13;
	v11 =	vsub.f32 $1.000000010e-01, v11;
	v12 =	vmax.f32 v12, $0.0e+00  }
0x420: {  	v5 =	vsub.f32 $1.000000010e-01, v5;
	v18 =	vadd.f32 $-5.000000070e-02, v18;
	v12 =	vmul.f32 v12, v12  }
0x421: {  	v14 =	vadd.f32 v15, v14;
	v15 =	vmul.f32 v16, v16;
	v13 =	vmax.f32 v13, $0.0e+00  }
0x422: {  	v11 =	vmax.f32 v11, $0.0e+00;
	v9 =	vadd.f32 v12, v9;
	v12 =	vmul.f32 v13, v13  }
0x423: {  	v11 =	vmul.f32 v11, v11;
	v13 =	vadd.f32 v15, v14;
	v14 =	vmax.f32 v18, $0.0e+00  }
0x424: {  	v8 =	vadd.f32 $-5.000000070e-02, v8;
	v14 =	vmul.f32 v14, v14;
	v9 =	vadd.f32 v12, v9  }
0x425: {  	v10 =	vmul.f32 v10, v10;
	v17 =	vmax.f32 v19, $0.0e+00;
	v11 =	vadd.f32 v11, v13  }
0x426: {  	v5 =	vmax.f32 v5, $0.0e+00;
	v12 =	vmul.f32 v17, v17;
	v9 =	vadd.f32 v14, v9  }
0x427: {  	s2 =	sand.u32 $0x200, s2;
	v8 =	vmax.f32 v8, $0.0e+00;
	v5 =	vmul.f32 v5, v5;
	v10 =	vadd.f32 v10, v11  }
0x428: {  	s0 =	sand.u32 $0x70, s0;
	v6 =	vadd.f32 v7, v6;
	s2 =	sshrl.u32 s2, $0x2;
	v7 =	vmul.f32 v8, v8;
	v8 =	vadd.f32 v12, v9  }
0x429: {  	s0 =	sor.u32 s0, s2;
	v5 =	vadd.f32 v5, v10  }
0x42a: {  	[tilespmem:s0+$0x10880] =	vst v6;
	v6 =	vadd.f32 v7, v8  }
0x42b: {  	s30 =	sor.u32 s26, s28;
	[tilespmem:s0+$0x10980] =	vst v5  }
0x42c: {  	s31 =	sor.u32 $0xD400, s30;
	[tilespmem:s0+$0x10780] =	vst v6  }
0x42d: {  	v5 =	vld [tilespmem:s31+$0x1B0]  }
0x42e: {  	v6 =	vld [tilespmem:s25+$0xD1A0]  }
0x42f: {  	v7 =	vld [tilespmem:s31+$0x1F0]  }
0x430: {  	v8 =	vld [tilespmem:s25+$0xD190]  }
0x431: {  	v9 =	vld [tilespmem:s25+$0xD180]  }
0x432: {  	v10 =	vld [tilespmem:s31+$0x1A0]  }
0x433: {  	v11 =	vld [tilespmem:s31+$0x180]  }
0x434: {  	v12 =	vld [tilespmem:s31+$0x190]  }
0x435: {  	v13 =	vld [tilespmem:s25+$0xD1B0]  }
0x436: {  	v14 =	vld [tilespmem:s31+$0x1C0]  }
0x437: {  	v15 =	vld [tilespmem:s31+$0x1D0];
	v7 =	vand.u32 $0x7FFFFFFF, v7  }
0x438: {  	v8 =	vadd.f32 $4.000000000e+00, v8;
	v9 =	vadd.f32 $4.000000000e+00, v9;
	v5 =	vand.u32 $0x7FFFFFFF, v5  }
0x439: {  	v10 =	vand.u32 $0x7FFFFFFF, v10;
	v6 =	vadd.f32 $4.000000000e+00, v6;
	v11 =	vand.u32 $0x7FFFFFFF, v11  }
0x43a: {  	v12 =	vand.u32 $0x7FFFFFFF, v12;
	v13 =	vadd.f32 $4.000000000e+00, v13;
	v7 =	vmul.f32 $5.000000000e-01, v7  }
0x43b: {  	v14 =	vand.u32 $0x7FFFFFFF, v14;
	v10 =	vmul.f32 $5.000000000e-01, v10;
	v5 =	vmul.f32 $5.000000000e-01, v5  }
0x43c: {  	v15 =	vand.u32 $0x7FFFFFFF, v15;
	v11 =	vmul.f32 $5.000000000e-01, v11;
	v12 =	vmul.f32 $5.000000000e-01, v12  }
0x43d: {  	v14 =	vmul.f32 $5.000000000e-01, v14;
	v8 =	vmax.f32 v8, $0.0e+00;
	v16 =	vsub.f32 $4.000000000e+00, v7;
	v7 =	vld [tilespmem:s25+$0xD1C0]  }
0x43e: {  	v9 =	vmax.f32 v9, $0.0e+00;
	v6 =	vmax.f32 v6, $0.0e+00;
	v13 =	vmax.f32 v13, $0.0e+00  }
0x43f: {  	v9 =	vmul.f32 v9, v9;
	v10 =	vsub.f32 $4.000000000e+00, v10;
	v5 =	vsub.f32 $4.000000000e+00, v5  }
0x440: {  	v11 =	vsub.f32 $4.000000000e+00, v11;
	v6 =	vmul.f32 v6, v6;
	v8 =	vmul.f32 v8, v8  }
0x441: {  	v12 =	vsub.f32 $4.000000000e+00, v12;
	v13 =	vmul.f32 v13, v13;
	v10 =	vmax.f32 v10, $0.0e+00  }
0x442: {  	v17 =	vld [tilespmem:s31+$0x1E0];
	v11 =	vmax.f32 v11, $0.0e+00;
	v8 =	vadd.f32 v8, v9;
	v7 =	vadd.f32 $4.000000000e+00, v7  }
0x443: {  	v12 =	vmax.f32 v12, $0.0e+00;
	v11 =	vmul.f32 v11, v11;
	v62 =	vmul.f32 v10, v10  }
0x444: {  	v9 =	vld [tilespmem:s25+$0xD1D0];
	v10 =	vadd.f32 v6, v8;
	v6 =	vmax.f32 v7, $0.0e+00;
	v7 =	vmul.f32 v12, v12  }
0x445: {  	v15 =	vmul.f32 $5.000000000e-01, v15;
	v14 =	vsub.f32 $4.000000000e+00, v14  }
0x446: {  	v5 =	vmax.f32 v5, $0.0e+00;
	v11 =	vadd.f32 v7, v11;
	v7 =	vadd.f32 v13, v10;
	v10 =	vld [tilespmem:s25+$0xD1E0]  }
0x447: {  	v8 =	vmul.f32 v5, v5;
	v5 =	vand.u32 $0x7FFFFFFF, v17  }
0x448: {  	v63 =	vmax.f32 v14, $0.0e+00;
	v12 =	vsub.f32 $4.000000000e+00, v15;
	v15 =	vmul.f32 $5.000000000e-01, v5  }
0x449: {  	s10 =	simm.s32 $0x40;
	s11 =	simm.s32 $0x0;
	v5 =	vmax.f32 v16, $0.0e+00;
	v6 =	vmul.f32 v6, v6;
	v13 =	vadd.f32 $4.000000000e+00, v9;
	v9 =	vld [tilespmem:s25+$0xD1F0]  }
0x44a: {  	s2 =	simm.s32 $0x0;
	s0 =	simm.s32 $0x0;
	v12 =	vmax.f32 v12, $0.0e+00;
	s25 =	simm.s32 $0x0;
	v14 =	vadd.f32 v62, v11;
	v11 =	vmul.f32 v63, v63  }
.LBB2_14:
0x44b: {  	v13 =	vmax.f32 v13, $0.0e+00;
	v15 =	vsub.f32 $4.000000000e+00, v15;
	v10 =	vadd.f32 $4.000000000e+00, v10;
	s28 =	sadd.s32 $0x80, s28;
	s11 =	sadd.s32 $0x100, s11;
	s25 =	sadd.s32 $0x10, s25  }
0x44c: {  	p0 =	sne.s32 s10, $0x3C0;
	v12 =	vmul.f32 v12, v12;
	s12 =	smov.u32 s10;
	s10 =	sadd.s32 $0x40, s10;
	v8 =	vadd.f32 v8, v14;
	v13 =	vmul.f32 v13, v13  }
0x44d: {  	v6 =	vadd.f32 v6, v7;
	v14 =	vmax.f32 v15, $0.0e+00;
	v10 =	vmax.f32 v10, $0.0e+00  }
0x44e: {  	v7 =	vadd.f32 $4.000000000e+00, v9;
	v8 =	vadd.f32 v11, v8;
	v9 =	vmul.f32 v14, v14  }
0x44f: {  	v6 =	vadd.f32 v13, v6;
	v10 =	vmul.f32 v10, v10  }
0x450: {  	v7 =	vmax.f32 v7, $0.0e+00;
	v8 =	vadd.f32 v12, v8  }
0x451: {  	v6 =	vadd.f32 v10, v6;
	v7 =	vmul.f32 v7, v7  }
0x452: {  	v5 =	vmul.f32 v5, v5;
	s13 =	sand.u32 $0x200, s0;
	s0 =	smov.u32 s12;
	v8 =	vadd.f32 v9, v8  }
0x453: {  	s12 =	sand.u32 $0x70, s2;
	s13 =	sshrl.u32 s13, $0x2;
	s2 =	smov.u32 s25;
	v6 =	vadd.f32 v7, v6  }
0x454: {  	s14 =	sand.u32 $0x800, s11;
	s15 =	sand.u32 $0x380, s28;
	s13 =	sor.u32 s12, s13;
	v5 =	vadd.f32 v5, v8  }
0x455: {  	s12 =	sor.u32 s15, s14;
	s14 =	sor.u32 s14, s28;
	[tilespmem:s13+$0x11580] =	vst v6  }
0x456: {  	s14 =	sor.u32 $0xD400, s14;
	[tilespmem:s13+$0x11480] =	vst v5  }
0x457: {  	v5 =	vld [tilespmem:s14+$0x1B0]  }
0x458: {  	v6 =	vld [tilespmem:s12+$0xD1A0]  }
0x459: {  	v7 =	vld [tilespmem:s14+$0x1F0]  }
0x45a: {  	v8 =	vld [tilespmem:s12+$0xD190]  }
0x45b: {  	v9 =	vld [tilespmem:s12+$0xD180]  }
0x45c: {  	v10 =	vld [tilespmem:s14+$0x1A0]  }
0x45d: {  	v11 =	vld [tilespmem:s14+$0x180]  }
0x45e: {  	v12 =	vld [tilespmem:s14+$0x190];
	v7 =	vand.u32 $0x7FFFFFFF, v7  }
0x45f: {  	v8 =	vadd.f32 $4.000000000e+00, v8;
	v7 =	vmul.f32 $5.000000000e-01, v7  }
0x460: {  	v5 =	vand.u32 $0x7FFFFFFF, v5;
	v9 =	vadd.f32 $4.000000000e+00, v9;
	v13 =	vld [tilespmem:s12+$0xD1B0]  }
0x461: {  	v6 =	vadd.f32 $4.000000000e+00, v6;
	v8 =	vmax.f32 v8, $0.0e+00;
	v10 =	vand.u32 $0x7FFFFFFF, v10  }
0x462: {  	v11 =	vand.u32 $0x7FFFFFFF, v11;
	v9 =	vmax.f32 v9, $0.0e+00;
	v10 =	vmul.f32 $5.000000000e-01, v10  }
0x463: {  	v5 =	vmul.f32 $5.000000000e-01, v5;
	v12 =	vand.u32 $0x7FFFFFFF, v12;
	v14 =	vld [tilespmem:s14+$0x1C0];
	v9 =	vmul.f32 v9, v9  }
0x464: {  	v6 =	vmax.f32 v6, $0.0e+00;
	v11 =	vmul.f32 $5.000000000e-01, v11;
	v10 =	vsub.f32 $4.000000000e+00, v10;
	v15 =	vld [tilespmem:s12+$0xD1C0]  }
0x465: {  	v5 =	vsub.f32 $4.000000000e+00, v5;
	v17 =	vsub.f32 $4.000000000e+00, v7;
	v12 =	vmul.f32 $5.000000000e-01, v12;
	v16 =	vld [tilespmem:s14+$0x1D0]  }
0x466: {  	v6 =	vmul.f32 v6, v6;
	v7 =	vsub.f32 $4.000000000e+00, v11;
	v10 =	vmax.f32 v10, $0.0e+00  }
0x467: {  	v5 =	vmax.f32 v5, $0.0e+00;
	v8 =	vmul.f32 v8, v8;
	v11 =	vsub.f32 $4.000000000e+00, v12  }
0x468: {  	v12 =	vadd.f32 $4.000000000e+00, v13;
	v7 =	vmax.f32 v7, $0.0e+00;
	v13 =	vand.u32 $0x7FFFFFFF, v14;
	v14 =	vld [tilespmem:s14+$0x1E0]  }
0x469: {  	v11 =	vmax.f32 v11, $0.0e+00;
	v7 =	vmul.f32 v7, v7;
	v13 =	vmul.f32 $5.000000000e-01, v13;
	v18 =	vld [tilespmem:s12+$0xD1D0]  }
0x46a: {  	v8 =	vadd.f32 v8, v9;
	v12 =	vmax.f32 v12, $0.0e+00;
	v16 =	vand.u32 $0x7FFFFFFF, v16  }
0x46b: {  	v12 =	vmul.f32 v12, v12;
	v9 =	vsub.f32 $4.000000000e+00, v13;
	v13 =	vadd.f32 $4.000000000e+00, v15  }
0x46c: {  	v19 =	vadd.f32 v6, v8;
	v15 =	vmul.f32 $5.000000000e-01, v16;
	v16 =	vmul.f32 v10, v10  }
.Ltmp6:
0x46d: {  	v20 =	vmax.f32 v9, $0.0e+00;
	v6 =	vmax.f32 v13, $0.0e+00;
	v10 =	vld [tilespmem:s12+$0xD1E0];
	v9 =	vmul.f32 v11, v11;
	(pc) =	sbr.rel @p0 .LBB2_14-.Ltmp6, $4  }
0x46e: {  	v8 =	vmul.f32 v5, v5;
	v11 =	vsub.f32 $4.000000000e+00, v15;
	v6 =	vmul.f32 v6, v6  }
0x46f: {  	v5 =	vand.u32 $0x7FFFFFFF, v14;
	v14 =	vadd.f32 v9, v7;
	v7 =	vadd.f32 v12, v19  }
0x470: {  	v13 =	vadd.f32 $4.000000000e+00, v18;
	v15 =	vmul.f32 $5.000000000e-01, v5;
	v12 =	vmax.f32 v11, $0.0e+00;
	v9 =	vld [tilespmem:s12+$0xD1F0]  }
0x471: {  	v5 =	vmax.f32 v17, $0.0e+00;
	v11 =	vmul.f32 v20, v20;
	v14 =	vadd.f32 v16, v14  }
0x472: {  	v15 =	vsub.f32 $4.000000000e+00, v15  }
0x473: {  	v13 =	vmax.f32 v13, $0.0e+00;
	v10 =	vadd.f32 $4.000000000e+00, v10;
	v8 =	vadd.f32 v8, v14  }
0x474: {  	v12 =	vmul.f32 v12, v12;
	v6 =	vadd.f32 v6, v7;
	v13 =	vmul.f32 v13, v13  }
0x475: {  	v7 =	vmax.f32 v10, $0.0e+00;
	v9 =	vadd.f32 $4.000000000e+00, v9;
	v8 =	vadd.f32 v11, v8  }
0x476: {  	v63 =	vmax.f32 v15, $0.0e+00;
	v6 =	vadd.f32 v13, v6;
	v7 =	vmul.f32 v7, v7  }
0x477: {  	v10 =	vmul.f32 v63, v63;
	v9 =	vmax.f32 v9, $0.0e+00;
	v8 =	vadd.f32 v12, v8  }
0x478: {  	v6 =	vadd.f32 v7, v6;
	v7 =	vmul.f32 v9, v9  }
0x479: {  	v5 =	vmul.f32 v5, v5;
	s0 =	sand.u32 $0x200, s0;
	v8 =	vadd.f32 v10, v8  }
0x47a: {  	s2 =	sand.u32 $0x70, s2;
	s0 =	sshrl.u32 s0, $0x2;
	v6 =	vadd.f32 v7, v6  }
0x47b: {  	s0 =	sor.u32 s2, s0;
	v5 =	vadd.f32 v5, v8  }
0x47c: {  	[tilespmem:s0+$0x11580] =	vst v6  }
0x47d: {  	[tilespmem:s0+$0x11480] =	vst v5  }
0x47e: {  	[tilespmem:$0x11680] =	vst v4  }
0x47f: {  	[tilespmem:$0x11690] =	vst v4  }
0x480: {  	[tilespmem:$0x116A0] =	vst v4  }
0x481: {  	[tilespmem:$0x116B0] =	vst v4  }
0x482: {  	[tilespmem:$0x116C0] =	vst v4  }
0x483: {  	[tilespmem:$0x116D0] =	vst v4  }
0x484: {  	[tilespmem:$0x116E0] =	vst v4  }
0x485: {  	[tilespmem:$0x116F0] =	vst v4  }
0x486: {  	[tilespmem:$0x11700] =	vst v4  }
0x487: {  	[tilespmem:$0x11710] =	vst v4  }
0x488: {  	[tilespmem:$0x11720] =	vst v4  }
0x489: {  	[tilespmem:$0x11730] =	vst v4  }
0x48a: {  	[tilespmem:$0x11740] =	vst v4  }
0x48b: {  	[tilespmem:$0x11750] =	vst v4  }
0x48c: {  	[tilespmem:$0x11760] =	vst v4  }
0x48d: {  	[tilespmem:$0x11770] =	vst v4  }
0x48e: {  	[tilespmem:$0x11780] =	vst v4  }
0x48f: {  	[tilespmem:$0x11790] =	vst v4  }
0x490: {  	[tilespmem:$0x117A0] =	vst v4  }
0x491: {  	[tilespmem:$0x117B0] =	vst v4  }
0x492: {  	[tilespmem:$0x117C0] =	vst v4  }
0x493: {  	[tilespmem:$0x117D0] =	vst v4  }
0x494: {  	[tilespmem:$0x117E0] =	vst v4  }
0x495: {  	[tilespmem:$0x117F0] =	vst v4  }
0x496: {  	[tilespmem:$0x11800] =	vst v4  }
0x497: {  	[tilespmem:$0x11810] =	vst v4  }
0x498: {  	[tilespmem:$0x11820] =	vst v4  }
0x499: {  	[tilespmem:$0x11830] =	vst v4  }
0x49a: {  	[tilespmem:$0x11840] =	vst v4  }
0x49b: {  	[tilespmem:$0x11850] =	vst v4  }
0x49c: {  	[tilespmem:$0x11860] =	vst v4  }
0x49d: {  	[tilespmem:$0x11870] =	vst v4  }
0x49e: {  	[tilespmem:$0x11880] =	vst v4  }
0x49f: {  	[tilespmem:$0x11890] =	vst v4  }
0x4a0: {  	[tilespmem:$0x118A0] =	vst v4  }
0x4a1: {  	[tilespmem:$0x118B0] =	vst v4  }
0x4a2: {  	[tilespmem:$0x118C0] =	vst v4  }
0x4a3: {  	[tilespmem:$0x118D0] =	vst v4  }
0x4a4: {  	[tilespmem:$0x118E0] =	vst v4  }
0x4a5: {  	[tilespmem:$0x118F0] =	vst v4  }
0x4a6: {  	[tilespmem:$0x11900] =	vst v4  }
0x4a7: {  	[tilespmem:$0x11910] =	vst v4  }
0x4a8: {  	[tilespmem:$0x11920] =	vst v4  }
0x4a9: {  	[tilespmem:$0x11930] =	vst v4  }
0x4aa: {  	[tilespmem:$0x11940] =	vst v4  }
0x4ab: {  	s24 =	sadd.s32 $0x1, s24;
	[tilespmem:$0x11950] =	vst v4  }
0x4ac: {  	p0 =	sne.s32 s24, s8;
	[tilespmem:$0x11960] =	vst v4  }
.Ltmp7:
0x4ad: {  	[tilespmem:$0x11970] =	vst v4;
	(pc) =	sbr.rel @p0 .LBB2_1-.Ltmp7, $4  }
0x4ae: {  	[hbm4b:s7+s3] =	stream.linear.scatter [tilespmem:s23], [sflag:$0x4], $0x1800, $0x38;
	[tilespmem:$0x11980] =	vst v63  }
0x4af: {  	_ =	swait.ge [sflag:s9], $0x1800  }
0x4b0: {  	[sflag:s9] =	ssyncset.done $0x0  }
0x4b1: {  	[sflag:s9] =	ssyncadd.s32 $0xFFFFE800  }
0x4b2: {  	_ =	sfence.sel $0x180000  }
0x4b3: {  	[bflag:$0x0] =	sbarrier.arrive $0xFFFF  }
0x4b4: {  	_ =	strace $0x90000047  }
0x4b5: {  	s0 =	stileid.u32;
	[bflag:$0x2] =	sbarrier.arrive $0xFFFF  }
0x4b6: {  	p0 =	sne.s32 s0, $0x0;
	s0 =	rddreg [dreg:$0x2]  }
0x4b7: {  	s0 =	sadd.s32 @!p0 $0x100000, s0  }
0x4b8: {  	[sflag:s0] =	ssyncadd.tile.s32 @!p0 $0x1;
	_ =	shalt  }
.Lfunc_end2:
_tile_overlayer_lowered:
.L_overlay_start_2:
0x4b9: {  	(tag) =	ssettag $0x2  }
0x4ba: {  	s0 =	rddreg [dreg:$0x0];
	s2 =	stileid.u32  }
0x4bb: {  	s1 =	rddreg [dreg:$0x1];
	p0 =	sne.s32 s2, $0x0  }
0x4bc: {  	s3 =	rddreg [dreg:$0x2];
	[bflag:$0x3] =	sbarrier.arrive $0xFFFF;
	s2 =	simm.s32 @!p0 $0x1C04  }
0x4bd: {  	[timem:s3], [sflag:s2] =	dma.local @!p0 [hbm:s0], s1  }
0x4be: {  	s0 =	simm.s32 @!p0 $0x4  }
0x4bf: {  	_ =	swait.ge @!p0 [sflag:s0], s1  }
0x4c0: {  	s1 =	ssub.s32 @!p0 $0x0, s1;
	[sflag:s0] =	ssyncset.done @!p0 $0x0  }
0x4c1: {  	[sflag:s0] =	ssyncadd.s32 @!p0 s1  }
0x4c2: {  	[bflag:$0x3] =	sbarrier.arrive $0xFFFF  }
0x4c3: {  	_ =	shalt  }

</sc_bundles>
